<compile_context>
chip_gen: v7x
topology: tpu7x:2x2x1
jax: 0.10.2.dev20260603
libtpu: 0.0.44.dev20260713+nightly
codegen_flags: <defaults>
</compile_context>

<pallas_src>
import functools

import jax
import jax.numpy as jnp
import numpy as np
from jax import lax
from jax.experimental import pallas as pl
from jax.experimental.pallas import tpu as pltpu
from jax.experimental.pallas import tpu_sc as plsc

_B, _C, _D, _H, _W = 2, 1, 128, 160, 160
_K = 32
_KQ = 8
_N = (5, 6, 6)
_OB = (_D // _K, _H // _K, _W // _K)
_Q = _D // _K
_NC, _NS = 2, 16
_NW = _NC * _NS

_plan_cache = {}

_PERM = np.array([
    121, 35, 130, 148, 45, 176, 179, 139, 99, 144, 152, 31, 112, 85, 63,
    117, 174, 114, 82, 65, 7, 4, 101, 102, 78, 163, 157, 29, 177, 108, 83,
    129, 44, 16, 58, 123, 37, 111, 19, 61, 2, 142, 34, 156, 5, 90, 175,
    167, 110, 72, 155, 178, 153, 30, 42, 3, 70, 67, 39, 56, 169, 173, 69,
    80, 22, 6, 118, 54, 77, 147, 18, 10, 11, 53, 94, 32, 159, 15, 49, 137,
    50, 138, 20, 43, 92, 8, 140, 24, 81, 96, 154, 135, 160, 106, 128, 9,
    40, 71, 164, 93, 59, 158, 75, 131, 97, 66, 25, 73, 13, 52, 88, 62,
    150, 132, 87, 76, 60, 47, 33, 79, 14, 17, 38, 86, 23, 105, 0, 145,
    133, 41, 64, 21, 161, 166, 124, 116, 26, 165, 168, 57, 89, 146, 126,
    125, 1, 115, 28, 113, 172, 162, 48, 170, 36, 119, 151, 120, 122, 100,
    91, 55, 103, 51, 127, 98, 107, 27, 74, 136, 12, 134, 109, 84, 171,
    143, 68, 149, 141, 104, 95, 46], dtype=np.int32)


def _plan():
    if "p" in _plan_cache:
        return _plan_cache["p"]
    copy_items, zero_items = [], []
    for b in range(_B):
        for o0 in range(_OB[0]):
            for o1 in range(_OB[1]):
                for o2 in range(_OB[2]):
                    blk = (o0 * _N[1] + o1) * _N[2] + o2
                    s = int(_PERM[blk])
                    s0, r = divmod(s, _N[1] * _N[2])
                    s1, s2 = divmod(r, _N[2])
                    for qb in range(_K // _KQ):
                        if s0 < _OB[0] and s1 < _OB[1] and s2 < _OB[2]:
                            copy_items.append(
                                (b, _K * s1 + _KQ * qb, _K * s2, _K * s0,
                                 _K * o1 + _KQ * qb, _K * o2, _K * o0)
                                + (0,) * 9)
                        else:
                            zero_items.append(
                                (b, _K * o1 + _KQ * qb, _K * o2, _K * o0)
                                + (0,) * 12)

    def pad_items(items):
        n = (-len(items)) % _NW
        return items + items[:n]

    copy_items = pad_items(copy_items)
    zero_items = pad_items(zero_items)
    kc = len(copy_items) // _NW
    kz = len(zero_items) // _NW
    ctab = (np.array(copy_items, np.int32)
            .reshape(kc, _NW, 16).transpose(1, 0, 2))
    ztab = (np.array(zero_items, np.int32)
            .reshape(kz, _NW, 16).transpose(1, 0, 2))
    tab = np.concatenate([ctab, ztab], axis=1).copy()
    p = (jnp.asarray(tab), kc, kz)
    _plan_cache["p"] = p
    return p


def _make_sc_call(kc, kz):
    mesh = plsc.VectorSubcoreMesh(core_axis_name="c", subcore_axis_name="s",
                                  num_cores=_NC, num_subcores=_NS)

    @functools.partial(
        pl.kernel,
        out_type=jax.ShapeDtypeStruct((_B, _H, _W, _D), jnp.float32),
        mesh=mesh,
        scratch_types=(
            [pltpu.VMEM((kc + kz, 16), jnp.int32),
             pltpu.VMEM((kc, _KQ, _K, _K), jnp.float32),
             pltpu.VMEM((_KQ, _K, _K), jnp.float32)]
            + [pltpu.SemaphoreType.DMA] * (kc + 2)
        ),
        compiler_params=pltpu.CompilerParams(use_tc_tiling_on_sc=False),
    )
    def sc_call(x_hbm, tab_hbm, zeros_hbm, out_hbm,
                tab, buf, zbuf, *sems):
        gsem = sems[:kc]
        sem_s = sems[kc]
        sem_z = sems[kc + 1]
        wid = lax.axis_index("s") * _NC + lax.axis_index("c")
        zcp = pltpu.async_copy(zeros_hbm, zbuf, sem_z)
        pltpu.sync_copy(tab_hbm.at[wid], tab)

        def src_at(r):
            return x_hbm.at[r[0], pl.ds(pl.multiple_of(r[1], _KQ), _KQ),
                            pl.ds(pl.multiple_of(r[2], _K), _K),
                            pl.ds(pl.multiple_of(r[3], _K), _K)]

        def dst_at(r):
            return out_hbm.at[r[0], pl.ds(pl.multiple_of(r[4], _KQ), _KQ),
                              pl.ds(pl.multiple_of(r[5], _K), _K),
                              pl.ds(pl.multiple_of(r[6], _K), _K)]

        def zdst_at(r):
            return out_hbm.at[r[0], pl.ds(pl.multiple_of(r[1], _KQ), _KQ),
                              pl.ds(pl.multiple_of(r[2], _K), _K),
                              pl.ds(pl.multiple_of(r[3], _K), _K)]

        rows = [tab[i, :] for i in range(kc)]
        zrows = [tab[kc + i, :] for i in range(kz)]
        g = [pltpu.async_copy(src_at(rows[i]), buf.at[i], gsem[i])
             for i in range(kc)]
        zcp.wait()
        for i in range(kz):
            pltpu.async_copy(zbuf, zdst_at(zrows[i]), sem_z)

        for i in range(kc):
            g[i].wait()
            pltpu.async_copy(buf.at[i], dst_at(rows[i]), sem_s)

        for i in range(kc):
            pltpu.make_async_copy(
                x_hbm.at[0, pl.ds(0, _KQ), pl.ds(0, _K), pl.ds(0, _K)],
                buf.at[i], sem_s).wait()
        for i in range(kz):
            pltpu.make_async_copy(
                x_hbm.at[0, pl.ds(0, _KQ), pl.ds(0, _K), pl.ds(0, _K)],
                zbuf, sem_z).wait()

    return sc_call


def kernel(x):
    tab, kc, kz = _plan()
    x4 = jnp.transpose(x, (0, 1, 3, 4, 2)).reshape(_B, _H, _W, _D)
    zeros = jnp.zeros((_KQ, _K, _K), jnp.float32)
    out4 = _make_sc_call(kc, kz)(x4, tab, zeros)
    out = out4.reshape(_B, _C, _H, _W, _D)
    return jnp.transpose(out, (0, 1, 4, 2, 3))

# --- scband reference (transcript-rebuilt; emitter-appended) ---
"""Pipeline reference for scband-random-rubiks-76003741270472 (READ-ONLY COPY).

The authoritative reference and input builder live on the scoring server;
editing this copy changes nothing except your own understanding.
"""

import jax, jax.numpy as jnp
import numpy as np

KERNEL = (32, 32, 32)

def _forward(x):
    B, C = x.shape[0], x.shape[1]
    shape = x.shape[2:]
    # NOTE: faithful to source: pshape = s + (k - s % k) even when s % k == 0
    pshape = tuple(int(s + (k - s % k)) for s, k in zip(shape, KERNEL))
    # ensure_shape: pad with zeros (left-aligned) to pshape
    pads = [(0, 0), (0, 0)] + [(0, p - s) for s, p in zip(shape, pshape)]
    xp = jnp.pad(x, pads)
    n = [p // k for p, k in zip(pshape, KERNEL)]
    k0, k1, k2 = KERNEL
    # unfold with collapse=True -> [B, C, nblocks, k0, k1, k2]
    xr = xp.reshape(B, C, n[0], k0, n[1], k1, n[2], k2)
    xr = xr.transpose(0, 1, 2, 4, 6, 3, 5, 7).reshape(B, C, n[0] * n[1] * n[2], k0, k1, k2)
    # random permutation of blocks (fixed key for determinism)
    perm = jax.random.permutation(jax.random.key(42), xr.shape[2])
    xr = jnp.take(xr, perm, axis=2)
    # fold back to padded volume
    xr = xr.reshape(B, C, n[0], n[1], n[2], k0, k1, k2)
    xr = xr.transpose(0, 1, 2, 5, 3, 6, 4, 7).reshape(B, C, pshape[0], pshape[1], pshape[2])
    # ensure_shape: crop back to original shape
    out = xr[:, :, :shape[0], :shape[1], :shape[2]]
    return out

def setup_inputs(seed: int = 0) -> dict:
    key = jax.random.key(seed)
    x = jax.random.normal(key, (2, 1, 128, 160, 160), dtype=jnp.float32)
    return {"x": x}

def reference(x):
    return _forward(x)

if __name__ == "__main__":
    import jax
    _d = setup_inputs()
    print(jax.jit(kernel)(*tuple(_d.values())))

</pallas_src>

<mosaic_0001>
#map = affine_map<(d0, d1) -> (0, 0, 0, 0)>
#map1 = affine_map<(d0, d1) -> (0, 0, 0)>
module attributes {stable_mosaic.version = 14 : i64} {
  func.func @sc_call(%arg0: i32, %arg1: i32, %arg2: memref<2x160x160x128xf32, #tpu.memory_space<hbm>>, %arg3: memref<32x26x16xi32, #tpu.memory_space<hbm>>, %arg4: memref<8x32x32xf32, #tpu.memory_space<hbm>>, %arg5: memref<2x160x160x128xf32, #tpu.memory_space<hbm>>, %arg6: memref<26x16xi32, #tpu.memory_space<vmem>>, %arg7: memref<14x8x32x32xf32, #tpu.memory_space<vmem>>, %arg8: memref<8x32x32xf32, #tpu.memory_space<vmem>>, %arg9: memref<!tpu.dma_semaphore, #tpu.memory_space<semaphore_mem>>, %arg10: memref<!tpu.dma_semaphore, #tpu.memory_space<semaphore_mem>>, %arg11: memref<!tpu.dma_semaphore, #tpu.memory_space<semaphore_mem>>, %arg12: memref<!tpu.dma_semaphore, #tpu.memory_space<semaphore_mem>>, %arg13: memref<!tpu.dma_semaphore, #tpu.memory_space<semaphore_mem>>, %arg14: memref<!tpu.dma_semaphore, #tpu.memory_space<semaphore_mem>>, %arg15: memref<!tpu.dma_semaphore, #tpu.memory_space<semaphore_mem>>, %arg16: memref<!tpu.dma_semaphore, #tpu.memory_space<semaphore_mem>>, %arg17: memref<!tpu.dma_semaphore, #tpu.memory_space<semaphore_mem>>, %arg18: memref<!tpu.dma_semaphore, #tpu.memory_space<semaphore_mem>>, %arg19: memref<!tpu.dma_semaphore, #tpu.memory_space<semaphore_mem>>, %arg20: memref<!tpu.dma_semaphore, #tpu.memory_space<semaphore_mem>>, %arg21: memref<!tpu.dma_semaphore, #tpu.memory_space<semaphore_mem>>, %arg22: memref<!tpu.dma_semaphore, #tpu.memory_space<semaphore_mem>>, %arg23: memref<!tpu.dma_semaphore, #tpu.memory_space<semaphore_mem>>, %arg24: memref<!tpu.dma_semaphore, #tpu.memory_space<semaphore_mem>>) attributes {dimension_semantics = [#tpu.dimension_semantics<core_parallel>, #tpu.dimension_semantics<subcore_parallel>], iteration_bounds = array<i64: 2, 16>, scalar_prefetch = 0 : i64, scratch_operands = 19 : i64, tpu.core_type = #tpu.core_type<sc_vector_subcore>, window_params = [{transform_indices = #map}, {transform_indices = #map1}, {transform_indices = #map1}, {transform_indices = #map}]} {
    %mul3A = arith.constant 2 : i32
    %mul3A_0 = arith.muli %arg1, %mul3A : i32
    %add3A = arith.addi %mul3A_0, %arg0 : i32
    tpu.enqueue_dma source(%arg4 : memref<8x32x32xf32, #tpu.memory_space<hbm>>) target(%arg8 : memref<8x32x32xf32, #tpu.memory_space<vmem>>) target_semaphore(%arg24 : memref<!tpu.dma_semaphore, #tpu.memory_space<semaphore_mem>>)
    "tpu.region"() ({
      %run_scoped3A = tpu.sem_alloc : memref<!tpu.dma_semaphore, #tpu.memory_space<semaphore_mem>>
      %dma_start3A_1683 = arith.constant 0 : i32
      %dma_start3A_1684 = arith.constant 0 : i32
      %dma_start3A_1685 = tpu.memref_slice %arg3[%add3A, %dma_start3A_1683, %dma_start3A_1684] : memref<32x26x16xi32, #tpu.memory_space<hbm>> -> memref<1x26x16xi32, #tpu.memory_space<hbm>>
      %dma_start3A_1686 = tpu.memref_squeeze %dma_start3A_1685 : memref<1x26x16xi32, #tpu.memory_space<hbm>> -> memref<26x16xi32, #tpu.memory_space<hbm>>
      %dma_start3A_1687 = arith.constant 0 : i32
      %dma_start3A_1688 = arith.constant 0 : i32
      %dma_start3A_1689 = tpu.memref_slice %arg3[%add3A, %dma_start3A_1687, %dma_start3A_1688] : memref<32x26x16xi32, #tpu.memory_space<hbm>> -> memref<1x26x16xi32, #tpu.memory_space<hbm>>
      %dma_start3A_1690 = tpu.memref_squeeze %dma_start3A_1689 : memref<1x26x16xi32, #tpu.memory_space<hbm>> -> memref<26x16xi32, #tpu.memory_space<hbm>>
      tpu.enqueue_dma source(%dma_start3A_1690 : memref<26x16xi32, #tpu.memory_space<hbm>>) target(%arg6 : memref<26x16xi32, #tpu.memory_space<vmem>>) target_semaphore(%run_scoped3A : memref<!tpu.dma_semaphore, #tpu.memory_space<semaphore_mem>>)
      %dma_wait3A_1691 = arith.constant 0 : i32
      %dma_wait3A_1692 = arith.constant 0 : i32
      %dma_wait3A_1693 = tpu.memref_slice %arg3[%add3A, %dma_wait3A_1691, %dma_wait3A_1692] : memref<32x26x16xi32, #tpu.memory_space<hbm>> -> memref<1x26x16xi32, #tpu.memory_space<hbm>>
      %dma_wait3A_1694 = tpu.memref_squeeze %dma_wait3A_1693 : memref<1x26x16xi32, #tpu.memory_space<hbm>> -> memref<26x16xi32, #tpu.memory_space<hbm>>
      %dma_wait3A_1695 = arith.constant 0 : i32
      %dma_wait3A_1696 = arith.constant 0 : i32
      %dma_wait3A_1697 = tpu.memref_slice %arg3[%add3A, %dma_wait3A_1695, %dma_wait3A_1696] : memref<32x26x16xi32, #tpu.memory_space<hbm>> -> memref<1x26x16xi32, #tpu.memory_space<hbm>>
      %dma_wait3A_1698 = tpu.memref_squeeze %dma_wait3A_1697 : memref<1x26x16xi32, #tpu.memory_space<hbm>> -> memref<26x16xi32, #tpu.memory_space<hbm>>
      tpu.wait_dma2 semaphore(%run_scoped3A : memref<!tpu.dma_semaphore, #tpu.memory_space<semaphore_mem>>) src(%dma_wait3A_1698 : memref<26x16xi32, #tpu.memory_space<hbm>>) dst(%arg6 : memref<26x16xi32, #tpu.memory_space<vmem>>)
      tpu.yield
    }) : () -> ()
    %get3A = arith.constant 0 : i32
    %get3A_1 = arith.index_cast %get3A : i32 to index
    %get3A_2 = arith.constant 0 : index
    %get3A_3 = tpu.vector_load %arg6[%get3A_1, %get3A_2] {strides = array<i32>} : memref<26x16xi32, #tpu.memory_space<vmem>>, vector<1x16xi32>,
    %get3A_4 = vector.shape_cast %get3A_3 : vector<1x16xi32> to vector<16xi32>
    %get3A_5 = arith.constant 1 : i32
    %get3A_6 = arith.index_cast %get3A_5 : i32 to index
    %get3A_7 = arith.constant 0 : index
    %get3A_8 = tpu.vector_load %arg6[%get3A_6, %get3A_7] {strides = array<i32>} : memref<26x16xi32, #tpu.memory_space<vmem>>, vector<1x16xi32>,
    %get3A_9 = vector.shape_cast %get3A_8 : vector<1x16xi32> to vector<16xi32>
    %get3A_10 = arith.constant 2 : i32
    %get3A_11 = arith.index_cast %get3A_10 : i32 to index
    %get3A_12 = arith.constant 0 : index
    %get3A_13 = tpu.vector_load %arg6[%get3A_11, %get3A_12] {strides = array<i32>} : memref<26x16xi32, #tpu.memory_space<vmem>>, vector<1x16xi32>,
    %get3A_14 = vector.shape_cast %get3A_13 : vector<1x16xi32> to vector<16xi32>
    %get3A_15 = arith.constant 3 : i32
    %get3A_16 = arith.index_cast %get3A_15 : i32 to index
    %get3A_17 = arith.constant 0 : index
    %get3A_18 = tpu.vector_load %arg6[%get3A_16, %get3A_17] {strides = array<i32>} : memref<26x16xi32, #tpu.memory_space<vmem>>, vector<1x16xi32>,
    %get3A_19 = vector.shape_cast %get3A_18 : vector<1x16xi32> to vector<16xi32>
    %get3A_20 = arith.constant 4 : i32
    %get3A_21 = arith.index_cast %get3A_20 : i32 to index
    %get3A_22 = arith.constant 0 : index
    %get3A_23 = tpu.vector_load %arg6[%get3A_21, %get3A_22] {strides = array<i32>} : memref<26x16xi32, #tpu.memory_space<vmem>>, vector<1x16xi32>,
    %get3A_24 = vector.shape_cast %get3A_23 : vector<1x16xi32> to vector<16xi32>
    %get3A_25 = arith.constant 5 : i32
    %get3A_26 = arith.index_cast %get3A_25 : i32 to index
    %get3A_27 = arith.constant 0 : index
    %get3A_28 = tpu.vector_load %arg6[%get3A_26, %get3A_27] {strides = array<i32>} : memref<26x16xi32, #tpu.memory_space<vmem>>, vector<1x16xi32>,
    %get3A_29 = vector.shape_cast %get3A_28 : vector<1x16xi32> to vector<16xi32>
    %get3A_30 = arith.constant 6 : i32
    %get3A_31 = arith.index_cast %get3A_30 : i32 to index
    %get3A_32 = arith.constant 0 : index
    %get3A_33 = tpu.vector_load %arg6[%get3A_31, %get3A_32] {strides = array<i32>} : memref<26x16xi32, #tpu.memory_space<vmem>>, vector<1x16xi32>,
    %get3A_34 = vector.shape_cast %get3A_33 : vector<1x16xi32> to vector<16xi32>
    %get3A_35 = arith.constant 7 : i32
    %get3A_36 = arith.index_cast %get3A_35 : i32 to index
    %get3A_37 = arith.constant 0 : index
    %get3A_38 = tpu.vector_load %arg6[%get3A_36, %get3A_37] {strides = array<i32>} : memref<26x16xi32, #tpu.memory_space<vmem>>, vector<1x16xi32>,
    %get3A_39 = vector.shape_cast %get3A_38 : vector<1x16xi32> to vector<16xi32>
    %get3A_40 = arith.constant 8 : i32
    %get3A_41 = arith.index_cast %get3A_40 : i32 to index
    %get3A_42 = arith.constant 0 : index
    %get3A_43 = tpu.vector_load %arg6[%get3A_41, %get3A_42] {strides = array<i32>} : memref<26x16xi32, #tpu.memory_space<vmem>>, vector<1x16xi32>,
    %get3A_44 = vector.shape_cast %get3A_43 : vector<1x16xi32> to vector<16xi32>
    %get3A_45 = arith.constant 9 : i32
    %get3A_46 = arith.index_cast %get3A_45 : i32 to index
    %get3A_47 = arith.constant 0 : index
    %get3A_48 = tpu.vector_load %arg6[%get3A_46, %get3A_47] {strides = array<i32>} : memref<26x16xi32, #tpu.memory_space<vmem>>, vector<1x16xi32>,
    %get3A_49 = vector.shape_cast %get3A_48 : vector<1x16xi32> to vector<16xi32>
    %get3A_50 = arith.constant 10 : i32
    %get3A_51 = arith.index_cast %get3A_50 : i32 to index
    %get3A_52 = arith.constant 0 : index
    %get3A_53 = tpu.vector_load %arg6[%get3A_51, %get3A_52] {strides = array<i32>} : memref<26x16xi32, #tpu.memory_space<vmem>>, vector<1x16xi32>,
    %get3A_54 = vector.shape_cast %get3A_53 : vector<1x16xi32> to vector<16xi32>
    %get3A_55 = arith.constant 11 : i32
    %get3A_56 = arith.index_cast %get3A_55 : i32 to index
    %get3A_57 = arith.constant 0 : index
    %get3A_58 = tpu.vector_load %arg6[%get3A_56, %get3A_57] {strides = array<i32>} : memref<26x16xi32, #tpu.memory_space<vmem>>, vector<1x16xi32>,
    %get3A_59 = vector.shape_cast %get3A_58 : vector<1x16xi32> to vector<16xi32>
    %get3A_60 = arith.constant 12 : i32
    %get3A_61 = arith.index_cast %get3A_60 : i32 to index
    %get3A_62 = arith.constant 0 : index
    %get3A_63 = tpu.vector_load %arg6[%get3A_61, %get3A_62] {strides = array<i32>} : memref<26x16xi32, #tpu.memory_space<vmem>>, vector<1x16xi32>,
    %get3A_64 = vector.shape_cast %get3A_63 : vector<1x16xi32> to vector<16xi32>
    %get3A_65 = arith.constant 13 : i32
    %get3A_66 = arith.index_cast %get3A_65 : i32 to index
    %get3A_67 = arith.constant 0 : index
    %get3A_68 = tpu.vector_load %arg6[%get3A_66, %get3A_67] {strides = array<i32>} : memref<26x16xi32, #tpu.memory_space<vmem>>, vector<1x16xi32>,
    %get3A_69 = vector.shape_cast %get3A_68 : vector<1x16xi32> to vector<16xi32>
    %get3A_70 = arith.constant 14 : i32
    %get3A_71 = arith.index_cast %get3A_70 : i32 to index
    %get3A_72 = arith.constant 0 : index
    %get3A_73 = tpu.vector_load %arg6[%get3A_71, %get3A_72] {strides = array<i32>} : memref<26x16xi32, #tpu.memory_space<vmem>>, vector<1x16xi32>,
    %get3A_74 = vector.shape_cast %get3A_73 : vector<1x16xi32> to vector<16xi32>
    %get3A_75 = arith.constant 15 : i32
    %get3A_76 = arith.index_cast %get3A_75 : i32 to index
    %get3A_77 = arith.constant 0 : index
    %get3A_78 = tpu.vector_load %arg6[%get3A_76, %get3A_77] {strides = array<i32>} : memref<26x16xi32, #tpu.memory_space<vmem>>, vector<1x16xi32>,
    %get3A_79 = vector.shape_cast %get3A_78 : vector<1x16xi32> to vector<16xi32>
    %get3A_80 = arith.constant 16 : i32
    %get3A_81 = arith.index_cast %get3A_80 : i32 to index
    %get3A_82 = arith.constant 0 : index
    %get3A_83 = tpu.vector_load %arg6[%get3A_81, %get3A_82] {strides = array<i32>} : memref<26x16xi32, #tpu.memory_space<vmem>>, vector<1x16xi32>,
    %get3A_84 = vector.shape_cast %get3A_83 : vector<1x16xi32> to vector<16xi32>
    %get3A_85 = arith.constant 17 : i32
    %get3A_86 = arith.index_cast %get3A_85 : i32 to index
    %get3A_87 = arith.constant 0 : index
    %get3A_88 = tpu.vector_load %arg6[%get3A_86, %get3A_87] {strides = array<i32>} : memref<26x16xi32, #tpu.memory_space<vmem>>, vector<1x16xi32>,
    %get3A_89 = vector.shape_cast %get3A_88 : vector<1x16xi32> to vector<16xi32>
    %get3A_90 = arith.constant 18 : i32
    %get3A_91 = arith.index_cast %get3A_90 : i32 to index
    %get3A_92 = arith.constant 0 : index
    %get3A_93 = tpu.vector_load %arg6[%get3A_91, %get3A_92] {strides = array<i32>} : memref<26x16xi32, #tpu.memory_space<vmem>>, vector<1x16xi32>,
    %get3A_94 = vector.shape_cast %get3A_93 : vector<1x16xi32> to vector<16xi32>
    %get3A_95 = arith.constant 19 : i32
    %get3A_96 = arith.index_cast %get3A_95 : i32 to index
    %get3A_97 = arith.constant 0 : index
    %get3A_98 = tpu.vector_load %arg6[%get3A_96, %get3A_97] {strides = array<i32>} : memref<26x16xi32, #tpu.memory_space<vmem>>, vector<1x16xi32>,
    %get3A_99 = vector.shape_cast %get3A_98 : vector<1x16xi32> to vector<16xi32>
    %get3A_100 = arith.constant 20 : i32
    %get3A_101 = arith.index_cast %get3A_100 : i32 to index
    %get3A_102 = arith.constant 0 : index
    %get3A_103 = tpu.vector_load %arg6[%get3A_101, %get3A_102] {strides = array<i32>} : memref<26x16xi32, #tpu.memory_space<vmem>>, vector<1x16xi32>,
    %get3A_104 = vector.shape_cast %get3A_103 : vector<1x16xi32> to vector<16xi32>
    %get3A_105 = arith.constant 21 : i32
    %get3A_106 = arith.index_cast %get3A_105 : i32 to index
    %get3A_107 = arith.constant 0 : index
    %get3A_108 = tpu.vector_load %arg6[%get3A_106, %get3A_107] {strides = array<i32>} : memref<26x16xi32, #tpu.memory_space<vmem>>, vector<1x16xi32>,
    %get3A_109 = vector.shape_cast %get3A_108 : vector<1x16xi32> to vector<16xi32>
    %get3A_110 = arith.constant 22 : i32
    %get3A_111 = arith.index_cast %get3A_110 : i32 to index
    %get3A_112 = arith.constant 0 : index
    %get3A_113 = tpu.vector_load %arg6[%get3A_111, %get3A_112] {strides = array<i32>} : memref<26x16xi32, #tpu.memory_space<vmem>>, vector<1x16xi32>,
    %get3A_114 = vector.shape_cast %get3A_113 : vector<1x16xi32> to vector<16xi32>
    %get3A_115 = arith.constant 23 : i32
    %get3A_116 = arith.index_cast %get3A_115 : i32 to index
    %get3A_117 = arith.constant 0 : index
    %get3A_118 = tpu.vector_load %arg6[%get3A_116, %get3A_117] {strides = array<i32>} : memref<26x16xi32, #tpu.memory_space<vmem>>, vector<1x16xi32>,
    %get3A_119 = vector.shape_cast %get3A_118 : vector<1x16xi32> to vector<16xi32>
    %get3A_120 = arith.constant 24 : i32
    %get3A_121 = arith.index_cast %get3A_120 : i32 to index
    %get3A_122 = arith.constant 0 : index
    %get3A_123 = tpu.vector_load %arg6[%get3A_121, %get3A_122] {strides = array<i32>} : memref<26x16xi32, #tpu.memory_space<vmem>>, vector<1x16xi32>,
    %get3A_124 = vector.shape_cast %get3A_123 : vector<1x16xi32> to vector<16xi32>
    %get3A_125 = arith.constant 25 : i32
    %get3A_126 = arith.index_cast %get3A_125 : i32 to index
    %get3A_127 = arith.constant 0 : index
    %get3A_128 = tpu.vector_load %arg6[%get3A_126, %get3A_127] {strides = array<i32>} : memref<26x16xi32, #tpu.memory_space<vmem>>, vector<1x16xi32>,
    %get3A_129 = vector.shape_cast %get3A_128 : vector<1x16xi32> to vector<16xi32>
    %slice3A = vector.extract_strided_slice %get3A_4 {offsets = [0], sizes = [1], strides = [1]} : vector<16xi32> to vector<1xi32>
    %squeeze3A = vector.extract %slice3A[0] : i32 from vector<1xi32>
    %slice3A_130 = vector.extract_strided_slice %get3A_4 {offsets = [1], sizes = [1], strides = [1]} : vector<16xi32> to vector<1xi32>
    %squeeze3A_131 = vector.extract %slice3A_130[0] : i32 from vector<1xi32>
    %multiple_of3A = tpu.assume_multiple %squeeze3A_131, 8 : i32
    %slice3A_132 = vector.extract_strided_slice %get3A_4 {offsets = [2], sizes = [1], strides = [1]} : vector<16xi32> to vector<1xi32>
    %squeeze3A_133 = vector.extract %slice3A_132[0] : i32 from vector<1xi32>
    %multiple_of3A_134 = tpu.assume_multiple %squeeze3A_133, 32 : i32
    %slice3A_135 = vector.extract_strided_slice %get3A_4 {offsets = [3], sizes = [1], strides = [1]} : vector<16xi32> to vector<1xi32>
    %squeeze3A_136 = vector.extract %slice3A_135[0] : i32 from vector<1xi32>
    %multiple_of3A_137 = tpu.assume_multiple %squeeze3A_136, 32 : i32
    %dma_start3A = arith.constant 0 : i32
    %dma_start3A_138 = arith.constant 0 : i32
    %dma_start3A_139 = arith.constant 0 : i32
    %dma_start3A_140 = arith.constant 0 : i32
    %dma_start3A_141 = tpu.memref_slice %arg7[%dma_start3A, %dma_start3A_138, %dma_start3A_139, %dma_start3A_140] : memref<14x8x32x32xf32, #tpu.memory_space<vmem>> -> memref<1x8x32x32xf32, #tpu.memory_space<vmem>>
    %dma_start3A_142 = tpu.memref_squeeze %dma_start3A_141 : memref<1x8x32x32xf32, #tpu.memory_space<vmem>> -> memref<8x32x32xf32, #tpu.memory_space<vmem>>
    %dma_start3A_143 = tpu.memref_slice %arg2[%squeeze3A, %multiple_of3A, %multiple_of3A_134, %multiple_of3A_137] : memref<2x160x160x128xf32, #tpu.memory_space<hbm>> -> memref<1x8x32x32xf32, #tpu.memory_space<hbm>>
    %dma_start3A_144 = tpu.memref_squeeze %dma_start3A_143 : memref<1x8x32x32xf32, #tpu.memory_space<hbm>> -> memref<8x32x32xf32, #tpu.memory_space<hbm>>
    %dma_start3A_145 = arith.constant 0 : i32
    %dma_start3A_146 = arith.constant 0 : i32
    %dma_start3A_147 = arith.constant 0 : i32
    %dma_start3A_148 = tpu.memref_slice %arg7[%dma_start3A, %dma_start3A_145, %dma_start3A_146, %dma_start3A_147] : memref<14x8x32x32xf32, #tpu.memory_space<vmem>> -> memref<1x8x32x32xf32, #tpu.memory_space<vmem>>
    %dma_start3A_149 = tpu.memref_squeeze %dma_start3A_148 : memref<1x8x32x32xf32, #tpu.memory_space<vmem>> -> memref<8x32x32xf32, #tpu.memory_space<vmem>>
    %dma_start3A_150 = tpu.memref_slice %arg2[%squeeze3A, %multiple_of3A, %multiple_of3A_134, %multiple_of3A_137] : memref<2x160x160x128xf32, #tpu.memory_space<hbm>> -> memref<1x8x32x32xf32, #tpu.memory_space<hbm>>
    %dma_start3A_151 = tpu.memref_squeeze %dma_start3A_150 : memref<1x8x32x32xf32, #tpu.memory_space<hbm>> -> memref<8x32x32xf32, #tpu.memory_space<hbm>>
    tpu.enqueue_dma source(%dma_start3A_151 : memref<8x32x32xf32, #tpu.memory_space<hbm>>) target(%dma_start3A_149 : memref<8x32x32xf32, #tpu.memory_space<vmem>>) target_semaphore(%arg9 : memref<!tpu.dma_semaphore, #tpu.memory_space<semaphore_mem>>)
    %slice3A_152 = vector.extract_strided_slice %get3A_9 {offsets = [0], sizes = [1], strides = [1]} : vector<16xi32> to vector<1xi32>
    %squeeze3A_153 = vector.extract %slice3A_152[0] : i32 from vector<1xi32>
    %slice3A_154 = vector.extract_strided_slice %get3A_9 {offsets = [1], sizes = [1], strides = [1]} : vector<16xi32> to vector<1xi32>
    %squeeze3A_155 = vector.extract %slice3A_154[0] : i32 from vector<1xi32>
    %multiple_of3A_156 = tpu.assume_multiple %squeeze3A_155, 8 : i32
    %slice3A_157 = vector.extract_strided_slice %get3A_9 {offsets = [2], sizes = [1], strides = [1]} : vector<16xi32> to vector<1xi32>
    %squeeze3A_158 = vector.extract %slice3A_157[0] : i32 from vector<1xi32>
    %multiple_of3A_159 = tpu.assume_multiple %squeeze3A_158, 32 : i32
    %slice3A_160 = vector.extract_strided_slice %get3A_9 {offsets = [3], sizes = [1], strides = [1]} : vector<16xi32> to vector<1xi32>
    %squeeze3A_161 = vector.extract %slice3A_160[0] : i32 from vector<1xi32>
    %multiple_of3A_162 = tpu.assume_multiple %squeeze3A_161, 32 : i32
    %dma_start3A_163 = arith.constant 1 : i32
    %dma_start3A_164 = arith.constant 0 : i32
    %dma_start3A_165 = arith.constant 0 : i32
    %dma_start3A_166 = arith.constant 0 : i32
    %dma_start3A_167 = tpu.memref_slice %arg7[%dma_start3A_163, %dma_start3A_164, %dma_start3A_165, %dma_start3A_166] : memref<14x8x32x32xf32, #tpu.memory_space<vmem>> -> memref<1x8x32x32xf32, #tpu.memory_space<vmem>>
    %dma_start3A_168 = tpu.memref_squeeze %dma_start3A_167 : memref<1x8x32x32xf32, #tpu.memory_space<vmem>> -> memref<8x32x32xf32, #tpu.memory_space<vmem>>
    %dma_start3A_169 = tpu.memref_slice %arg2[%squeeze3A_153, %multiple_of3A_156, %multiple_of3A_159, %multiple_of3A_162] : memref<2x160x160x128xf32, #tpu.memory_space<hbm>> -> memref<1x8x32x32xf32, #tpu.memory_space<hbm>>
    %dma_start3A_170 = tpu.memref_squeeze %dma_start3A_169 : memref<1x8x32x32xf32, #tpu.memory_space<hbm>> -> memref<8x32x32xf32, #tpu.memory_space<hbm>>
    %dma_start3A_171 = arith.constant 0 : i32
    %dma_start3A_172 = arith.constant 0 : i32
    %dma_start3A_173 = arith.constant 0 : i32
    %dma_start3A_174 = tpu.memref_slice %arg7[%dma_start3A_163, %dma_start3A_171, %dma_start3A_172, %dma_start3A_173] : memref<14x8x32x32xf32, #tpu.memory_space<vmem>> -> memref<1x8x32x32xf32, #tpu.memory_space<vmem>>
    %dma_start3A_175 = tpu.memref_squeeze %dma_start3A_174 : memref<1x8x32x32xf32, #tpu.memory_space<vmem>> -> memref<8x32x32xf32, #tpu.memory_space<vmem>>
    %dma_start3A_176 = tpu.memref_slice %arg2[%squeeze3A_153, %multiple_of3A_156, %multiple_of3A_159, %multiple_of3A_162] : memref<2x160x160x128xf32, #tpu.memory_space<hbm>> -> memref<1x8x32x32xf32, #tpu.memory_space<hbm>>
    %dma_start3A_177 = tpu.memref_squeeze %dma_start3A_176 : memref<1x8x32x32xf32, #tpu.memory_space<hbm>> -> memref<8x32x32xf32, #tpu.memory_space<hbm>>
    tpu.enqueue_dma source(%dma_start3A_177 : memref<8x32x32xf32, #tpu.memory_space<hbm>>) target(%dma_start3A_175 : memref<8x32x32xf32, #tpu.memory_space<vmem>>) target_semaphore(%arg10 : memref<!tpu.dma_semaphore, #tpu.memory_space<semaphore_mem>>)
    %slice3A_178 = vector.extract_strided_slice %get3A_14 {offsets = [0], sizes = [1], strides = [1]} : vector<16xi32> to vector<1xi32>
    %squeeze3A_179 = vector.extract %slice3A_178[0] : i32 from vector<1xi32>
    %slice3A_180 = vector.extract_strided_slice %get3A_14 {offsets = [1], sizes = [1], strides = [1]} : vector<16xi32> to vector<1xi32>
    %squeeze3A_181 = vector.extract %slice3A_180[0] : i32 from vector<1xi32>
    %multiple_of3A_182 = tpu.assume_multiple %squeeze3A_181, 8 : i32
    %slice3A_183 = vector.extract_strided_slice %get3A_14 {offsets = [2], sizes = [1], strides = [1]} : vector<16xi32> to vector<1xi32>
    %squeeze3A_184 = vector.extract %slice3A_183[0] : i32 from vector<1xi32>
    %multiple_of3A_185 = tpu.assume_multiple %squeeze3A_184, 32 : i32
    %slice3A_186 = vector.extract_strided_slice %get3A_14 {offsets = [3], sizes = [1], strides = [1]} : vector<16xi32> to vector<1xi32>
    %squeeze3A_187 = vector.extract %slice3A_186[0] : i32 from vector<1xi32>
    %multiple_of3A_188 = tpu.assume_multiple %squeeze3A_187, 32 : i32
    %dma_start3A_189 = arith.constant 2 : i32
    %dma_start3A_190 = arith.constant 0 : i32
    %dma_start3A_191 = arith.constant 0 : i32
    %dma_start3A_192 = arith.constant 0 : i32
    %dma_start3A_193 = tpu.memref_slice %arg7[%dma_start3A_189, %dma_start3A_190, %dma_start3A_191, %dma_start3A_192] : memref<14x8x32x32xf32, #tpu.memory_space<vmem>> -> memref<1x8x32x32xf32, #tpu.memory_space<vmem>>
    %dma_start3A_194 = tpu.memref_squeeze %dma_start3A_193 : memref<1x8x32x32xf32, #tpu.memory_space<vmem>> -> memref<8x32x32xf32, #tpu.memory_space<vmem>>
    %dma_start3A_195 = tpu.memref_slice %arg2[%squeeze3A_179, %multiple_of3A_182, %multiple_of3A_185, %multiple_of3A_188] : memref<2x160x160x128xf32, #tpu.memory_space<hbm>> -> memref<1x8x32x32xf32, #tpu.memory_space<hbm>>
    %dma_start3A_196 = tpu.memref_squeeze %dma_start3A_195 : memref<1x8x32x32xf32, #tpu.memory_space<hbm>> -> memref<8x32x32xf32, #tpu.memory_space<hbm>>
    %dma_start3A_197 = arith.constant 0 : i32
    %dma_start3A_198 = arith.constant 0 : i32
    %dma_start3A_199 = arith.constant 0 : i32
    %dma_start3A_200 = tpu.memref_slice %arg7[%dma_start3A_189, %dma_start3A_197, %dma_start3A_198, %dma_start3A_199] : memref<14x8x32x32xf32, #tpu.memory_space<vmem>> -> memref<1x8x32x32xf32, #tpu.memory_space<vmem>>
    %dma_start3A_201 = tpu.memref_squeeze %dma_start3A_200 : memref<1x8x32x32xf32, #tpu.memory_space<vmem>> -> memref<8x32x32xf32, #tpu.memory_space<vmem>>
    %dma_start3A_202 = tpu.memref_slice %arg2[%squeeze3A_179, %multiple_of3A_182, %multiple_of3A_185, %multiple_of3A_188] : memref<2x160x160x128xf32, #tpu.memory_space<hbm>> -> memref<1x8x32x32xf32, #tpu.memory_space<hbm>>
    %dma_start3A_203 = tpu.memref_squeeze %dma_start3A_202 : memref<1x8x32x32xf32, #tpu.memory_space<hbm>> -> memref<8x32x32xf32, #tpu.memory_space<hbm>>
    tpu.enqueue_dma source(%dma_start3A_203 : memref<8x32x32xf32, #tpu.memory_space<hbm>>) target(%dma_start3A_201 : memref<8x32x32xf32, #tpu.memory_space<vmem>>) target_semaphore(%arg11 : memref<!tpu.dma_semaphore, #tpu.memory_space<semaphore_mem>>)
    %slice3A_204 = vector.extract_strided_slice %get3A_19 {offsets = [0], sizes = [1], strides = [1]} : vector<16xi32> to vector<1xi32>
    %squeeze3A_205 = vector.extract %slice3A_204[0] : i32 from vector<1xi32>
    %slice3A_206 = vector.extract_strided_slice %get3A_19 {offsets = [1], sizes = [1], strides = [1]} : vector<16xi32> to vector<1xi32>
    %squeeze3A_207 = vector.extract %slice3A_206[0] : i32 from vector<1xi32>
    %multiple_of3A_208 = tpu.assume_multiple %squeeze3A_207, 8 : i32
    %slice3A_209 = vector.extract_strided_slice %get3A_19 {offsets = [2], sizes = [1], strides = [1]} : vector<16xi32> to vector<1xi32>
    %squeeze3A_210 = vector.extract %slice3A_209[0] : i32 from vector<1xi32>
    %multiple_of3A_211 = tpu.assume_multiple %squeeze3A_210, 32 : i32
    %slice3A_212 = vector.extract_strided_slice %get3A_19 {offsets = [3], sizes = [1], strides = [1]} : vector<16xi32> to vector<1xi32>
    %squeeze3A_213 = vector.extract %slice3A_212[0] : i32 from vector<1xi32>
    %multiple_of3A_214 = tpu.assume_multiple %squeeze3A_213, 32 : i32
    %dma_start3A_215 = arith.constant 3 : i32
    %dma_start3A_216 = arith.constant 0 : i32
    %dma_start3A_217 = arith.constant 0 : i32
    %dma_start3A_218 = arith.constant 0 : i32
    %dma_start3A_219 = tpu.memref_slice %arg7[%dma_start3A_215, %dma_start3A_216, %dma_start3A_217, %dma_start3A_218] : memref<14x8x32x32xf32, #tpu.memory_space<vmem>> -> memref<1x8x32x32xf32, #tpu.memory_space<vmem>>
    %dma_start3A_220 = tpu.memref_squeeze %dma_start3A_219 : memref<1x8x32x32xf32, #tpu.memory_space<vmem>> -> memref<8x32x32xf32, #tpu.memory_space<vmem>>
    %dma_start3A_221 = tpu.memref_slice %arg2[%squeeze3A_205, %multiple_of3A_208, %multiple_of3A_211, %multiple_of3A_214] : memref<2x160x160x128xf32, #tpu.memory_space<hbm>> -> memref<1x8x32x32xf32, #tpu.memory_space<hbm>>
    %dma_start3A_222 = tpu.memref_squeeze %dma_start3A_221 : memref<1x8x32x32xf32, #tpu.memory_space<hbm>> -> memref<8x32x32xf32, #tpu.memory_space<hbm>>
    %dma_start3A_223 = arith.constant 0 : i32
    %dma_start3A_224 = arith.constant 0 : i32
    %dma_start3A_225 = arith.constant 0 : i32
    %dma_start3A_226 = tpu.memref_slice %arg7[%dma_start3A_215, %dma_start3A_223, %dma_start3A_224, %dma_start3A_225] : memref<14x8x32x32xf32, #tpu.memory_space<vmem>> -> memref<1x8x32x32xf32, #tpu.memory_space<vmem>>
    %dma_start3A_227 = tpu.memref_squeeze %dma_start3A_226 : memref<1x8x32x32xf32, #tpu.memory_space<vmem>> -> memref<8x32x32xf32, #tpu.memory_space<vmem>>
    %dma_start3A_228 = tpu.memref_slice %arg2[%squeeze3A_205, %multiple_of3A_208, %multiple_of3A_211, %multiple_of3A_214] : memref<2x160x160x128xf32, #tpu.memory_space<hbm>> -> memref<1x8x32x32xf32, #tpu.memory_space<hbm>>
    %dma_start3A_229 = tpu.memref_squeeze %dma_start3A_228 : memref<1x8x32x32xf32, #tpu.memory_space<hbm>> -> memref<8x32x32xf32, #tpu.memory_space<hbm>>
    tpu.enqueue_dma source(%dma_start3A_229 : memref<8x32x32xf32, #tpu.memory_space<hbm>>) target(%dma_start3A_227 : memref<8x32x32xf32, #tpu.memory_space<vmem>>) target_semaphore(%arg12 : memref<!tpu.dma_semaphore, #tpu.memory_space<semaphore_mem>>)
    %slice3A_230 = vector.extract_strided_slice %get3A_24 {offsets = [0], sizes = [1], strides = [1]} : vector<16xi32> to vector<1xi32>
    %squeeze3A_231 = vector.extract %slice3A_230[0] : i32 from vector<1xi32>
    %slice3A_232 = vector.extract_strided_slice %get3A_24 {offsets = [1], sizes = [1], strides = [1]} : vector<16xi32> to vector<1xi32>
    %squeeze3A_233 = vector.extract %slice3A_232[0] : i32 from vector<1xi32>
    %multiple_of3A_234 = tpu.assume_multiple %squeeze3A_233, 8 : i32
    %slice3A_235 = vector.extract_strided_slice %get3A_24 {offsets = [2], sizes = [1], strides = [1]} : vector<16xi32> to vector<1xi32>
    %squeeze3A_236 = vector.extract %slice3A_235[0] : i32 from vector<1xi32>
    %multiple_of3A_237 = tpu.assume_multiple %squeeze3A_236, 32 : i32
    %slice3A_238 = vector.extract_strided_slice %get3A_24 {offsets = [3], sizes = [1], strides = [1]} : vector<16xi32> to vector<1xi32>
    %squeeze3A_239 = vector.extract %slice3A_238[0] : i32 from vector<1xi32>
    %multiple_of3A_240 = tpu.assume_multiple %squeeze3A_239, 32 : i32
    %dma_start3A_241 = arith.constant 4 : i32
    %dma_start3A_242 = arith.constant 0 : i32
    %dma_start3A_243 = arith.constant 0 : i32
    %dma_start3A_244 = arith.constant 0 : i32
    %dma_start3A_245 = tpu.memref_slice %arg7[%dma_start3A_241, %dma_start3A_242, %dma_start3A_243, %dma_start3A_244] : memref<14x8x32x32xf32, #tpu.memory_space<vmem>> -> memref<1x8x32x32xf32, #tpu.memory_space<vmem>>
    %dma_start3A_246 = tpu.memref_squeeze %dma_start3A_245 : memref<1x8x32x32xf32, #tpu.memory_space<vmem>> -> memref<8x32x32xf32, #tpu.memory_space<vmem>>
    %dma_start3A_247 = tpu.memref_slice %arg2[%squeeze3A_231, %multiple_of3A_234, %multiple_of3A_237, %multiple_of3A_240] : memref<2x160x160x128xf32, #tpu.memory_space<hbm>> -> memref<1x8x32x32xf32, #tpu.memory_space<hbm>>
    %dma_start3A_248 = tpu.memref_squeeze %dma_start3A_247 : memref<1x8x32x32xf32, #tpu.memory_space<hbm>> -> memref<8x32x32xf32, #tpu.memory_space<hbm>>
    %dma_start3A_249 = arith.constant 0 : i32
    %dma_start3A_250 = arith.constant 0 : i32
    %dma_start3A_251 = arith.constant 0 : i32
    %dma_start3A_252 = tpu.memref_slice %arg7[%dma_start3A_241, %dma_start3A_249, %dma_start3A_250, %dma_start3A_251] : memref<14x8x32x32xf32, #tpu.memory_space<vmem>> -> memref<1x8x32x32xf32, #tpu.memory_space<vmem>>
    %dma_start3A_253 = tpu.memref_squeeze %dma_start3A_252 : memref<1x8x32x32xf32, #tpu.memory_space<vmem>> -> memref<8x32x32xf32, #tpu.memory_space<vmem>>
    %dma_start3A_254 = tpu.memref_slice %arg2[%squeeze3A_231, %multiple_of3A_234, %multiple_of3A_237, %multiple_of3A_240] : memref<2x160x160x128xf32, #tpu.memory_space<hbm>> -> memref<1x8x32x32xf32, #tpu.memory_space<hbm>>
    %dma_start3A_255 = tpu.memref_squeeze %dma_start3A_254 : memref<1x8x32x32xf32, #tpu.memory_space<hbm>> -> memref<8x32x32xf32, #tpu.memory_space<hbm>>
    tpu.enqueue_dma source(%dma_start3A_255 : memref<8x32x32xf32, #tpu.memory_space<hbm>>) target(%dma_start3A_253 : memref<8x32x32xf32, #tpu.memory_space<vmem>>) target_semaphore(%arg13 : memref<!tpu.dma_semaphore, #tpu.memory_space<semaphore_mem>>)
    %slice3A_256 = vector.extract_strided_slice %get3A_29 {offsets = [0], sizes = [1], strides = [1]} : vector<16xi32> to vector<1xi32>
    %squeeze3A_257 = vector.extract %slice3A_256[0] : i32 from vector<1xi32>
    %slice3A_258 = vector.extract_strided_slice %get3A_29 {offsets = [1], sizes = [1], strides = [1]} : vector<16xi32> to vector<1xi32>
    %squeeze3A_259 = vector.extract %slice3A_258[0] : i32 from vector<1xi32>
    %multiple_of3A_260 = tpu.assume_multiple %squeeze3A_259, 8 : i32
    %slice3A_261 = vector.extract_strided_slice %get3A_29 {offsets = [2], sizes = [1], strides = [1]} : vector<16xi32> to vector<1xi32>
    %squeeze3A_262 = vector.extract %slice3A_261[0] : i32 from vector<1xi32>
    %multiple_of3A_263 = tpu.assume_multiple %squeeze3A_262, 32 : i32
    %slice3A_264 = vector.extract_strided_slice %get3A_29 {offsets = [3], sizes = [1], strides = [1]} : vector<16xi32> to vector<1xi32>
    %squeeze3A_265 = vector.extract %slice3A_264[0] : i32 from vector<1xi32>
    %multiple_of3A_266 = tpu.assume_multiple %squeeze3A_265, 32 : i32
    %dma_start3A_267 = arith.constant 5 : i32
    %dma_start3A_268 = arith.constant 0 : i32
    %dma_start3A_269 = arith.constant 0 : i32
    %dma_start3A_270 = arith.constant 0 : i32
    %dma_start3A_271 = tpu.memref_slice %arg7[%dma_start3A_267, %dma_start3A_268, %dma_start3A_269, %dma_start3A_270] : memref<14x8x32x32xf32, #tpu.memory_space<vmem>> -> memref<1x8x32x32xf32, #tpu.memory_space<vmem>>
    %dma_start3A_272 = tpu.memref_squeeze %dma_start3A_271 : memref<1x8x32x32xf32, #tpu.memory_space<vmem>> -> memref<8x32x32xf32, #tpu.memory_space<vmem>>
    %dma_start3A_273 = tpu.memref_slice %arg2[%squeeze3A_257, %multiple_of3A_260, %multiple_of3A_263, %multiple_of3A_266] : memref<2x160x160x128xf32, #tpu.memory_space<hbm>> -> memref<1x8x32x32xf32, #tpu.memory_space<hbm>>
    %dma_start3A_274 = tpu.memref_squeeze %dma_start3A_273 : memref<1x8x32x32xf32, #tpu.memory_space<hbm>> -> memref<8x32x32xf32, #tpu.memory_space<hbm>>
    %dma_start3A_275 = arith.constant 0 : i32
    %dma_start3A_276 = arith.constant 0 : i32
    %dma_start3A_277 = arith.constant 0 : i32
    %dma_start3A_278 = tpu.memref_slice %arg7[%dma_start3A_267, %dma_start3A_275, %dma_start3A_276, %dma_start3A_277] : memref<14x8x32x32xf32, #tpu.memory_space<vmem>> -> memref<1x8x32x32xf32, #tpu.memory_space<vmem>>
    %dma_start3A_279 = tpu.memref_squeeze %dma_start3A_278 : memref<1x8x32x32xf32, #tpu.memory_space<vmem>> -> memref<8x32x32xf32, #tpu.memory_space<vmem>>
    %dma_start3A_280 = tpu.memref_slice %arg2[%squeeze3A_257, %multiple_of3A_260, %multiple_of3A_263, %multiple_of3A_266] : memref<2x160x160x128xf32, #tpu.memory_space<hbm>> -> memref<1x8x32x32xf32, #tpu.memory_space<hbm>>
    %dma_start3A_281 = tpu.memref_squeeze %dma_start3A_280 : memref<1x8x32x32xf32, #tpu.memory_space<hbm>> -> memref<8x32x32xf32, #tpu.memory_space<hbm>>
    tpu.enqueue_dma source(%dma_start3A_281 : memref<8x32x32xf32, #tpu.memory_space<hbm>>) target(%dma_start3A_279 : memref<8x32x32xf32, #tpu.memory_space<vmem>>) target_semaphore(%arg14 : memref<!tpu.dma_semaphore, #tpu.memory_space<semaphore_mem>>)
    %slice3A_282 = vector.extract_strided_slice %get3A_34 {offsets = [0], sizes = [1], strides = [1]} : vector<16xi32> to vector<1xi32>
    %squeeze3A_283 = vector.extract %slice3A_282[0] : i32 from vector<1xi32>
    %slice3A_284 = vector.extract_strided_slice %get3A_34 {offsets = [1], sizes = [1], strides = [1]} : vector<16xi32> to vector<1xi32>
    %squeeze3A_285 = vector.extract %slice3A_284[0] : i32 from vector<1xi32>
    %multiple_of3A_286 = tpu.assume_multiple %squeeze3A_285, 8 : i32
    %slice3A_287 = vector.extract_strided_slice %get3A_34 {offsets = [2], sizes = [1], strides = [1]} : vector<16xi32> to vector<1xi32>
    %squeeze3A_288 = vector.extract %slice3A_287[0] : i32 from vector<1xi32>
    %multiple_of3A_289 = tpu.assume_multiple %squeeze3A_288, 32 : i32
    %slice3A_290 = vector.extract_strided_slice %get3A_34 {offsets = [3], sizes = [1], strides = [1]} : vector<16xi32> to vector<1xi32>
    %squeeze3A_291 = vector.extract %slice3A_290[0] : i32 from vector<1xi32>
    %multiple_of3A_292 = tpu.assume_multiple %squeeze3A_291, 32 : i32
    %dma_start3A_293 = arith.constant 6 : i32
    %dma_start3A_294 = arith.constant 0 : i32
    %dma_start3A_295 = arith.constant 0 : i32
    %dma_start3A_296 = arith.constant 0 : i32
    %dma_start3A_297 = tpu.memref_slice %arg7[%dma_start3A_293, %dma_start3A_294, %dma_start3A_295, %dma_start3A_296] : memref<14x8x32x32xf32, #tpu.memory_space<vmem>> -> memref<1x8x32x32xf32, #tpu.memory_space<vmem>>
    %dma_start3A_298 = tpu.memref_squeeze %dma_start3A_297 : memref<1x8x32x32xf32, #tpu.memory_space<vmem>> -> memref<8x32x32xf32, #tpu.memory_space<vmem>>
    %dma_start3A_299 = tpu.memref_slice %arg2[%squeeze3A_283, %multiple_of3A_286, %multiple_of3A_289, %multiple_of3A_292] : memref<2x160x160x128xf32, #tpu.memory_space<hbm>> -> memref<1x8x32x32xf32, #tpu.memory_space<hbm>>
    %dma_start3A_300 = tpu.memref_squeeze %dma_start3A_299 : memref<1x8x32x32xf32, #tpu.memory_space<hbm>> -> memref<8x32x32xf32, #tpu.memory_space<hbm>>
    %dma_start3A_301 = arith.constant 0 : i32
    %dma_start3A_302 = arith.constant 0 : i32
    %dma_start3A_303 = arith.constant 0 : i32
    %dma_start3A_304 = tpu.memref_slice %arg7[%dma_start3A_293, %dma_start3A_301, %dma_start3A_302, %dma_start3A_303] : memref<14x8x32x32xf32, #tpu.memory_space<vmem>> -> memref<1x8x32x32xf32, #tpu.memory_space<vmem>>
    %dma_start3A_305 = tpu.memref_squeeze %dma_start3A_304 : memref<1x8x32x32xf32, #tpu.memory_space<vmem>> -> memref<8x32x32xf32, #tpu.memory_space<vmem>>
    %dma_start3A_306 = tpu.memref_slice %arg2[%squeeze3A_283, %multiple_of3A_286, %multiple_of3A_289, %multiple_of3A_292] : memref<2x160x160x128xf32, #tpu.memory_space<hbm>> -> memref<1x8x32x32xf32, #tpu.memory_space<hbm>>
    %dma_start3A_307 = tpu.memref_squeeze %dma_start3A_306 : memref<1x8x32x32xf32, #tpu.memory_space<hbm>> -> memref<8x32x32xf32, #tpu.memory_space<hbm>>
    tpu.enqueue_dma source(%dma_start3A_307 : memref<8x32x32xf32, #tpu.memory_space<hbm>>) target(%dma_start3A_305 : memref<8x32x32xf32, #tpu.memory_space<vmem>>) target_semaphore(%arg15 : memref<!tpu.dma_semaphore, #tpu.memory_space<semaphore_mem>>)
    %slice3A_308 = vector.extract_strided_slice %get3A_39 {offsets = [0], sizes = [1], strides = [1]} : vector<16xi32> to vector<1xi32>
    %squeeze3A_309 = vector.extract %slice3A_308[0] : i32 from vector<1xi32>
    %slice3A_310 = vector.extract_strided_slice %get3A_39 {offsets = [1], sizes = [1], strides = [1]} : vector<16xi32> to vector<1xi32>
    %squeeze3A_311 = vector.extract %slice3A_310[0] : i32 from vector<1xi32>
    %multiple_of3A_312 = tpu.assume_multiple %squeeze3A_311, 8 : i32
    %slice3A_313 = vector.extract_strided_slice %get3A_39 {offsets = [2], sizes = [1], strides = [1]} : vector<16xi32> to vector<1xi32>
    %squeeze3A_314 = vector.extract %slice3A_313[0] : i32 from vector<1xi32>
    %multiple_of3A_315 = tpu.assume_multiple %squeeze3A_314, 32 : i32
    %slice3A_316 = vector.extract_strided_slice %get3A_39 {offsets = [3], sizes = [1], strides = [1]} : vector<16xi32> to vector<1xi32>
    %squeeze3A_317 = vector.extract %slice3A_316[0] : i32 from vector<1xi32>
    %multiple_of3A_318 = tpu.assume_multiple %squeeze3A_317, 32 : i32
    %dma_start3A_319 = arith.constant 7 : i32
    %dma_start3A_320 = arith.constant 0 : i32
    %dma_start3A_321 = arith.constant 0 : i32
    %dma_start3A_322 = arith.constant 0 : i32
    %dma_start3A_323 = tpu.memref_slice %arg7[%dma_start3A_319, %dma_start3A_320, %dma_start3A_321, %dma_start3A_322] : memref<14x8x32x32xf32, #tpu.memory_space<vmem>> -> memref<1x8x32x32xf32, #tpu.memory_space<vmem>>
    %dma_start3A_324 = tpu.memref_squeeze %dma_start3A_323 : memref<1x8x32x32xf32, #tpu.memory_space<vmem>> -> memref<8x32x32xf32, #tpu.memory_space<vmem>>
    %dma_start3A_325 = tpu.memref_slice %arg2[%squeeze3A_309, %multiple_of3A_312, %multiple_of3A_315, %multiple_of3A_318] : memref<2x160x160x128xf32, #tpu.memory_space<hbm>> -> memref<1x8x32x32xf32, #tpu.memory_space<hbm>>
    %dma_start3A_326 = tpu.memref_squeeze %dma_start3A_325 : memref<1x8x32x32xf32, #tpu.memory_space<hbm>> -> memref<8x32x32xf32, #tpu.memory_space<hbm>>
    %dma_start3A_327 = arith.constant 0 : i32
    %dma_start3A_328 = arith.constant 0 : i32
    %dma_start3A_329 = arith.constant 0 : i32
    %dma_start3A_330 = tpu.memref_slice %arg7[%dma_start3A_319, %dma_start3A_327, %dma_start3A_328, %dma_start3A_329] : memref<14x8x32x32xf32, #tpu.memory_space<vmem>> -> memref<1x8x32x32xf32, #tpu.memory_space<vmem>>
    %dma_start3A_331 = tpu.memref_squeeze %dma_start3A_330 : memref<1x8x32x32xf32, #tpu.memory_space<vmem>> -> memref<8x32x32xf32, #tpu.memory_space<vmem>>
    %dma_start3A_332 = tpu.memref_slice %arg2[%squeeze3A_309, %multiple_of3A_312, %multiple_of3A_315, %multiple_of3A_318] : memref<2x160x160x128xf32, #tpu.memory_space<hbm>> -> memref<1x8x32x32xf32, #tpu.memory_space<hbm>>
    %dma_start3A_333 = tpu.memref_squeeze %dma_start3A_332 : memref<1x8x32x32xf32, #tpu.memory_space<hbm>> -> memref<8x32x32xf32, #tpu.memory_space<hbm>>
    tpu.enqueue_dma source(%dma_start3A_333 : memref<8x32x32xf32, #tpu.memory_space<hbm>>) target(%dma_start3A_331 : memref<8x32x32xf32, #tpu.memory_space<vmem>>) target_semaphore(%arg16 : memref<!tpu.dma_semaphore, #tpu.memory_space<semaphore_mem>>)
    %slice3A_334 = vector.extract_strided_slice %get3A_44 {offsets = [0], sizes = [1], strides = [1]} : vector<16xi32> to vector<1xi32>
    %squeeze3A_335 = vector.extract %slice3A_334[0] : i32 from vector<1xi32>
    %slice3A_336 = vector.extract_strided_slice %get3A_44 {offsets = [1], sizes = [1], strides = [1]} : vector<16xi32> to vector<1xi32>
    %squeeze3A_337 = vector.extract %slice3A_336[0] : i32 from vector<1xi32>
    %multiple_of3A_338 = tpu.assume_multiple %squeeze3A_337, 8 : i32
    %slice3A_339 = vector.extract_strided_slice %get3A_44 {offsets = [2], sizes = [1], strides = [1]} : vector<16xi32> to vector<1xi32>
    %squeeze3A_340 = vector.extract %slice3A_339[0] : i32 from vector<1xi32>
    %multiple_of3A_341 = tpu.assume_multiple %squeeze3A_340, 32 : i32
    %slice3A_342 = vector.extract_strided_slice %get3A_44 {offsets = [3], sizes = [1], strides = [1]} : vector<16xi32> to vector<1xi32>
    %squeeze3A_343 = vector.extract %slice3A_342[0] : i32 from vector<1xi32>
    %multiple_of3A_344 = tpu.assume_multiple %squeeze3A_343, 32 : i32
    %dma_start3A_345 = arith.constant 8 : i32
    %dma_start3A_346 = arith.constant 0 : i32
    %dma_start3A_347 = arith.constant 0 : i32
    %dma_start3A_348 = arith.constant 0 : i32
    %dma_start3A_349 = tpu.memref_slice %arg7[%dma_start3A_345, %dma_start3A_346, %dma_start3A_347, %dma_start3A_348] : memref<14x8x32x32xf32, #tpu.memory_space<vmem>> -> memref<1x8x32x32xf32, #tpu.memory_space<vmem>>
    %dma_start3A_350 = tpu.memref_squeeze %dma_start3A_349 : memref<1x8x32x32xf32, #tpu.memory_space<vmem>> -> memref<8x32x32xf32, #tpu.memory_space<vmem>>
    %dma_start3A_351 = tpu.memref_slice %arg2[%squeeze3A_335, %multiple_of3A_338, %multiple_of3A_341, %multiple_of3A_344] : memref<2x160x160x128xf32, #tpu.memory_space<hbm>> -> memref<1x8x32x32xf32, #tpu.memory_space<hbm>>
    %dma_start3A_352 = tpu.memref_squeeze %dma_start3A_351 : memref<1x8x32x32xf32, #tpu.memory_space<hbm>> -> memref<8x32x32xf32, #tpu.memory_space<hbm>>
    %dma_start3A_353 = arith.constant 0 : i32
    %dma_start3A_354 = arith.constant 0 : i32
    %dma_start3A_355 = arith.constant 0 : i32
    %dma_start3A_356 = tpu.memref_slice %arg7[%dma_start3A_345, %dma_start3A_353, %dma_start3A_354, %dma_start3A_355] : memref<14x8x32x32xf32, #tpu.memory_space<vmem>> -> memref<1x8x32x32xf32, #tpu.memory_space<vmem>>
    %dma_start3A_357 = tpu.memref_squeeze %dma_start3A_356 : memref<1x8x32x32xf32, #tpu.memory_space<vmem>> -> memref<8x32x32xf32, #tpu.memory_space<vmem>>
    %dma_start3A_358 = tpu.memref_slice %arg2[%squeeze3A_335, %multiple_of3A_338, %multiple_of3A_341, %multiple_of3A_344] : memref<2x160x160x128xf32, #tpu.memory_space<hbm>> -> memref<1x8x32x32xf32, #tpu.memory_space<hbm>>
    %dma_start3A_359 = tpu.memref_squeeze %dma_start3A_358 : memref<1x8x32x32xf32, #tpu.memory_space<hbm>> -> memref<8x32x32xf32, #tpu.memory_space<hbm>>
    tpu.enqueue_dma source(%dma_start3A_359 : memref<8x32x32xf32, #tpu.memory_space<hbm>>) target(%dma_start3A_357 : memref<8x32x32xf32, #tpu.memory_space<vmem>>) target_semaphore(%arg17 : memref<!tpu.dma_semaphore, #tpu.memory_space<semaphore_mem>>)
    %slice3A_360 = vector.extract_strided_slice %get3A_49 {offsets = [0], sizes = [1], strides = [1]} : vector<16xi32> to vector<1xi32>
    %squeeze3A_361 = vector.extract %slice3A_360[0] : i32 from vector<1xi32>
    %slice3A_362 = vector.extract_strided_slice %get3A_49 {offsets = [1], sizes = [1], strides = [1]} : vector<16xi32> to vector<1xi32>
    %squeeze3A_363 = vector.extract %slice3A_362[0] : i32 from vector<1xi32>
    %multiple_of3A_364 = tpu.assume_multiple %squeeze3A_363, 8 : i32
    %slice3A_365 = vector.extract_strided_slice %get3A_49 {offsets = [2], sizes = [1], strides = [1]} : vector<16xi32> to vector<1xi32>
    %squeeze3A_366 = vector.extract %slice3A_365[0] : i32 from vector<1xi32>
    %multiple_of3A_367 = tpu.assume_multiple %squeeze3A_366, 32 : i32
    %slice3A_368 = vector.extract_strided_slice %get3A_49 {offsets = [3], sizes = [1], strides = [1]} : vector<16xi32> to vector<1xi32>
    %squeeze3A_369 = vector.extract %slice3A_368[0] : i32 from vector<1xi32>
    %multiple_of3A_370 = tpu.assume_multiple %squeeze3A_369, 32 : i32
    %dma_start3A_371 = arith.constant 9 : i32
    %dma_start3A_372 = arith.constant 0 : i32
    %dma_start3A_373 = arith.constant 0 : i32
    %dma_start3A_374 = arith.constant 0 : i32
    %dma_start3A_375 = tpu.memref_slice %arg7[%dma_start3A_371, %dma_start3A_372, %dma_start3A_373, %dma_start3A_374] : memref<14x8x32x32xf32, #tpu.memory_space<vmem>> -> memref<1x8x32x32xf32, #tpu.memory_space<vmem>>
    %dma_start3A_376 = tpu.memref_squeeze %dma_start3A_375 : memref<1x8x32x32xf32, #tpu.memory_space<vmem>> -> memref<8x32x32xf32, #tpu.memory_space<vmem>>
    %dma_start3A_377 = tpu.memref_slice %arg2[%squeeze3A_361, %multiple_of3A_364, %multiple_of3A_367, %multiple_of3A_370] : memref<2x160x160x128xf32, #tpu.memory_space<hbm>> -> memref<1x8x32x32xf32, #tpu.memory_space<hbm>>
    %dma_start3A_378 = tpu.memref_squeeze %dma_start3A_377 : memref<1x8x32x32xf32, #tpu.memory_space<hbm>> -> memref<8x32x32xf32, #tpu.memory_space<hbm>>
    %dma_start3A_379 = arith.constant 0 : i32
    %dma_start3A_380 = arith.constant 0 : i32
    %dma_start3A_381 = arith.constant 0 : i32
    %dma_start3A_382 = tpu.memref_slice %arg7[%dma_start3A_371, %dma_start3A_379, %dma_start3A_380, %dma_start3A_381] : memref<14x8x32x32xf32, #tpu.memory_space<vmem>> -> memref<1x8x32x32xf32, #tpu.memory_space<vmem>>
    %dma_start3A_383 = tpu.memref_squeeze %dma_start3A_382 : memref<1x8x32x32xf32, #tpu.memory_space<vmem>> -> memref<8x32x32xf32, #tpu.memory_space<vmem>>
    %dma_start3A_384 = tpu.memref_slice %arg2[%squeeze3A_361, %multiple_of3A_364, %multiple_of3A_367, %multiple_of3A_370] : memref<2x160x160x128xf32, #tpu.memory_space<hbm>> -> memref<1x8x32x32xf32, #tpu.memory_space<hbm>>
    %dma_start3A_385 = tpu.memref_squeeze %dma_start3A_384 : memref<1x8x32x32xf32, #tpu.memory_space<hbm>> -> memref<8x32x32xf32, #tpu.memory_space<hbm>>
    tpu.enqueue_dma source(%dma_start3A_385 : memref<8x32x32xf32, #tpu.memory_space<hbm>>) target(%dma_start3A_383 : memref<8x32x32xf32, #tpu.memory_space<vmem>>) target_semaphore(%arg18 : memref<!tpu.dma_semaphore, #tpu.memory_space<semaphore_mem>>)
    %slice3A_386 = vector.extract_strided_slice %get3A_54 {offsets = [0], sizes = [1], strides = [1]} : vector<16xi32> to vector<1xi32>
    %squeeze3A_387 = vector.extract %slice3A_386[0] : i32 from vector<1xi32>
    %slice3A_388 = vector.extract_strided_slice %get3A_54 {offsets = [1], sizes = [1], strides = [1]} : vector<16xi32> to vector<1xi32>
    %squeeze3A_389 = vector.extract %slice3A_388[0] : i32 from vector<1xi32>
    %multiple_of3A_390 = tpu.assume_multiple %squeeze3A_389, 8 : i32
    %slice3A_391 = vector.extract_strided_slice %get3A_54 {offsets = [2], sizes = [1], strides = [1]} : vector<16xi32> to vector<1xi32>
    %squeeze3A_392 = vector.extract %slice3A_391[0] : i32 from vector<1xi32>
    %multiple_of3A_393 = tpu.assume_multiple %squeeze3A_392, 32 : i32
    %slice3A_394 = vector.extract_strided_slice %get3A_54 {offsets = [3], sizes = [1], strides = [1]} : vector<16xi32> to vector<1xi32>
    %squeeze3A_395 = vector.extract %slice3A_394[0] : i32 from vector<1xi32>
    %multiple_of3A_396 = tpu.assume_multiple %squeeze3A_395, 32 : i32
    %dma_start3A_397 = arith.constant 10 : i32
    %dma_start3A_398 = arith.constant 0 : i32
    %dma_start3A_399 = arith.constant 0 : i32
    %dma_start3A_400 = arith.constant 0 : i32
    %dma_start3A_401 = tpu.memref_slice %arg7[%dma_start3A_397, %dma_start3A_398, %dma_start3A_399, %dma_start3A_400] : memref<14x8x32x32xf32, #tpu.memory_space<vmem>> -> memref<1x8x32x32xf32, #tpu.memory_space<vmem>>
    %dma_start3A_402 = tpu.memref_squeeze %dma_start3A_401 : memref<1x8x32x32xf32, #tpu.memory_space<vmem>> -> memref<8x32x32xf32, #tpu.memory_space<vmem>>
    %dma_start3A_403 = tpu.memref_slice %arg2[%squeeze3A_387, %multiple_of3A_390, %multiple_of3A_393, %multiple_of3A_396] : memref<2x160x160x128xf32, #tpu.memory_space<hbm>> -> memref<1x8x32x32xf32, #tpu.memory_space<hbm>>
    %dma_start3A_404 = tpu.memref_squeeze %dma_start3A_403 : memref<1x8x32x32xf32, #tpu.memory_space<hbm>> -> memref<8x32x32xf32, #tpu.memory_space<hbm>>
    %dma_start3A_405 = arith.constant 0 : i32
    %dma_start3A_406 = arith.constant 0 : i32
    %dma_start3A_407 = arith.constant 0 : i32
    %dma_start3A_408 = tpu.memref_slice %arg7[%dma_start3A_397, %dma_start3A_405, %dma_start3A_406, %dma_start3A_407] : memref<14x8x32x32xf32, #tpu.memory_space<vmem>> -> memref<1x8x32x32xf32, #tpu.memory_space<vmem>>
    %dma_start3A_409 = tpu.memref_squeeze %dma_start3A_408 : memref<1x8x32x32xf32, #tpu.memory_space<vmem>> -> memref<8x32x32xf32, #tpu.memory_space<vmem>>
    %dma_start3A_410 = tpu.memref_slice %arg2[%squeeze3A_387, %multiple_of3A_390, %multiple_of3A_393, %multiple_of3A_396] : memref<2x160x160x128xf32, #tpu.memory_space<hbm>> -> memref<1x8x32x32xf32, #tpu.memory_space<hbm>>
    %dma_start3A_411 = tpu.memref_squeeze %dma_start3A_410 : memref<1x8x32x32xf32, #tpu.memory_space<hbm>> -> memref<8x32x32xf32, #tpu.memory_space<hbm>>
    tpu.enqueue_dma source(%dma_start3A_411 : memref<8x32x32xf32, #tpu.memory_space<hbm>>) target(%dma_start3A_409 : memref<8x32x32xf32, #tpu.memory_space<vmem>>) target_semaphore(%arg19 : memref<!tpu.dma_semaphore, #tpu.memory_space<semaphore_mem>>)
    %slice3A_412 = vector.extract_strided_slice %get3A_59 {offsets = [0], sizes = [1], strides = [1]} : vector<16xi32> to vector<1xi32>
    %squeeze3A_413 = vector.extract %slice3A_412[0] : i32 from vector<1xi32>
    %slice3A_414 = vector.extract_strided_slice %get3A_59 {offsets = [1], sizes = [1], strides = [1]} : vector<16xi32> to vector<1xi32>
    %squeeze3A_415 = vector.extract %slice3A_414[0] : i32 from vector<1xi32>
    %multiple_of3A_416 = tpu.assume_multiple %squeeze3A_415, 8 : i32
    %slice3A_417 = vector.extract_strided_slice %get3A_59 {offsets = [2], sizes = [1], strides = [1]} : vector<16xi32> to vector<1xi32>
    %squeeze3A_418 = vector.extract %slice3A_417[0] : i32 from vector<1xi32>
    %multiple_of3A_419 = tpu.assume_multiple %squeeze3A_418, 32 : i32
    %slice3A_420 = vector.extract_strided_slice %get3A_59 {offsets = [3], sizes = [1], strides = [1]} : vector<16xi32> to vector<1xi32>
    %squeeze3A_421 = vector.extract %slice3A_420[0] : i32 from vector<1xi32>
    %multiple_of3A_422 = tpu.assume_multiple %squeeze3A_421, 32 : i32
    %dma_start3A_423 = arith.constant 11 : i32
    %dma_start3A_424 = arith.constant 0 : i32
    %dma_start3A_425 = arith.constant 0 : i32
    %dma_start3A_426 = arith.constant 0 : i32
    %dma_start3A_427 = tpu.memref_slice %arg7[%dma_start3A_423, %dma_start3A_424, %dma_start3A_425, %dma_start3A_426] : memref<14x8x32x32xf32, #tpu.memory_space<vmem>> -> memref<1x8x32x32xf32, #tpu.memory_space<vmem>>
    %dma_start3A_428 = tpu.memref_squeeze %dma_start3A_427 : memref<1x8x32x32xf32, #tpu.memory_space<vmem>> -> memref<8x32x32xf32, #tpu.memory_space<vmem>>
    %dma_start3A_429 = tpu.memref_slice %arg2[%squeeze3A_413, %multiple_of3A_416, %multiple_of3A_419, %multiple_of3A_422] : memref<2x160x160x128xf32, #tpu.memory_space<hbm>> -> memref<1x8x32x32xf32, #tpu.memory_space<hbm>>
    %dma_start3A_430 = tpu.memref_squeeze %dma_start3A_429 : memref<1x8x32x32xf32, #tpu.memory_space<hbm>> -> memref<8x32x32xf32, #tpu.memory_space<hbm>>
    %dma_start3A_431 = arith.constant 0 : i32
    %dma_start3A_432 = arith.constant 0 : i32
    %dma_start3A_433 = arith.constant 0 : i32
    %dma_start3A_434 = tpu.memref_slice %arg7[%dma_start3A_423, %dma_start3A_431, %dma_start3A_432, %dma_start3A_433] : memref<14x8x32x32xf32, #tpu.memory_space<vmem>> -> memref<1x8x32x32xf32, #tpu.memory_space<vmem>>
    %dma_start3A_435 = tpu.memref_squeeze %dma_start3A_434 : memref<1x8x32x32xf32, #tpu.memory_space<vmem>> -> memref<8x32x32xf32, #tpu.memory_space<vmem>>
    %dma_start3A_436 = tpu.memref_slice %arg2[%squeeze3A_413, %multiple_of3A_416, %multiple_of3A_419, %multiple_of3A_422] : memref<2x160x160x128xf32, #tpu.memory_space<hbm>> -> memref<1x8x32x32xf32, #tpu.memory_space<hbm>>
    %dma_start3A_437 = tpu.memref_squeeze %dma_start3A_436 : memref<1x8x32x32xf32, #tpu.memory_space<hbm>> -> memref<8x32x32xf32, #tpu.memory_space<hbm>>
    tpu.enqueue_dma source(%dma_start3A_437 : memref<8x32x32xf32, #tpu.memory_space<hbm>>) target(%dma_start3A_435 : memref<8x32x32xf32, #tpu.memory_space<vmem>>) target_semaphore(%arg20 : memref<!tpu.dma_semaphore, #tpu.memory_space<semaphore_mem>>)
    %slice3A_438 = vector.extract_strided_slice %get3A_64 {offsets = [0], sizes = [1], strides = [1]} : vector<16xi32> to vector<1xi32>
    %squeeze3A_439 = vector.extract %slice3A_438[0] : i32 from vector<1xi32>
    %slice3A_440 = vector.extract_strided_slice %get3A_64 {offsets = [1], sizes = [1], strides = [1]} : vector<16xi32> to vector<1xi32>
    %squeeze3A_441 = vector.extract %slice3A_440[0] : i32 from vector<1xi32>
    %multiple_of3A_442 = tpu.assume_multiple %squeeze3A_441, 8 : i32
    %slice3A_443 = vector.extract_strided_slice %get3A_64 {offsets = [2], sizes = [1], strides = [1]} : vector<16xi32> to vector<1xi32>
    %squeeze3A_444 = vector.extract %slice3A_443[0] : i32 from vector<1xi32>
    %multiple_of3A_445 = tpu.assume_multiple %squeeze3A_444, 32 : i32
    %slice3A_446 = vector.extract_strided_slice %get3A_64 {offsets = [3], sizes = [1], strides = [1]} : vector<16xi32> to vector<1xi32>
    %squeeze3A_447 = vector.extract %slice3A_446[0] : i32 from vector<1xi32>
    %multiple_of3A_448 = tpu.assume_multiple %squeeze3A_447, 32 : i32
    %dma_start3A_449 = arith.constant 12 : i32
    %dma_start3A_450 = arith.constant 0 : i32
    %dma_start3A_451 = arith.constant 0 : i32
    %dma_start3A_452 = arith.constant 0 : i32
    %dma_start3A_453 = tpu.memref_slice %arg7[%dma_start3A_449, %dma_start3A_450, %dma_start3A_451, %dma_start3A_452] : memref<14x8x32x32xf32, #tpu.memory_space<vmem>> -> memref<1x8x32x32xf32, #tpu.memory_space<vmem>>
    %dma_start3A_454 = tpu.memref_squeeze %dma_start3A_453 : memref<1x8x32x32xf32, #tpu.memory_space<vmem>> -> memref<8x32x32xf32, #tpu.memory_space<vmem>>
    %dma_start3A_455 = tpu.memref_slice %arg2[%squeeze3A_439, %multiple_of3A_442, %multiple_of3A_445, %multiple_of3A_448] : memref<2x160x160x128xf32, #tpu.memory_space<hbm>> -> memref<1x8x32x32xf32, #tpu.memory_space<hbm>>
    %dma_start3A_456 = tpu.memref_squeeze %dma_start3A_455 : memref<1x8x32x32xf32, #tpu.memory_space<hbm>> -> memref<8x32x32xf32, #tpu.memory_space<hbm>>
    %dma_start3A_457 = arith.constant 0 : i32
    %dma_start3A_458 = arith.constant 0 : i32
    %dma_start3A_459 = arith.constant 0 : i32
    %dma_start3A_460 = tpu.memref_slice %arg7[%dma_start3A_449, %dma_start3A_457, %dma_start3A_458, %dma_start3A_459] : memref<14x8x32x32xf32, #tpu.memory_space<vmem>> -> memref<1x8x32x32xf32, #tpu.memory_space<vmem>>
    %dma_start3A_461 = tpu.memref_squeeze %dma_start3A_460 : memref<1x8x32x32xf32, #tpu.memory_space<vmem>> -> memref<8x32x32xf32, #tpu.memory_space<vmem>>
    %dma_start3A_462 = tpu.memref_slice %arg2[%squeeze3A_439, %multiple_of3A_442, %multiple_of3A_445, %multiple_of3A_448] : memref<2x160x160x128xf32, #tpu.memory_space<hbm>> -> memref<1x8x32x32xf32, #tpu.memory_space<hbm>>
    %dma_start3A_463 = tpu.memref_squeeze %dma_start3A_462 : memref<1x8x32x32xf32, #tpu.memory_space<hbm>> -> memref<8x32x32xf32, #tpu.memory_space<hbm>>
    tpu.enqueue_dma source(%dma_start3A_463 : memref<8x32x32xf32, #tpu.memory_space<hbm>>) target(%dma_start3A_461 : memref<8x32x32xf32, #tpu.memory_space<vmem>>) target_semaphore(%arg21 : memref<!tpu.dma_semaphore, #tpu.memory_space<semaphore_mem>>)
    %slice3A_464 = vector.extract_strided_slice %get3A_69 {offsets = [0], sizes = [1], strides = [1]} : vector<16xi32> to vector<1xi32>
    %squeeze3A_465 = vector.extract %slice3A_464[0] : i32 from vector<1xi32>
    %slice3A_466 = vector.extract_strided_slice %get3A_69 {offsets = [1], sizes = [1], strides = [1]} : vector<16xi32> to vector<1xi32>
    %squeeze3A_467 = vector.extract %slice3A_466[0] : i32 from vector<1xi32>
    %multiple_of3A_468 = tpu.assume_multiple %squeeze3A_467, 8 : i32
    %slice3A_469 = vector.extract_strided_slice %get3A_69 {offsets = [2], sizes = [1], strides = [1]} : vector<16xi32> to vector<1xi32>
    %squeeze3A_470 = vector.extract %slice3A_469[0] : i32 from vector<1xi32>
    %multiple_of3A_471 = tpu.assume_multiple %squeeze3A_470, 32 : i32
    %slice3A_472 = vector.extract_strided_slice %get3A_69 {offsets = [3], sizes = [1], strides = [1]} : vector<16xi32> to vector<1xi32>
    %squeeze3A_473 = vector.extract %slice3A_472[0] : i32 from vector<1xi32>
    %multiple_of3A_474 = tpu.assume_multiple %squeeze3A_473, 32 : i32
    %dma_start3A_475 = arith.constant 13 : i32
    %dma_start3A_476 = arith.constant 0 : i32
    %dma_start3A_477 = arith.constant 0 : i32
    %dma_start3A_478 = arith.constant 0 : i32
    %dma_start3A_479 = tpu.memref_slice %arg7[%dma_start3A_475, %dma_start3A_476, %dma_start3A_477, %dma_start3A_478] : memref<14x8x32x32xf32, #tpu.memory_space<vmem>> -> memref<1x8x32x32xf32, #tpu.memory_space<vmem>>
    %dma_start3A_480 = tpu.memref_squeeze %dma_start3A_479 : memref<1x8x32x32xf32, #tpu.memory_space<vmem>> -> memref<8x32x32xf32, #tpu.memory_space<vmem>>
    %dma_start3A_481 = tpu.memref_slice %arg2[%squeeze3A_465, %multiple_of3A_468, %multiple_of3A_471, %multiple_of3A_474] : memref<2x160x160x128xf32, #tpu.memory_space<hbm>> -> memref<1x8x32x32xf32, #tpu.memory_space<hbm>>
    %dma_start3A_482 = tpu.memref_squeeze %dma_start3A_481 : memref<1x8x32x32xf32, #tpu.memory_space<hbm>> -> memref<8x32x32xf32, #tpu.memory_space<hbm>>
    %dma_start3A_483 = arith.constant 0 : i32
    %dma_start3A_484 = arith.constant 0 : i32
    %dma_start3A_485 = arith.constant 0 : i32
    %dma_start3A_486 = tpu.memref_slice %arg7[%dma_start3A_475, %dma_start3A_483, %dma_start3A_484, %dma_start3A_485] : memref<14x8x32x32xf32, #tpu.memory_space<vmem>> -> memref<1x8x32x32xf32, #tpu.memory_space<vmem>>
    %dma_start3A_487 = tpu.memref_squeeze %dma_start3A_486 : memref<1x8x32x32xf32, #tpu.memory_space<vmem>> -> memref<8x32x32xf32, #tpu.memory_space<vmem>>
    %dma_start3A_488 = tpu.memref_slice %arg2[%squeeze3A_465, %multiple_of3A_468, %multiple_of3A_471, %multiple_of3A_474] : memref<2x160x160x128xf32, #tpu.memory_space<hbm>> -> memref<1x8x32x32xf32, #tpu.memory_space<hbm>>
    %dma_start3A_489 = tpu.memref_squeeze %dma_start3A_488 : memref<1x8x32x32xf32, #tpu.memory_space<hbm>> -> memref<8x32x32xf32, #tpu.memory_space<hbm>>
    tpu.enqueue_dma source(%dma_start3A_489 : memref<8x32x32xf32, #tpu.memory_space<hbm>>) target(%dma_start3A_487 : memref<8x32x32xf32, #tpu.memory_space<vmem>>) target_semaphore(%arg22 : memref<!tpu.dma_semaphore, #tpu.memory_space<semaphore_mem>>)
    tpu.wait_dma2 semaphore(%arg24 : memref<!tpu.dma_semaphore, #tpu.memory_space<semaphore_mem>>) src(%arg4 : memref<8x32x32xf32, #tpu.memory_space<hbm>>) dst(%arg8 : memref<8x32x32xf32, #tpu.memory_space<vmem>>)
    %slice3A_490 = vector.extract_strided_slice %get3A_74 {offsets = [0], sizes = [1], strides = [1]} : vector<16xi32> to vector<1xi32>
    %squeeze3A_491 = vector.extract %slice3A_490[0] : i32 from vector<1xi32>
    %slice3A_492 = vector.extract_strided_slice %get3A_74 {offsets = [1], sizes = [1], strides = [1]} : vector<16xi32> to vector<1xi32>
    %squeeze3A_493 = vector.extract %slice3A_492[0] : i32 from vector<1xi32>
    %multiple_of3A_494 = tpu.assume_multiple %squeeze3A_493, 8 : i32
    %slice3A_495 = vector.extract_strided_slice %get3A_74 {offsets = [2], sizes = [1], strides = [1]} : vector<16xi32> to vector<1xi32>
    %squeeze3A_496 = vector.extract %slice3A_495[0] : i32 from vector<1xi32>
    %multiple_of3A_497 = tpu.assume_multiple %squeeze3A_496, 32 : i32
    %slice3A_498 = vector.extract_strided_slice %get3A_74 {offsets = [3], sizes = [1], strides = [1]} : vector<16xi32> to vector<1xi32>
    %squeeze3A_499 = vector.extract %slice3A_498[0] : i32 from vector<1xi32>
    %multiple_of3A_500 = tpu.assume_multiple %squeeze3A_499, 32 : i32
    %dma_start3A_501 = tpu.memref_slice %arg5[%squeeze3A_491, %multiple_of3A_494, %multiple_of3A_497, %multiple_of3A_500] : memref<2x160x160x128xf32, #tpu.memory_space<hbm>> -> memref<1x8x32x32xf32, #tpu.memory_space<hbm>>
    %dma_start3A_502 = tpu.memref_squeeze %dma_start3A_501 : memref<1x8x32x32xf32, #tpu.memory_space<hbm>> -> memref<8x32x32xf32, #tpu.memory_space<hbm>>
    %dma_start3A_503 = tpu.memref_slice %arg5[%squeeze3A_491, %multiple_of3A_494, %multiple_of3A_497, %multiple_of3A_500] : memref<2x160x160x128xf32, #tpu.memory_space<hbm>> -> memref<1x8x32x32xf32, #tpu.memory_space<hbm>>
    %dma_start3A_504 = tpu.memref_squeeze %dma_start3A_503 : memref<1x8x32x32xf32, #tpu.memory_space<hbm>> -> memref<8x32x32xf32, #tpu.memory_space<hbm>>
    tpu.enqueue_dma source(%arg8 : memref<8x32x32xf32, #tpu.memory_space<vmem>>) target(%dma_start3A_504 : memref<8x32x32xf32, #tpu.memory_space<hbm>>) target_semaphore(%arg24 : memref<!tpu.dma_semaphore, #tpu.memory_space<semaphore_mem>>)
    %slice3A_505 = vector.extract_strided_slice %get3A_79 {offsets = [0], sizes = [1], strides = [1]} : vector<16xi32> to vector<1xi32>
    %squeeze3A_506 = vector.extract %slice3A_505[0] : i32 from vector<1xi32>
    %slice3A_507 = vector.extract_strided_slice %get3A_79 {offsets = [1], sizes = [1], strides = [1]} : vector<16xi32> to vector<1xi32>
    %squeeze3A_508 = vector.extract %slice3A_507[0] : i32 from vector<1xi32>
    %multiple_of3A_509 = tpu.assume_multiple %squeeze3A_508, 8 : i32
    %slice3A_510 = vector.extract_strided_slice %get3A_79 {offsets = [2], sizes = [1], strides = [1]} : vector<16xi32> to vector<1xi32>
    %squeeze3A_511 = vector.extract %slice3A_510[0] : i32 from vector<1xi32>
    %multiple_of3A_512 = tpu.assume_multiple %squeeze3A_511, 32 : i32
    %slice3A_513 = vector.extract_strided_slice %get3A_79 {offsets = [3], sizes = [1], strides = [1]} : vector<16xi32> to vector<1xi32>
    %squeeze3A_514 = vector.extract %slice3A_513[0] : i32 from vector<1xi32>
    %multiple_of3A_515 = tpu.assume_multiple %squeeze3A_514, 32 : i32
    %dma_start3A_516 = tpu.memref_slice %arg5[%squeeze3A_506, %multiple_of3A_509, %multiple_of3A_512, %multiple_of3A_515] : memref<2x160x160x128xf32, #tpu.memory_space<hbm>> -> memref<1x8x32x32xf32, #tpu.memory_space<hbm>>
    %dma_start3A_517 = tpu.memref_squeeze %dma_start3A_516 : memref<1x8x32x32xf32, #tpu.memory_space<hbm>> -> memref<8x32x32xf32, #tpu.memory_space<hbm>>
    %dma_start3A_518 = tpu.memref_slice %arg5[%squeeze3A_506, %multiple_of3A_509, %multiple_of3A_512, %multiple_of3A_515] : memref<2x160x160x128xf32, #tpu.memory_space<hbm>> -> memref<1x8x32x32xf32, #tpu.memory_space<hbm>>
    %dma_start3A_519 = tpu.memref_squeeze %dma_start3A_518 : memref<1x8x32x32xf32, #tpu.memory_space<hbm>> -> memref<8x32x32xf32, #tpu.memory_space<hbm>>
    tpu.enqueue_dma source(%arg8 : memref<8x32x32xf32, #tpu.memory_space<vmem>>) target(%dma_start3A_519 : memref<8x32x32xf32, #tpu.memory_space<hbm>>) target_semaphore(%arg24 : memref<!tpu.dma_semaphore, #tpu.memory_space<semaphore_mem>>)
    %slice3A_520 = vector.extract_strided_slice %get3A_84 {offsets = [0], sizes = [1], strides = [1]} : vector<16xi32> to vector<1xi32>
    %squeeze3A_521 = vector.extract %slice3A_520[0] : i32 from vector<1xi32>
    %slice3A_522 = vector.extract_strided_slice %get3A_84 {offsets = [1], sizes = [1], strides = [1]} : vector<16xi32> to vector<1xi32>
    %squeeze3A_523 = vector.extract %slice3A_522[0] : i32 from vector<1xi32>
    %multiple_of3A_524 = tpu.assume_multiple %squeeze3A_523, 8 : i32
    %slice3A_525 = vector.extract_strided_slice %get3A_84 {offsets = [2], sizes = [1], strides = [1]} : vector<16xi32> to vector<1xi32>
    %squeeze3A_526 = vector.extract %slice3A_525[0] : i32 from vector<1xi32>
    %multiple_of3A_527 = tpu.assume_multiple %squeeze3A_526, 32 : i32
    %slice3A_528 = vector.extract_strided_slice %get3A_84 {offsets = [3], sizes = [1], strides = [1]} : vector<16xi32> to vector<1xi32>
    %squeeze3A_529 = vector.extract %slice3A_528[0] : i32 from vector<1xi32>
    %multiple_of3A_530 = tpu.assume_multiple %squeeze3A_529, 32 : i32
    %dma_start3A_531 = tpu.memref_slice %arg5[%squeeze3A_521, %multiple_of3A_524, %multiple_of3A_527, %multiple_of3A_530] : memref<2x160x160x128xf32, #tpu.memory_space<hbm>> -> memref<1x8x32x32xf32, #tpu.memory_space<hbm>>
    %dma_start3A_532 = tpu.memref_squeeze %dma_start3A_531 : memref<1x8x32x32xf32, #tpu.memory_space<hbm>> -> memref<8x32x32xf32, #tpu.memory_space<hbm>>
    %dma_start3A_533 = tpu.memref_slice %arg5[%squeeze3A_521, %multiple_of3A_524, %multiple_of3A_527, %multiple_of3A_530] : memref<2x160x160x128xf32, #tpu.memory_space<hbm>> -> memref<1x8x32x32xf32, #tpu.memory_space<hbm>>
    %dma_start3A_534 = tpu.memref_squeeze %dma_start3A_533 : memref<1x8x32x32xf32, #tpu.memory_space<hbm>> -> memref<8x32x32xf32, #tpu.memory_space<hbm>>
    tpu.enqueue_dma source(%arg8 : memref<8x32x32xf32, #tpu.memory_space<vmem>>) target(%dma_start3A_534 : memref<8x32x32xf32, #tpu.memory_space<hbm>>) target_semaphore(%arg24 : memref<!tpu.dma_semaphore, #tpu.memory_space<semaphore_mem>>)
    %slice3A_535 = vector.extract_strided_slice %get3A_89 {offsets = [0], sizes = [1], strides = [1]} : vector<16xi32> to vector<1xi32>
    %squeeze3A_536 = vector.extract %slice3A_535[0] : i32 from vector<1xi32>
    %slice3A_537 = vector.extract_strided_slice %get3A_89 {offsets = [1], sizes = [1], strides = [1]} : vector<16xi32> to vector<1xi32>
    %squeeze3A_538 = vector.extract %slice3A_537[0] : i32 from vector<1xi32>
    %multiple_of3A_539 = tpu.assume_multiple %squeeze3A_538, 8 : i32
    %slice3A_540 = vector.extract_strided_slice %get3A_89 {offsets = [2], sizes = [1], strides = [1]} : vector<16xi32> to vector<1xi32>
    %squeeze3A_541 = vector.extract %slice3A_540[0] : i32 from vector<1xi32>
    %multiple_of3A_542 = tpu.assume_multiple %squeeze3A_541, 32 : i32
    %slice3A_543 = vector.extract_strided_slice %get3A_89 {offsets = [3], sizes = [1], strides = [1]} : vector<16xi32> to vector<1xi32>
    %squeeze3A_544 = vector.extract %slice3A_543[0] : i32 from vector<1xi32>
    %multiple_of3A_545 = tpu.assume_multiple %squeeze3A_544, 32 : i32
    %dma_start3A_546 = tpu.memref_slice %arg5[%squeeze3A_536, %multiple_of3A_539, %multiple_of3A_542, %multiple_of3A_545] : memref<2x160x160x128xf32, #tpu.memory_space<hbm>> -> memref<1x8x32x32xf32, #tpu.memory_space<hbm>>
    %dma_start3A_547 = tpu.memref_squeeze %dma_start3A_546 : memref<1x8x32x32xf32, #tpu.memory_space<hbm>> -> memref<8x32x32xf32, #tpu.memory_space<hbm>>
    %dma_start3A_548 = tpu.memref_slice %arg5[%squeeze3A_536, %multiple_of3A_539, %multiple_of3A_542, %multiple_of3A_545] : memref<2x160x160x128xf32, #tpu.memory_space<hbm>> -> memref<1x8x32x32xf32, #tpu.memory_space<hbm>>
    %dma_start3A_549 = tpu.memref_squeeze %dma_start3A_548 : memref<1x8x32x32xf32, #tpu.memory_space<hbm>> -> memref<8x32x32xf32, #tpu.memory_space<hbm>>
    tpu.enqueue_dma source(%arg8 : memref<8x32x32xf32, #tpu.memory_space<vmem>>) target(%dma_start3A_549 : memref<8x32x32xf32, #tpu.memory_space<hbm>>) target_semaphore(%arg24 : memref<!tpu.dma_semaphore, #tpu.memory_space<semaphore_mem>>)
    %slice3A_550 = vector.extract_strided_slice %get3A_94 {offsets = [0], sizes = [1], strides = [1]} : vector<16xi32> to vector<1xi32>
    %squeeze3A_551 = vector.extract %slice3A_550[0] : i32 from vector<1xi32>
    %slice3A_552 = vector.extract_strided_slice %get3A_94 {offsets = [1], sizes = [1], strides = [1]} : vector<16xi32> to vector<1xi32>
    %squeeze3A_553 = vector.extract %slice3A_552[0] : i32 from vector<1xi32>
    %multiple_of3A_554 = tpu.assume_multiple %squeeze3A_553, 8 : i32
    %slice3A_555 = vector.extract_strided_slice %get3A_94 {offsets = [2], sizes = [1], strides = [1]} : vector<16xi32> to vector<1xi32>
    %squeeze3A_556 = vector.extract %slice3A_555[0] : i32 from vector<1xi32>
    %multiple_of3A_557 = tpu.assume_multiple %squeeze3A_556, 32 : i32
    %slice3A_558 = vector.extract_strided_slice %get3A_94 {offsets = [3], sizes = [1], strides = [1]} : vector<16xi32> to vector<1xi32>
    %squeeze3A_559 = vector.extract %slice3A_558[0] : i32 from vector<1xi32>
    %multiple_of3A_560 = tpu.assume_multiple %squeeze3A_559, 32 : i32
    %dma_start3A_561 = tpu.memref_slice %arg5[%squeeze3A_551, %multiple_of3A_554, %multiple_of3A_557, %multiple_of3A_560] : memref<2x160x160x128xf32, #tpu.memory_space<hbm>> -> memref<1x8x32x32xf32, #tpu.memory_space<hbm>>
    %dma_start3A_562 = tpu.memref_squeeze %dma_start3A_561 : memref<1x8x32x32xf32, #tpu.memory_space<hbm>> -> memref<8x32x32xf32, #tpu.memory_space<hbm>>
    %dma_start3A_563 = tpu.memref_slice %arg5[%squeeze3A_551, %multiple_of3A_554, %multiple_of3A_557, %multiple_of3A_560] : memref<2x160x160x128xf32, #tpu.memory_space<hbm>> -> memref<1x8x32x32xf32, #tpu.memory_space<hbm>>
    %dma_start3A_564 = tpu.memref_squeeze %dma_start3A_563 : memref<1x8x32x32xf32, #tpu.memory_space<hbm>> -> memref<8x32x32xf32, #tpu.memory_space<hbm>>
    tpu.enqueue_dma source(%arg8 : memref<8x32x32xf32, #tpu.memory_space<vmem>>) target(%dma_start3A_564 : memref<8x32x32xf32, #tpu.memory_space<hbm>>) target_semaphore(%arg24 : memref<!tpu.dma_semaphore, #tpu.memory_space<semaphore_mem>>)
    %slice3A_565 = vector.extract_strided_slice %get3A_99 {offsets = [0], sizes = [1], strides = [1]} : vector<16xi32> to vector<1xi32>
    %squeeze3A_566 = vector.extract %slice3A_565[0] : i32 from vector<1xi32>
    %slice3A_567 = vector.extract_strided_slice %get3A_99 {offsets = [1], sizes = [1], strides = [1]} : vector<16xi32> to vector<1xi32>
    %squeeze3A_568 = vector.extract %slice3A_567[0] : i32 from vector<1xi32>
    %multiple_of3A_569 = tpu.assume_multiple %squeeze3A_568, 8 : i32
    %slice3A_570 = vector.extract_strided_slice %get3A_99 {offsets = [2], sizes = [1], strides = [1]} : vector<16xi32> to vector<1xi32>
    %squeeze3A_571 = vector.extract %slice3A_570[0] : i32 from vector<1xi32>
    %multiple_of3A_572 = tpu.assume_multiple %squeeze3A_571, 32 : i32
    %slice3A_573 = vector.extract_strided_slice %get3A_99 {offsets = [3], sizes = [1], strides = [1]} : vector<16xi32> to vector<1xi32>
    %squeeze3A_574 = vector.extract %slice3A_573[0] : i32 from vector<1xi32>
    %multiple_of3A_575 = tpu.assume_multiple %squeeze3A_574, 32 : i32
    %dma_start3A_576 = tpu.memref_slice %arg5[%squeeze3A_566, %multiple_of3A_569, %multiple_of3A_572, %multiple_of3A_575] : memref<2x160x160x128xf32, #tpu.memory_space<hbm>> -> memref<1x8x32x32xf32, #tpu.memory_space<hbm>>
    %dma_start3A_577 = tpu.memref_squeeze %dma_start3A_576 : memref<1x8x32x32xf32, #tpu.memory_space<hbm>> -> memref<8x32x32xf32, #tpu.memory_space<hbm>>
    %dma_start3A_578 = tpu.memref_slice %arg5[%squeeze3A_566, %multiple_of3A_569, %multiple_of3A_572, %multiple_of3A_575] : memref<2x160x160x128xf32, #tpu.memory_space<hbm>> -> memref<1x8x32x32xf32, #tpu.memory_space<hbm>>
    %dma_start3A_579 = tpu.memref_squeeze %dma_start3A_578 : memref<1x8x32x32xf32, #tpu.memory_space<hbm>> -> memref<8x32x32xf32, #tpu.memory_space<hbm>>
    tpu.enqueue_dma source(%arg8 : memref<8x32x32xf32, #tpu.memory_space<vmem>>) target(%dma_start3A_579 : memref<8x32x32xf32, #tpu.memory_space<hbm>>) target_semaphore(%arg24 : memref<!tpu.dma_semaphore, #tpu.memory_space<semaphore_mem>>)
    %slice3A_580 = vector.extract_strided_slice %get3A_104 {offsets = [0], sizes = [1], strides = [1]} : vector<16xi32> to vector<1xi32>
    %squeeze3A_581 = vector.extract %slice3A_580[0] : i32 from vector<1xi32>
    %slice3A_582 = vector.extract_strided_slice %get3A_104 {offsets = [1], sizes = [1], strides = [1]} : vector<16xi32> to vector<1xi32>
    %squeeze3A_583 = vector.extract %slice3A_582[0] : i32 from vector<1xi32>
    %multiple_of3A_584 = tpu.assume_multiple %squeeze3A_583, 8 : i32
    %slice3A_585 = vector.extract_strided_slice %get3A_104 {offsets = [2], sizes = [1], strides = [1]} : vector<16xi32> to vector<1xi32>
    %squeeze3A_586 = vector.extract %slice3A_585[0] : i32 from vector<1xi32>
    %multiple_of3A_587 = tpu.assume_multiple %squeeze3A_586, 32 : i32
    %slice3A_588 = vector.extract_strided_slice %get3A_104 {offsets = [3], sizes = [1], strides = [1]} : vector<16xi32> to vector<1xi32>
    %squeeze3A_589 = vector.extract %slice3A_588[0] : i32 from vector<1xi32>
    %multiple_of3A_590 = tpu.assume_multiple %squeeze3A_589, 32 : i32
    %dma_start3A_591 = tpu.memref_slice %arg5[%squeeze3A_581, %multiple_of3A_584, %multiple_of3A_587, %multiple_of3A_590] : memref<2x160x160x128xf32, #tpu.memory_space<hbm>> -> memref<1x8x32x32xf32, #tpu.memory_space<hbm>>
    %dma_start3A_592 = tpu.memref_squeeze %dma_start3A_591 : memref<1x8x32x32xf32, #tpu.memory_space<hbm>> -> memref<8x32x32xf32, #tpu.memory_space<hbm>>
    %dma_start3A_593 = tpu.memref_slice %arg5[%squeeze3A_581, %multiple_of3A_584, %multiple_of3A_587, %multiple_of3A_590] : memref<2x160x160x128xf32, #tpu.memory_space<hbm>> -> memref<1x8x32x32xf32, #tpu.memory_space<hbm>>
    %dma_start3A_594 = tpu.memref_squeeze %dma_start3A_593 : memref<1x8x32x32xf32, #tpu.memory_space<hbm>> -> memref<8x32x32xf32, #tpu.memory_space<hbm>>
    tpu.enqueue_dma source(%arg8 : memref<8x32x32xf32, #tpu.memory_space<vmem>>) target(%dma_start3A_594 : memref<8x32x32xf32, #tpu.memory_space<hbm>>) target_semaphore(%arg24 : memref<!tpu.dma_semaphore, #tpu.memory_space<semaphore_mem>>)
    %slice3A_595 = vector.extract_strided_slice %get3A_109 {offsets = [0], sizes = [1], strides = [1]} : vector<16xi32> to vector<1xi32>
    %squeeze3A_596 = vector.extract %slice3A_595[0] : i32 from vector<1xi32>
    %slice3A_597 = vector.extract_strided_slice %get3A_109 {offsets = [1], sizes = [1], strides = [1]} : vector<16xi32> to vector<1xi32>
    %squeeze3A_598 = vector.extract %slice3A_597[0] : i32 from vector<1xi32>
    %multiple_of3A_599 = tpu.assume_multiple %squeeze3A_598, 8 : i32
    %slice3A_600 = vector.extract_strided_slice %get3A_109 {offsets = [2], sizes = [1], strides = [1]} : vector<16xi32> to vector<1xi32>
    %squeeze3A_601 = vector.extract %slice3A_600[0] : i32 from vector<1xi32>
    %multiple_of3A_602 = tpu.assume_multiple %squeeze3A_601, 32 : i32
    %slice3A_603 = vector.extract_strided_slice %get3A_109 {offsets = [3], sizes = [1], strides = [1]} : vector<16xi32> to vector<1xi32>
    %squeeze3A_604 = vector.extract %slice3A_603[0] : i32 from vector<1xi32>
    %multiple_of3A_605 = tpu.assume_multiple %squeeze3A_604, 32 : i32
    %dma_start3A_606 = tpu.memref_slice %arg5[%squeeze3A_596, %multiple_of3A_599, %multiple_of3A_602, %multiple_of3A_605] : memref<2x160x160x128xf32, #tpu.memory_space<hbm>> -> memref<1x8x32x32xf32, #tpu.memory_space<hbm>>
    %dma_start3A_607 = tpu.memref_squeeze %dma_start3A_606 : memref<1x8x32x32xf32, #tpu.memory_space<hbm>> -> memref<8x32x32xf32, #tpu.memory_space<hbm>>
    %dma_start3A_608 = tpu.memref_slice %arg5[%squeeze3A_596, %multiple_of3A_599, %multiple_of3A_602, %multiple_of3A_605] : memref<2x160x160x128xf32, #tpu.memory_space<hbm>> -> memref<1x8x32x32xf32, #tpu.memory_space<hbm>>
    %dma_start3A_609 = tpu.memref_squeeze %dma_start3A_608 : memref<1x8x32x32xf32, #tpu.memory_space<hbm>> -> memref<8x32x32xf32, #tpu.memory_space<hbm>>
    tpu.enqueue_dma source(%arg8 : memref<8x32x32xf32, #tpu.memory_space<vmem>>) target(%dma_start3A_609 : memref<8x32x32xf32, #tpu.memory_space<hbm>>) target_semaphore(%arg24 : memref<!tpu.dma_semaphore, #tpu.memory_space<semaphore_mem>>)
    %slice3A_610 = vector.extract_strided_slice %get3A_114 {offsets = [0], sizes = [1], strides = [1]} : vector<16xi32> to vector<1xi32>
    %squeeze3A_611 = vector.extract %slice3A_610[0] : i32 from vector<1xi32>
    %slice3A_612 = vector.extract_strided_slice %get3A_114 {offsets = [1], sizes = [1], strides = [1]} : vector<16xi32> to vector<1xi32>
    %squeeze3A_613 = vector.extract %slice3A_612[0] : i32 from vector<1xi32>
    %multiple_of3A_614 = tpu.assume_multiple %squeeze3A_613, 8 : i32
    %slice3A_615 = vector.extract_strided_slice %get3A_114 {offsets = [2], sizes = [1], strides = [1]} : vector<16xi32> to vector<1xi32>
    %squeeze3A_616 = vector.extract %slice3A_615[0] : i32 from vector<1xi32>
    %multiple_of3A_617 = tpu.assume_multiple %squeeze3A_616, 32 : i32
    %slice3A_618 = vector.extract_strided_slice %get3A_114 {offsets = [3], sizes = [1], strides = [1]} : vector<16xi32> to vector<1xi32>
    %squeeze3A_619 = vector.extract %slice3A_618[0] : i32 from vector<1xi32>
    %multiple_of3A_620 = tpu.assume_multiple %squeeze3A_619, 32 : i32
    %dma_start3A_621 = tpu.memref_slice %arg5[%squeeze3A_611, %multiple_of3A_614, %multiple_of3A_617, %multiple_of3A_620] : memref<2x160x160x128xf32, #tpu.memory_space<hbm>> -> memref<1x8x32x32xf32, #tpu.memory_space<hbm>>
    %dma_start3A_622 = tpu.memref_squeeze %dma_start3A_621 : memref<1x8x32x32xf32, #tpu.memory_space<hbm>> -> memref<8x32x32xf32, #tpu.memory_space<hbm>>
    %dma_start3A_623 = tpu.memref_slice %arg5[%squeeze3A_611, %multiple_of3A_614, %multiple_of3A_617, %multiple_of3A_620] : memref<2x160x160x128xf32, #tpu.memory_space<hbm>> -> memref<1x8x32x32xf32, #tpu.memory_space<hbm>>
    %dma_start3A_624 = tpu.memref_squeeze %dma_start3A_623 : memref<1x8x32x32xf32, #tpu.memory_space<hbm>> -> memref<8x32x32xf32, #tpu.memory_space<hbm>>
    tpu.enqueue_dma source(%arg8 : memref<8x32x32xf32, #tpu.memory_space<vmem>>) target(%dma_start3A_624 : memref<8x32x32xf32, #tpu.memory_space<hbm>>) target_semaphore(%arg24 : memref<!tpu.dma_semaphore, #tpu.memory_space<semaphore_mem>>)
    %slice3A_625 = vector.extract_strided_slice %get3A_119 {offsets = [0], sizes = [1], strides = [1]} : vector<16xi32> to vector<1xi32>
    %squeeze3A_626 = vector.extract %slice3A_625[0] : i32 from vector<1xi32>
    %slice3A_627 = vector.extract_strided_slice %get3A_119 {offsets = [1], sizes = [1], strides = [1]} : vector<16xi32> to vector<1xi32>
    %squeeze3A_628 = vector.extract %slice3A_627[0] : i32 from vector<1xi32>
    %multiple_of3A_629 = tpu.assume_multiple %squeeze3A_628, 8 : i32
    %slice3A_630 = vector.extract_strided_slice %get3A_119 {offsets = [2], sizes = [1], strides = [1]} : vector<16xi32> to vector<1xi32>
    %squeeze3A_631 = vector.extract %slice3A_630[0] : i32 from vector<1xi32>
    %multiple_of3A_632 = tpu.assume_multiple %squeeze3A_631, 32 : i32
    %slice3A_633 = vector.extract_strided_slice %get3A_119 {offsets = [3], sizes = [1], strides = [1]} : vector<16xi32> to vector<1xi32>
    %squeeze3A_634 = vector.extract %slice3A_633[0] : i32 from vector<1xi32>
    %multiple_of3A_635 = tpu.assume_multiple %squeeze3A_634, 32 : i32
    %dma_start3A_636 = tpu.memref_slice %arg5[%squeeze3A_626, %multiple_of3A_629, %multiple_of3A_632, %multiple_of3A_635] : memref<2x160x160x128xf32, #tpu.memory_space<hbm>> -> memref<1x8x32x32xf32, #tpu.memory_space<hbm>>
    %dma_start3A_637 = tpu.memref_squeeze %dma_start3A_636 : memref<1x8x32x32xf32, #tpu.memory_space<hbm>> -> memref<8x32x32xf32, #tpu.memory_space<hbm>>
    %dma_start3A_638 = tpu.memref_slice %arg5[%squeeze3A_626, %multiple_of3A_629, %multiple_of3A_632, %multiple_of3A_635] : memref<2x160x160x128xf32, #tpu.memory_space<hbm>> -> memref<1x8x32x32xf32, #tpu.memory_space<hbm>>
    %dma_start3A_639 = tpu.memref_squeeze %dma_start3A_638 : memref<1x8x32x32xf32, #tpu.memory_space<hbm>> -> memref<8x32x32xf32, #tpu.memory_space<hbm>>
    tpu.enqueue_dma source(%arg8 : memref<8x32x32xf32, #tpu.memory_space<vmem>>) target(%dma_start3A_639 : memref<8x32x32xf32, #tpu.memory_space<hbm>>) target_semaphore(%arg24 : memref<!tpu.dma_semaphore, #tpu.memory_space<semaphore_mem>>)
    %slice3A_640 = vector.extract_strided_slice %get3A_124 {offsets = [0], sizes = [1], strides = [1]} : vector<16xi32> to vector<1xi32>
    %squeeze3A_641 = vector.extract %slice3A_640[0] : i32 from vector<1xi32>
    %slice3A_642 = vector.extract_strided_slice %get3A_124 {offsets = [1], sizes = [1], strides = [1]} : vector<16xi32> to vector<1xi32>
    %squeeze3A_643 = vector.extract %slice3A_642[0] : i32 from vector<1xi32>
    %multiple_of3A_644 = tpu.assume_multiple %squeeze3A_643, 8 : i32
    %slice3A_645 = vector.extract_strided_slice %get3A_124 {offsets = [2], sizes = [1], strides = [1]} : vector<16xi32> to vector<1xi32>
    %squeeze3A_646 = vector.extract %slice3A_645[0] : i32 from vector<1xi32>
    %multiple_of3A_647 = tpu.assume_multiple %squeeze3A_646, 32 : i32
    %slice3A_648 = vector.extract_strided_slice %get3A_124 {offsets = [3], sizes = [1], strides = [1]} : vector<16xi32> to vector<1xi32>
    %squeeze3A_649 = vector.extract %slice3A_648[0] : i32 from vector<1xi32>
    %multiple_of3A_650 = tpu.assume_multiple %squeeze3A_649, 32 : i32
    %dma_start3A_651 = tpu.memref_slice %arg5[%squeeze3A_641, %multiple_of3A_644, %multiple_of3A_647, %multiple_of3A_650] : memref<2x160x160x128xf32, #tpu.memory_space<hbm>> -> memref<1x8x32x32xf32, #tpu.memory_space<hbm>>
    %dma_start3A_652 = tpu.memref_squeeze %dma_start3A_651 : memref<1x8x32x32xf32, #tpu.memory_space<hbm>> -> memref<8x32x32xf32, #tpu.memory_space<hbm>>
    %dma_start3A_653 = tpu.memref_slice %arg5[%squeeze3A_641, %multiple_of3A_644, %multiple_of3A_647, %multiple_of3A_650] : memref<2x160x160x128xf32, #tpu.memory_space<hbm>> -> memref<1x8x32x32xf32, #tpu.memory_space<hbm>>
    %dma_start3A_654 = tpu.memref_squeeze %dma_start3A_653 : memref<1x8x32x32xf32, #tpu.memory_space<hbm>> -> memref<8x32x32xf32, #tpu.memory_space<hbm>>
    tpu.enqueue_dma source(%arg8 : memref<8x32x32xf32, #tpu.memory_space<vmem>>) target(%dma_start3A_654 : memref<8x32x32xf32, #tpu.memory_space<hbm>>) target_semaphore(%arg24 : memref<!tpu.dma_semaphore, #tpu.memory_space<semaphore_mem>>)
    %slice3A_655 = vector.extract_strided_slice %get3A_129 {offsets = [0], sizes = [1], strides = [1]} : vector<16xi32> to vector<1xi32>
    %squeeze3A_656 = vector.extract %slice3A_655[0] : i32 from vector<1xi32>
    %slice3A_657 = vector.extract_strided_slice %get3A_129 {offsets = [1], sizes = [1], strides = [1]} : vector<16xi32> to vector<1xi32>
    %squeeze3A_658 = vector.extract %slice3A_657[0] : i32 from vector<1xi32>
    %multiple_of3A_659 = tpu.assume_multiple %squeeze3A_658, 8 : i32
    %slice3A_660 = vector.extract_strided_slice %get3A_129 {offsets = [2], sizes = [1], strides = [1]} : vector<16xi32> to vector<1xi32>
    %squeeze3A_661 = vector.extract %slice3A_660[0] : i32 from vector<1xi32>
    %multiple_of3A_662 = tpu.assume_multiple %squeeze3A_661, 32 : i32
    %slice3A_663 = vector.extract_strided_slice %get3A_129 {offsets = [3], sizes = [1], strides = [1]} : vector<16xi32> to vector<1xi32>
    %squeeze3A_664 = vector.extract %slice3A_663[0] : i32 from vector<1xi32>
    %multiple_of3A_665 = tpu.assume_multiple %squeeze3A_664, 32 : i32
    %dma_start3A_666 = tpu.memref_slice %arg5[%squeeze3A_656, %multiple_of3A_659, %multiple_of3A_662, %multiple_of3A_665] : memref<2x160x160x128xf32, #tpu.memory_space<hbm>> -> memref<1x8x32x32xf32, #tpu.memory_space<hbm>>
    %dma_start3A_667 = tpu.memref_squeeze %dma_start3A_666 : memref<1x8x32x32xf32, #tpu.memory_space<hbm>> -> memref<8x32x32xf32, #tpu.memory_space<hbm>>
    %dma_start3A_668 = tpu.memref_slice %arg5[%squeeze3A_656, %multiple_of3A_659, %multiple_of3A_662, %multiple_of3A_665] : memref<2x160x160x128xf32, #tpu.memory_space<hbm>> -> memref<1x8x32x32xf32, #tpu.memory_space<hbm>>
    %dma_start3A_669 = tpu.memref_squeeze %dma_start3A_668 : memref<1x8x32x32xf32, #tpu.memory_space<hbm>> -> memref<8x32x32xf32, #tpu.memory_space<hbm>>
    tpu.enqueue_dma source(%arg8 : memref<8x32x32xf32, #tpu.memory_space<vmem>>) target(%dma_start3A_669 : memref<8x32x32xf32, #tpu.memory_space<hbm>>) target_semaphore(%arg24 : memref<!tpu.dma_semaphore, #tpu.memory_space<semaphore_mem>>)
    %dma_wait3A = arith.constant 0 : i32
    %dma_wait3A_670 = arith.constant 0 : i32
    %dma_wait3A_671 = arith.constant 0 : i32
    %dma_wait3A_672 = arith.constant 0 : i32
    %dma_wait3A_673 = tpu.memref_slice %arg7[%dma_wait3A, %dma_wait3A_670, %dma_wait3A_671, %dma_wait3A_672] : memref<14x8x32x32xf32, #tpu.memory_space<vmem>> -> memref<1x8x32x32xf32, #tpu.memory_space<vmem>>
    %dma_wait3A_674 = tpu.memref_squeeze %dma_wait3A_673 : memref<1x8x32x32xf32, #tpu.memory_space<vmem>> -> memref<8x32x32xf32, #tpu.memory_space<vmem>>
    %dma_wait3A_675 = tpu.memref_slice %arg2[%squeeze3A, %multiple_of3A, %multiple_of3A_134, %multiple_of3A_137] : memref<2x160x160x128xf32, #tpu.memory_space<hbm>> -> memref<1x8x32x32xf32, #tpu.memory_space<hbm>>
    %dma_wait3A_676 = tpu.memref_squeeze %dma_wait3A_675 : memref<1x8x32x32xf32, #tpu.memory_space<hbm>> -> memref<8x32x32xf32, #tpu.memory_space<hbm>>
    %dma_wait3A_677 = arith.constant 0 : i32
    %dma_wait3A_678 = arith.constant 0 : i32
    %dma_wait3A_679 = arith.constant 0 : i32
    %dma_wait3A_680 = tpu.memref_slice %arg7[%dma_wait3A, %dma_wait3A_677, %dma_wait3A_678, %dma_wait3A_679] : memref<14x8x32x32xf32, #tpu.memory_space<vmem>> -> memref<1x8x32x32xf32, #tpu.memory_space<vmem>>
    %dma_wait3A_681 = tpu.memref_squeeze %dma_wait3A_680 : memref<1x8x32x32xf32, #tpu.memory_space<vmem>> -> memref<8x32x32xf32, #tpu.memory_space<vmem>>
    %dma_wait3A_682 = tpu.memref_slice %arg2[%squeeze3A, %multiple_of3A, %multiple_of3A_134, %multiple_of3A_137] : memref<2x160x160x128xf32, #tpu.memory_space<hbm>> -> memref<1x8x32x32xf32, #tpu.memory_space<hbm>>
    %dma_wait3A_683 = tpu.memref_squeeze %dma_wait3A_682 : memref<1x8x32x32xf32, #tpu.memory_space<hbm>> -> memref<8x32x32xf32, #tpu.memory_space<hbm>>
    tpu.wait_dma2 semaphore(%arg9 : memref<!tpu.dma_semaphore, #tpu.memory_space<semaphore_mem>>) src(%dma_wait3A_683 : memref<8x32x32xf32, #tpu.memory_space<hbm>>) dst(%dma_wait3A_681 : memref<8x32x32xf32, #tpu.memory_space<vmem>>)
    %slice3A_684 = vector.extract_strided_slice %get3A_4 {offsets = [0], sizes = [1], strides = [1]} : vector<16xi32> to vector<1xi32>
    %squeeze3A_685 = vector.extract %slice3A_684[0] : i32 from vector<1xi32>
    %slice3A_686 = vector.extract_strided_slice %get3A_4 {offsets = [4], sizes = [1], strides = [1]} : vector<16xi32> to vector<1xi32>
    %squeeze3A_687 = vector.extract %slice3A_686[0] : i32 from vector<1xi32>
    %multiple_of3A_688 = tpu.assume_multiple %squeeze3A_687, 8 : i32
    %slice3A_689 = vector.extract_strided_slice %get3A_4 {offsets = [5], sizes = [1], strides = [1]} : vector<16xi32> to vector<1xi32>
    %squeeze3A_690 = vector.extract %slice3A_689[0] : i32 from vector<1xi32>
    %multiple_of3A_691 = tpu.assume_multiple %squeeze3A_690, 32 : i32
    %slice3A_692 = vector.extract_strided_slice %get3A_4 {offsets = [6], sizes = [1], strides = [1]} : vector<16xi32> to vector<1xi32>
    %squeeze3A_693 = vector.extract %slice3A_692[0] : i32 from vector<1xi32>
    %multiple_of3A_694 = tpu.assume_multiple %squeeze3A_693, 32 : i32
    %dma_start3A_695 = arith.constant 0 : i32
    %dma_start3A_696 = arith.constant 0 : i32
    %dma_start3A_697 = arith.constant 0 : i32
    %dma_start3A_698 = arith.constant 0 : i32
    %dma_start3A_699 = tpu.memref_slice %arg7[%dma_start3A_695, %dma_start3A_696, %dma_start3A_697, %dma_start3A_698] : memref<14x8x32x32xf32, #tpu.memory_space<vmem>> -> memref<1x8x32x32xf32, #tpu.memory_space<vmem>>
    %dma_start3A_700 = tpu.memref_squeeze %dma_start3A_699 : memref<1x8x32x32xf32, #tpu.memory_space<vmem>> -> memref<8x32x32xf32, #tpu.memory_space<vmem>>
    %dma_start3A_701 = tpu.memref_slice %arg5[%squeeze3A_685, %multiple_of3A_688, %multiple_of3A_691, %multiple_of3A_694] : memref<2x160x160x128xf32, #tpu.memory_space<hbm>> -> memref<1x8x32x32xf32, #tpu.memory_space<hbm>>
    %dma_start3A_702 = tpu.memref_squeeze %dma_start3A_701 : memref<1x8x32x32xf32, #tpu.memory_space<hbm>> -> memref<8x32x32xf32, #tpu.memory_space<hbm>>
    %dma_start3A_703 = tpu.memref_slice %arg5[%squeeze3A_685, %multiple_of3A_688, %multiple_of3A_691, %multiple_of3A_694] : memref<2x160x160x128xf32, #tpu.memory_space<hbm>> -> memref<1x8x32x32xf32, #tpu.memory_space<hbm>>
    %dma_start3A_704 = tpu.memref_squeeze %dma_start3A_703 : memref<1x8x32x32xf32, #tpu.memory_space<hbm>> -> memref<8x32x32xf32, #tpu.memory_space<hbm>>
    %dma_start3A_705 = arith.constant 0 : i32
    %dma_start3A_706 = arith.constant 0 : i32
    %dma_start3A_707 = arith.constant 0 : i32
    %dma_start3A_708 = tpu.memref_slice %arg7[%dma_start3A_695, %dma_start3A_705, %dma_start3A_706, %dma_start3A_707] : memref<14x8x32x32xf32, #tpu.memory_space<vmem>> -> memref<1x8x32x32xf32, #tpu.memory_space<vmem>>
    %dma_start3A_709 = tpu.memref_squeeze %dma_start3A_708 : memref<1x8x32x32xf32, #tpu.memory_space<vmem>> -> memref<8x32x32xf32, #tpu.memory_space<vmem>>
    tpu.enqueue_dma source(%dma_start3A_709 : memref<8x32x32xf32, #tpu.memory_space<vmem>>) target(%dma_start3A_704 : memref<8x32x32xf32, #tpu.memory_space<hbm>>) target_semaphore(%arg23 : memref<!tpu.dma_semaphore, #tpu.memory_space<semaphore_mem>>)
    %dma_wait3A_710 = arith.constant 1 : i32
    %dma_wait3A_711 = arith.constant 0 : i32
    %dma_wait3A_712 = arith.constant 0 : i32
    %dma_wait3A_713 = arith.constant 0 : i32
    %dma_wait3A_714 = tpu.memref_slice %arg7[%dma_wait3A_710, %dma_wait3A_711, %dma_wait3A_712, %dma_wait3A_713] : memref<14x8x32x32xf32, #tpu.memory_space<vmem>> -> memref<1x8x32x32xf32, #tpu.memory_space<vmem>>
    %dma_wait3A_715 = tpu.memref_squeeze %dma_wait3A_714 : memref<1x8x32x32xf32, #tpu.memory_space<vmem>> -> memref<8x32x32xf32, #tpu.memory_space<vmem>>
    %dma_wait3A_716 = tpu.memref_slice %arg2[%squeeze3A_153, %multiple_of3A_156, %multiple_of3A_159, %multiple_of3A_162] : memref<2x160x160x128xf32, #tpu.memory_space<hbm>> -> memref<1x8x32x32xf32, #tpu.memory_space<hbm>>
    %dma_wait3A_717 = tpu.memref_squeeze %dma_wait3A_716 : memref<1x8x32x32xf32, #tpu.memory_space<hbm>> -> memref<8x32x32xf32, #tpu.memory_space<hbm>>
    %dma_wait3A_718 = arith.constant 0 : i32
    %dma_wait3A_719 = arith.constant 0 : i32
    %dma_wait3A_720 = arith.constant 0 : i32
    %dma_wait3A_721 = tpu.memref_slice %arg7[%dma_wait3A_710, %dma_wait3A_718, %dma_wait3A_719, %dma_wait3A_720] : memref<14x8x32x32xf32, #tpu.memory_space<vmem>> -> memref<1x8x32x32xf32, #tpu.memory_space<vmem>>
    %dma_wait3A_722 = tpu.memref_squeeze %dma_wait3A_721 : memref<1x8x32x32xf32, #tpu.memory_space<vmem>> -> memref<8x32x32xf32, #tpu.memory_space<vmem>>
    %dma_wait3A_723 = tpu.memref_slice %arg2[%squeeze3A_153, %multiple_of3A_156, %multiple_of3A_159, %multiple_of3A_162] : memref<2x160x160x128xf32, #tpu.memory_space<hbm>> -> memref<1x8x32x32xf32, #tpu.memory_space<hbm>>
    %dma_wait3A_724 = tpu.memref_squeeze %dma_wait3A_723 : memref<1x8x32x32xf32, #tpu.memory_space<hbm>> -> memref<8x32x32xf32, #tpu.memory_space<hbm>>
    tpu.wait_dma2 semaphore(%arg10 : memref<!tpu.dma_semaphore, #tpu.memory_space<semaphore_mem>>) src(%dma_wait3A_724 : memref<8x32x32xf32, #tpu.memory_space<hbm>>) dst(%dma_wait3A_722 : memref<8x32x32xf32, #tpu.memory_space<vmem>>)
    %slice3A_725 = vector.extract_strided_slice %get3A_9 {offsets = [0], sizes = [1], strides = [1]} : vector<16xi32> to vector<1xi32>
    %squeeze3A_726 = vector.extract %slice3A_725[0] : i32 from vector<1xi32>
    %slice3A_727 = vector.extract_strided_slice %get3A_9 {offsets = [4], sizes = [1], strides = [1]} : vector<16xi32> to vector<1xi32>
    %squeeze3A_728 = vector.extract %slice3A_727[0] : i32 from vector<1xi32>
    %multiple_of3A_729 = tpu.assume_multiple %squeeze3A_728, 8 : i32
    %slice3A_730 = vector.extract_strided_slice %get3A_9 {offsets = [5], sizes = [1], strides = [1]} : vector<16xi32> to vector<1xi32>
    %squeeze3A_731 = vector.extract %slice3A_730[0] : i32 from vector<1xi32>
    %multiple_of3A_732 = tpu.assume_multiple %squeeze3A_731, 32 : i32
    %slice3A_733 = vector.extract_strided_slice %get3A_9 {offsets = [6], sizes = [1], strides = [1]} : vector<16xi32> to vector<1xi32>
    %squeeze3A_734 = vector.extract %slice3A_733[0] : i32 from vector<1xi32>
    %multiple_of3A_735 = tpu.assume_multiple %squeeze3A_734, 32 : i32
    %dma_start3A_736 = arith.constant 1 : i32
    %dma_start3A_737 = arith.constant 0 : i32
    %dma_start3A_738 = arith.constant 0 : i32
    %dma_start3A_739 = arith.constant 0 : i32
    %dma_start3A_740 = tpu.memref_slice %arg7[%dma_start3A_736, %dma_start3A_737, %dma_start3A_738, %dma_start3A_739] : memref<14x8x32x32xf32, #tpu.memory_space<vmem>> -> memref<1x8x32x32xf32, #tpu.memory_space<vmem>>
    %dma_start3A_741 = tpu.memref_squeeze %dma_start3A_740 : memref<1x8x32x32xf32, #tpu.memory_space<vmem>> -> memref<8x32x32xf32, #tpu.memory_space<vmem>>
    %dma_start3A_742 = tpu.memref_slice %arg5[%squeeze3A_726, %multiple_of3A_729, %multiple_of3A_732, %multiple_of3A_735] : memref<2x160x160x128xf32, #tpu.memory_space<hbm>> -> memref<1x8x32x32xf32, #tpu.memory_space<hbm>>
    %dma_start3A_743 = tpu.memref_squeeze %dma_start3A_742 : memref<1x8x32x32xf32, #tpu.memory_space<hbm>> -> memref<8x32x32xf32, #tpu.memory_space<hbm>>
    %dma_start3A_744 = tpu.memref_slice %arg5[%squeeze3A_726, %multiple_of3A_729, %multiple_of3A_732, %multiple_of3A_735] : memref<2x160x160x128xf32, #tpu.memory_space<hbm>> -> memref<1x8x32x32xf32, #tpu.memory_space<hbm>>
    %dma_start3A_745 = tpu.memref_squeeze %dma_start3A_744 : memref<1x8x32x32xf32, #tpu.memory_space<hbm>> -> memref<8x32x32xf32, #tpu.memory_space<hbm>>
    %dma_start3A_746 = arith.constant 0 : i32
    %dma_start3A_747 = arith.constant 0 : i32
    %dma_start3A_748 = arith.constant 0 : i32
    %dma_start3A_749 = tpu.memref_slice %arg7[%dma_start3A_736, %dma_start3A_746, %dma_start3A_747, %dma_start3A_748] : memref<14x8x32x32xf32, #tpu.memory_space<vmem>> -> memref<1x8x32x32xf32, #tpu.memory_space<vmem>>
    %dma_start3A_750 = tpu.memref_squeeze %dma_start3A_749 : memref<1x8x32x32xf32, #tpu.memory_space<vmem>> -> memref<8x32x32xf32, #tpu.memory_space<vmem>>
    tpu.enqueue_dma source(%dma_start3A_750 : memref<8x32x32xf32, #tpu.memory_space<vmem>>) target(%dma_start3A_745 : memref<8x32x32xf32, #tpu.memory_space<hbm>>) target_semaphore(%arg23 : memref<!tpu.dma_semaphore, #tpu.memory_space<semaphore_mem>>)
    %dma_wait3A_751 = arith.constant 2 : i32
    %dma_wait3A_752 = arith.constant 0 : i32
    %dma_wait3A_753 = arith.constant 0 : i32
    %dma_wait3A_754 = arith.constant 0 : i32
    %dma_wait3A_755 = tpu.memref_slice %arg7[%dma_wait3A_751, %dma_wait3A_752, %dma_wait3A_753, %dma_wait3A_754] : memref<14x8x32x32xf32, #tpu.memory_space<vmem>> -> memref<1x8x32x32xf32, #tpu.memory_space<vmem>>
    %dma_wait3A_756 = tpu.memref_squeeze %dma_wait3A_755 : memref<1x8x32x32xf32, #tpu.memory_space<vmem>> -> memref<8x32x32xf32, #tpu.memory_space<vmem>>
    %dma_wait3A_757 = tpu.memref_slice %arg2[%squeeze3A_179, %multiple_of3A_182, %multiple_of3A_185, %multiple_of3A_188] : memref<2x160x160x128xf32, #tpu.memory_space<hbm>> -> memref<1x8x32x32xf32, #tpu.memory_space<hbm>>
    %dma_wait3A_758 = tpu.memref_squeeze %dma_wait3A_757 : memref<1x8x32x32xf32, #tpu.memory_space<hbm>> -> memref<8x32x32xf32, #tpu.memory_space<hbm>>
    %dma_wait3A_759 = arith.constant 0 : i32
    %dma_wait3A_760 = arith.constant 0 : i32
    %dma_wait3A_761 = arith.constant 0 : i32
    %dma_wait3A_762 = tpu.memref_slice %arg7[%dma_wait3A_751, %dma_wait3A_759, %dma_wait3A_760, %dma_wait3A_761] : memref<14x8x32x32xf32, #tpu.memory_space<vmem>> -> memref<1x8x32x32xf32, #tpu.memory_space<vmem>>
    %dma_wait3A_763 = tpu.memref_squeeze %dma_wait3A_762 : memref<1x8x32x32xf32, #tpu.memory_space<vmem>> -> memref<8x32x32xf32, #tpu.memory_space<vmem>>
    %dma_wait3A_764 = tpu.memref_slice %arg2[%squeeze3A_179, %multiple_of3A_182, %multiple_of3A_185, %multiple_of3A_188] : memref<2x160x160x128xf32, #tpu.memory_space<hbm>> -> memref<1x8x32x32xf32, #tpu.memory_space<hbm>>
    %dma_wait3A_765 = tpu.memref_squeeze %dma_wait3A_764 : memref<1x8x32x32xf32, #tpu.memory_space<hbm>> -> memref<8x32x32xf32, #tpu.memory_space<hbm>>
    tpu.wait_dma2 semaphore(%arg11 : memref<!tpu.dma_semaphore, #tpu.memory_space<semaphore_mem>>) src(%dma_wait3A_765 : memref<8x32x32xf32, #tpu.memory_space<hbm>>) dst(%dma_wait3A_763 : memref<8x32x32xf32, #tpu.memory_space<vmem>>)
    %slice3A_766 = vector.extract_strided_slice %get3A_14 {offsets = [0], sizes = [1], strides = [1]} : vector<16xi32> to vector<1xi32>
    %squeeze3A_767 = vector.extract %slice3A_766[0] : i32 from vector<1xi32>
    %slice3A_768 = vector.extract_strided_slice %get3A_14 {offsets = [4], sizes = [1], strides = [1]} : vector<16xi32> to vector<1xi32>
    %squeeze3A_769 = vector.extract %slice3A_768[0] : i32 from vector<1xi32>
    %multiple_of3A_770 = tpu.assume_multiple %squeeze3A_769, 8 : i32
    %slice3A_771 = vector.extract_strided_slice %get3A_14 {offsets = [5], sizes = [1], strides = [1]} : vector<16xi32> to vector<1xi32>
    %squeeze3A_772 = vector.extract %slice3A_771[0] : i32 from vector<1xi32>
    %multiple_of3A_773 = tpu.assume_multiple %squeeze3A_772, 32 : i32
    %slice3A_774 = vector.extract_strided_slice %get3A_14 {offsets = [6], sizes = [1], strides = [1]} : vector<16xi32> to vector<1xi32>
    %squeeze3A_775 = vector.extract %slice3A_774[0] : i32 from vector<1xi32>
    %multiple_of3A_776 = tpu.assume_multiple %squeeze3A_775, 32 : i32
    %dma_start3A_777 = arith.constant 2 : i32
    %dma_start3A_778 = arith.constant 0 : i32
    %dma_start3A_779 = arith.constant 0 : i32
    %dma_start3A_780 = arith.constant 0 : i32
    %dma_start3A_781 = tpu.memref_slice %arg7[%dma_start3A_777, %dma_start3A_778, %dma_start3A_779, %dma_start3A_780] : memref<14x8x32x32xf32, #tpu.memory_space<vmem>> -> memref<1x8x32x32xf32, #tpu.memory_space<vmem>>
    %dma_start3A_782 = tpu.memref_squeeze %dma_start3A_781 : memref<1x8x32x32xf32, #tpu.memory_space<vmem>> -> memref<8x32x32xf32, #tpu.memory_space<vmem>>
    %dma_start3A_783 = tpu.memref_slice %arg5[%squeeze3A_767, %multiple_of3A_770, %multiple_of3A_773, %multiple_of3A_776] : memref<2x160x160x128xf32, #tpu.memory_space<hbm>> -> memref<1x8x32x32xf32, #tpu.memory_space<hbm>>
    %dma_start3A_784 = tpu.memref_squeeze %dma_start3A_783 : memref<1x8x32x32xf32, #tpu.memory_space<hbm>> -> memref<8x32x32xf32, #tpu.memory_space<hbm>>
    %dma_start3A_785 = tpu.memref_slice %arg5[%squeeze3A_767, %multiple_of3A_770, %multiple_of3A_773, %multiple_of3A_776] : memref<2x160x160x128xf32, #tpu.memory_space<hbm>> -> memref<1x8x32x32xf32, #tpu.memory_space<hbm>>
    %dma_start3A_786 = tpu.memref_squeeze %dma_start3A_785 : memref<1x8x32x32xf32, #tpu.memory_space<hbm>> -> memref<8x32x32xf32, #tpu.memory_space<hbm>>
    %dma_start3A_787 = arith.constant 0 : i32
    %dma_start3A_788 = arith.constant 0 : i32
    %dma_start3A_789 = arith.constant 0 : i32
    %dma_start3A_790 = tpu.memref_slice %arg7[%dma_start3A_777, %dma_start3A_787, %dma_start3A_788, %dma_start3A_789] : memref<14x8x32x32xf32, #tpu.memory_space<vmem>> -> memref<1x8x32x32xf32, #tpu.memory_space<vmem>>
    %dma_start3A_791 = tpu.memref_squeeze %dma_start3A_790 : memref<1x8x32x32xf32, #tpu.memory_space<vmem>> -> memref<8x32x32xf32, #tpu.memory_space<vmem>>
    tpu.enqueue_dma source(%dma_start3A_791 : memref<8x32x32xf32, #tpu.memory_space<vmem>>) target(%dma_start3A_786 : memref<8x32x32xf32, #tpu.memory_space<hbm>>) target_semaphore(%arg23 : memref<!tpu.dma_semaphore, #tpu.memory_space<semaphore_mem>>)
    %dma_wait3A_792 = arith.constant 3 : i32
    %dma_wait3A_793 = arith.constant 0 : i32
    %dma_wait3A_794 = arith.constant 0 : i32
    %dma_wait3A_795 = arith.constant 0 : i32
    %dma_wait3A_796 = tpu.memref_slice %arg7[%dma_wait3A_792, %dma_wait3A_793, %dma_wait3A_794, %dma_wait3A_795] : memref<14x8x32x32xf32, #tpu.memory_space<vmem>> -> memref<1x8x32x32xf32, #tpu.memory_space<vmem>>
    %dma_wait3A_797 = tpu.memref_squeeze %dma_wait3A_796 : memref<1x8x32x32xf32, #tpu.memory_space<vmem>> -> memref<8x32x32xf32, #tpu.memory_space<vmem>>
    %dma_wait3A_798 = tpu.memref_slice %arg2[%squeeze3A_205, %multiple_of3A_208, %multiple_of3A_211, %multiple_of3A_214] : memref<2x160x160x128xf32, #tpu.memory_space<hbm>> -> memref<1x8x32x32xf32, #tpu.memory_space<hbm>>
    %dma_wait3A_799 = tpu.memref_squeeze %dma_wait3A_798 : memref<1x8x32x32xf32, #tpu.memory_space<hbm>> -> memref<8x32x32xf32, #tpu.memory_space<hbm>>
    %dma_wait3A_800 = arith.constant 0 : i32
    %dma_wait3A_801 = arith.constant 0 : i32
    %dma_wait3A_802 = arith.constant 0 : i32
    %dma_wait3A_803 = tpu.memref_slice %arg7[%dma_wait3A_792, %dma_wait3A_800, %dma_wait3A_801, %dma_wait3A_802] : memref<14x8x32x32xf32, #tpu.memory_space<vmem>> -> memref<1x8x32x32xf32, #tpu.memory_space<vmem>>
    %dma_wait3A_804 = tpu.memref_squeeze %dma_wait3A_803 : memref<1x8x32x32xf32, #tpu.memory_space<vmem>> -> memref<8x32x32xf32, #tpu.memory_space<vmem>>
    %dma_wait3A_805 = tpu.memref_slice %arg2[%squeeze3A_205, %multiple_of3A_208, %multiple_of3A_211, %multiple_of3A_214] : memref<2x160x160x128xf32, #tpu.memory_space<hbm>> -> memref<1x8x32x32xf32, #tpu.memory_space<hbm>>
    %dma_wait3A_806 = tpu.memref_squeeze %dma_wait3A_805 : memref<1x8x32x32xf32, #tpu.memory_space<hbm>> -> memref<8x32x32xf32, #tpu.memory_space<hbm>>
    tpu.wait_dma2 semaphore(%arg12 : memref<!tpu.dma_semaphore, #tpu.memory_space<semaphore_mem>>) src(%dma_wait3A_806 : memref<8x32x32xf32, #tpu.memory_space<hbm>>) dst(%dma_wait3A_804 : memref<8x32x32xf32, #tpu.memory_space<vmem>>)
    %slice3A_807 = vector.extract_strided_slice %get3A_19 {offsets = [0], sizes = [1], strides = [1]} : vector<16xi32> to vector<1xi32>
    %squeeze3A_808 = vector.extract %slice3A_807[0] : i32 from vector<1xi32>
    %slice3A_809 = vector.extract_strided_slice %get3A_19 {offsets = [4], sizes = [1], strides = [1]} : vector<16xi32> to vector<1xi32>
    %squeeze3A_810 = vector.extract %slice3A_809[0] : i32 from vector<1xi32>
    %multiple_of3A_811 = tpu.assume_multiple %squeeze3A_810, 8 : i32
    %slice3A_812 = vector.extract_strided_slice %get3A_19 {offsets = [5], sizes = [1], strides = [1]} : vector<16xi32> to vector<1xi32>
    %squeeze3A_813 = vector.extract %slice3A_812[0] : i32 from vector<1xi32>
    %multiple_of3A_814 = tpu.assume_multiple %squeeze3A_813, 32 : i32
    %slice3A_815 = vector.extract_strided_slice %get3A_19 {offsets = [6], sizes = [1], strides = [1]} : vector<16xi32> to vector<1xi32>
    %squeeze3A_816 = vector.extract %slice3A_815[0] : i32 from vector<1xi32>
    %multiple_of3A_817 = tpu.assume_multiple %squeeze3A_816, 32 : i32
    %dma_start3A_818 = arith.constant 3 : i32
    %dma_start3A_819 = arith.constant 0 : i32
    %dma_start3A_820 = arith.constant 0 : i32
    %dma_start3A_821 = arith.constant 0 : i32
    %dma_start3A_822 = tpu.memref_slice %arg7[%dma_start3A_818, %dma_start3A_819, %dma_start3A_820, %dma_start3A_821] : memref<14x8x32x32xf32, #tpu.memory_space<vmem>> -> memref<1x8x32x32xf32, #tpu.memory_space<vmem>>
    %dma_start3A_823 = tpu.memref_squeeze %dma_start3A_822 : memref<1x8x32x32xf32, #tpu.memory_space<vmem>> -> memref<8x32x32xf32, #tpu.memory_space<vmem>>
    %dma_start3A_824 = tpu.memref_slice %arg5[%squeeze3A_808, %multiple_of3A_811, %multiple_of3A_814, %multiple_of3A_817] : memref<2x160x160x128xf32, #tpu.memory_space<hbm>> -> memref<1x8x32x32xf32, #tpu.memory_space<hbm>>
    %dma_start3A_825 = tpu.memref_squeeze %dma_start3A_824 : memref<1x8x32x32xf32, #tpu.memory_space<hbm>> -> memref<8x32x32xf32, #tpu.memory_space<hbm>>
    %dma_start3A_826 = tpu.memref_slice %arg5[%squeeze3A_808, %multiple_of3A_811, %multiple_of3A_814, %multiple_of3A_817] : memref<2x160x160x128xf32, #tpu.memory_space<hbm>> -> memref<1x8x32x32xf32, #tpu.memory_space<hbm>>
    %dma_start3A_827 = tpu.memref_squeeze %dma_start3A_826 : memref<1x8x32x32xf32, #tpu.memory_space<hbm>> -> memref<8x32x32xf32, #tpu.memory_space<hbm>>
    %dma_start3A_828 = arith.constant 0 : i32
    %dma_start3A_829 = arith.constant 0 : i32
    %dma_start3A_830 = arith.constant 0 : i32
    %dma_start3A_831 = tpu.memref_slice %arg7[%dma_start3A_818, %dma_start3A_828, %dma_start3A_829, %dma_start3A_830] : memref<14x8x32x32xf32, #tpu.memory_space<vmem>> -> memref<1x8x32x32xf32, #tpu.memory_space<vmem>>
    %dma_start3A_832 = tpu.memref_squeeze %dma_start3A_831 : memref<1x8x32x32xf32, #tpu.memory_space<vmem>> -> memref<8x32x32xf32, #tpu.memory_space<vmem>>
    tpu.enqueue_dma source(%dma_start3A_832 : memref<8x32x32xf32, #tpu.memory_space<vmem>>) target(%dma_start3A_827 : memref<8x32x32xf32, #tpu.memory_space<hbm>>) target_semaphore(%arg23 : memref<!tpu.dma_semaphore, #tpu.memory_space<semaphore_mem>>)
    %dma_wait3A_833 = arith.constant 4 : i32
    %dma_wait3A_834 = arith.constant 0 : i32
    %dma_wait3A_835 = arith.constant 0 : i32
    %dma_wait3A_836 = arith.constant 0 : i32
    %dma_wait3A_837 = tpu.memref_slice %arg7[%dma_wait3A_833, %dma_wait3A_834, %dma_wait3A_835, %dma_wait3A_836] : memref<14x8x32x32xf32, #tpu.memory_space<vmem>> -> memref<1x8x32x32xf32, #tpu.memory_space<vmem>>
    %dma_wait3A_838 = tpu.memref_squeeze %dma_wait3A_837 : memref<1x8x32x32xf32, #tpu.memory_space<vmem>> -> memref<8x32x32xf32, #tpu.memory_space<vmem>>
    %dma_wait3A_839 = tpu.memref_slice %arg2[%squeeze3A_231, %multiple_of3A_234, %multiple_of3A_237, %multiple_of3A_240] : memref<2x160x160x128xf32, #tpu.memory_space<hbm>> -> memref<1x8x32x32xf32, #tpu.memory_space<hbm>>
    %dma_wait3A_840 = tpu.memref_squeeze %dma_wait3A_839 : memref<1x8x32x32xf32, #tpu.memory_space<hbm>> -> memref<8x32x32xf32, #tpu.memory_space<hbm>>
    %dma_wait3A_841 = arith.constant 0 : i32
    %dma_wait3A_842 = arith.constant 0 : i32
    %dma_wait3A_843 = arith.constant 0 : i32
    %dma_wait3A_844 = tpu.memref_slice %arg7[%dma_wait3A_833, %dma_wait3A_841, %dma_wait3A_842, %dma_wait3A_843] : memref<14x8x32x32xf32, #tpu.memory_space<vmem>> -> memref<1x8x32x32xf32, #tpu.memory_space<vmem>>
    %dma_wait3A_845 = tpu.memref_squeeze %dma_wait3A_844 : memref<1x8x32x32xf32, #tpu.memory_space<vmem>> -> memref<8x32x32xf32, #tpu.memory_space<vmem>>
    %dma_wait3A_846 = tpu.memref_slice %arg2[%squeeze3A_231, %multiple_of3A_234, %multiple_of3A_237, %multiple_of3A_240] : memref<2x160x160x128xf32, #tpu.memory_space<hbm>> -> memref<1x8x32x32xf32, #tpu.memory_space<hbm>>
    %dma_wait3A_847 = tpu.memref_squeeze %dma_wait3A_846 : memref<1x8x32x32xf32, #tpu.memory_space<hbm>> -> memref<8x32x32xf32, #tpu.memory_space<hbm>>
    tpu.wait_dma2 semaphore(%arg13 : memref<!tpu.dma_semaphore, #tpu.memory_space<semaphore_mem>>) src(%dma_wait3A_847 : memref<8x32x32xf32, #tpu.memory_space<hbm>>) dst(%dma_wait3A_845 : memref<8x32x32xf32, #tpu.memory_space<vmem>>)
    %slice3A_848 = vector.extract_strided_slice %get3A_24 {offsets = [0], sizes = [1], strides = [1]} : vector<16xi32> to vector<1xi32>
    %squeeze3A_849 = vector.extract %slice3A_848[0] : i32 from vector<1xi32>
    %slice3A_850 = vector.extract_strided_slice %get3A_24 {offsets = [4], sizes = [1], strides = [1]} : vector<16xi32> to vector<1xi32>
    %squeeze3A_851 = vector.extract %slice3A_850[0] : i32 from vector<1xi32>
    %multiple_of3A_852 = tpu.assume_multiple %squeeze3A_851, 8 : i32
    %slice3A_853 = vector.extract_strided_slice %get3A_24 {offsets = [5], sizes = [1], strides = [1]} : vector<16xi32> to vector<1xi32>
    %squeeze3A_854 = vector.extract %slice3A_853[0] : i32 from vector<1xi32>
    %multiple_of3A_855 = tpu.assume_multiple %squeeze3A_854, 32 : i32
    %slice3A_856 = vector.extract_strided_slice %get3A_24 {offsets = [6], sizes = [1], strides = [1]} : vector<16xi32> to vector<1xi32>
    %squeeze3A_857 = vector.extract %slice3A_856[0] : i32 from vector<1xi32>
    %multiple_of3A_858 = tpu.assume_multiple %squeeze3A_857, 32 : i32
    %dma_start3A_859 = arith.constant 4 : i32
    %dma_start3A_860 = arith.constant 0 : i32
    %dma_start3A_861 = arith.constant 0 : i32
    %dma_start3A_862 = arith.constant 0 : i32
    %dma_start3A_863 = tpu.memref_slice %arg7[%dma_start3A_859, %dma_start3A_860, %dma_start3A_861, %dma_start3A_862] : memref<14x8x32x32xf32, #tpu.memory_space<vmem>> -> memref<1x8x32x32xf32, #tpu.memory_space<vmem>>
    %dma_start3A_864 = tpu.memref_squeeze %dma_start3A_863 : memref<1x8x32x32xf32, #tpu.memory_space<vmem>> -> memref<8x32x32xf32, #tpu.memory_space<vmem>>
    %dma_start3A_865 = tpu.memref_slice %arg5[%squeeze3A_849, %multiple_of3A_852, %multiple_of3A_855, %multiple_of3A_858] : memref<2x160x160x128xf32, #tpu.memory_space<hbm>> -> memref<1x8x32x32xf32, #tpu.memory_space<hbm>>
    %dma_start3A_866 = tpu.memref_squeeze %dma_start3A_865 : memref<1x8x32x32xf32, #tpu.memory_space<hbm>> -> memref<8x32x32xf32, #tpu.memory_space<hbm>>
    %dma_start3A_867 = tpu.memref_slice %arg5[%squeeze3A_849, %multiple_of3A_852, %multiple_of3A_855, %multiple_of3A_858] : memref<2x160x160x128xf32, #tpu.memory_space<hbm>> -> memref<1x8x32x32xf32, #tpu.memory_space<hbm>>
    %dma_start3A_868 = tpu.memref_squeeze %dma_start3A_867 : memref<1x8x32x32xf32, #tpu.memory_space<hbm>> -> memref<8x32x32xf32, #tpu.memory_space<hbm>>
    %dma_start3A_869 = arith.constant 0 : i32
    %dma_start3A_870 = arith.constant 0 : i32
    %dma_start3A_871 = arith.constant 0 : i32
    %dma_start3A_872 = tpu.memref_slice %arg7[%dma_start3A_859, %dma_start3A_869, %dma_start3A_870, %dma_start3A_871] : memref<14x8x32x32xf32, #tpu.memory_space<vmem>> -> memref<1x8x32x32xf32, #tpu.memory_space<vmem>>
    %dma_start3A_873 = tpu.memref_squeeze %dma_start3A_872 : memref<1x8x32x32xf32, #tpu.memory_space<vmem>> -> memref<8x32x32xf32, #tpu.memory_space<vmem>>
    tpu.enqueue_dma source(%dma_start3A_873 : memref<8x32x32xf32, #tpu.memory_space<vmem>>) target(%dma_start3A_868 : memref<8x32x32xf32, #tpu.memory_space<hbm>>) target_semaphore(%arg23 : memref<!tpu.dma_semaphore, #tpu.memory_space<semaphore_mem>>)
    %dma_wait3A_874 = arith.constant 5 : i32
    %dma_wait3A_875 = arith.constant 0 : i32
    %dma_wait3A_876 = arith.constant 0 : i32
    %dma_wait3A_877 = arith.constant 0 : i32
    %dma_wait3A_878 = tpu.memref_slice %arg7[%dma_wait3A_874, %dma_wait3A_875, %dma_wait3A_876, %dma_wait3A_877] : memref<14x8x32x32xf32, #tpu.memory_space<vmem>> -> memref<1x8x32x32xf32, #tpu.memory_space<vmem>>
    %dma_wait3A_879 = tpu.memref_squeeze %dma_wait3A_878 : memref<1x8x32x32xf32, #tpu.memory_space<vmem>> -> memref<8x32x32xf32, #tpu.memory_space<vmem>>
    %dma_wait3A_880 = tpu.memref_slice %arg2[%squeeze3A_257, %multiple_of3A_260, %multiple_of3A_263, %multiple_of3A_266] : memref<2x160x160x128xf32, #tpu.memory_space<hbm>> -> memref<1x8x32x32xf32, #tpu.memory_space<hbm>>
    %dma_wait3A_881 = tpu.memref_squeeze %dma_wait3A_880 : memref<1x8x32x32xf32, #tpu.memory_space<hbm>> -> memref<8x32x32xf32, #tpu.memory_space<hbm>>
    %dma_wait3A_882 = arith.constant 0 : i32
    %dma_wait3A_883 = arith.constant 0 : i32
    %dma_wait3A_884 = arith.constant 0 : i32
    %dma_wait3A_885 = tpu.memref_slice %arg7[%dma_wait3A_874, %dma_wait3A_882, %dma_wait3A_883, %dma_wait3A_884] : memref<14x8x32x32xf32, #tpu.memory_space<vmem>> -> memref<1x8x32x32xf32, #tpu.memory_space<vmem>>
    %dma_wait3A_886 = tpu.memref_squeeze %dma_wait3A_885 : memref<1x8x32x32xf32, #tpu.memory_space<vmem>> -> memref<8x32x32xf32, #tpu.memory_space<vmem>>
    %dma_wait3A_887 = tpu.memref_slice %arg2[%squeeze3A_257, %multiple_of3A_260, %multiple_of3A_263, %multiple_of3A_266] : memref<2x160x160x128xf32, #tpu.memory_space<hbm>> -> memref<1x8x32x32xf32, #tpu.memory_space<hbm>>
    %dma_wait3A_888 = tpu.memref_squeeze %dma_wait3A_887 : memref<1x8x32x32xf32, #tpu.memory_space<hbm>> -> memref<8x32x32xf32, #tpu.memory_space<hbm>>
    tpu.wait_dma2 semaphore(%arg14 : memref<!tpu.dma_semaphore, #tpu.memory_space<semaphore_mem>>) src(%dma_wait3A_888 : memref<8x32x32xf32, #tpu.memory_space<hbm>>) dst(%dma_wait3A_886 : memref<8x32x32xf32, #tpu.memory_space<vmem>>)
    %slice3A_889 = vector.extract_strided_slice %get3A_29 {offsets = [0], sizes = [1], strides = [1]} : vector<16xi32> to vector<1xi32>
    %squeeze3A_890 = vector.extract %slice3A_889[0] : i32 from vector<1xi32>
    %slice3A_891 = vector.extract_strided_slice %get3A_29 {offsets = [4], sizes = [1], strides = [1]} : vector<16xi32> to vector<1xi32>
    %squeeze3A_892 = vector.extract %slice3A_891[0] : i32 from vector<1xi32>
    %multiple_of3A_893 = tpu.assume_multiple %squeeze3A_892, 8 : i32
    %slice3A_894 = vector.extract_strided_slice %get3A_29 {offsets = [5], sizes = [1], strides = [1]} : vector<16xi32> to vector<1xi32>
    %squeeze3A_895 = vector.extract %slice3A_894[0] : i32 from vector<1xi32>
    %multiple_of3A_896 = tpu.assume_multiple %squeeze3A_895, 32 : i32
    %slice3A_897 = vector.extract_strided_slice %get3A_29 {offsets = [6], sizes = [1], strides = [1]} : vector<16xi32> to vector<1xi32>
    %squeeze3A_898 = vector.extract %slice3A_897[0] : i32 from vector<1xi32>
    %multiple_of3A_899 = tpu.assume_multiple %squeeze3A_898, 32 : i32
    %dma_start3A_900 = arith.constant 5 : i32
    %dma_start3A_901 = arith.constant 0 : i32
    %dma_start3A_902 = arith.constant 0 : i32
    %dma_start3A_903 = arith.constant 0 : i32
    %dma_start3A_904 = tpu.memref_slice %arg7[%dma_start3A_900, %dma_start3A_901, %dma_start3A_902, %dma_start3A_903] : memref<14x8x32x32xf32, #tpu.memory_space<vmem>> -> memref<1x8x32x32xf32, #tpu.memory_space<vmem>>
    %dma_start3A_905 = tpu.memref_squeeze %dma_start3A_904 : memref<1x8x32x32xf32, #tpu.memory_space<vmem>> -> memref<8x32x32xf32, #tpu.memory_space<vmem>>
    %dma_start3A_906 = tpu.memref_slice %arg5[%squeeze3A_890, %multiple_of3A_893, %multiple_of3A_896, %multiple_of3A_899] : memref<2x160x160x128xf32, #tpu.memory_space<hbm>> -> memref<1x8x32x32xf32, #tpu.memory_space<hbm>>
    %dma_start3A_907 = tpu.memref_squeeze %dma_start3A_906 : memref<1x8x32x32xf32, #tpu.memory_space<hbm>> -> memref<8x32x32xf32, #tpu.memory_space<hbm>>
    %dma_start3A_908 = tpu.memref_slice %arg5[%squeeze3A_890, %multiple_of3A_893, %multiple_of3A_896, %multiple_of3A_899] : memref<2x160x160x128xf32, #tpu.memory_space<hbm>> -> memref<1x8x32x32xf32, #tpu.memory_space<hbm>>
    %dma_start3A_909 = tpu.memref_squeeze %dma_start3A_908 : memref<1x8x32x32xf32, #tpu.memory_space<hbm>> -> memref<8x32x32xf32, #tpu.memory_space<hbm>>
    %dma_start3A_910 = arith.constant 0 : i32
    %dma_start3A_911 = arith.constant 0 : i32
    %dma_start3A_912 = arith.constant 0 : i32
    %dma_start3A_913 = tpu.memref_slice %arg7[%dma_start3A_900, %dma_start3A_910, %dma_start3A_911, %dma_start3A_912] : memref<14x8x32x32xf32, #tpu.memory_space<vmem>> -> memref<1x8x32x32xf32, #tpu.memory_space<vmem>>
    %dma_start3A_914 = tpu.memref_squeeze %dma_start3A_913 : memref<1x8x32x32xf32, #tpu.memory_space<vmem>> -> memref<8x32x32xf32, #tpu.memory_space<vmem>>
    tpu.enqueue_dma source(%dma_start3A_914 : memref<8x32x32xf32, #tpu.memory_space<vmem>>) target(%dma_start3A_909 : memref<8x32x32xf32, #tpu.memory_space<hbm>>) target_semaphore(%arg23 : memref<!tpu.dma_semaphore, #tpu.memory_space<semaphore_mem>>)
    %dma_wait3A_915 = arith.constant 6 : i32
    %dma_wait3A_916 = arith.constant 0 : i32
    %dma_wait3A_917 = arith.constant 0 : i32
    %dma_wait3A_918 = arith.constant 0 : i32
    %dma_wait3A_919 = tpu.memref_slice %arg7[%dma_wait3A_915, %dma_wait3A_916, %dma_wait3A_917, %dma_wait3A_918] : memref<14x8x32x32xf32, #tpu.memory_space<vmem>> -> memref<1x8x32x32xf32, #tpu.memory_space<vmem>>
    %dma_wait3A_920 = tpu.memref_squeeze %dma_wait3A_919 : memref<1x8x32x32xf32, #tpu.memory_space<vmem>> -> memref<8x32x32xf32, #tpu.memory_space<vmem>>
    %dma_wait3A_921 = tpu.memref_slice %arg2[%squeeze3A_283, %multiple_of3A_286, %multiple_of3A_289, %multiple_of3A_292] : memref<2x160x160x128xf32, #tpu.memory_space<hbm>> -> memref<1x8x32x32xf32, #tpu.memory_space<hbm>>
    %dma_wait3A_922 = tpu.memref_squeeze %dma_wait3A_921 : memref<1x8x32x32xf32, #tpu.memory_space<hbm>> -> memref<8x32x32xf32, #tpu.memory_space<hbm>>
    %dma_wait3A_923 = arith.constant 0 : i32
    %dma_wait3A_924 = arith.constant 0 : i32
    %dma_wait3A_925 = arith.constant 0 : i32
    %dma_wait3A_926 = tpu.memref_slice %arg7[%dma_wait3A_915, %dma_wait3A_923, %dma_wait3A_924, %dma_wait3A_925] : memref<14x8x32x32xf32, #tpu.memory_space<vmem>> -> memref<1x8x32x32xf32, #tpu.memory_space<vmem>>
    %dma_wait3A_927 = tpu.memref_squeeze %dma_wait3A_926 : memref<1x8x32x32xf32, #tpu.memory_space<vmem>> -> memref<8x32x32xf32, #tpu.memory_space<vmem>>
    %dma_wait3A_928 = tpu.memref_slice %arg2[%squeeze3A_283, %multiple_of3A_286, %multiple_of3A_289, %multiple_of3A_292] : memref<2x160x160x128xf32, #tpu.memory_space<hbm>> -> memref<1x8x32x32xf32, #tpu.memory_space<hbm>>
    %dma_wait3A_929 = tpu.memref_squeeze %dma_wait3A_928 : memref<1x8x32x32xf32, #tpu.memory_space<hbm>> -> memref<8x32x32xf32, #tpu.memory_space<hbm>>
    tpu.wait_dma2 semaphore(%arg15 : memref<!tpu.dma_semaphore, #tpu.memory_space<semaphore_mem>>) src(%dma_wait3A_929 : memref<8x32x32xf32, #tpu.memory_space<hbm>>) dst(%dma_wait3A_927 : memref<8x32x32xf32, #tpu.memory_space<vmem>>)
    %slice3A_930 = vector.extract_strided_slice %get3A_34 {offsets = [0], sizes = [1], strides = [1]} : vector<16xi32> to vector<1xi32>
    %squeeze3A_931 = vector.extract %slice3A_930[0] : i32 from vector<1xi32>
    %slice3A_932 = vector.extract_strided_slice %get3A_34 {offsets = [4], sizes = [1], strides = [1]} : vector<16xi32> to vector<1xi32>
    %squeeze3A_933 = vector.extract %slice3A_932[0] : i32 from vector<1xi32>
    %multiple_of3A_934 = tpu.assume_multiple %squeeze3A_933, 8 : i32
    %slice3A_935 = vector.extract_strided_slice %get3A_34 {offsets = [5], sizes = [1], strides = [1]} : vector<16xi32> to vector<1xi32>
    %squeeze3A_936 = vector.extract %slice3A_935[0] : i32 from vector<1xi32>
    %multiple_of3A_937 = tpu.assume_multiple %squeeze3A_936, 32 : i32
    %slice3A_938 = vector.extract_strided_slice %get3A_34 {offsets = [6], sizes = [1], strides = [1]} : vector<16xi32> to vector<1xi32>
    %squeeze3A_939 = vector.extract %slice3A_938[0] : i32 from vector<1xi32>
    %multiple_of3A_940 = tpu.assume_multiple %squeeze3A_939, 32 : i32
    %dma_start3A_941 = arith.constant 6 : i32
    %dma_start3A_942 = arith.constant 0 : i32
    %dma_start3A_943 = arith.constant 0 : i32
    %dma_start3A_944 = arith.constant 0 : i32
    %dma_start3A_945 = tpu.memref_slice %arg7[%dma_start3A_941, %dma_start3A_942, %dma_start3A_943, %dma_start3A_944] : memref<14x8x32x32xf32, #tpu.memory_space<vmem>> -> memref<1x8x32x32xf32, #tpu.memory_space<vmem>>
    %dma_start3A_946 = tpu.memref_squeeze %dma_start3A_945 : memref<1x8x32x32xf32, #tpu.memory_space<vmem>> -> memref<8x32x32xf32, #tpu.memory_space<vmem>>
    %dma_start3A_947 = tpu.memref_slice %arg5[%squeeze3A_931, %multiple_of3A_934, %multiple_of3A_937, %multiple_of3A_940] : memref<2x160x160x128xf32, #tpu.memory_space<hbm>> -> memref<1x8x32x32xf32, #tpu.memory_space<hbm>>
    %dma_start3A_948 = tpu.memref_squeeze %dma_start3A_947 : memref<1x8x32x32xf32, #tpu.memory_space<hbm>> -> memref<8x32x32xf32, #tpu.memory_space<hbm>>
    %dma_start3A_949 = tpu.memref_slice %arg5[%squeeze3A_931, %multiple_of3A_934, %multiple_of3A_937, %multiple_of3A_940] : memref<2x160x160x128xf32, #tpu.memory_space<hbm>> -> memref<1x8x32x32xf32, #tpu.memory_space<hbm>>
    %dma_start3A_950 = tpu.memref_squeeze %dma_start3A_949 : memref<1x8x32x32xf32, #tpu.memory_space<hbm>> -> memref<8x32x32xf32, #tpu.memory_space<hbm>>
    %dma_start3A_951 = arith.constant 0 : i32
    %dma_start3A_952 = arith.constant 0 : i32
    %dma_start3A_953 = arith.constant 0 : i32
    %dma_start3A_954 = tpu.memref_slice %arg7[%dma_start3A_941, %dma_start3A_951, %dma_start3A_952, %dma_start3A_953] : memref<14x8x32x32xf32, #tpu.memory_space<vmem>> -> memref<1x8x32x32xf32, #tpu.memory_space<vmem>>
    %dma_start3A_955 = tpu.memref_squeeze %dma_start3A_954 : memref<1x8x32x32xf32, #tpu.memory_space<vmem>> -> memref<8x32x32xf32, #tpu.memory_space<vmem>>
    tpu.enqueue_dma source(%dma_start3A_955 : memref<8x32x32xf32, #tpu.memory_space<vmem>>) target(%dma_start3A_950 : memref<8x32x32xf32, #tpu.memory_space<hbm>>) target_semaphore(%arg23 : memref<!tpu.dma_semaphore, #tpu.memory_space<semaphore_mem>>)
    %dma_wait3A_956 = arith.constant 7 : i32
    %dma_wait3A_957 = arith.constant 0 : i32
    %dma_wait3A_958 = arith.constant 0 : i32
    %dma_wait3A_959 = arith.constant 0 : i32
    %dma_wait3A_960 = tpu.memref_slice %arg7[%dma_wait3A_956, %dma_wait3A_957, %dma_wait3A_958, %dma_wait3A_959] : memref<14x8x32x32xf32, #tpu.memory_space<vmem>> -> memref<1x8x32x32xf32, #tpu.memory_space<vmem>>
    %dma_wait3A_961 = tpu.memref_squeeze %dma_wait3A_960 : memref<1x8x32x32xf32, #tpu.memory_space<vmem>> -> memref<8x32x32xf32, #tpu.memory_space<vmem>>
    %dma_wait3A_962 = tpu.memref_slice %arg2[%squeeze3A_309, %multiple_of3A_312, %multiple_of3A_315, %multiple_of3A_318] : memref<2x160x160x128xf32, #tpu.memory_space<hbm>> -> memref<1x8x32x32xf32, #tpu.memory_space<hbm>>
    %dma_wait3A_963 = tpu.memref_squeeze %dma_wait3A_962 : memref<1x8x32x32xf32, #tpu.memory_space<hbm>> -> memref<8x32x32xf32, #tpu.memory_space<hbm>>
    %dma_wait3A_964 = arith.constant 0 : i32
    %dma_wait3A_965 = arith.constant 0 : i32
    %dma_wait3A_966 = arith.constant 0 : i32
    %dma_wait3A_967 = tpu.memref_slice %arg7[%dma_wait3A_956, %dma_wait3A_964, %dma_wait3A_965, %dma_wait3A_966] : memref<14x8x32x32xf32, #tpu.memory_space<vmem>> -> memref<1x8x32x32xf32, #tpu.memory_space<vmem>>
    %dma_wait3A_968 = tpu.memref_squeeze %dma_wait3A_967 : memref<1x8x32x32xf32, #tpu.memory_space<vmem>> -> memref<8x32x32xf32, #tpu.memory_space<vmem>>
    %dma_wait3A_969 = tpu.memref_slice %arg2[%squeeze3A_309, %multiple_of3A_312, %multiple_of3A_315, %multiple_of3A_318] : memref<2x160x160x128xf32, #tpu.memory_space<hbm>> -> memref<1x8x32x32xf32, #tpu.memory_space<hbm>>
    %dma_wait3A_970 = tpu.memref_squeeze %dma_wait3A_969 : memref<1x8x32x32xf32, #tpu.memory_space<hbm>> -> memref<8x32x32xf32, #tpu.memory_space<hbm>>
    tpu.wait_dma2 semaphore(%arg16 : memref<!tpu.dma_semaphore, #tpu.memory_space<semaphore_mem>>) src(%dma_wait3A_970 : memref<8x32x32xf32, #tpu.memory_space<hbm>>) dst(%dma_wait3A_968 : memref<8x32x32xf32, #tpu.memory_space<vmem>>)
    %slice3A_971 = vector.extract_strided_slice %get3A_39 {offsets = [0], sizes = [1], strides = [1]} : vector<16xi32> to vector<1xi32>
    %squeeze3A_972 = vector.extract %slice3A_971[0] : i32 from vector<1xi32>
    %slice3A_973 = vector.extract_strided_slice %get3A_39 {offsets = [4], sizes = [1], strides = [1]} : vector<16xi32> to vector<1xi32>
    %squeeze3A_974 = vector.extract %slice3A_973[0] : i32 from vector<1xi32>
    %multiple_of3A_975 = tpu.assume_multiple %squeeze3A_974, 8 : i32
    %slice3A_976 = vector.extract_strided_slice %get3A_39 {offsets = [5], sizes = [1], strides = [1]} : vector<16xi32> to vector<1xi32>
    %squeeze3A_977 = vector.extract %slice3A_976[0] : i32 from vector<1xi32>
    %multiple_of3A_978 = tpu.assume_multiple %squeeze3A_977, 32 : i32
    %slice3A_979 = vector.extract_strided_slice %get3A_39 {offsets = [6], sizes = [1], strides = [1]} : vector<16xi32> to vector<1xi32>
    %squeeze3A_980 = vector.extract %slice3A_979[0] : i32 from vector<1xi32>
    %multiple_of3A_981 = tpu.assume_multiple %squeeze3A_980, 32 : i32
    %dma_start3A_982 = arith.constant 7 : i32
    %dma_start3A_983 = arith.constant 0 : i32
    %dma_start3A_984 = arith.constant 0 : i32
    %dma_start3A_985 = arith.constant 0 : i32
    %dma_start3A_986 = tpu.memref_slice %arg7[%dma_start3A_982, %dma_start3A_983, %dma_start3A_984, %dma_start3A_985] : memref<14x8x32x32xf32, #tpu.memory_space<vmem>> -> memref<1x8x32x32xf32, #tpu.memory_space<vmem>>
    %dma_start3A_987 = tpu.memref_squeeze %dma_start3A_986 : memref<1x8x32x32xf32, #tpu.memory_space<vmem>> -> memref<8x32x32xf32, #tpu.memory_space<vmem>>
    %dma_start3A_988 = tpu.memref_slice %arg5[%squeeze3A_972, %multiple_of3A_975, %multiple_of3A_978, %multiple_of3A_981] : memref<2x160x160x128xf32, #tpu.memory_space<hbm>> -> memref<1x8x32x32xf32, #tpu.memory_space<hbm>>
    %dma_start3A_989 = tpu.memref_squeeze %dma_start3A_988 : memref<1x8x32x32xf32, #tpu.memory_space<hbm>> -> memref<8x32x32xf32, #tpu.memory_space<hbm>>
    %dma_start3A_990 = tpu.memref_slice %arg5[%squeeze3A_972, %multiple_of3A_975, %multiple_of3A_978, %multiple_of3A_981] : memref<2x160x160x128xf32, #tpu.memory_space<hbm>> -> memref<1x8x32x32xf32, #tpu.memory_space<hbm>>
    %dma_start3A_991 = tpu.memref_squeeze %dma_start3A_990 : memref<1x8x32x32xf32, #tpu.memory_space<hbm>> -> memref<8x32x32xf32, #tpu.memory_space<hbm>>
    %dma_start3A_992 = arith.constant 0 : i32
    %dma_start3A_993 = arith.constant 0 : i32
    %dma_start3A_994 = arith.constant 0 : i32
    %dma_start3A_995 = tpu.memref_slice %arg7[%dma_start3A_982, %dma_start3A_992, %dma_start3A_993, %dma_start3A_994] : memref<14x8x32x32xf32, #tpu.memory_space<vmem>> -> memref<1x8x32x32xf32, #tpu.memory_space<vmem>>
    %dma_start3A_996 = tpu.memref_squeeze %dma_start3A_995 : memref<1x8x32x32xf32, #tpu.memory_space<vmem>> -> memref<8x32x32xf32, #tpu.memory_space<vmem>>
    tpu.enqueue_dma source(%dma_start3A_996 : memref<8x32x32xf32, #tpu.memory_space<vmem>>) target(%dma_start3A_991 : memref<8x32x32xf32, #tpu.memory_space<hbm>>) target_semaphore(%arg23 : memref<!tpu.dma_semaphore, #tpu.memory_space<semaphore_mem>>)
    %dma_wait3A_997 = arith.constant 8 : i32
    %dma_wait3A_998 = arith.constant 0 : i32
    %dma_wait3A_999 = arith.constant 0 : i32
    %dma_wait3A_1000 = arith.constant 0 : i32
    %dma_wait3A_1001 = tpu.memref_slice %arg7[%dma_wait3A_997, %dma_wait3A_998, %dma_wait3A_999, %dma_wait3A_1000] : memref<14x8x32x32xf32, #tpu.memory_space<vmem>> -> memref<1x8x32x32xf32, #tpu.memory_space<vmem>>
    %dma_wait3A_1002 = tpu.memref_squeeze %dma_wait3A_1001 : memref<1x8x32x32xf32, #tpu.memory_space<vmem>> -> memref<8x32x32xf32, #tpu.memory_space<vmem>>
    %dma_wait3A_1003 = tpu.memref_slice %arg2[%squeeze3A_335, %multiple_of3A_338, %multiple_of3A_341, %multiple_of3A_344] : memref<2x160x160x128xf32, #tpu.memory_space<hbm>> -> memref<1x8x32x32xf32, #tpu.memory_space<hbm>>
    %dma_wait3A_1004 = tpu.memref_squeeze %dma_wait3A_1003 : memref<1x8x32x32xf32, #tpu.memory_space<hbm>> -> memref<8x32x32xf32, #tpu.memory_space<hbm>>
    %dma_wait3A_1005 = arith.constant 0 : i32
    %dma_wait3A_1006 = arith.constant 0 : i32
    %dma_wait3A_1007 = arith.constant 0 : i32
    %dma_wait3A_1008 = tpu.memref_slice %arg7[%dma_wait3A_997, %dma_wait3A_1005, %dma_wait3A_1006, %dma_wait3A_1007] : memref<14x8x32x32xf32, #tpu.memory_space<vmem>> -> memref<1x8x32x32xf32, #tpu.memory_space<vmem>>
    %dma_wait3A_1009 = tpu.memref_squeeze %dma_wait3A_1008 : memref<1x8x32x32xf32, #tpu.memory_space<vmem>> -> memref<8x32x32xf32, #tpu.memory_space<vmem>>
    %dma_wait3A_1010 = tpu.memref_slice %arg2[%squeeze3A_335, %multiple_of3A_338, %multiple_of3A_341, %multiple_of3A_344] : memref<2x160x160x128xf32, #tpu.memory_space<hbm>> -> memref<1x8x32x32xf32, #tpu.memory_space<hbm>>
    %dma_wait3A_1011 = tpu.memref_squeeze %dma_wait3A_1010 : memref<1x8x32x32xf32, #tpu.memory_space<hbm>> -> memref<8x32x32xf32, #tpu.memory_space<hbm>>
    tpu.wait_dma2 semaphore(%arg17 : memref<!tpu.dma_semaphore, #tpu.memory_space<semaphore_mem>>) src(%dma_wait3A_1011 : memref<8x32x32xf32, #tpu.memory_space<hbm>>) dst(%dma_wait3A_1009 : memref<8x32x32xf32, #tpu.memory_space<vmem>>)
    %slice3A_1012 = vector.extract_strided_slice %get3A_44 {offsets = [0], sizes = [1], strides = [1]} : vector<16xi32> to vector<1xi32>
    %squeeze3A_1013 = vector.extract %slice3A_1012[0] : i32 from vector<1xi32>
    %slice3A_1014 = vector.extract_strided_slice %get3A_44 {offsets = [4], sizes = [1], strides = [1]} : vector<16xi32> to vector<1xi32>
    %squeeze3A_1015 = vector.extract %slice3A_1014[0] : i32 from vector<1xi32>
    %multiple_of3A_1016 = tpu.assume_multiple %squeeze3A_1015, 8 : i32
    %slice3A_1017 = vector.extract_strided_slice %get3A_44 {offsets = [5], sizes = [1], strides = [1]} : vector<16xi32> to vector<1xi32>
    %squeeze3A_1018 = vector.extract %slice3A_1017[0] : i32 from vector<1xi32>
    %multiple_of3A_1019 = tpu.assume_multiple %squeeze3A_1018, 32 : i32
    %slice3A_1020 = vector.extract_strided_slice %get3A_44 {offsets = [6], sizes = [1], strides = [1]} : vector<16xi32> to vector<1xi32>
    %squeeze3A_1021 = vector.extract %slice3A_1020[0] : i32 from vector<1xi32>
    %multiple_of3A_1022 = tpu.assume_multiple %squeeze3A_1021, 32 : i32
    %dma_start3A_1023 = arith.constant 8 : i32
    %dma_start3A_1024 = arith.constant 0 : i32
    %dma_start3A_1025 = arith.constant 0 : i32
    %dma_start3A_1026 = arith.constant 0 : i32
    %dma_start3A_1027 = tpu.memref_slice %arg7[%dma_start3A_1023, %dma_start3A_1024, %dma_start3A_1025, %dma_start3A_1026] : memref<14x8x32x32xf32, #tpu.memory_space<vmem>> -> memref<1x8x32x32xf32, #tpu.memory_space<vmem>>
    %dma_start3A_1028 = tpu.memref_squeeze %dma_start3A_1027 : memref<1x8x32x32xf32, #tpu.memory_space<vmem>> -> memref<8x32x32xf32, #tpu.memory_space<vmem>>
    %dma_start3A_1029 = tpu.memref_slice %arg5[%squeeze3A_1013, %multiple_of3A_1016, %multiple_of3A_1019, %multiple_of3A_1022] : memref<2x160x160x128xf32, #tpu.memory_space<hbm>> -> memref<1x8x32x32xf32, #tpu.memory_space<hbm>>
    %dma_start3A_1030 = tpu.memref_squeeze %dma_start3A_1029 : memref<1x8x32x32xf32, #tpu.memory_space<hbm>> -> memref<8x32x32xf32, #tpu.memory_space<hbm>>
    %dma_start3A_1031 = tpu.memref_slice %arg5[%squeeze3A_1013, %multiple_of3A_1016, %multiple_of3A_1019, %multiple_of3A_1022] : memref<2x160x160x128xf32, #tpu.memory_space<hbm>> -> memref<1x8x32x32xf32, #tpu.memory_space<hbm>>
    %dma_start3A_1032 = tpu.memref_squeeze %dma_start3A_1031 : memref<1x8x32x32xf32, #tpu.memory_space<hbm>> -> memref<8x32x32xf32, #tpu.memory_space<hbm>>
    %dma_start3A_1033 = arith.constant 0 : i32
    %dma_start3A_1034 = arith.constant 0 : i32
    %dma_start3A_1035 = arith.constant 0 : i32
    %dma_start3A_1036 = tpu.memref_slice %arg7[%dma_start3A_1023, %dma_start3A_1033, %dma_start3A_1034, %dma_start3A_1035] : memref<14x8x32x32xf32, #tpu.memory_space<vmem>> -> memref<1x8x32x32xf32, #tpu.memory_space<vmem>>
    %dma_start3A_1037 = tpu.memref_squeeze %dma_start3A_1036 : memref<1x8x32x32xf32, #tpu.memory_space<vmem>> -> memref<8x32x32xf32, #tpu.memory_space<vmem>>
    tpu.enqueue_dma source(%dma_start3A_1037 : memref<8x32x32xf32, #tpu.memory_space<vmem>>) target(%dma_start3A_1032 : memref<8x32x32xf32, #tpu.memory_space<hbm>>) target_semaphore(%arg23 : memref<!tpu.dma_semaphore, #tpu.memory_space<semaphore_mem>>)
    %dma_wait3A_1038 = arith.constant 9 : i32
    %dma_wait3A_1039 = arith.constant 0 : i32
    %dma_wait3A_1040 = arith.constant 0 : i32
    %dma_wait3A_1041 = arith.constant 0 : i32
    %dma_wait3A_1042 = tpu.memref_slice %arg7[%dma_wait3A_1038, %dma_wait3A_1039, %dma_wait3A_1040, %dma_wait3A_1041] : memref<14x8x32x32xf32, #tpu.memory_space<vmem>> -> memref<1x8x32x32xf32, #tpu.memory_space<vmem>>
    %dma_wait3A_1043 = tpu.memref_squeeze %dma_wait3A_1042 : memref<1x8x32x32xf32, #tpu.memory_space<vmem>> -> memref<8x32x32xf32, #tpu.memory_space<vmem>>
    %dma_wait3A_1044 = tpu.memref_slice %arg2[%squeeze3A_361, %multiple_of3A_364, %multiple_of3A_367, %multiple_of3A_370] : memref<2x160x160x128xf32, #tpu.memory_space<hbm>> -> memref<1x8x32x32xf32, #tpu.memory_space<hbm>>
    %dma_wait3A_1045 = tpu.memref_squeeze %dma_wait3A_1044 : memref<1x8x32x32xf32, #tpu.memory_space<hbm>> -> memref<8x32x32xf32, #tpu.memory_space<hbm>>
    %dma_wait3A_1046 = arith.constant 0 : i32
    %dma_wait3A_1047 = arith.constant 0 : i32
    %dma_wait3A_1048 = arith.constant 0 : i32
    %dma_wait3A_1049 = tpu.memref_slice %arg7[%dma_wait3A_1038, %dma_wait3A_1046, %dma_wait3A_1047, %dma_wait3A_1048] : memref<14x8x32x32xf32, #tpu.memory_space<vmem>> -> memref<1x8x32x32xf32, #tpu.memory_space<vmem>>
    %dma_wait3A_1050 = tpu.memref_squeeze %dma_wait3A_1049 : memref<1x8x32x32xf32, #tpu.memory_space<vmem>> -> memref<8x32x32xf32, #tpu.memory_space<vmem>>
    %dma_wait3A_1051 = tpu.memref_slice %arg2[%squeeze3A_361, %multiple_of3A_364, %multiple_of3A_367, %multiple_of3A_370] : memref<2x160x160x128xf32, #tpu.memory_space<hbm>> -> memref<1x8x32x32xf32, #tpu.memory_space<hbm>>
    %dma_wait3A_1052 = tpu.memref_squeeze %dma_wait3A_1051 : memref<1x8x32x32xf32, #tpu.memory_space<hbm>> -> memref<8x32x32xf32, #tpu.memory_space<hbm>>
    tpu.wait_dma2 semaphore(%arg18 : memref<!tpu.dma_semaphore, #tpu.memory_space<semaphore_mem>>) src(%dma_wait3A_1052 : memref<8x32x32xf32, #tpu.memory_space<hbm>>) dst(%dma_wait3A_1050 : memref<8x32x32xf32, #tpu.memory_space<vmem>>)
    %slice3A_1053 = vector.extract_strided_slice %get3A_49 {offsets = [0], sizes = [1], strides = [1]} : vector<16xi32> to vector<1xi32>
    %squeeze3A_1054 = vector.extract %slice3A_1053[0] : i32 from vector<1xi32>
    %slice3A_1055 = vector.extract_strided_slice %get3A_49 {offsets = [4], sizes = [1], strides = [1]} : vector<16xi32> to vector<1xi32>
    %squeeze3A_1056 = vector.extract %slice3A_1055[0] : i32 from vector<1xi32>
    %multiple_of3A_1057 = tpu.assume_multiple %squeeze3A_1056, 8 : i32
    %slice3A_1058 = vector.extract_strided_slice %get3A_49 {offsets = [5], sizes = [1], strides = [1]} : vector<16xi32> to vector<1xi32>
    %squeeze3A_1059 = vector.extract %slice3A_1058[0] : i32 from vector<1xi32>
    %multiple_of3A_1060 = tpu.assume_multiple %squeeze3A_1059, 32 : i32
    %slice3A_1061 = vector.extract_strided_slice %get3A_49 {offsets = [6], sizes = [1], strides = [1]} : vector<16xi32> to vector<1xi32>
    %squeeze3A_1062 = vector.extract %slice3A_1061[0] : i32 from vector<1xi32>
    %multiple_of3A_1063 = tpu.assume_multiple %squeeze3A_1062, 32 : i32
    %dma_start3A_1064 = arith.constant 9 : i32
    %dma_start3A_1065 = arith.constant 0 : i32
    %dma_start3A_1066 = arith.constant 0 : i32
    %dma_start3A_1067 = arith.constant 0 : i32
    %dma_start3A_1068 = tpu.memref_slice %arg7[%dma_start3A_1064, %dma_start3A_1065, %dma_start3A_1066, %dma_start3A_1067] : memref<14x8x32x32xf32, #tpu.memory_space<vmem>> -> memref<1x8x32x32xf32, #tpu.memory_space<vmem>>
    %dma_start3A_1069 = tpu.memref_squeeze %dma_start3A_1068 : memref<1x8x32x32xf32, #tpu.memory_space<vmem>> -> memref<8x32x32xf32, #tpu.memory_space<vmem>>
    %dma_start3A_1070 = tpu.memref_slice %arg5[%squeeze3A_1054, %multiple_of3A_1057, %multiple_of3A_1060, %multiple_of3A_1063] : memref<2x160x160x128xf32, #tpu.memory_space<hbm>> -> memref<1x8x32x32xf32, #tpu.memory_space<hbm>>
    %dma_start3A_1071 = tpu.memref_squeeze %dma_start3A_1070 : memref<1x8x32x32xf32, #tpu.memory_space<hbm>> -> memref<8x32x32xf32, #tpu.memory_space<hbm>>
    %dma_start3A_1072 = tpu.memref_slice %arg5[%squeeze3A_1054, %multiple_of3A_1057, %multiple_of3A_1060, %multiple_of3A_1063] : memref<2x160x160x128xf32, #tpu.memory_space<hbm>> -> memref<1x8x32x32xf32, #tpu.memory_space<hbm>>
    %dma_start3A_1073 = tpu.memref_squeeze %dma_start3A_1072 : memref<1x8x32x32xf32, #tpu.memory_space<hbm>> -> memref<8x32x32xf32, #tpu.memory_space<hbm>>
    %dma_start3A_1074 = arith.constant 0 : i32
    %dma_start3A_1075 = arith.constant 0 : i32
    %dma_start3A_1076 = arith.constant 0 : i32
    %dma_start3A_1077 = tpu.memref_slice %arg7[%dma_start3A_1064, %dma_start3A_1074, %dma_start3A_1075, %dma_start3A_1076] : memref<14x8x32x32xf32, #tpu.memory_space<vmem>> -> memref<1x8x32x32xf32, #tpu.memory_space<vmem>>
    %dma_start3A_1078 = tpu.memref_squeeze %dma_start3A_1077 : memref<1x8x32x32xf32, #tpu.memory_space<vmem>> -> memref<8x32x32xf32, #tpu.memory_space<vmem>>
    tpu.enqueue_dma source(%dma_start3A_1078 : memref<8x32x32xf32, #tpu.memory_space<vmem>>) target(%dma_start3A_1073 : memref<8x32x32xf32, #tpu.memory_space<hbm>>) target_semaphore(%arg23 : memref<!tpu.dma_semaphore, #tpu.memory_space<semaphore_mem>>)
    %dma_wait3A_1079 = arith.constant 10 : i32
    %dma_wait3A_1080 = arith.constant 0 : i32
    %dma_wait3A_1081 = arith.constant 0 : i32
    %dma_wait3A_1082 = arith.constant 0 : i32
    %dma_wait3A_1083 = tpu.memref_slice %arg7[%dma_wait3A_1079, %dma_wait3A_1080, %dma_wait3A_1081, %dma_wait3A_1082] : memref<14x8x32x32xf32, #tpu.memory_space<vmem>> -> memref<1x8x32x32xf32, #tpu.memory_space<vmem>>
    %dma_wait3A_1084 = tpu.memref_squeeze %dma_wait3A_1083 : memref<1x8x32x32xf32, #tpu.memory_space<vmem>> -> memref<8x32x32xf32, #tpu.memory_space<vmem>>
    %dma_wait3A_1085 = tpu.memref_slice %arg2[%squeeze3A_387, %multiple_of3A_390, %multiple_of3A_393, %multiple_of3A_396] : memref<2x160x160x128xf32, #tpu.memory_space<hbm>> -> memref<1x8x32x32xf32, #tpu.memory_space<hbm>>
    %dma_wait3A_1086 = tpu.memref_squeeze %dma_wait3A_1085 : memref<1x8x32x32xf32, #tpu.memory_space<hbm>> -> memref<8x32x32xf32, #tpu.memory_space<hbm>>
    %dma_wait3A_1087 = arith.constant 0 : i32
    %dma_wait3A_1088 = arith.constant 0 : i32
    %dma_wait3A_1089 = arith.constant 0 : i32
    %dma_wait3A_1090 = tpu.memref_slice %arg7[%dma_wait3A_1079, %dma_wait3A_1087, %dma_wait3A_1088, %dma_wait3A_1089] : memref<14x8x32x32xf32, #tpu.memory_space<vmem>> -> memref<1x8x32x32xf32, #tpu.memory_space<vmem>>
    %dma_wait3A_1091 = tpu.memref_squeeze %dma_wait3A_1090 : memref<1x8x32x32xf32, #tpu.memory_space<vmem>> -> memref<8x32x32xf32, #tpu.memory_space<vmem>>
    %dma_wait3A_1092 = tpu.memref_slice %arg2[%squeeze3A_387, %multiple_of3A_390, %multiple_of3A_393, %multiple_of3A_396] : memref<2x160x160x128xf32, #tpu.memory_space<hbm>> -> memref<1x8x32x32xf32, #tpu.memory_space<hbm>>
    %dma_wait3A_1093 = tpu.memref_squeeze %dma_wait3A_1092 : memref<1x8x32x32xf32, #tpu.memory_space<hbm>> -> memref<8x32x32xf32, #tpu.memory_space<hbm>>
    tpu.wait_dma2 semaphore(%arg19 : memref<!tpu.dma_semaphore, #tpu.memory_space<semaphore_mem>>) src(%dma_wait3A_1093 : memref<8x32x32xf32, #tpu.memory_space<hbm>>) dst(%dma_wait3A_1091 : memref<8x32x32xf32, #tpu.memory_space<vmem>>)
    %slice3A_1094 = vector.extract_strided_slice %get3A_54 {offsets = [0], sizes = [1], strides = [1]} : vector<16xi32> to vector<1xi32>
    %squeeze3A_1095 = vector.extract %slice3A_1094[0] : i32 from vector<1xi32>
    %slice3A_1096 = vector.extract_strided_slice %get3A_54 {offsets = [4], sizes = [1], strides = [1]} : vector<16xi32> to vector<1xi32>
    %squeeze3A_1097 = vector.extract %slice3A_1096[0] : i32 from vector<1xi32>
    %multiple_of3A_1098 = tpu.assume_multiple %squeeze3A_1097, 8 : i32
    %slice3A_1099 = vector.extract_strided_slice %get3A_54 {offsets = [5], sizes = [1], strides = [1]} : vector<16xi32> to vector<1xi32>
    %squeeze3A_1100 = vector.extract %slice3A_1099[0] : i32 from vector<1xi32>
    %multiple_of3A_1101 = tpu.assume_multiple %squeeze3A_1100, 32 : i32
    %slice3A_1102 = vector.extract_strided_slice %get3A_54 {offsets = [6], sizes = [1], strides = [1]} : vector<16xi32> to vector<1xi32>
    %squeeze3A_1103 = vector.extract %slice3A_1102[0] : i32 from vector<1xi32>
    %multiple_of3A_1104 = tpu.assume_multiple %squeeze3A_1103, 32 : i32
    %dma_start3A_1105 = arith.constant 10 : i32
    %dma_start3A_1106 = arith.constant 0 : i32
    %dma_start3A_1107 = arith.constant 0 : i32
    %dma_start3A_1108 = arith.constant 0 : i32
    %dma_start3A_1109 = tpu.memref_slice %arg7[%dma_start3A_1105, %dma_start3A_1106, %dma_start3A_1107, %dma_start3A_1108] : memref<14x8x32x32xf32, #tpu.memory_space<vmem>> -> memref<1x8x32x32xf32, #tpu.memory_space<vmem>>
    %dma_start3A_1110 = tpu.memref_squeeze %dma_start3A_1109 : memref<1x8x32x32xf32, #tpu.memory_space<vmem>> -> memref<8x32x32xf32, #tpu.memory_space<vmem>>
    %dma_start3A_1111 = tpu.memref_slice %arg5[%squeeze3A_1095, %multiple_of3A_1098, %multiple_of3A_1101, %multiple_of3A_1104] : memref<2x160x160x128xf32, #tpu.memory_space<hbm>> -> memref<1x8x32x32xf32, #tpu.memory_space<hbm>>
    %dma_start3A_1112 = tpu.memref_squeeze %dma_start3A_1111 : memref<1x8x32x32xf32, #tpu.memory_space<hbm>> -> memref<8x32x32xf32, #tpu.memory_space<hbm>>
    %dma_start3A_1113 = tpu.memref_slice %arg5[%squeeze3A_1095, %multiple_of3A_1098, %multiple_of3A_1101, %multiple_of3A_1104] : memref<2x160x160x128xf32, #tpu.memory_space<hbm>> -> memref<1x8x32x32xf32, #tpu.memory_space<hbm>>
    %dma_start3A_1114 = tpu.memref_squeeze %dma_start3A_1113 : memref<1x8x32x32xf32, #tpu.memory_space<hbm>> -> memref<8x32x32xf32, #tpu.memory_space<hbm>>
    %dma_start3A_1115 = arith.constant 0 : i32
    %dma_start3A_1116 = arith.constant 0 : i32
    %dma_start3A_1117 = arith.constant 0 : i32
    %dma_start3A_1118 = tpu.memref_slice %arg7[%dma_start3A_1105, %dma_start3A_1115, %dma_start3A_1116, %dma_start3A_1117] : memref<14x8x32x32xf32, #tpu.memory_space<vmem>> -> memref<1x8x32x32xf32, #tpu.memory_space<vmem>>
    %dma_start3A_1119 = tpu.memref_squeeze %dma_start3A_1118 : memref<1x8x32x32xf32, #tpu.memory_space<vmem>> -> memref<8x32x32xf32, #tpu.memory_space<vmem>>
    tpu.enqueue_dma source(%dma_start3A_1119 : memref<8x32x32xf32, #tpu.memory_space<vmem>>) target(%dma_start3A_1114 : memref<8x32x32xf32, #tpu.memory_space<hbm>>) target_semaphore(%arg23 : memref<!tpu.dma_semaphore, #tpu.memory_space<semaphore_mem>>)
    %dma_wait3A_1120 = arith.constant 11 : i32
    %dma_wait3A_1121 = arith.constant 0 : i32
    %dma_wait3A_1122 = arith.constant 0 : i32
    %dma_wait3A_1123 = arith.constant 0 : i32
    %dma_wait3A_1124 = tpu.memref_slice %arg7[%dma_wait3A_1120, %dma_wait3A_1121, %dma_wait3A_1122, %dma_wait3A_1123] : memref<14x8x32x32xf32, #tpu.memory_space<vmem>> -> memref<1x8x32x32xf32, #tpu.memory_space<vmem>>
    %dma_wait3A_1125 = tpu.memref_squeeze %dma_wait3A_1124 : memref<1x8x32x32xf32, #tpu.memory_space<vmem>> -> memref<8x32x32xf32, #tpu.memory_space<vmem>>
    %dma_wait3A_1126 = tpu.memref_slice %arg2[%squeeze3A_413, %multiple_of3A_416, %multiple_of3A_419, %multiple_of3A_422] : memref<2x160x160x128xf32, #tpu.memory_space<hbm>> -> memref<1x8x32x32xf32, #tpu.memory_space<hbm>>
    %dma_wait3A_1127 = tpu.memref_squeeze %dma_wait3A_1126 : memref<1x8x32x32xf32, #tpu.memory_space<hbm>> -> memref<8x32x32xf32, #tpu.memory_space<hbm>>
    %dma_wait3A_1128 = arith.constant 0 : i32
    %dma_wait3A_1129 = arith.constant 0 : i32
    %dma_wait3A_1130 = arith.constant 0 : i32
    %dma_wait3A_1131 = tpu.memref_slice %arg7[%dma_wait3A_1120, %dma_wait3A_1128, %dma_wait3A_1129, %dma_wait3A_1130] : memref<14x8x32x32xf32, #tpu.memory_space<vmem>> -> memref<1x8x32x32xf32, #tpu.memory_space<vmem>>
    %dma_wait3A_1132 = tpu.memref_squeeze %dma_wait3A_1131 : memref<1x8x32x32xf32, #tpu.memory_space<vmem>> -> memref<8x32x32xf32, #tpu.memory_space<vmem>>
    %dma_wait3A_1133 = tpu.memref_slice %arg2[%squeeze3A_413, %multiple_of3A_416, %multiple_of3A_419, %multiple_of3A_422] : memref<2x160x160x128xf32, #tpu.memory_space<hbm>> -> memref<1x8x32x32xf32, #tpu.memory_space<hbm>>
    %dma_wait3A_1134 = tpu.memref_squeeze %dma_wait3A_1133 : memref<1x8x32x32xf32, #tpu.memory_space<hbm>> -> memref<8x32x32xf32, #tpu.memory_space<hbm>>
    tpu.wait_dma2 semaphore(%arg20 : memref<!tpu.dma_semaphore, #tpu.memory_space<semaphore_mem>>) src(%dma_wait3A_1134 : memref<8x32x32xf32, #tpu.memory_space<hbm>>) dst(%dma_wait3A_1132 : memref<8x32x32xf32, #tpu.memory_space<vmem>>)
    %slice3A_1135 = vector.extract_strided_slice %get3A_59 {offsets = [0], sizes = [1], strides = [1]} : vector<16xi32> to vector<1xi32>
    %squeeze3A_1136 = vector.extract %slice3A_1135[0] : i32 from vector<1xi32>
    %slice3A_1137 = vector.extract_strided_slice %get3A_59 {offsets = [4], sizes = [1], strides = [1]} : vector<16xi32> to vector<1xi32>
    %squeeze3A_1138 = vector.extract %slice3A_1137[0] : i32 from vector<1xi32>
    %multiple_of3A_1139 = tpu.assume_multiple %squeeze3A_1138, 8 : i32
    %slice3A_1140 = vector.extract_strided_slice %get3A_59 {offsets = [5], sizes = [1], strides = [1]} : vector<16xi32> to vector<1xi32>
    %squeeze3A_1141 = vector.extract %slice3A_1140[0] : i32 from vector<1xi32>
    %multiple_of3A_1142 = tpu.assume_multiple %squeeze3A_1141, 32 : i32
    %slice3A_1143 = vector.extract_strided_slice %get3A_59 {offsets = [6], sizes = [1], strides = [1]} : vector<16xi32> to vector<1xi32>
    %squeeze3A_1144 = vector.extract %slice3A_1143[0] : i32 from vector<1xi32>
    %multiple_of3A_1145 = tpu.assume_multiple %squeeze3A_1144, 32 : i32
    %dma_start3A_1146 = arith.constant 11 : i32
    %dma_start3A_1147 = arith.constant 0 : i32
    %dma_start3A_1148 = arith.constant 0 : i32
    %dma_start3A_1149 = arith.constant 0 : i32
    %dma_start3A_1150 = tpu.memref_slice %arg7[%dma_start3A_1146, %dma_start3A_1147, %dma_start3A_1148, %dma_start3A_1149] : memref<14x8x32x32xf32, #tpu.memory_space<vmem>> -> memref<1x8x32x32xf32, #tpu.memory_space<vmem>>
    %dma_start3A_1151 = tpu.memref_squeeze %dma_start3A_1150 : memref<1x8x32x32xf32, #tpu.memory_space<vmem>> -> memref<8x32x32xf32, #tpu.memory_space<vmem>>
    %dma_start3A_1152 = tpu.memref_slice %arg5[%squeeze3A_1136, %multiple_of3A_1139, %multiple_of3A_1142, %multiple_of3A_1145] : memref<2x160x160x128xf32, #tpu.memory_space<hbm>> -> memref<1x8x32x32xf32, #tpu.memory_space<hbm>>
    %dma_start3A_1153 = tpu.memref_squeeze %dma_start3A_1152 : memref<1x8x32x32xf32, #tpu.memory_space<hbm>> -> memref<8x32x32xf32, #tpu.memory_space<hbm>>
    %dma_start3A_1154 = tpu.memref_slice %arg5[%squeeze3A_1136, %multiple_of3A_1139, %multiple_of3A_1142, %multiple_of3A_1145] : memref<2x160x160x128xf32, #tpu.memory_space<hbm>> -> memref<1x8x32x32xf32, #tpu.memory_space<hbm>>
    %dma_start3A_1155 = tpu.memref_squeeze %dma_start3A_1154 : memref<1x8x32x32xf32, #tpu.memory_space<hbm>> -> memref<8x32x32xf32, #tpu.memory_space<hbm>>
    %dma_start3A_1156 = arith.constant 0 : i32
    %dma_start3A_1157 = arith.constant 0 : i32
    %dma_start3A_1158 = arith.constant 0 : i32
    %dma_start3A_1159 = tpu.memref_slice %arg7[%dma_start3A_1146, %dma_start3A_1156, %dma_start3A_1157, %dma_start3A_1158] : memref<14x8x32x32xf32, #tpu.memory_space<vmem>> -> memref<1x8x32x32xf32, #tpu.memory_space<vmem>>
    %dma_start3A_1160 = tpu.memref_squeeze %dma_start3A_1159 : memref<1x8x32x32xf32, #tpu.memory_space<vmem>> -> memref<8x32x32xf32, #tpu.memory_space<vmem>>
    tpu.enqueue_dma source(%dma_start3A_1160 : memref<8x32x32xf32, #tpu.memory_space<vmem>>) target(%dma_start3A_1155 : memref<8x32x32xf32, #tpu.memory_space<hbm>>) target_semaphore(%arg23 : memref<!tpu.dma_semaphore, #tpu.memory_space<semaphore_mem>>)
    %dma_wait3A_1161 = arith.constant 12 : i32
    %dma_wait3A_1162 = arith.constant 0 : i32
    %dma_wait3A_1163 = arith.constant 0 : i32
    %dma_wait3A_1164 = arith.constant 0 : i32
    %dma_wait3A_1165 = tpu.memref_slice %arg7[%dma_wait3A_1161, %dma_wait3A_1162, %dma_wait3A_1163, %dma_wait3A_1164] : memref<14x8x32x32xf32, #tpu.memory_space<vmem>> -> memref<1x8x32x32xf32, #tpu.memory_space<vmem>>
    %dma_wait3A_1166 = tpu.memref_squeeze %dma_wait3A_1165 : memref<1x8x32x32xf32, #tpu.memory_space<vmem>> -> memref<8x32x32xf32, #tpu.memory_space<vmem>>
    %dma_wait3A_1167 = tpu.memref_slice %arg2[%squeeze3A_439, %multiple_of3A_442, %multiple_of3A_445, %multiple_of3A_448] : memref<2x160x160x128xf32, #tpu.memory_space<hbm>> -> memref<1x8x32x32xf32, #tpu.memory_space<hbm>>
    %dma_wait3A_1168 = tpu.memref_squeeze %dma_wait3A_1167 : memref<1x8x32x32xf32, #tpu.memory_space<hbm>> -> memref<8x32x32xf32, #tpu.memory_space<hbm>>
    %dma_wait3A_1169 = arith.constant 0 : i32
    %dma_wait3A_1170 = arith.constant 0 : i32
    %dma_wait3A_1171 = arith.constant 0 : i32
    %dma_wait3A_1172 = tpu.memref_slice %arg7[%dma_wait3A_1161, %dma_wait3A_1169, %dma_wait3A_1170, %dma_wait3A_1171] : memref<14x8x32x32xf32, #tpu.memory_space<vmem>> -> memref<1x8x32x32xf32, #tpu.memory_space<vmem>>
    %dma_wait3A_1173 = tpu.memref_squeeze %dma_wait3A_1172 : memref<1x8x32x32xf32, #tpu.memory_space<vmem>> -> memref<8x32x32xf32, #tpu.memory_space<vmem>>
    %dma_wait3A_1174 = tpu.memref_slice %arg2[%squeeze3A_439, %multiple_of3A_442, %multiple_of3A_445, %multiple_of3A_448] : memref<2x160x160x128xf32, #tpu.memory_space<hbm>> -> memref<1x8x32x32xf32, #tpu.memory_space<hbm>>
    %dma_wait3A_1175 = tpu.memref_squeeze %dma_wait3A_1174 : memref<1x8x32x32xf32, #tpu.memory_space<hbm>> -> memref<8x32x32xf32, #tpu.memory_space<hbm>>
    tpu.wait_dma2 semaphore(%arg21 : memref<!tpu.dma_semaphore, #tpu.memory_space<semaphore_mem>>) src(%dma_wait3A_1175 : memref<8x32x32xf32, #tpu.memory_space<hbm>>) dst(%dma_wait3A_1173 : memref<8x32x32xf32, #tpu.memory_space<vmem>>)
    %slice3A_1176 = vector.extract_strided_slice %get3A_64 {offsets = [0], sizes = [1], strides = [1]} : vector<16xi32> to vector<1xi32>
    %squeeze3A_1177 = vector.extract %slice3A_1176[0] : i32 from vector<1xi32>
    %slice3A_1178 = vector.extract_strided_slice %get3A_64 {offsets = [4], sizes = [1], strides = [1]} : vector<16xi32> to vector<1xi32>
    %squeeze3A_1179 = vector.extract %slice3A_1178[0] : i32 from vector<1xi32>
    %multiple_of3A_1180 = tpu.assume_multiple %squeeze3A_1179, 8 : i32
    %slice3A_1181 = vector.extract_strided_slice %get3A_64 {offsets = [5], sizes = [1], strides = [1]} : vector<16xi32> to vector<1xi32>
    %squeeze3A_1182 = vector.extract %slice3A_1181[0] : i32 from vector<1xi32>
    %multiple_of3A_1183 = tpu.assume_multiple %squeeze3A_1182, 32 : i32
    %slice3A_1184 = vector.extract_strided_slice %get3A_64 {offsets = [6], sizes = [1], strides = [1]} : vector<16xi32> to vector<1xi32>
    %squeeze3A_1185 = vector.extract %slice3A_1184[0] : i32 from vector<1xi32>
    %multiple_of3A_1186 = tpu.assume_multiple %squeeze3A_1185, 32 : i32
    %dma_start3A_1187 = arith.constant 12 : i32
    %dma_start3A_1188 = arith.constant 0 : i32
    %dma_start3A_1189 = arith.constant 0 : i32
    %dma_start3A_1190 = arith.constant 0 : i32
    %dma_start3A_1191 = tpu.memref_slice %arg7[%dma_start3A_1187, %dma_start3A_1188, %dma_start3A_1189, %dma_start3A_1190] : memref<14x8x32x32xf32, #tpu.memory_space<vmem>> -> memref<1x8x32x32xf32, #tpu.memory_space<vmem>>
    %dma_start3A_1192 = tpu.memref_squeeze %dma_start3A_1191 : memref<1x8x32x32xf32, #tpu.memory_space<vmem>> -> memref<8x32x32xf32, #tpu.memory_space<vmem>>
    %dma_start3A_1193 = tpu.memref_slice %arg5[%squeeze3A_1177, %multiple_of3A_1180, %multiple_of3A_1183, %multiple_of3A_1186] : memref<2x160x160x128xf32, #tpu.memory_space<hbm>> -> memref<1x8x32x32xf32, #tpu.memory_space<hbm>>
    %dma_start3A_1194 = tpu.memref_squeeze %dma_start3A_1193 : memref<1x8x32x32xf32, #tpu.memory_space<hbm>> -> memref<8x32x32xf32, #tpu.memory_space<hbm>>
    %dma_start3A_1195 = tpu.memref_slice %arg5[%squeeze3A_1177, %multiple_of3A_1180, %multiple_of3A_1183, %multiple_of3A_1186] : memref<2x160x160x128xf32, #tpu.memory_space<hbm>> -> memref<1x8x32x32xf32, #tpu.memory_space<hbm>>
    %dma_start3A_1196 = tpu.memref_squeeze %dma_start3A_1195 : memref<1x8x32x32xf32, #tpu.memory_space<hbm>> -> memref<8x32x32xf32, #tpu.memory_space<hbm>>
    %dma_start3A_1197 = arith.constant 0 : i32
    %dma_start3A_1198 = arith.constant 0 : i32
    %dma_start3A_1199 = arith.constant 0 : i32
    %dma_start3A_1200 = tpu.memref_slice %arg7[%dma_start3A_1187, %dma_start3A_1197, %dma_start3A_1198, %dma_start3A_1199] : memref<14x8x32x32xf32, #tpu.memory_space<vmem>> -> memref<1x8x32x32xf32, #tpu.memory_space<vmem>>
    %dma_start3A_1201 = tpu.memref_squeeze %dma_start3A_1200 : memref<1x8x32x32xf32, #tpu.memory_space<vmem>> -> memref<8x32x32xf32, #tpu.memory_space<vmem>>
    tpu.enqueue_dma source(%dma_start3A_1201 : memref<8x32x32xf32, #tpu.memory_space<vmem>>) target(%dma_start3A_1196 : memref<8x32x32xf32, #tpu.memory_space<hbm>>) target_semaphore(%arg23 : memref<!tpu.dma_semaphore, #tpu.memory_space<semaphore_mem>>)
    %dma_wait3A_1202 = arith.constant 13 : i32
    %dma_wait3A_1203 = arith.constant 0 : i32
    %dma_wait3A_1204 = arith.constant 0 : i32
    %dma_wait3A_1205 = arith.constant 0 : i32
    %dma_wait3A_1206 = tpu.memref_slice %arg7[%dma_wait3A_1202, %dma_wait3A_1203, %dma_wait3A_1204, %dma_wait3A_1205] : memref<14x8x32x32xf32, #tpu.memory_space<vmem>> -> memref<1x8x32x32xf32, #tpu.memory_space<vmem>>
    %dma_wait3A_1207 = tpu.memref_squeeze %dma_wait3A_1206 : memref<1x8x32x32xf32, #tpu.memory_space<vmem>> -> memref<8x32x32xf32, #tpu.memory_space<vmem>>
    %dma_wait3A_1208 = tpu.memref_slice %arg2[%squeeze3A_465, %multiple_of3A_468, %multiple_of3A_471, %multiple_of3A_474] : memref<2x160x160x128xf32, #tpu.memory_space<hbm>> -> memref<1x8x32x32xf32, #tpu.memory_space<hbm>>
    %dma_wait3A_1209 = tpu.memref_squeeze %dma_wait3A_1208 : memref<1x8x32x32xf32, #tpu.memory_space<hbm>> -> memref<8x32x32xf32, #tpu.memory_space<hbm>>
    %dma_wait3A_1210 = arith.constant 0 : i32
    %dma_wait3A_1211 = arith.constant 0 : i32
    %dma_wait3A_1212 = arith.constant 0 : i32
    %dma_wait3A_1213 = tpu.memref_slice %arg7[%dma_wait3A_1202, %dma_wait3A_1210, %dma_wait3A_1211, %dma_wait3A_1212] : memref<14x8x32x32xf32, #tpu.memory_space<vmem>> -> memref<1x8x32x32xf32, #tpu.memory_space<vmem>>
    %dma_wait3A_1214 = tpu.memref_squeeze %dma_wait3A_1213 : memref<1x8x32x32xf32, #tpu.memory_space<vmem>> -> memref<8x32x32xf32, #tpu.memory_space<vmem>>
    %dma_wait3A_1215 = tpu.memref_slice %arg2[%squeeze3A_465, %multiple_of3A_468, %multiple_of3A_471, %multiple_of3A_474] : memref<2x160x160x128xf32, #tpu.memory_space<hbm>> -> memref<1x8x32x32xf32, #tpu.memory_space<hbm>>
    %dma_wait3A_1216 = tpu.memref_squeeze %dma_wait3A_1215 : memref<1x8x32x32xf32, #tpu.memory_space<hbm>> -> memref<8x32x32xf32, #tpu.memory_space<hbm>>
    tpu.wait_dma2 semaphore(%arg22 : memref<!tpu.dma_semaphore, #tpu.memory_space<semaphore_mem>>) src(%dma_wait3A_1216 : memref<8x32x32xf32, #tpu.memory_space<hbm>>) dst(%dma_wait3A_1214 : memref<8x32x32xf32, #tpu.memory_space<vmem>>)
    %slice3A_1217 = vector.extract_strided_slice %get3A_69 {offsets = [0], sizes = [1], strides = [1]} : vector<16xi32> to vector<1xi32>
    %squeeze3A_1218 = vector.extract %slice3A_1217[0] : i32 from vector<1xi32>
    %slice3A_1219 = vector.extract_strided_slice %get3A_69 {offsets = [4], sizes = [1], strides = [1]} : vector<16xi32> to vector<1xi32>
    %squeeze3A_1220 = vector.extract %slice3A_1219[0] : i32 from vector<1xi32>
    %multiple_of3A_1221 = tpu.assume_multiple %squeeze3A_1220, 8 : i32
    %slice3A_1222 = vector.extract_strided_slice %get3A_69 {offsets = [5], sizes = [1], strides = [1]} : vector<16xi32> to vector<1xi32>
    %squeeze3A_1223 = vector.extract %slice3A_1222[0] : i32 from vector<1xi32>
    %multiple_of3A_1224 = tpu.assume_multiple %squeeze3A_1223, 32 : i32
    %slice3A_1225 = vector.extract_strided_slice %get3A_69 {offsets = [6], sizes = [1], strides = [1]} : vector<16xi32> to vector<1xi32>
    %squeeze3A_1226 = vector.extract %slice3A_1225[0] : i32 from vector<1xi32>
    %multiple_of3A_1227 = tpu.assume_multiple %squeeze3A_1226, 32 : i32
    %dma_start3A_1228 = arith.constant 13 : i32
    %dma_start3A_1229 = arith.constant 0 : i32
    %dma_start3A_1230 = arith.constant 0 : i32
    %dma_start3A_1231 = arith.constant 0 : i32
    %dma_start3A_1232 = tpu.memref_slice %arg7[%dma_start3A_1228, %dma_start3A_1229, %dma_start3A_1230, %dma_start3A_1231] : memref<14x8x32x32xf32, #tpu.memory_space<vmem>> -> memref<1x8x32x32xf32, #tpu.memory_space<vmem>>
    %dma_start3A_1233 = tpu.memref_squeeze %dma_start3A_1232 : memref<1x8x32x32xf32, #tpu.memory_space<vmem>> -> memref<8x32x32xf32, #tpu.memory_space<vmem>>
    %dma_start3A_1234 = tpu.memref_slice %arg5[%squeeze3A_1218, %multiple_of3A_1221, %multiple_of3A_1224, %multiple_of3A_1227] : memref<2x160x160x128xf32, #tpu.memory_space<hbm>> -> memref<1x8x32x32xf32, #tpu.memory_space<hbm>>
    %dma_start3A_1235 = tpu.memref_squeeze %dma_start3A_1234 : memref<1x8x32x32xf32, #tpu.memory_space<hbm>> -> memref<8x32x32xf32, #tpu.memory_space<hbm>>
    %dma_start3A_1236 = tpu.memref_slice %arg5[%squeeze3A_1218, %multiple_of3A_1221, %multiple_of3A_1224, %multiple_of3A_1227] : memref<2x160x160x128xf32, #tpu.memory_space<hbm>> -> memref<1x8x32x32xf32, #tpu.memory_space<hbm>>
    %dma_start3A_1237 = tpu.memref_squeeze %dma_start3A_1236 : memref<1x8x32x32xf32, #tpu.memory_space<hbm>> -> memref<8x32x32xf32, #tpu.memory_space<hbm>>
    %dma_start3A_1238 = arith.constant 0 : i32
    %dma_start3A_1239 = arith.constant 0 : i32
    %dma_start3A_1240 = arith.constant 0 : i32
    %dma_start3A_1241 = tpu.memref_slice %arg7[%dma_start3A_1228, %dma_start3A_1238, %dma_start3A_1239, %dma_start3A_1240] : memref<14x8x32x32xf32, #tpu.memory_space<vmem>> -> memref<1x8x32x32xf32, #tpu.memory_space<vmem>>
    %dma_start3A_1242 = tpu.memref_squeeze %dma_start3A_1241 : memref<1x8x32x32xf32, #tpu.memory_space<vmem>> -> memref<8x32x32xf32, #tpu.memory_space<vmem>>
    tpu.enqueue_dma source(%dma_start3A_1242 : memref<8x32x32xf32, #tpu.memory_space<vmem>>) target(%dma_start3A_1237 : memref<8x32x32xf32, #tpu.memory_space<hbm>>) target_semaphore(%arg23 : memref<!tpu.dma_semaphore, #tpu.memory_space<semaphore_mem>>)
    %dma_wait3A_1243 = arith.constant 0 : i32
    %dma_wait3A_1244 = arith.constant 0 : i32
    %dma_wait3A_1245 = arith.constant 0 : i32
    %dma_wait3A_1246 = arith.constant 0 : i32
    %dma_wait3A_1247 = arith.constant 0 : i32
    %dma_wait3A_1248 = tpu.memref_slice %arg7[%dma_wait3A_1244, %dma_wait3A_1245, %dma_wait3A_1246, %dma_wait3A_1247] : memref<14x8x32x32xf32, #tpu.memory_space<vmem>> -> memref<1x8x32x32xf32, #tpu.memory_space<vmem>>
    %dma_wait3A_1249 = tpu.memref_squeeze %dma_wait3A_1248 : memref<1x8x32x32xf32, #tpu.memory_space<vmem>> -> memref<8x32x32xf32, #tpu.memory_space<vmem>>
    %dma_wait3A_1250 = arith.constant 0 : i32
    %dma_wait3A_1251 = arith.constant 0 : i32
    %dma_wait3A_1252 = arith.constant 0 : i32
    %dma_wait3A_1253 = tpu.memref_slice %arg2[%dma_wait3A_1243, %dma_wait3A_1250, %dma_wait3A_1251, %dma_wait3A_1252] : memref<2x160x160x128xf32, #tpu.memory_space<hbm>> -> memref<1x8x32x32xf32, #tpu.memory_space<hbm>>
    %dma_wait3A_1254 = tpu.memref_squeeze %dma_wait3A_1253 : memref<1x8x32x32xf32, #tpu.memory_space<hbm>> -> memref<8x32x32xf32, #tpu.memory_space<hbm>>
    %dma_wait3A_1255 = arith.constant 0 : i32
    %dma_wait3A_1256 = arith.constant 0 : i32
    %dma_wait3A_1257 = arith.constant 0 : i32
    %dma_wait3A_1258 = tpu.memref_slice %arg7[%dma_wait3A_1244, %dma_wait3A_1255, %dma_wait3A_1256, %dma_wait3A_1257] : memref<14x8x32x32xf32, #tpu.memory_space<vmem>> -> memref<1x8x32x32xf32, #tpu.memory_space<vmem>>
    %dma_wait3A_1259 = tpu.memref_squeeze %dma_wait3A_1258 : memref<1x8x32x32xf32, #tpu.memory_space<vmem>> -> memref<8x32x32xf32, #tpu.memory_space<vmem>>
    %dma_wait3A_1260 = arith.constant 0 : i32
    %dma_wait3A_1261 = arith.constant 0 : i32
    %dma_wait3A_1262 = arith.constant 0 : i32
    %dma_wait3A_1263 = tpu.memref_slice %arg2[%dma_wait3A_1243, %dma_wait3A_1260, %dma_wait3A_1261, %dma_wait3A_1262] : memref<2x160x160x128xf32, #tpu.memory_space<hbm>> -> memref<1x8x32x32xf32, #tpu.memory_space<hbm>>
    %dma_wait3A_1264 = tpu.memref_squeeze %dma_wait3A_1263 : memref<1x8x32x32xf32, #tpu.memory_space<hbm>> -> memref<8x32x32xf32, #tpu.memory_space<hbm>>
    tpu.wait_dma2 semaphore(%arg23 : memref<!tpu.dma_semaphore, #tpu.memory_space<semaphore_mem>>) src(%dma_wait3A_1264 : memref<8x32x32xf32, #tpu.memory_space<hbm>>) dst(%dma_wait3A_1259 : memref<8x32x32xf32, #tpu.memory_space<vmem>>)
    %dma_wait3A_1265 = arith.constant 0 : i32
    %dma_wait3A_1266 = arith.constant 1 : i32
    %dma_wait3A_1267 = arith.constant 0 : i32
    %dma_wait3A_1268 = arith.constant 0 : i32
    %dma_wait3A_1269 = arith.constant 0 : i32
    %dma_wait3A_1270 = tpu.memref_slice %arg7[%dma_wait3A_1266, %dma_wait3A_1267, %dma_wait3A_1268, %dma_wait3A_1269] : memref<14x8x32x32xf32, #tpu.memory_space<vmem>> -> memref<1x8x32x32xf32, #tpu.memory_space<vmem>>
    %dma_wait3A_1271 = tpu.memref_squeeze %dma_wait3A_1270 : memref<1x8x32x32xf32, #tpu.memory_space<vmem>> -> memref<8x32x32xf32, #tpu.memory_space<vmem>>
    %dma_wait3A_1272 = arith.constant 0 : i32
    %dma_wait3A_1273 = arith.constant 0 : i32
    %dma_wait3A_1274 = arith.constant 0 : i32
    %dma_wait3A_1275 = tpu.memref_slice %arg2[%dma_wait3A_1265, %dma_wait3A_1272, %dma_wait3A_1273, %dma_wait3A_1274] : memref<2x160x160x128xf32, #tpu.memory_space<hbm>> -> memref<1x8x32x32xf32, #tpu.memory_space<hbm>>
    %dma_wait3A_1276 = tpu.memref_squeeze %dma_wait3A_1275 : memref<1x8x32x32xf32, #tpu.memory_space<hbm>> -> memref<8x32x32xf32, #tpu.memory_space<hbm>>
    %dma_wait3A_1277 = arith.constant 0 : i32
    %dma_wait3A_1278 = arith.constant 0 : i32
    %dma_wait3A_1279 = arith.constant 0 : i32
    %dma_wait3A_1280 = tpu.memref_slice %arg7[%dma_wait3A_1266, %dma_wait3A_1277, %dma_wait3A_1278, %dma_wait3A_1279] : memref<14x8x32x32xf32, #tpu.memory_space<vmem>> -> memref<1x8x32x32xf32, #tpu.memory_space<vmem>>
    %dma_wait3A_1281 = tpu.memref_squeeze %dma_wait3A_1280 : memref<1x8x32x32xf32, #tpu.memory_space<vmem>> -> memref<8x32x32xf32, #tpu.memory_space<vmem>>
    %dma_wait3A_1282 = arith.constant 0 : i32
    %dma_wait3A_1283 = arith.constant 0 : i32
    %dma_wait3A_1284 = arith.constant 0 : i32
    %dma_wait3A_1285 = tpu.memref_slice %arg2[%dma_wait3A_1265, %dma_wait3A_1282, %dma_wait3A_1283, %dma_wait3A_1284] : memref<2x160x160x128xf32, #tpu.memory_space<hbm>> -> memref<1x8x32x32xf32, #tpu.memory_space<hbm>>
    %dma_wait3A_1286 = tpu.memref_squeeze %dma_wait3A_1285 : memref<1x8x32x32xf32, #tpu.memory_space<hbm>> -> memref<8x32x32xf32, #tpu.memory_space<hbm>>
    tpu.wait_dma2 semaphore(%arg23 : memref<!tpu.dma_semaphore, #tpu.memory_space<semaphore_mem>>) src(%dma_wait3A_1286 : memref<8x32x32xf32, #tpu.memory_space<hbm>>) dst(%dma_wait3A_1281 : memref<8x32x32xf32, #tpu.memory_space<vmem>>)
    %dma_wait3A_1287 = arith.constant 0 : i32
    %dma_wait3A_1288 = arith.constant 2 : i32
    %dma_wait3A_1289 = arith.constant 0 : i32
    %dma_wait3A_1290 = arith.constant 0 : i32
    %dma_wait3A_1291 = arith.constant 0 : i32
    %dma_wait3A_1292 = tpu.memref_slice %arg7[%dma_wait3A_1288, %dma_wait3A_1289, %dma_wait3A_1290, %dma_wait3A_1291] : memref<14x8x32x32xf32, #tpu.memory_space<vmem>> -> memref<1x8x32x32xf32, #tpu.memory_space<vmem>>
    %dma_wait3A_1293 = tpu.memref_squeeze %dma_wait3A_1292 : memref<1x8x32x32xf32, #tpu.memory_space<vmem>> -> memref<8x32x32xf32, #tpu.memory_space<vmem>>
    %dma_wait3A_1294 = arith.constant 0 : i32
    %dma_wait3A_1295 = arith.constant 0 : i32
    %dma_wait3A_1296 = arith.constant 0 : i32
    %dma_wait3A_1297 = tpu.memref_slice %arg2[%dma_wait3A_1287, %dma_wait3A_1294, %dma_wait3A_1295, %dma_wait3A_1296] : memref<2x160x160x128xf32, #tpu.memory_space<hbm>> -> memref<1x8x32x32xf32, #tpu.memory_space<hbm>>
    %dma_wait3A_1298 = tpu.memref_squeeze %dma_wait3A_1297 : memref<1x8x32x32xf32, #tpu.memory_space<hbm>> -> memref<8x32x32xf32, #tpu.memory_space<hbm>>
    %dma_wait3A_1299 = arith.constant 0 : i32
    %dma_wait3A_1300 = arith.constant 0 : i32
    %dma_wait3A_1301 = arith.constant 0 : i32
    %dma_wait3A_1302 = tpu.memref_slice %arg7[%dma_wait3A_1288, %dma_wait3A_1299, %dma_wait3A_1300, %dma_wait3A_1301] : memref<14x8x32x32xf32, #tpu.memory_space<vmem>> -> memref<1x8x32x32xf32, #tpu.memory_space<vmem>>
    %dma_wait3A_1303 = tpu.memref_squeeze %dma_wait3A_1302 : memref<1x8x32x32xf32, #tpu.memory_space<vmem>> -> memref<8x32x32xf32, #tpu.memory_space<vmem>>
    %dma_wait3A_1304 = arith.constant 0 : i32
    %dma_wait3A_1305 = arith.constant 0 : i32
    %dma_wait3A_1306 = arith.constant 0 : i32
    %dma_wait3A_1307 = tpu.memref_slice %arg2[%dma_wait3A_1287, %dma_wait3A_1304, %dma_wait3A_1305, %dma_wait3A_1306] : memref<2x160x160x128xf32, #tpu.memory_space<hbm>> -> memref<1x8x32x32xf32, #tpu.memory_space<hbm>>
    %dma_wait3A_1308 = tpu.memref_squeeze %dma_wait3A_1307 : memref<1x8x32x32xf32, #tpu.memory_space<hbm>> -> memref<8x32x32xf32, #tpu.memory_space<hbm>>
    tpu.wait_dma2 semaphore(%arg23 : memref<!tpu.dma_semaphore, #tpu.memory_space<semaphore_mem>>) src(%dma_wait3A_1308 : memref<8x32x32xf32, #tpu.memory_space<hbm>>) dst(%dma_wait3A_1303 : memref<8x32x32xf32, #tpu.memory_space<vmem>>)
    %dma_wait3A_1309 = arith.constant 0 : i32
    %dma_wait3A_1310 = arith.constant 3 : i32
    %dma_wait3A_1311 = arith.constant 0 : i32
    %dma_wait3A_1312 = arith.constant 0 : i32
    %dma_wait3A_1313 = arith.constant 0 : i32
    %dma_wait3A_1314 = tpu.memref_slice %arg7[%dma_wait3A_1310, %dma_wait3A_1311, %dma_wait3A_1312, %dma_wait3A_1313] : memref<14x8x32x32xf32, #tpu.memory_space<vmem>> -> memref<1x8x32x32xf32, #tpu.memory_space<vmem>>
    %dma_wait3A_1315 = tpu.memref_squeeze %dma_wait3A_1314 : memref<1x8x32x32xf32, #tpu.memory_space<vmem>> -> memref<8x32x32xf32, #tpu.memory_space<vmem>>
    %dma_wait3A_1316 = arith.constant 0 : i32
    %dma_wait3A_1317 = arith.constant 0 : i32
    %dma_wait3A_1318 = arith.constant 0 : i32
    %dma_wait3A_1319 = tpu.memref_slice %arg2[%dma_wait3A_1309, %dma_wait3A_1316, %dma_wait3A_1317, %dma_wait3A_1318] : memref<2x160x160x128xf32, #tpu.memory_space<hbm>> -> memref<1x8x32x32xf32, #tpu.memory_space<hbm>>
    %dma_wait3A_1320 = tpu.memref_squeeze %dma_wait3A_1319 : memref<1x8x32x32xf32, #tpu.memory_space<hbm>> -> memref<8x32x32xf32, #tpu.memory_space<hbm>>
    %dma_wait3A_1321 = arith.constant 0 : i32
    %dma_wait3A_1322 = arith.constant 0 : i32
    %dma_wait3A_1323 = arith.constant 0 : i32
    %dma_wait3A_1324 = tpu.memref_slice %arg7[%dma_wait3A_1310, %dma_wait3A_1321, %dma_wait3A_1322, %dma_wait3A_1323] : memref<14x8x32x32xf32, #tpu.memory_space<vmem>> -> memref<1x8x32x32xf32, #tpu.memory_space<vmem>>
    %dma_wait3A_1325 = tpu.memref_squeeze %dma_wait3A_1324 : memref<1x8x32x32xf32, #tpu.memory_space<vmem>> -> memref<8x32x32xf32, #tpu.memory_space<vmem>>
    %dma_wait3A_1326 = arith.constant 0 : i32
    %dma_wait3A_1327 = arith.constant 0 : i32
    %dma_wait3A_1328 = arith.constant 0 : i32
    %dma_wait3A_1329 = tpu.memref_slice %arg2[%dma_wait3A_1309, %dma_wait3A_1326, %dma_wait3A_1327, %dma_wait3A_1328] : memref<2x160x160x128xf32, #tpu.memory_space<hbm>> -> memref<1x8x32x32xf32, #tpu.memory_space<hbm>>
    %dma_wait3A_1330 = tpu.memref_squeeze %dma_wait3A_1329 : memref<1x8x32x32xf32, #tpu.memory_space<hbm>> -> memref<8x32x32xf32, #tpu.memory_space<hbm>>
    tpu.wait_dma2 semaphore(%arg23 : memref<!tpu.dma_semaphore, #tpu.memory_space<semaphore_mem>>) src(%dma_wait3A_1330 : memref<8x32x32xf32, #tpu.memory_space<hbm>>) dst(%dma_wait3A_1325 : memref<8x32x32xf32, #tpu.memory_space<vmem>>)
    %dma_wait3A_1331 = arith.constant 0 : i32
    %dma_wait3A_1332 = arith.constant 4 : i32
    %dma_wait3A_1333 = arith.constant 0 : i32
    %dma_wait3A_1334 = arith.constant 0 : i32
    %dma_wait3A_1335 = arith.constant 0 : i32
    %dma_wait3A_1336 = tpu.memref_slice %arg7[%dma_wait3A_1332, %dma_wait3A_1333, %dma_wait3A_1334, %dma_wait3A_1335] : memref<14x8x32x32xf32, #tpu.memory_space<vmem>> -> memref<1x8x32x32xf32, #tpu.memory_space<vmem>>
    %dma_wait3A_1337 = tpu.memref_squeeze %dma_wait3A_1336 : memref<1x8x32x32xf32, #tpu.memory_space<vmem>> -> memref<8x32x32xf32, #tpu.memory_space<vmem>>
    %dma_wait3A_1338 = arith.constant 0 : i32
    %dma_wait3A_1339 = arith.constant 0 : i32
    %dma_wait3A_1340 = arith.constant 0 : i32
    %dma_wait3A_1341 = tpu.memref_slice %arg2[%dma_wait3A_1331, %dma_wait3A_1338, %dma_wait3A_1339, %dma_wait3A_1340] : memref<2x160x160x128xf32, #tpu.memory_space<hbm>> -> memref<1x8x32x32xf32, #tpu.memory_space<hbm>>
    %dma_wait3A_1342 = tpu.memref_squeeze %dma_wait3A_1341 : memref<1x8x32x32xf32, #tpu.memory_space<hbm>> -> memref<8x32x32xf32, #tpu.memory_space<hbm>>
    %dma_wait3A_1343 = arith.constant 0 : i32
    %dma_wait3A_1344 = arith.constant 0 : i32
    %dma_wait3A_1345 = arith.constant 0 : i32
    %dma_wait3A_1346 = tpu.memref_slice %arg7[%dma_wait3A_1332, %dma_wait3A_1343, %dma_wait3A_1344, %dma_wait3A_1345] : memref<14x8x32x32xf32, #tpu.memory_space<vmem>> -> memref<1x8x32x32xf32, #tpu.memory_space<vmem>>
    %dma_wait3A_1347 = tpu.memref_squeeze %dma_wait3A_1346 : memref<1x8x32x32xf32, #tpu.memory_space<vmem>> -> memref<8x32x32xf32, #tpu.memory_space<vmem>>
    %dma_wait3A_1348 = arith.constant 0 : i32
    %dma_wait3A_1349 = arith.constant 0 : i32
    %dma_wait3A_1350 = arith.constant 0 : i32
    %dma_wait3A_1351 = tpu.memref_slice %arg2[%dma_wait3A_1331, %dma_wait3A_1348, %dma_wait3A_1349, %dma_wait3A_1350] : memref<2x160x160x128xf32, #tpu.memory_space<hbm>> -> memref<1x8x32x32xf32, #tpu.memory_space<hbm>>
    %dma_wait3A_1352 = tpu.memref_squeeze %dma_wait3A_1351 : memref<1x8x32x32xf32, #tpu.memory_space<hbm>> -> memref<8x32x32xf32, #tpu.memory_space<hbm>>
    tpu.wait_dma2 semaphore(%arg23 : memref<!tpu.dma_semaphore, #tpu.memory_space<semaphore_mem>>) src(%dma_wait3A_1352 : memref<8x32x32xf32, #tpu.memory_space<hbm>>) dst(%dma_wait3A_1347 : memref<8x32x32xf32, #tpu.memory_space<vmem>>)
    %dma_wait3A_1353 = arith.constant 0 : i32
    %dma_wait3A_1354 = arith.constant 5 : i32
    %dma_wait3A_1355 = arith.constant 0 : i32
    %dma_wait3A_1356 = arith.constant 0 : i32
    %dma_wait3A_1357 = arith.constant 0 : i32
    %dma_wait3A_1358 = tpu.memref_slice %arg7[%dma_wait3A_1354, %dma_wait3A_1355, %dma_wait3A_1356, %dma_wait3A_1357] : memref<14x8x32x32xf32, #tpu.memory_space<vmem>> -> memref<1x8x32x32xf32, #tpu.memory_space<vmem>>
    %dma_wait3A_1359 = tpu.memref_squeeze %dma_wait3A_1358 : memref<1x8x32x32xf32, #tpu.memory_space<vmem>> -> memref<8x32x32xf32, #tpu.memory_space<vmem>>
    %dma_wait3A_1360 = arith.constant 0 : i32
    %dma_wait3A_1361 = arith.constant 0 : i32
    %dma_wait3A_1362 = arith.constant 0 : i32
    %dma_wait3A_1363 = tpu.memref_slice %arg2[%dma_wait3A_1353, %dma_wait3A_1360, %dma_wait3A_1361, %dma_wait3A_1362] : memref<2x160x160x128xf32, #tpu.memory_space<hbm>> -> memref<1x8x32x32xf32, #tpu.memory_space<hbm>>
    %dma_wait3A_1364 = tpu.memref_squeeze %dma_wait3A_1363 : memref<1x8x32x32xf32, #tpu.memory_space<hbm>> -> memref<8x32x32xf32, #tpu.memory_space<hbm>>
    %dma_wait3A_1365 = arith.constant 0 : i32
    %dma_wait3A_1366 = arith.constant 0 : i32
    %dma_wait3A_1367 = arith.constant 0 : i32
    %dma_wait3A_1368 = tpu.memref_slice %arg7[%dma_wait3A_1354, %dma_wait3A_1365, %dma_wait3A_1366, %dma_wait3A_1367] : memref<14x8x32x32xf32, #tpu.memory_space<vmem>> -> memref<1x8x32x32xf32, #tpu.memory_space<vmem>>
    %dma_wait3A_1369 = tpu.memref_squeeze %dma_wait3A_1368 : memref<1x8x32x32xf32, #tpu.memory_space<vmem>> -> memref<8x32x32xf32, #tpu.memory_space<vmem>>
    %dma_wait3A_1370 = arith.constant 0 : i32
    %dma_wait3A_1371 = arith.constant 0 : i32
    %dma_wait3A_1372 = arith.constant 0 : i32
    %dma_wait3A_1373 = tpu.memref_slice %arg2[%dma_wait3A_1353, %dma_wait3A_1370, %dma_wait3A_1371, %dma_wait3A_1372] : memref<2x160x160x128xf32, #tpu.memory_space<hbm>> -> memref<1x8x32x32xf32, #tpu.memory_space<hbm>>
    %dma_wait3A_1374 = tpu.memref_squeeze %dma_wait3A_1373 : memref<1x8x32x32xf32, #tpu.memory_space<hbm>> -> memref<8x32x32xf32, #tpu.memory_space<hbm>>
    tpu.wait_dma2 semaphore(%arg23 : memref<!tpu.dma_semaphore, #tpu.memory_space<semaphore_mem>>) src(%dma_wait3A_1374 : memref<8x32x32xf32, #tpu.memory_space<hbm>>) dst(%dma_wait3A_1369 : memref<8x32x32xf32, #tpu.memory_space<vmem>>)
    %dma_wait3A_1375 = arith.constant 0 : i32
    %dma_wait3A_1376 = arith.constant 6 : i32
    %dma_wait3A_1377 = arith.constant 0 : i32
    %dma_wait3A_1378 = arith.constant 0 : i32
    %dma_wait3A_1379 = arith.constant 0 : i32
    %dma_wait3A_1380 = tpu.memref_slice %arg7[%dma_wait3A_1376, %dma_wait3A_1377, %dma_wait3A_1378, %dma_wait3A_1379] : memref<14x8x32x32xf32, #tpu.memory_space<vmem>> -> memref<1x8x32x32xf32, #tpu.memory_space<vmem>>
    %dma_wait3A_1381 = tpu.memref_squeeze %dma_wait3A_1380 : memref<1x8x32x32xf32, #tpu.memory_space<vmem>> -> memref<8x32x32xf32, #tpu.memory_space<vmem>>
    %dma_wait3A_1382 = arith.constant 0 : i32
    %dma_wait3A_1383 = arith.constant 0 : i32
    %dma_wait3A_1384 = arith.constant 0 : i32
    %dma_wait3A_1385 = tpu.memref_slice %arg2[%dma_wait3A_1375, %dma_wait3A_1382, %dma_wait3A_1383, %dma_wait3A_1384] : memref<2x160x160x128xf32, #tpu.memory_space<hbm>> -> memref<1x8x32x32xf32, #tpu.memory_space<hbm>>
    %dma_wait3A_1386 = tpu.memref_squeeze %dma_wait3A_1385 : memref<1x8x32x32xf32, #tpu.memory_space<hbm>> -> memref<8x32x32xf32, #tpu.memory_space<hbm>>
    %dma_wait3A_1387 = arith.constant 0 : i32
    %dma_wait3A_1388 = arith.constant 0 : i32
    %dma_wait3A_1389 = arith.constant 0 : i32
    %dma_wait3A_1390 = tpu.memref_slice %arg7[%dma_wait3A_1376, %dma_wait3A_1387, %dma_wait3A_1388, %dma_wait3A_1389] : memref<14x8x32x32xf32, #tpu.memory_space<vmem>> -> memref<1x8x32x32xf32, #tpu.memory_space<vmem>>
    %dma_wait3A_1391 = tpu.memref_squeeze %dma_wait3A_1390 : memref<1x8x32x32xf32, #tpu.memory_space<vmem>> -> memref<8x32x32xf32, #tpu.memory_space<vmem>>
    %dma_wait3A_1392 = arith.constant 0 : i32
    %dma_wait3A_1393 = arith.constant 0 : i32
    %dma_wait3A_1394 = arith.constant 0 : i32
    %dma_wait3A_1395 = tpu.memref_slice %arg2[%dma_wait3A_1375, %dma_wait3A_1392, %dma_wait3A_1393, %dma_wait3A_1394] : memref<2x160x160x128xf32, #tpu.memory_space<hbm>> -> memref<1x8x32x32xf32, #tpu.memory_space<hbm>>
    %dma_wait3A_1396 = tpu.memref_squeeze %dma_wait3A_1395 : memref<1x8x32x32xf32, #tpu.memory_space<hbm>> -> memref<8x32x32xf32, #tpu.memory_space<hbm>>
    tpu.wait_dma2 semaphore(%arg23 : memref<!tpu.dma_semaphore, #tpu.memory_space<semaphore_mem>>) src(%dma_wait3A_1396 : memref<8x32x32xf32, #tpu.memory_space<hbm>>) dst(%dma_wait3A_1391 : memref<8x32x32xf32, #tpu.memory_space<vmem>>)
    %dma_wait3A_1397 = arith.constant 0 : i32
    %dma_wait3A_1398 = arith.constant 7 : i32
    %dma_wait3A_1399 = arith.constant 0 : i32
    %dma_wait3A_1400 = arith.constant 0 : i32
    %dma_wait3A_1401 = arith.constant 0 : i32
    %dma_wait3A_1402 = tpu.memref_slice %arg7[%dma_wait3A_1398, %dma_wait3A_1399, %dma_wait3A_1400, %dma_wait3A_1401] : memref<14x8x32x32xf32, #tpu.memory_space<vmem>> -> memref<1x8x32x32xf32, #tpu.memory_space<vmem>>
    %dma_wait3A_1403 = tpu.memref_squeeze %dma_wait3A_1402 : memref<1x8x32x32xf32, #tpu.memory_space<vmem>> -> memref<8x32x32xf32, #tpu.memory_space<vmem>>
    %dma_wait3A_1404 = arith.constant 0 : i32
    %dma_wait3A_1405 = arith.constant 0 : i32
    %dma_wait3A_1406 = arith.constant 0 : i32
    %dma_wait3A_1407 = tpu.memref_slice %arg2[%dma_wait3A_1397, %dma_wait3A_1404, %dma_wait3A_1405, %dma_wait3A_1406] : memref<2x160x160x128xf32, #tpu.memory_space<hbm>> -> memref<1x8x32x32xf32, #tpu.memory_space<hbm>>
    %dma_wait3A_1408 = tpu.memref_squeeze %dma_wait3A_1407 : memref<1x8x32x32xf32, #tpu.memory_space<hbm>> -> memref<8x32x32xf32, #tpu.memory_space<hbm>>
    %dma_wait3A_1409 = arith.constant 0 : i32
    %dma_wait3A_1410 = arith.constant 0 : i32
    %dma_wait3A_1411 = arith.constant 0 : i32
    %dma_wait3A_1412 = tpu.memref_slice %arg7[%dma_wait3A_1398, %dma_wait3A_1409, %dma_wait3A_1410, %dma_wait3A_1411] : memref<14x8x32x32xf32, #tpu.memory_space<vmem>> -> memref<1x8x32x32xf32, #tpu.memory_space<vmem>>
    %dma_wait3A_1413 = tpu.memref_squeeze %dma_wait3A_1412 : memref<1x8x32x32xf32, #tpu.memory_space<vmem>> -> memref<8x32x32xf32, #tpu.memory_space<vmem>>
    %dma_wait3A_1414 = arith.constant 0 : i32
    %dma_wait3A_1415 = arith.constant 0 : i32
    %dma_wait3A_1416 = arith.constant 0 : i32
    %dma_wait3A_1417 = tpu.memref_slice %arg2[%dma_wait3A_1397, %dma_wait3A_1414, %dma_wait3A_1415, %dma_wait3A_1416] : memref<2x160x160x128xf32, #tpu.memory_space<hbm>> -> memref<1x8x32x32xf32, #tpu.memory_space<hbm>>
    %dma_wait3A_1418 = tpu.memref_squeeze %dma_wait3A_1417 : memref<1x8x32x32xf32, #tpu.memory_space<hbm>> -> memref<8x32x32xf32, #tpu.memory_space<hbm>>
    tpu.wait_dma2 semaphore(%arg23 : memref<!tpu.dma_semaphore, #tpu.memory_space<semaphore_mem>>) src(%dma_wait3A_1418 : memref<8x32x32xf32, #tpu.memory_space<hbm>>) dst(%dma_wait3A_1413 : memref<8x32x32xf32, #tpu.memory_space<vmem>>)
    %dma_wait3A_1419 = arith.constant 0 : i32
    %dma_wait3A_1420 = arith.constant 8 : i32
    %dma_wait3A_1421 = arith.constant 0 : i32
    %dma_wait3A_1422 = arith.constant 0 : i32
    %dma_wait3A_1423 = arith.constant 0 : i32
    %dma_wait3A_1424 = tpu.memref_slice %arg7[%dma_wait3A_1420, %dma_wait3A_1421, %dma_wait3A_1422, %dma_wait3A_1423] : memref<14x8x32x32xf32, #tpu.memory_space<vmem>> -> memref<1x8x32x32xf32, #tpu.memory_space<vmem>>
    %dma_wait3A_1425 = tpu.memref_squeeze %dma_wait3A_1424 : memref<1x8x32x32xf32, #tpu.memory_space<vmem>> -> memref<8x32x32xf32, #tpu.memory_space<vmem>>
    %dma_wait3A_1426 = arith.constant 0 : i32
    %dma_wait3A_1427 = arith.constant 0 : i32
    %dma_wait3A_1428 = arith.constant 0 : i32
    %dma_wait3A_1429 = tpu.memref_slice %arg2[%dma_wait3A_1419, %dma_wait3A_1426, %dma_wait3A_1427, %dma_wait3A_1428] : memref<2x160x160x128xf32, #tpu.memory_space<hbm>> -> memref<1x8x32x32xf32, #tpu.memory_space<hbm>>
    %dma_wait3A_1430 = tpu.memref_squeeze %dma_wait3A_1429 : memref<1x8x32x32xf32, #tpu.memory_space<hbm>> -> memref<8x32x32xf32, #tpu.memory_space<hbm>>
    %dma_wait3A_1431 = arith.constant 0 : i32
    %dma_wait3A_1432 = arith.constant 0 : i32
    %dma_wait3A_1433 = arith.constant 0 : i32
    %dma_wait3A_1434 = tpu.memref_slice %arg7[%dma_wait3A_1420, %dma_wait3A_1431, %dma_wait3A_1432, %dma_wait3A_1433] : memref<14x8x32x32xf32, #tpu.memory_space<vmem>> -> memref<1x8x32x32xf32, #tpu.memory_space<vmem>>
    %dma_wait3A_1435 = tpu.memref_squeeze %dma_wait3A_1434 : memref<1x8x32x32xf32, #tpu.memory_space<vmem>> -> memref<8x32x32xf32, #tpu.memory_space<vmem>>
    %dma_wait3A_1436 = arith.constant 0 : i32
    %dma_wait3A_1437 = arith.constant 0 : i32
    %dma_wait3A_1438 = arith.constant 0 : i32
    %dma_wait3A_1439 = tpu.memref_slice %arg2[%dma_wait3A_1419, %dma_wait3A_1436, %dma_wait3A_1437, %dma_wait3A_1438] : memref<2x160x160x128xf32, #tpu.memory_space<hbm>> -> memref<1x8x32x32xf32, #tpu.memory_space<hbm>>
    %dma_wait3A_1440 = tpu.memref_squeeze %dma_wait3A_1439 : memref<1x8x32x32xf32, #tpu.memory_space<hbm>> -> memref<8x32x32xf32, #tpu.memory_space<hbm>>
    tpu.wait_dma2 semaphore(%arg23 : memref<!tpu.dma_semaphore, #tpu.memory_space<semaphore_mem>>) src(%dma_wait3A_1440 : memref<8x32x32xf32, #tpu.memory_space<hbm>>) dst(%dma_wait3A_1435 : memref<8x32x32xf32, #tpu.memory_space<vmem>>)
    %dma_wait3A_1441 = arith.constant 0 : i32
    %dma_wait3A_1442 = arith.constant 9 : i32
    %dma_wait3A_1443 = arith.constant 0 : i32
    %dma_wait3A_1444 = arith.constant 0 : i32
    %dma_wait3A_1445 = arith.constant 0 : i32
    %dma_wait3A_1446 = tpu.memref_slice %arg7[%dma_wait3A_1442, %dma_wait3A_1443, %dma_wait3A_1444, %dma_wait3A_1445] : memref<14x8x32x32xf32, #tpu.memory_space<vmem>> -> memref<1x8x32x32xf32, #tpu.memory_space<vmem>>
    %dma_wait3A_1447 = tpu.memref_squeeze %dma_wait3A_1446 : memref<1x8x32x32xf32, #tpu.memory_space<vmem>> -> memref<8x32x32xf32, #tpu.memory_space<vmem>>
    %dma_wait3A_1448 = arith.constant 0 : i32
    %dma_wait3A_1449 = arith.constant 0 : i32
    %dma_wait3A_1450 = arith.constant 0 : i32
    %dma_wait3A_1451 = tpu.memref_slice %arg2[%dma_wait3A_1441, %dma_wait3A_1448, %dma_wait3A_1449, %dma_wait3A_1450] : memref<2x160x160x128xf32, #tpu.memory_space<hbm>> -> memref<1x8x32x32xf32, #tpu.memory_space<hbm>>
    %dma_wait3A_1452 = tpu.memref_squeeze %dma_wait3A_1451 : memref<1x8x32x32xf32, #tpu.memory_space<hbm>> -> memref<8x32x32xf32, #tpu.memory_space<hbm>>
    %dma_wait3A_1453 = arith.constant 0 : i32
    %dma_wait3A_1454 = arith.constant 0 : i32
    %dma_wait3A_1455 = arith.constant 0 : i32
    %dma_wait3A_1456 = tpu.memref_slice %arg7[%dma_wait3A_1442, %dma_wait3A_1453, %dma_wait3A_1454, %dma_wait3A_1455] : memref<14x8x32x32xf32, #tpu.memory_space<vmem>> -> memref<1x8x32x32xf32, #tpu.memory_space<vmem>>
    %dma_wait3A_1457 = tpu.memref_squeeze %dma_wait3A_1456 : memref<1x8x32x32xf32, #tpu.memory_space<vmem>> -> memref<8x32x32xf32, #tpu.memory_space<vmem>>
    %dma_wait3A_1458 = arith.constant 0 : i32
    %dma_wait3A_1459 = arith.constant 0 : i32
    %dma_wait3A_1460 = arith.constant 0 : i32
    %dma_wait3A_1461 = tpu.memref_slice %arg2[%dma_wait3A_1441, %dma_wait3A_1458, %dma_wait3A_1459, %dma_wait3A_1460] : memref<2x160x160x128xf32, #tpu.memory_space<hbm>> -> memref<1x8x32x32xf32, #tpu.memory_space<hbm>>
    %dma_wait3A_1462 = tpu.memref_squeeze %dma_wait3A_1461 : memref<1x8x32x32xf32, #tpu.memory_space<hbm>> -> memref<8x32x32xf32, #tpu.memory_space<hbm>>
    tpu.wait_dma2 semaphore(%arg23 : memref<!tpu.dma_semaphore, #tpu.memory_space<semaphore_mem>>) src(%dma_wait3A_1462 : memref<8x32x32xf32, #tpu.memory_space<hbm>>) dst(%dma_wait3A_1457 : memref<8x32x32xf32, #tpu.memory_space<vmem>>)
    %dma_wait3A_1463 = arith.constant 0 : i32
    %dma_wait3A_1464 = arith.constant 10 : i32
    %dma_wait3A_1465 = arith.constant 0 : i32
    %dma_wait3A_1466 = arith.constant 0 : i32
    %dma_wait3A_1467 = arith.constant 0 : i32
    %dma_wait3A_1468 = tpu.memref_slice %arg7[%dma_wait3A_1464, %dma_wait3A_1465, %dma_wait3A_1466, %dma_wait3A_1467] : memref<14x8x32x32xf32, #tpu.memory_space<vmem>> -> memref<1x8x32x32xf32, #tpu.memory_space<vmem>>
    %dma_wait3A_1469 = tpu.memref_squeeze %dma_wait3A_1468 : memref<1x8x32x32xf32, #tpu.memory_space<vmem>> -> memref<8x32x32xf32, #tpu.memory_space<vmem>>
    %dma_wait3A_1470 = arith.constant 0 : i32
    %dma_wait3A_1471 = arith.constant 0 : i32
    %dma_wait3A_1472 = arith.constant 0 : i32
    %dma_wait3A_1473 = tpu.memref_slice %arg2[%dma_wait3A_1463, %dma_wait3A_1470, %dma_wait3A_1471, %dma_wait3A_1472] : memref<2x160x160x128xf32, #tpu.memory_space<hbm>> -> memref<1x8x32x32xf32, #tpu.memory_space<hbm>>
    %dma_wait3A_1474 = tpu.memref_squeeze %dma_wait3A_1473 : memref<1x8x32x32xf32, #tpu.memory_space<hbm>> -> memref<8x32x32xf32, #tpu.memory_space<hbm>>
    %dma_wait3A_1475 = arith.constant 0 : i32
    %dma_wait3A_1476 = arith.constant 0 : i32
    %dma_wait3A_1477 = arith.constant 0 : i32
    %dma_wait3A_1478 = tpu.memref_slice %arg7[%dma_wait3A_1464, %dma_wait3A_1475, %dma_wait3A_1476, %dma_wait3A_1477] : memref<14x8x32x32xf32, #tpu.memory_space<vmem>> -> memref<1x8x32x32xf32, #tpu.memory_space<vmem>>
    %dma_wait3A_1479 = tpu.memref_squeeze %dma_wait3A_1478 : memref<1x8x32x32xf32, #tpu.memory_space<vmem>> -> memref<8x32x32xf32, #tpu.memory_space<vmem>>
    %dma_wait3A_1480 = arith.constant 0 : i32
    %dma_wait3A_1481 = arith.constant 0 : i32
    %dma_wait3A_1482 = arith.constant 0 : i32
    %dma_wait3A_1483 = tpu.memref_slice %arg2[%dma_wait3A_1463, %dma_wait3A_1480, %dma_wait3A_1481, %dma_wait3A_1482] : memref<2x160x160x128xf32, #tpu.memory_space<hbm>> -> memref<1x8x32x32xf32, #tpu.memory_space<hbm>>
    %dma_wait3A_1484 = tpu.memref_squeeze %dma_wait3A_1483 : memref<1x8x32x32xf32, #tpu.memory_space<hbm>> -> memref<8x32x32xf32, #tpu.memory_space<hbm>>
    tpu.wait_dma2 semaphore(%arg23 : memref<!tpu.dma_semaphore, #tpu.memory_space<semaphore_mem>>) src(%dma_wait3A_1484 : memref<8x32x32xf32, #tpu.memory_space<hbm>>) dst(%dma_wait3A_1479 : memref<8x32x32xf32, #tpu.memory_space<vmem>>)
    %dma_wait3A_1485 = arith.constant 0 : i32
    %dma_wait3A_1486 = arith.constant 11 : i32
    %dma_wait3A_1487 = arith.constant 0 : i32
    %dma_wait3A_1488 = arith.constant 0 : i32
    %dma_wait3A_1489 = arith.constant 0 : i32
    %dma_wait3A_1490 = tpu.memref_slice %arg7[%dma_wait3A_1486, %dma_wait3A_1487, %dma_wait3A_1488, %dma_wait3A_1489] : memref<14x8x32x32xf32, #tpu.memory_space<vmem>> -> memref<1x8x32x32xf32, #tpu.memory_space<vmem>>
    %dma_wait3A_1491 = tpu.memref_squeeze %dma_wait3A_1490 : memref<1x8x32x32xf32, #tpu.memory_space<vmem>> -> memref<8x32x32xf32, #tpu.memory_space<vmem>>
    %dma_wait3A_1492 = arith.constant 0 : i32
    %dma_wait3A_1493 = arith.constant 0 : i32
    %dma_wait3A_1494 = arith.constant 0 : i32
    %dma_wait3A_1495 = tpu.memref_slice %arg2[%dma_wait3A_1485, %dma_wait3A_1492, %dma_wait3A_1493, %dma_wait3A_1494] : memref<2x160x160x128xf32, #tpu.memory_space<hbm>> -> memref<1x8x32x32xf32, #tpu.memory_space<hbm>>
    %dma_wait3A_1496 = tpu.memref_squeeze %dma_wait3A_1495 : memref<1x8x32x32xf32, #tpu.memory_space<hbm>> -> memref<8x32x32xf32, #tpu.memory_space<hbm>>
    %dma_wait3A_1497 = arith.constant 0 : i32
    %dma_wait3A_1498 = arith.constant 0 : i32
    %dma_wait3A_1499 = arith.constant 0 : i32
    %dma_wait3A_1500 = tpu.memref_slice %arg7[%dma_wait3A_1486, %dma_wait3A_1497, %dma_wait3A_1498, %dma_wait3A_1499] : memref<14x8x32x32xf32, #tpu.memory_space<vmem>> -> memref<1x8x32x32xf32, #tpu.memory_space<vmem>>
    %dma_wait3A_1501 = tpu.memref_squeeze %dma_wait3A_1500 : memref<1x8x32x32xf32, #tpu.memory_space<vmem>> -> memref<8x32x32xf32, #tpu.memory_space<vmem>>
    %dma_wait3A_1502 = arith.constant 0 : i32
    %dma_wait3A_1503 = arith.constant 0 : i32
    %dma_wait3A_1504 = arith.constant 0 : i32
    %dma_wait3A_1505 = tpu.memref_slice %arg2[%dma_wait3A_1485, %dma_wait3A_1502, %dma_wait3A_1503, %dma_wait3A_1504] : memref<2x160x160x128xf32, #tpu.memory_space<hbm>> -> memref<1x8x32x32xf32, #tpu.memory_space<hbm>>
    %dma_wait3A_1506 = tpu.memref_squeeze %dma_wait3A_1505 : memref<1x8x32x32xf32, #tpu.memory_space<hbm>> -> memref<8x32x32xf32, #tpu.memory_space<hbm>>
    tpu.wait_dma2 semaphore(%arg23 : memref<!tpu.dma_semaphore, #tpu.memory_space<semaphore_mem>>) src(%dma_wait3A_1506 : memref<8x32x32xf32, #tpu.memory_space<hbm>>) dst(%dma_wait3A_1501 : memref<8x32x32xf32, #tpu.memory_space<vmem>>)
    %dma_wait3A_1507 = arith.constant 0 : i32
    %dma_wait3A_1508 = arith.constant 12 : i32
    %dma_wait3A_1509 = arith.constant 0 : i32
    %dma_wait3A_1510 = arith.constant 0 : i32
    %dma_wait3A_1511 = arith.constant 0 : i32
    %dma_wait3A_1512 = tpu.memref_slice %arg7[%dma_wait3A_1508, %dma_wait3A_1509, %dma_wait3A_1510, %dma_wait3A_1511] : memref<14x8x32x32xf32, #tpu.memory_space<vmem>> -> memref<1x8x32x32xf32, #tpu.memory_space<vmem>>
    %dma_wait3A_1513 = tpu.memref_squeeze %dma_wait3A_1512 : memref<1x8x32x32xf32, #tpu.memory_space<vmem>> -> memref<8x32x32xf32, #tpu.memory_space<vmem>>
    %dma_wait3A_1514 = arith.constant 0 : i32
    %dma_wait3A_1515 = arith.constant 0 : i32
    %dma_wait3A_1516 = arith.constant 0 : i32
    %dma_wait3A_1517 = tpu.memref_slice %arg2[%dma_wait3A_1507, %dma_wait3A_1514, %dma_wait3A_1515, %dma_wait3A_1516] : memref<2x160x160x128xf32, #tpu.memory_space<hbm>> -> memref<1x8x32x32xf32, #tpu.memory_space<hbm>>
    %dma_wait3A_1518 = tpu.memref_squeeze %dma_wait3A_1517 : memref<1x8x32x32xf32, #tpu.memory_space<hbm>> -> memref<8x32x32xf32, #tpu.memory_space<hbm>>
    %dma_wait3A_1519 = arith.constant 0 : i32
    %dma_wait3A_1520 = arith.constant 0 : i32
    %dma_wait3A_1521 = arith.constant 0 : i32
    %dma_wait3A_1522 = tpu.memref_slice %arg7[%dma_wait3A_1508, %dma_wait3A_1519, %dma_wait3A_1520, %dma_wait3A_1521] : memref<14x8x32x32xf32, #tpu.memory_space<vmem>> -> memref<1x8x32x32xf32, #tpu.memory_space<vmem>>
    %dma_wait3A_1523 = tpu.memref_squeeze %dma_wait3A_1522 : memref<1x8x32x32xf32, #tpu.memory_space<vmem>> -> memref<8x32x32xf32, #tpu.memory_space<vmem>>
    %dma_wait3A_1524 = arith.constant 0 : i32
    %dma_wait3A_1525 = arith.constant 0 : i32
    %dma_wait3A_1526 = arith.constant 0 : i32
    %dma_wait3A_1527 = tpu.memref_slice %arg2[%dma_wait3A_1507, %dma_wait3A_1524, %dma_wait3A_1525, %dma_wait3A_1526] : memref<2x160x160x128xf32, #tpu.memory_space<hbm>> -> memref<1x8x32x32xf32, #tpu.memory_space<hbm>>
    %dma_wait3A_1528 = tpu.memref_squeeze %dma_wait3A_1527 : memref<1x8x32x32xf32, #tpu.memory_space<hbm>> -> memref<8x32x32xf32, #tpu.memory_space<hbm>>
    tpu.wait_dma2 semaphore(%arg23 : memref<!tpu.dma_semaphore, #tpu.memory_space<semaphore_mem>>) src(%dma_wait3A_1528 : memref<8x32x32xf32, #tpu.memory_space<hbm>>) dst(%dma_wait3A_1523 : memref<8x32x32xf32, #tpu.memory_space<vmem>>)
    %dma_wait3A_1529 = arith.constant 0 : i32
    %dma_wait3A_1530 = arith.constant 13 : i32
    %dma_wait3A_1531 = arith.constant 0 : i32
    %dma_wait3A_1532 = arith.constant 0 : i32
    %dma_wait3A_1533 = arith.constant 0 : i32
    %dma_wait3A_1534 = tpu.memref_slice %arg7[%dma_wait3A_1530, %dma_wait3A_1531, %dma_wait3A_1532, %dma_wait3A_1533] : memref<14x8x32x32xf32, #tpu.memory_space<vmem>> -> memref<1x8x32x32xf32, #tpu.memory_space<vmem>>
    %dma_wait3A_1535 = tpu.memref_squeeze %dma_wait3A_1534 : memref<1x8x32x32xf32, #tpu.memory_space<vmem>> -> memref<8x32x32xf32, #tpu.memory_space<vmem>>
    %dma_wait3A_1536 = arith.constant 0 : i32
    %dma_wait3A_1537 = arith.constant 0 : i32
    %dma_wait3A_1538 = arith.constant 0 : i32
    %dma_wait3A_1539 = tpu.memref_slice %arg2[%dma_wait3A_1529, %dma_wait3A_1536, %dma_wait3A_1537, %dma_wait3A_1538] : memref<2x160x160x128xf32, #tpu.memory_space<hbm>> -> memref<1x8x32x32xf32, #tpu.memory_space<hbm>>
    %dma_wait3A_1540 = tpu.memref_squeeze %dma_wait3A_1539 : memref<1x8x32x32xf32, #tpu.memory_space<hbm>> -> memref<8x32x32xf32, #tpu.memory_space<hbm>>
    %dma_wait3A_1541 = arith.constant 0 : i32
    %dma_wait3A_1542 = arith.constant 0 : i32
    %dma_wait3A_1543 = arith.constant 0 : i32
    %dma_wait3A_1544 = tpu.memref_slice %arg7[%dma_wait3A_1530, %dma_wait3A_1541, %dma_wait3A_1542, %dma_wait3A_1543] : memref<14x8x32x32xf32, #tpu.memory_space<vmem>> -> memref<1x8x32x32xf32, #tpu.memory_space<vmem>>
    %dma_wait3A_1545 = tpu.memref_squeeze %dma_wait3A_1544 : memref<1x8x32x32xf32, #tpu.memory_space<vmem>> -> memref<8x32x32xf32, #tpu.memory_space<vmem>>
    %dma_wait3A_1546 = arith.constant 0 : i32
    %dma_wait3A_1547 = arith.constant 0 : i32
    %dma_wait3A_1548 = arith.constant 0 : i32
    %dma_wait3A_1549 = tpu.memref_slice %arg2[%dma_wait3A_1529, %dma_wait3A_1546, %dma_wait3A_1547, %dma_wait3A_1548] : memref<2x160x160x128xf32, #tpu.memory_space<hbm>> -> memref<1x8x32x32xf32, #tpu.memory_space<hbm>>
    %dma_wait3A_1550 = tpu.memref_squeeze %dma_wait3A_1549 : memref<1x8x32x32xf32, #tpu.memory_space<hbm>> -> memref<8x32x32xf32, #tpu.memory_space<hbm>>
    tpu.wait_dma2 semaphore(%arg23 : memref<!tpu.dma_semaphore, #tpu.memory_space<semaphore_mem>>) src(%dma_wait3A_1550 : memref<8x32x32xf32, #tpu.memory_space<hbm>>) dst(%dma_wait3A_1545 : memref<8x32x32xf32, #tpu.memory_space<vmem>>)
    %dma_wait3A_1551 = arith.constant 0 : i32
    %dma_wait3A_1552 = arith.constant 0 : i32
    %dma_wait3A_1553 = arith.constant 0 : i32
    %dma_wait3A_1554 = arith.constant 0 : i32
    %dma_wait3A_1555 = tpu.memref_slice %arg2[%dma_wait3A_1551, %dma_wait3A_1552, %dma_wait3A_1553, %dma_wait3A_1554] : memref<2x160x160x128xf32, #tpu.memory_space<hbm>> -> memref<1x8x32x32xf32, #tpu.memory_space<hbm>>
    %dma_wait3A_1556 = tpu.memref_squeeze %dma_wait3A_1555 : memref<1x8x32x32xf32, #tpu.memory_space<hbm>> -> memref<8x32x32xf32, #tpu.memory_space<hbm>>
    %dma_wait3A_1557 = arith.constant 0 : i32
    %dma_wait3A_1558 = arith.constant 0 : i32
    %dma_wait3A_1559 = arith.constant 0 : i32
    %dma_wait3A_1560 = tpu.memref_slice %arg2[%dma_wait3A_1551, %dma_wait3A_1557, %dma_wait3A_1558, %dma_wait3A_1559] : memref<2x160x160x128xf32, #tpu.memory_space<hbm>> -> memref<1x8x32x32xf32, #tpu.memory_space<hbm>>
    %dma_wait3A_1561 = tpu.memref_squeeze %dma_wait3A_1560 : memref<1x8x32x32xf32, #tpu.memory_space<hbm>> -> memref<8x32x32xf32, #tpu.memory_space<hbm>>
    tpu.wait_dma2 semaphore(%arg24 : memref<!tpu.dma_semaphore, #tpu.memory_space<semaphore_mem>>) src(%dma_wait3A_1561 : memref<8x32x32xf32, #tpu.memory_space<hbm>>) dst(%arg8 : memref<8x32x32xf32, #tpu.memory_space<vmem>>)
    %dma_wait3A_1562 = arith.constant 0 : i32
    %dma_wait3A_1563 = arith.constant 0 : i32
    %dma_wait3A_1564 = arith.constant 0 : i32
    %dma_wait3A_1565 = arith.constant 0 : i32
    %dma_wait3A_1566 = tpu.memref_slice %arg2[%dma_wait3A_1562, %dma_wait3A_1563, %dma_wait3A_1564, %dma_wait3A_1565] : memref<2x160x160x128xf32, #tpu.memory_space<hbm>> -> memref<1x8x32x32xf32, #tpu.memory_space<hbm>>
    %dma_wait3A_1567 = tpu.memref_squeeze %dma_wait3A_1566 : memref<1x8x32x32xf32, #tpu.memory_space<hbm>> -> memref<8x32x32xf32, #tpu.memory_space<hbm>>
    %dma_wait3A_1568 = arith.constant 0 : i32
    %dma_wait3A_1569 = arith.constant 0 : i32
    %dma_wait3A_1570 = arith.constant 0 : i32
    %dma_wait3A_1571 = tpu.memref_slice %arg2[%dma_wait3A_1562, %dma_wait3A_1568, %dma_wait3A_1569, %dma_wait3A_1570] : memref<2x160x160x128xf32, #tpu.memory_space<hbm>> -> memref<1x8x32x32xf32, #tpu.memory_space<hbm>>
    %dma_wait3A_1572 = tpu.memref_squeeze %dma_wait3A_1571 : memref<1x8x32x32xf32, #tpu.memory_space<hbm>> -> memref<8x32x32xf32, #tpu.memory_space<hbm>>
    tpu.wait_dma2 semaphore(%arg24 : memref<!tpu.dma_semaphore, #tpu.memory_space<semaphore_mem>>) src(%dma_wait3A_1572 : memref<8x32x32xf32, #tpu.memory_space<hbm>>) dst(%arg8 : memref<8x32x32xf32, #tpu.memory_space<vmem>>)
    %dma_wait3A_1573 = arith.constant 0 : i32
    %dma_wait3A_1574 = arith.constant 0 : i32
    %dma_wait3A_1575 = arith.constant 0 : i32
    %dma_wait3A_1576 = arith.constant 0 : i32
    %dma_wait3A_1577 = tpu.memref_slice %arg2[%dma_wait3A_1573, %dma_wait3A_1574, %dma_wait3A_1575, %dma_wait3A_1576] : memref<2x160x160x128xf32, #tpu.memory_space<hbm>> -> memref<1x8x32x32xf32, #tpu.memory_space<hbm>>
    %dma_wait3A_1578 = tpu.memref_squeeze %dma_wait3A_1577 : memref<1x8x32x32xf32, #tpu.memory_space<hbm>> -> memref<8x32x32xf32, #tpu.memory_space<hbm>>
    %dma_wait3A_1579 = arith.constant 0 : i32
    %dma_wait3A_1580 = arith.constant 0 : i32
    %dma_wait3A_1581 = arith.constant 0 : i32
    %dma_wait3A_1582 = tpu.memref_slice %arg2[%dma_wait3A_1573, %dma_wait3A_1579, %dma_wait3A_1580, %dma_wait3A_1581] : memref<2x160x160x128xf32, #tpu.memory_space<hbm>> -> memref<1x8x32x32xf32, #tpu.memory_space<hbm>>
    %dma_wait3A_1583 = tpu.memref_squeeze %dma_wait3A_1582 : memref<1x8x32x32xf32, #tpu.memory_space<hbm>> -> memref<8x32x32xf32, #tpu.memory_space<hbm>>
    tpu.wait_dma2 semaphore(%arg24 : memref<!tpu.dma_semaphore, #tpu.memory_space<semaphore_mem>>) src(%dma_wait3A_1583 : memref<8x32x32xf32, #tpu.memory_space<hbm>>) dst(%arg8 : memref<8x32x32xf32, #tpu.memory_space<vmem>>)
    %dma_wait3A_1584 = arith.constant 0 : i32
    %dma_wait3A_1585 = arith.constant 0 : i32
    %dma_wait3A_1586 = arith.constant 0 : i32
    %dma_wait3A_1587 = arith.constant 0 : i32
    %dma_wait3A_1588 = tpu.memref_slice %arg2[%dma_wait3A_1584, %dma_wait3A_1585, %dma_wait3A_1586, %dma_wait3A_1587] : memref<2x160x160x128xf32, #tpu.memory_space<hbm>> -> memref<1x8x32x32xf32, #tpu.memory_space<hbm>>
    %dma_wait3A_1589 = tpu.memref_squeeze %dma_wait3A_1588 : memref<1x8x32x32xf32, #tpu.memory_space<hbm>> -> memref<8x32x32xf32, #tpu.memory_space<hbm>>
    %dma_wait3A_1590 = arith.constant 0 : i32
    %dma_wait3A_1591 = arith.constant 0 : i32
    %dma_wait3A_1592 = arith.constant 0 : i32
    %dma_wait3A_1593 = tpu.memref_slice %arg2[%dma_wait3A_1584, %dma_wait3A_1590, %dma_wait3A_1591, %dma_wait3A_1592] : memref<2x160x160x128xf32, #tpu.memory_space<hbm>> -> memref<1x8x32x32xf32, #tpu.memory_space<hbm>>
    %dma_wait3A_1594 = tpu.memref_squeeze %dma_wait3A_1593 : memref<1x8x32x32xf32, #tpu.memory_space<hbm>> -> memref<8x32x32xf32, #tpu.memory_space<hbm>>
    tpu.wait_dma2 semaphore(%arg24 : memref<!tpu.dma_semaphore, #tpu.memory_space<semaphore_mem>>) src(%dma_wait3A_1594 : memref<8x32x32xf32, #tpu.memory_space<hbm>>) dst(%arg8 : memref<8x32x32xf32, #tpu.memory_space<vmem>>)
    %dma_wait3A_1595 = arith.constant 0 : i32
    %dma_wait3A_1596 = arith.constant 0 : i32
    %dma_wait3A_1597 = arith.constant 0 : i32
    %dma_wait3A_1598 = arith.constant 0 : i32
    %dma_wait3A_1599 = tpu.memref_slice %arg2[%dma_wait3A_1595, %dma_wait3A_1596, %dma_wait3A_1597, %dma_wait3A_1598] : memref<2x160x160x128xf32, #tpu.memory_space<hbm>> -> memref<1x8x32x32xf32, #tpu.memory_space<hbm>>
    %dma_wait3A_1600 = tpu.memref_squeeze %dma_wait3A_1599 : memref<1x8x32x32xf32, #tpu.memory_space<hbm>> -> memref<8x32x32xf32, #tpu.memory_space<hbm>>
    %dma_wait3A_1601 = arith.constant 0 : i32
    %dma_wait3A_1602 = arith.constant 0 : i32
    %dma_wait3A_1603 = arith.constant 0 : i32
    %dma_wait3A_1604 = tpu.memref_slice %arg2[%dma_wait3A_1595, %dma_wait3A_1601, %dma_wait3A_1602, %dma_wait3A_1603] : memref<2x160x160x128xf32, #tpu.memory_space<hbm>> -> memref<1x8x32x32xf32, #tpu.memory_space<hbm>>
    %dma_wait3A_1605 = tpu.memref_squeeze %dma_wait3A_1604 : memref<1x8x32x32xf32, #tpu.memory_space<hbm>> -> memref<8x32x32xf32, #tpu.memory_space<hbm>>
    tpu.wait_dma2 semaphore(%arg24 : memref<!tpu.dma_semaphore, #tpu.memory_space<semaphore_mem>>) src(%dma_wait3A_1605 : memref<8x32x32xf32, #tpu.memory_space<hbm>>) dst(%arg8 : memref<8x32x32xf32, #tpu.memory_space<vmem>>)
    %dma_wait3A_1606 = arith.constant 0 : i32
    %dma_wait3A_1607 = arith.constant 0 : i32
    %dma_wait3A_1608 = arith.constant 0 : i32
    %dma_wait3A_1609 = arith.constant 0 : i32
    %dma_wait3A_1610 = tpu.memref_slice %arg2[%dma_wait3A_1606, %dma_wait3A_1607, %dma_wait3A_1608, %dma_wait3A_1609] : memref<2x160x160x128xf32, #tpu.memory_space<hbm>> -> memref<1x8x32x32xf32, #tpu.memory_space<hbm>>
    %dma_wait3A_1611 = tpu.memref_squeeze %dma_wait3A_1610 : memref<1x8x32x32xf32, #tpu.memory_space<hbm>> -> memref<8x32x32xf32, #tpu.memory_space<hbm>>
    %dma_wait3A_1612 = arith.constant 0 : i32
    %dma_wait3A_1613 = arith.constant 0 : i32
    %dma_wait3A_1614 = arith.constant 0 : i32
    %dma_wait3A_1615 = tpu.memref_slice %arg2[%dma_wait3A_1606, %dma_wait3A_1612, %dma_wait3A_1613, %dma_wait3A_1614] : memref<2x160x160x128xf32, #tpu.memory_space<hbm>> -> memref<1x8x32x32xf32, #tpu.memory_space<hbm>>
    %dma_wait3A_1616 = tpu.memref_squeeze %dma_wait3A_1615 : memref<1x8x32x32xf32, #tpu.memory_space<hbm>> -> memref<8x32x32xf32, #tpu.memory_space<hbm>>
    tpu.wait_dma2 semaphore(%arg24 : memref<!tpu.dma_semaphore, #tpu.memory_space<semaphore_mem>>) src(%dma_wait3A_1616 : memref<8x32x32xf32, #tpu.memory_space<hbm>>) dst(%arg8 : memref<8x32x32xf32, #tpu.memory_space<vmem>>)
    %dma_wait3A_1617 = arith.constant 0 : i32
    %dma_wait3A_1618 = arith.constant 0 : i32
    %dma_wait3A_1619 = arith.constant 0 : i32
    %dma_wait3A_1620 = arith.constant 0 : i32
    %dma_wait3A_1621 = tpu.memref_slice %arg2[%dma_wait3A_1617, %dma_wait3A_1618, %dma_wait3A_1619, %dma_wait3A_1620] : memref<2x160x160x128xf32, #tpu.memory_space<hbm>> -> memref<1x8x32x32xf32, #tpu.memory_space<hbm>>
    %dma_wait3A_1622 = tpu.memref_squeeze %dma_wait3A_1621 : memref<1x8x32x32xf32, #tpu.memory_space<hbm>> -> memref<8x32x32xf32, #tpu.memory_space<hbm>>
    %dma_wait3A_1623 = arith.constant 0 : i32
    %dma_wait3A_1624 = arith.constant 0 : i32
    %dma_wait3A_1625 = arith.constant 0 : i32
    %dma_wait3A_1626 = tpu.memref_slice %arg2[%dma_wait3A_1617, %dma_wait3A_1623, %dma_wait3A_1624, %dma_wait3A_1625] : memref<2x160x160x128xf32, #tpu.memory_space<hbm>> -> memref<1x8x32x32xf32, #tpu.memory_space<hbm>>
    %dma_wait3A_1627 = tpu.memref_squeeze %dma_wait3A_1626 : memref<1x8x32x32xf32, #tpu.memory_space<hbm>> -> memref<8x32x32xf32, #tpu.memory_space<hbm>>
    tpu.wait_dma2 semaphore(%arg24 : memref<!tpu.dma_semaphore, #tpu.memory_space<semaphore_mem>>) src(%dma_wait3A_1627 : memref<8x32x32xf32, #tpu.memory_space<hbm>>) dst(%arg8 : memref<8x32x32xf32, #tpu.memory_space<vmem>>)
    %dma_wait3A_1628 = arith.constant 0 : i32
    %dma_wait3A_1629 = arith.constant 0 : i32
    %dma_wait3A_1630 = arith.constant 0 : i32
    %dma_wait3A_1631 = arith.constant 0 : i32
    %dma_wait3A_1632 = tpu.memref_slice %arg2[%dma_wait3A_1628, %dma_wait3A_1629, %dma_wait3A_1630, %dma_wait3A_1631] : memref<2x160x160x128xf32, #tpu.memory_space<hbm>> -> memref<1x8x32x32xf32, #tpu.memory_space<hbm>>
    %dma_wait3A_1633 = tpu.memref_squeeze %dma_wait3A_1632 : memref<1x8x32x32xf32, #tpu.memory_space<hbm>> -> memref<8x32x32xf32, #tpu.memory_space<hbm>>
    %dma_wait3A_1634 = arith.constant 0 : i32
    %dma_wait3A_1635 = arith.constant 0 : i32
    %dma_wait3A_1636 = arith.constant 0 : i32
    %dma_wait3A_1637 = tpu.memref_slice %arg2[%dma_wait3A_1628, %dma_wait3A_1634, %dma_wait3A_1635, %dma_wait3A_1636] : memref<2x160x160x128xf32, #tpu.memory_space<hbm>> -> memref<1x8x32x32xf32, #tpu.memory_space<hbm>>
    %dma_wait3A_1638 = tpu.memref_squeeze %dma_wait3A_1637 : memref<1x8x32x32xf32, #tpu.memory_space<hbm>> -> memref<8x32x32xf32, #tpu.memory_space<hbm>>
    tpu.wait_dma2 semaphore(%arg24 : memref<!tpu.dma_semaphore, #tpu.memory_space<semaphore_mem>>) src(%dma_wait3A_1638 : memref<8x32x32xf32, #tpu.memory_space<hbm>>) dst(%arg8 : memref<8x32x32xf32, #tpu.memory_space<vmem>>)
    %dma_wait3A_1639 = arith.constant 0 : i32
    %dma_wait3A_1640 = arith.constant 0 : i32
    %dma_wait3A_1641 = arith.constant 0 : i32
    %dma_wait3A_1642 = arith.constant 0 : i32
    %dma_wait3A_1643 = tpu.memref_slice %arg2[%dma_wait3A_1639, %dma_wait3A_1640, %dma_wait3A_1641, %dma_wait3A_1642] : memref<2x160x160x128xf32, #tpu.memory_space<hbm>> -> memref<1x8x32x32xf32, #tpu.memory_space<hbm>>
    %dma_wait3A_1644 = tpu.memref_squeeze %dma_wait3A_1643 : memref<1x8x32x32xf32, #tpu.memory_space<hbm>> -> memref<8x32x32xf32, #tpu.memory_space<hbm>>
    %dma_wait3A_1645 = arith.constant 0 : i32
    %dma_wait3A_1646 = arith.constant 0 : i32
    %dma_wait3A_1647 = arith.constant 0 : i32
    %dma_wait3A_1648 = tpu.memref_slice %arg2[%dma_wait3A_1639, %dma_wait3A_1645, %dma_wait3A_1646, %dma_wait3A_1647] : memref<2x160x160x128xf32, #tpu.memory_space<hbm>> -> memref<1x8x32x32xf32, #tpu.memory_space<hbm>>
    %dma_wait3A_1649 = tpu.memref_squeeze %dma_wait3A_1648 : memref<1x8x32x32xf32, #tpu.memory_space<hbm>> -> memref<8x32x32xf32, #tpu.memory_space<hbm>>
    tpu.wait_dma2 semaphore(%arg24 : memref<!tpu.dma_semaphore, #tpu.memory_space<semaphore_mem>>) src(%dma_wait3A_1649 : memref<8x32x32xf32, #tpu.memory_space<hbm>>) dst(%arg8 : memref<8x32x32xf32, #tpu.memory_space<vmem>>)
    %dma_wait3A_1650 = arith.constant 0 : i32
    %dma_wait3A_1651 = arith.constant 0 : i32
    %dma_wait3A_1652 = arith.constant 0 : i32
    %dma_wait3A_1653 = arith.constant 0 : i32
    %dma_wait3A_1654 = tpu.memref_slice %arg2[%dma_wait3A_1650, %dma_wait3A_1651, %dma_wait3A_1652, %dma_wait3A_1653] : memref<2x160x160x128xf32, #tpu.memory_space<hbm>> -> memref<1x8x32x32xf32, #tpu.memory_space<hbm>>
    %dma_wait3A_1655 = tpu.memref_squeeze %dma_wait3A_1654 : memref<1x8x32x32xf32, #tpu.memory_space<hbm>> -> memref<8x32x32xf32, #tpu.memory_space<hbm>>
    %dma_wait3A_1656 = arith.constant 0 : i32
    %dma_wait3A_1657 = arith.constant 0 : i32
    %dma_wait3A_1658 = arith.constant 0 : i32
    %dma_wait3A_1659 = tpu.memref_slice %arg2[%dma_wait3A_1650, %dma_wait3A_1656, %dma_wait3A_1657, %dma_wait3A_1658] : memref<2x160x160x128xf32, #tpu.memory_space<hbm>> -> memref<1x8x32x32xf32, #tpu.memory_space<hbm>>
    %dma_wait3A_1660 = tpu.memref_squeeze %dma_wait3A_1659 : memref<1x8x32x32xf32, #tpu.memory_space<hbm>> -> memref<8x32x32xf32, #tpu.memory_space<hbm>>
    tpu.wait_dma2 semaphore(%arg24 : memref<!tpu.dma_semaphore, #tpu.memory_space<semaphore_mem>>) src(%dma_wait3A_1660 : memref<8x32x32xf32, #tpu.memory_space<hbm>>) dst(%arg8 : memref<8x32x32xf32, #tpu.memory_space<vmem>>)
    %dma_wait3A_1661 = arith.constant 0 : i32
    %dma_wait3A_1662 = arith.constant 0 : i32
    %dma_wait3A_1663 = arith.constant 0 : i32
    %dma_wait3A_1664 = arith.constant 0 : i32
    %dma_wait3A_1665 = tpu.memref_slice %arg2[%dma_wait3A_1661, %dma_wait3A_1662, %dma_wait3A_1663, %dma_wait3A_1664] : memref<2x160x160x128xf32, #tpu.memory_space<hbm>> -> memref<1x8x32x32xf32, #tpu.memory_space<hbm>>
    %dma_wait3A_1666 = tpu.memref_squeeze %dma_wait3A_1665 : memref<1x8x32x32xf32, #tpu.memory_space<hbm>> -> memref<8x32x32xf32, #tpu.memory_space<hbm>>
    %dma_wait3A_1667 = arith.constant 0 : i32
    %dma_wait3A_1668 = arith.constant 0 : i32
    %dma_wait3A_1669 = arith.constant 0 : i32
    %dma_wait3A_1670 = tpu.memref_slice %arg2[%dma_wait3A_1661, %dma_wait3A_1667, %dma_wait3A_1668, %dma_wait3A_1669] : memref<2x160x160x128xf32, #tpu.memory_space<hbm>> -> memref<1x8x32x32xf32, #tpu.memory_space<hbm>>
    %dma_wait3A_1671 = tpu.memref_squeeze %dma_wait3A_1670 : memref<1x8x32x32xf32, #tpu.memory_space<hbm>> -> memref<8x32x32xf32, #tpu.memory_space<hbm>>
    tpu.wait_dma2 semaphore(%arg24 : memref<!tpu.dma_semaphore, #tpu.memory_space<semaphore_mem>>) src(%dma_wait3A_1671 : memref<8x32x32xf32, #tpu.memory_space<hbm>>) dst(%arg8 : memref<8x32x32xf32, #tpu.memory_space<vmem>>)
    %dma_wait3A_1672 = arith.constant 0 : i32
    %dma_wait3A_1673 = arith.constant 0 : i32
    %dma_wait3A_1674 = arith.constant 0 : i32
    %dma_wait3A_1675 = arith.constant 0 : i32
    %dma_wait3A_1676 = tpu.memref_slice %arg2[%dma_wait3A_1672, %dma_wait3A_1673, %dma_wait3A_1674, %dma_wait3A_1675] : memref<2x160x160x128xf32, #tpu.memory_space<hbm>> -> memref<1x8x32x32xf32, #tpu.memory_space<hbm>>
    %dma_wait3A_1677 = tpu.memref_squeeze %dma_wait3A_1676 : memref<1x8x32x32xf32, #tpu.memory_space<hbm>> -> memref<8x32x32xf32, #tpu.memory_space<hbm>>
    %dma_wait3A_1678 = arith.constant 0 : i32
    %dma_wait3A_1679 = arith.constant 0 : i32
    %dma_wait3A_1680 = arith.constant 0 : i32
    %dma_wait3A_1681 = tpu.memref_slice %arg2[%dma_wait3A_1672, %dma_wait3A_1678, %dma_wait3A_1679, %dma_wait3A_1680] : memref<2x160x160x128xf32, #tpu.memory_space<hbm>> -> memref<1x8x32x32xf32, #tpu.memory_space<hbm>>
    %dma_wait3A_1682 = tpu.memref_squeeze %dma_wait3A_1681 : memref<1x8x32x32xf32, #tpu.memory_space<hbm>> -> memref<8x32x32xf32, #tpu.memory_space<hbm>>
    tpu.wait_dma2 semaphore(%arg24 : memref<!tpu.dma_semaphore, #tpu.memory_space<semaphore_mem>>) src(%dma_wait3A_1682 : memref<8x32x32xf32, #tpu.memory_space<hbm>>) dst(%arg8 : memref<8x32x32xf32, #tpu.memory_space<vmem>>)
    return
  }
}

</mosaic_0001>

<sc_bundles>
// kernel: kernel.3.cloned.1.call-start
scs
__scs_entry_jumppad:
0x0: {  	(pc) =	sbr.rel $0x88, $3  }
0x1: {  	(tag) =	ssettag $0x0;
	lr =	simm.s32 $0x1  }
0x2: {  	[smem:$0x3FA0] =	sst lr;
	_ =	strace $0xD0000000  }
0x3: {  	_ = 	snop  }
0x4: {  	_ = 	snop  }
0x5: {  	_ = 	snop  }
0x6: {  	_ = 	snop  }
0x7: {  	_ = 	snop  }
__scs_overlays_trampoline_lowered:
0x8: {  	[smem:$0x3FAF] =	sst s0  }
0x9: {  	[smem:$0x3FB0] =	sst s1  }
0xa: {  	[smem:$0x3FB1] =	sst s2  }
0xb: {  	[smem:$0x3FB2] =	sst s3  }
0xc: {  	[smem:$0x3FB3] =	sst s4  }
0xd: {  	[smem:$0x3FB4] =	sst s5  }
0xe: {  	[smem:$0x3FB5] =	sst s6  }
0xf: {  	[smem:$0x3FB6] =	sst s7  }
0x10: {  	[smem:$0x3FB7] =	sst s8  }
0x11: {  	[smem:$0x3FB8] =	sst s9;
	s0 =	simm.s32 @!p0 $0x0  }
0x12: {  	s1 =	sld [smem:$0x3F9E];
	s0 =	simm.s32 @p0 $0x1  }
0x13: {  	[smem:$0x3FB9] =	sst s0;
	s0 =	simm.s32 @!p1 $0x0  }
0x14: {  	s2 =	sld [smem:$0x3F9D];
	s0 =	simm.s32 @p1 $0x1  }
0x15: {  	[smem:$0x3FBA] =	sst s0;
	s0 =	simm.s32 @!p2 $0x0  }
0x16: {  	s3 =	sld [smem:$0x3FDB];
	s0 =	simm.s32 @p2 $0x1  }
0x17: {  	s4 =	simm.s32 $0x1BF5;
	[smem:$0x3FBC] =	sst s0  }
0x18: {  	s0 =	sld [smem:$0x3F9F];
	_ =	swait.ge [sflag:s4], $0x0  }
0x19: {  	s7 =	sld [smem:$0x3FA0]  }
0x1a: {  	s8 =	sadd.s32 $0xFFFFE003, lr  }
0x1b: {  	s9 =	sadd.s32 $0xFFFFFEF7, lr;
	s5 =	simm.s32 $0xFFFFFFFF;
	p2 =	slt.u32 s8, $0xFFFFF086  }
0x1c: {  	p1 =	slt.u32 s9, $0xF7A;
	s5 =	simm.s32 @!p2 $0x0  }
0x1d: {  	s5 =	simm.s32 @p1 $0x1;
	p0 =	seq.s32 s7, s2  }
0x1e: {  	s7 =	smul.u32 @!p0 $0xF7A, s2;
	p2 =	seq.s32 @!p0 s5, $0x0  }
0x1f: {  	s9 =	smul.u32 $0xF7A, s1;
	s8 =	simm.s32 @!p0 $0x1BF5;
	p2 =	por !p2, p0  }
0x20: {  	[sflag:s8] =	ssyncset.s32 @!p0 $0xFFFFF086;
	s6 =	sadd.s32 @!p0 s3, s7;
	s7 =	simm.s32 @!p0 $0x108  }
0x21: {  	s3 =	sadd.s32 s3, s9;
	s6 =	sadd.s32 @!p0 $0x88, s6;
	s7 =	simm.s32 @p2 $0x1082  }
0x22: {  	[simem:s7], [sflag:s8] =	dma.local @!p0 [hbm:s6], $0xF7A  }
0x23: {  	s9 =	sor.u32 $0xD0000000, s2;
	s6 =	simm.s32 $0x108;
	_ =	swait.ge @!p0 [sflag:s8], $0x0  }
0x24: {  	s3 =	sadd.s32 $0x88, s3;
	s6 =	simm.s32 @!p1 $0x1082;
	[sflag:s4] =	ssyncset.s32 $0xFFFFF086  }
0x25: {  	[simem:s6], [sflag:s4] =	dma.local [hbm:s3], $0xF7A  }
0x26: {  	[smem:$0x3FA0] =	sst s1;
	(tag) =	ssettag s2;
	_ =	strace s9  }
0x27: {  	s1 =	sld [smem:$0x3FB0]  }
0x28: {  	s2 =	sld [smem:$0x3FB1]  }
0x29: {  	s4 =	sld [smem:$0x3FB3]  }
0x2a: {  	p0 =	seq.s32 s5, $0x0;
	s5 =	sld [smem:$0x3FB4]  }
0x2b: {  	s6 =	sld [smem:$0x3FB5]  }
0x2c: {  	s7 =	sld [smem:$0x3FB6]  }
0x2d: {  	s3 =	simm.s32 $0x108;
	s8 =	sld [smem:$0x3FB7]  }
0x2e: {  	s3 =	simm.s32 @!p0 $0x1082;
	s9 =	sld [smem:$0x3FB8]  }
0x2f: {  	lr =	sadd.s32 s0, s3;
	s0 =	sld [smem:$0x3FAF]  }
0x30: {  	s3 =	sld [smem:$0x3FB2]  }
0x31: {  	[smem:$0x3FBB] =	sst s10  }
0x32: {  	s10 =	sld [smem:$0x3FB9];
	_ =	sdelay $0x3  }
0x33: {  	p0 =	seq.s32 s10, $0x1;
	s10 =	sld [smem:$0x3FBB];
	_ =	sdelay $0x3  }
0x34: {  	[smem:$0x3FBB] =	sst s10  }
0x35: {  	s10 =	sld [smem:$0x3FBA];
	_ =	sdelay $0x3  }
0x36: {  	p1 =	seq.s32 s10, $0x1;
	s10 =	sld [smem:$0x3FBB];
	_ =	sdelay $0x3  }
0x37: {  	[smem:$0x3FBB] =	sst s10  }
0x38: {  	s10 =	sld [smem:$0x3FBC]  }
0x39: {  	_ = 	snop;
	(pc) =	sbr.ind lr, $3  }
0x3a: {  	_ = 	snop  }
0x3b: {  	_ = 	snop  }
0x3c: {  	p2 =	seq.s32 s10, $0x1;
	s10 =	sld [smem:$0x3FBB]  }
0x3d: {  	_ =	shalt  }
0x3e: {  	_ =	shalt  }
0x3f: {  	_ =	shalt  }
0x40: {  	_ =	shalt  }
0x41: {  	_ =	shalt  }
0x42: {  	_ =	shalt  }
0x43: {  	_ =	shalt  }
0x44: {  	_ =	shalt  }
0x45: {  	_ =	shalt  }
0x46: {  	_ =	shalt  }
0x47: {  	_ =	shalt  }
0x48: {  	_ =	shalt  }
0x49: {  	_ =	shalt  }
0x4a: {  	_ =	shalt  }
0x4b: {  	_ =	shalt  }
0x4c: {  	_ =	shalt  }
0x4d: {  	_ =	shalt  }
0x4e: {  	_ =	shalt  }
0x4f: {  	_ =	shalt  }
0x50: {  	_ =	shalt  }
0x51: {  	_ =	shalt  }
0x52: {  	_ =	shalt  }
0x53: {  	_ =	shalt  }
0x54: {  	_ =	shalt  }
0x55: {  	_ =	shalt  }
0x56: {  	_ =	shalt  }
0x57: {  	_ =	shalt  }
0x58: {  	_ =	shalt  }
0x59: {  	_ =	shalt  }
0x5a: {  	_ =	shalt  }
0x5b: {  	_ =	shalt  }
0x5c: {  	_ =	shalt  }
0x5d: {  	_ =	shalt  }
0x5e: {  	_ =	shalt  }
0x5f: {  	_ =	shalt  }
0x60: {  	_ =	shalt  }
0x61: {  	_ =	shalt  }
0x62: {  	_ =	shalt  }
0x63: {  	_ =	shalt  }
0x64: {  	_ =	shalt  }
0x65: {  	_ =	shalt  }
0x66: {  	_ =	shalt  }
0x67: {  	_ =	shalt  }
0x68: {  	_ =	shalt  }
0x69: {  	_ =	shalt  }
0x6a: {  	_ =	shalt  }
0x6b: {  	_ =	shalt  }
0x6c: {  	_ =	shalt  }
0x6d: {  	_ =	shalt  }
0x6e: {  	_ =	shalt  }
0x6f: {  	_ =	shalt  }
0x70: {  	_ =	shalt  }
0x71: {  	_ =	shalt  }
0x72: {  	_ =	shalt  }
0x73: {  	_ =	shalt  }
0x74: {  	_ =	shalt  }
0x75: {  	_ =	shalt  }
0x76: {  	_ =	shalt  }
0x77: {  	_ =	shalt  }
0x78: {  	_ =	shalt  }
0x79: {  	_ =	shalt  }
0x7a: {  	_ =	shalt  }
0x7b: {  	_ =	shalt  }
0x7c: {  	_ =	shalt  }
0x7d: {  	_ =	shalt  }
0x7e: {  	_ =	shalt  }
0x7f: {  	_ =	shalt  }
0x80: {  	_ =	shalt  }
0x81: {  	_ =	shalt  }
0x82: {  	_ =	shalt  }
0x83: {  	_ =	shalt  }
0x84: {  	_ =	shalt  }
0x85: {  	_ =	shalt  }
0x86: {  	_ =	shalt  }
0x87: {  	_ =	shalt  }
.Lfunc_end0:
.L_simem_size_0:
called_computation_lowered:
.L_overlay_start_0:
0x88: {  	s2 =	sld [smem:$0x3FD9]  }
0x89: {  	s3 =	sld [smem:$0x3FFE];
	_ =	sdelay $0x1  }
0x8a: {  	s1 =	srdreg.scid  }
0x8b: {  	s0 =	sand.u32 $0x1, s1  }
0x8c: {  	s17 =	sshll.u32 s0, $0xA;
	s2 =	sadd.s32 s3, s2  }
0x8d: {  	s2 =	sadd.s32 s2, s17  }
0x8e: {  	[smem:$0x3FC7] =	sst s2  }
0x8f: {  	_ = 	snop  }
0x90: {  	s2 =	sld [smem:$0x3FC9]  }
0x91: {  	s18 =	sld [smem:$0x3FD0];
	(tm) =	ssettm $0x1  }
0x92: {  	s4 =	sld [smem:$0x3FFB];
	_ =	sdelay $0x3  }
0x93: {  	_ =	strace s4  }
0x94: {  	s4 =	sld [smem:$0x3FFC];
	_ =	sdelay $0x3  }
0x95: {  	_ =	strace s4  }
0x96: {  	s4 =	sld [smem:$0x3FFD];
	_ =	sdelay $0x3  }
0x97: {  	_ =	strace s4  }
0x98: {  	_ =	strace $0x8FFFFFFF  }
0x99: {  	s19 =	sld [smem:$0x3FDB];
	_ =	sdelay $0x1  }
0x9a: {  	s5 =	simm.s32 $_scs_section_size  }
0x9b: {  	s6 =	simm.s32 $_size__tile_overlayer_lowered;
	s7 =	simm.s32 $_tile_overlayer_lowered  }
0x9c: {  	s22 =	simm.s32 $0x1BFF;
	s21 =	sshll.u32 s7, $0x1;
	s4 =	sadd.s32 s5, s19  }
0x9d: {  	s8 =	simm.s32 $0x0;
	s20 =	sshll.u32 s6, $0x1;
	s6 =	sadd.s32 s21, s4  }
0x9e: {  	[timem:s8], [sflag:s22] =	dma.local [hbm:s6], s20  }
0x9f: {  	_ =	swait.ge [sflag:s22], s20  }
0xa0: {  	s5 =	ssub.s32 $0x0, s20;
	[sflag:s22] =	ssyncset.done $0x0  }
0xa1: {  	[sflag:s22] =	ssyncadd.s32 s5;
	_ =	sdelay $0x1  }
0xa2: {  	s23 =	simm.s32 $0x1B8B  }
0xa3: {  	_ =	swait.ge [sflag:s23], $0x1  }
0xa4: {  	[sflag:s23] =	ssyncset.done $0x0  }
0xa5: {  	s25 =	simm.s32 $0x1B8E;
	s24 =	sld [smem:$0x3FFE];
	[sflag:s23] =	ssyncadd.s32 $0xFFFFFFFF  }
0xa6: {  	s26 =	simm.s32 $execute0_lowered;
	[smem:$0x3FD2] =	sst s25  }
0xa7: {  	s6 =	sshll.u32 s26, $0x1;
	_ =	strace $0x80000046;
	[dreg:$0x1] =	wrdreg $0xFFFFFFFF  }
0xa8: {  	s28 =	simm.s32 $_size_execute0_lowered;
	s4 =	sadd.s32 s4, s6;
	[dreg:$0x0] =	wrdreg $0x0  }
0xa9: {  	s6 =	sshll.u32 s28, $0x1;
	[dreg:$0x2] =	wrdreg s4  }
0xaa: {  	[dreg:$0x3] =	wrdreg s6  }
0xab: {  	[dreg:$0x4] =	wrdreg $0xC0  }
0xac: {  	_ =	task [dreg:s8], $0x5FFFF  }
0xad: {  	[dreg:$0x1] =	wrdreg $0xFFFFFFFF  }
0xae: {  	[dreg:$0x0] =	wrdreg $0x60  }
0xaf: {  	[dreg:$0x2] =	wrdreg s2  }
0xb0: {  	[dreg:$0x3] =	wrdreg s24  }
0xb1: {  	[dreg:$0x4] =	wrdreg s18  }
0xb2: {  	[dreg:$0x5] =	wrdreg $0x9  }
0xb3: {  	_ =	task.clear_ibuf [dreg:s8], $0x6FFFF;
	_ =	strace $0x90000046  }
0xb4: {  	s29 =	simm.s32 $0x9;
	_ =	strace $0x80000048  }
0xb5: {  	_ =	swait.ge [sflag:s29], $0x1  }
0xb6: {  	[sflag:s29] =	ssyncadd.s32 $0xFFFFFFFF  }
0xb7: {  	_ =	strace $0x90000048  }
0xb8: {  	_ =	sfence  }
0xb9: {  	s30 =	sld [smem:$0x0];
	_ =	sdelay $0x2  }
0xba: {  	s31 =	sshll.u32 s1, $0xD;
	s1 =	sshrl.u32 s1, $0x2  }
0xbb: {  	s3 =	sand.u32 $0x4000, s31;
	s1 =	sadd.s32 s1, s30  }
0xbc: {  	s0 =	sor.u32 s3, s0;
	s1 =	sshll.u32 s1, $0x11  }
0xbd: {  	s0 =	sor.u32 s1, s0  }
0xbe: {  	s0 =	sadd.s32 $0x8F2B, s0  }
0xbf: {  	[sflag:s0] =	ssyncadd.remote.s32 $0x1  }
0xc0: {  	_ =	sfence.sel $0xFFFF  }
0xc1: {  	[dreg:$0x0] =	wrdreg $0xFFFFFFFF;
	(pc) =	sbr.abs _section_cstart, $3  }
0xc2: {  	[dreg:$0x1] =	wrdreg $0xFFFFFFFF  }
0xc3: {  	_ =	task.clear_ibuf [dreg:s8], $0x2FFFF;
	_ =	strace $0x9FFFFFFF  }
0xc4: {  	(tm) =	ssettm $0x7FFFFFFF  }
0xc5: {  	_ =	shalt  }
tec
execute0_lowered:
.L_overlay_start_1:
0x0: {  	(tag) =	ssettag $0x1  }
0x1: {  	s0 =	rddreg [dreg:$0x1]  }
0x2: {  	s2 =	srdreg.scid;
	s4 =	stileid.u32  }
0x3: {  	s3 =	rddreg [dreg:$0x2];
	s5 =	simm.s32 $0x0;
	s8 =	simm.s32 $0x20  }
0x4: {  	s9 =	simm.s32 $0x80;
	s28 =	simm.s32 $0x1C1A0;
	s29 =	simm.s32 $0x1C5A0  }
0x5: {  	s30 =	simm.s32 $0x1C9A0;
	s2 =	sand.u32 $0x1, s2;
	s4 =	sshll.u32 s4, $0x1  }
0x6: {  	s31 =	simm.s32 $0x1CDA0;
	s4 =	sor.u32 s2, s4;
	s2 =	ssub.s32 $0x2, s2  }
0x7: {  	[smem:$0x7FF] =	sst s5;
	s4 =	smul.u32 $0x34, s4;
	s24 =	sshrl.u32 s2, $0x1  }
0x8: {  	s10 =	simm.s32 $0x1D9A0;
	_ =	strace $0x80000047;
	s25 =	ssub.s32 s2, s24  }
0x9: {  	s24 =	simm.s32 $0xF;
	s4 =	sadd.s32 s4, s0;
	s0 =	sadd.s32 $0xC00, s0  }
0xa: {  	s2 =	simm.s32 $0x1D1A0;
	[dreg:$0x4] =	wrdreg s0;
	s26 =	sadd.s32 $0x400, s4  }
0xb: {  	s5 =	smax.u32 s25, $0x1;
	[dreg:$0x5] =	wrdreg s26;
	s26 =	simm.s32 $0x10  }
.LBB2_1:
0xc: {  	s4 =	rddreg [dreg:$0x4];
	s6 =	simm.s32 $0x0  }
0xd: {  	[tilespmem:s28], [sflag:$0x10] =	stream.linear.gather [hbm4b:s4+s6], $0x2000, $0x38;
	[tilespmem:$0x1E1A0] =	vst v63  }
0xe: {  	s7 =	rddreg [dreg:$0x5];
	s0 =	simm.s32 $0x11  }
0xf: {  	[tilespmem:s6], [sflag:$0x11] =	stream.linear.gather [hbm4b:s7+s6], $0x1A0, $0x38;
	[tilespmem:$0x1E1A0] =	vst v63  }
0x10: {  	_ =	swait.ge [sflag:s0], $0x1A0  }
0x11: {  	[sflag:s0] =	ssyncset.done $0x0  }
0x12: {  	[sflag:s0] =	ssyncadd.s32 $0xFFFFFE60  }
0x13: {  	v13 =	vld [tilespmem:$0x0];
	_ =	sdelay $0x3  }
0x14: {  	v12 =	vld [tilespmem:$0x10]  }
0x15: {  	v11 =	vld [tilespmem:$0x20];
	(v2sf) =	vpush v13, $0x0;
	v14 =	vmul.u32 $0x5000, v13  }
0x16: {  	v10 =	vld [tilespmem:$0x30];
	(v2sf) =	vpush v13, $0x3  }
0x17: {  	v9 =	vld [tilespmem:$0x40];
	(v2sf) =	vpush v14, $0x1  }
0x18: {  	v8 =	vld [tilespmem:$0x50];
	v15 =	vshll.u32 v13, $0x7  }
0x19: {  	v7 =	vld [tilespmem:$0x60];
	(v2sf) =	vpush v15, $0x2  }
0x1a: {  	v6 =	vld [tilespmem:$0x70]  }
0x1b: {  	v5 =	vld [tilespmem:$0x80]  }
0x1c: {  	v4 =	vld [tilespmem:$0x90]  }
0x1d: {  	v3 =	vld [tilespmem:$0xA0]  }
0x1e: {  	v2 =	vld [tilespmem:$0xB0]  }
0x1f: {  	v1 =	vld [tilespmem:$0xC0]  }
0x20: {  	v0 =	vld [tilespmem:$0xD0]  }
0x21: {  	v53 =	vld [tilespmem:$0xE0]  }
0x22: {  	v52 =	vld [tilespmem:$0xF0]  }
0x23: {  	v51 =	vld [tilespmem:$0x100]  }
0x24: {  	v50 =	vld [tilespmem:$0x110];
	s1 =	spop (v2sf)  }
0x25: {  	v49 =	vld [tilespmem:$0x120];
	s6 =	spop (v2sf)  }
0x26: {  	v48 =	vld [tilespmem:$0x130];
	(v2sf) =	vpush v12, $0x0;
	s0 =	smul.u32 $0x320000, s1;
	s11 =	spop (v2sf)  }
0x27: {  	v47 =	vld [tilespmem:$0x140];
	s4 =	sadd.s32 s6, s11  }
0x28: {  	v46 =	vld [tilespmem:$0x150];
	v16 =	vmul.u32 $0x5000, v12;
	(v2sf) =	vpush v12, $0x3;
	s12 =	spop (v2sf);
	s4 =	sadd.s32 s0, s4  }
0x29: {  	v45 =	vld [tilespmem:$0x160];
	[dreg:$0x6] =	wrdreg s0;
	s4 =	sadd.s32 s12, s4  }
0x2a: {  	v44 =	vld [tilespmem:$0x170];
	(v2sf) =	vpush v16, $0x1;
	s0 =	rddreg [dreg:$0x0];
	s4 =	sshrl.u32 s4, $0x3  }
0x2b: {  	v43 =	vld [tilespmem:$0x180];
	s1 =	simm.s32 $0x1A0;
	s4 =	sadd.s32 s0, s4  }
0x2c: {  	v42 =	vld [tilespmem:$0x190];
	v19 =	vshll.u32 v12, $0x7;
	[tilespmem:s1], [sflag:$0x1] =	stream.strided.gather [hbm4b:s4+s8], $0x400, s9, s8, $0x38  }
0x2d: {  	s14 =	simm.s32 $0x5A0;
	(v2sf) =	vpush v19, $0x2;
	s13 =	sadd.s32 $0xA00, s4  }
0x2e: {  	[tilespmem:s14], [sflag:$0x1] =	stream.strided.gather [hbm4b:s13+s8], $0x400, s9, s8, $0x38;
	[tilespmem:$0x1E1A0] =	vst v63  }
0x2f: {  	s16 =	simm.s32 $0x9A0;
	s15 =	sadd.s32 $0x1400, s4  }
0x30: {  	[tilespmem:s16], [sflag:$0x1] =	stream.strided.gather [hbm4b:s15+s8], $0x400, s9, s8, $0x38;
	[tilespmem:$0x1E1A0] =	vst v63  }
0x31: {  	s18 =	simm.s32 $0xDA0;
	s17 =	sadd.s32 $0x1E00, s4  }
0x32: {  	[tilespmem:s18], [sflag:$0x1] =	stream.strided.gather [hbm4b:s17+s8], $0x400, s9, s8, $0x38;
	[tilespmem:$0x1E1A0] =	vst v63  }
0x33: {  	s20 =	simm.s32 $0x11A0;
	s22 =	simm.s32 $0x15A0;
	s19 =	sadd.s32 $0x2800, s4  }
0x34: {  	[tilespmem:s20], [sflag:$0x1] =	stream.strided.gather [hbm4b:s19+s8], $0x400, s9, s8, $0x38;
	[tilespmem:$0x1E1A0] =	vst v63  }
0x35: {  	s25 =	simm.s32 $0x19A0;
	s21 =	sadd.s32 $0x3200, s4;
	s7 =	spop (v2sf)  }
0x36: {  	[tilespmem:s22], [sflag:$0x1] =	stream.strided.gather [hbm4b:s21+s8], $0x400, s9, s8, $0x38;
	[tilespmem:$0x1E1A0] =	vst v63  }
0x37: {  	s6 =	simm.s32 $0x1DA0;
	s23 =	sadd.s32 $0x3C00, s4;
	s11 =	spop (v2sf)  }
0x38: {  	[tilespmem:s25], [sflag:$0x1] =	stream.strided.gather [hbm4b:s23+s8], $0x400, s9, s8, $0x38;
	[tilespmem:$0x1E1A0] =	vst v63  }
0x39: {  	s4 =	sadd.s32 $0x4600, s4;
	s7 =	smul.u32 $0x320000, s7;
	s12 =	spop (v2sf)  }
0x3a: {  	[tilespmem:s6], [sflag:$0x1] =	stream.strided.gather [hbm4b:s4+s8], $0x400, s9, s8, $0x38;
	[tilespmem:$0x1E1A0] =	vst v63  }
0x3b: {  	s4 =	sadd.s32 s11, s12  }
0x3c: {  	s13 =	spop (v2sf);
	s4 =	sadd.s32 s7, s4  }
0x3d: {  	s4 =	sadd.s32 s13, s4  }
0x3e: {  	(v2sf) =	vpush v11, $0x0;
	s4 =	sshrl.u32 s4, $0x3  }
0x3f: {  	v17 =	vmul.u32 $0x5000, v11;
	s14 =	simm.s32 $0x21A0;
	s4 =	sadd.s32 s0, s4  }
0x40: {  	(v2sf) =	vpush v11, $0x3;
	[tilespmem:s14], [sflag:$0x2] =	stream.strided.gather [hbm4b:s4+s8], $0x400, s9, s8, $0x38;
	[tilespmem:$0x1E1A0] =	vst v63  }
0x41: {  	s16 =	simm.s32 $0x25A0;
	(v2sf) =	vpush v17, $0x1;
	s15 =	sadd.s32 $0xA00, s4  }
0x42: {  	v21 =	vshll.u32 v11, $0x7;
	[tilespmem:s16], [sflag:$0x2] =	stream.strided.gather [hbm4b:s15+s8], $0x400, s9, s8, $0x38;
	[tilespmem:$0x1E1A0] =	vst v63  }
0x43: {  	s18 =	simm.s32 $0x29A0;
	(v2sf) =	vpush v21, $0x2;
	s17 =	sadd.s32 $0x1400, s4  }
0x44: {  	[tilespmem:s18], [sflag:$0x2] =	stream.strided.gather [hbm4b:s17+s8], $0x400, s9, s8, $0x38;
	[tilespmem:$0x1E1A0] =	vst v63  }
0x45: {  	s20 =	simm.s32 $0x2DA0;
	s19 =	sadd.s32 $0x1E00, s4  }
0x46: {  	[tilespmem:s20], [sflag:$0x2] =	stream.strided.gather [hbm4b:s19+s8], $0x400, s9, s8, $0x38;
	[tilespmem:$0x1E1A0] =	vst v63  }
0x47: {  	s22 =	simm.s32 $0x31A0;
	s21 =	sadd.s32 $0x2800, s4  }
0x48: {  	[tilespmem:s22], [sflag:$0x2] =	stream.strided.gather [hbm4b:s21+s8], $0x400, s9, s8, $0x38;
	[tilespmem:$0x1E1A0] =	vst v63  }
0x49: {  	s25 =	simm.s32 $0x35A0;
	s23 =	sadd.s32 $0x3200, s4  }
0x4a: {  	[tilespmem:s25], [sflag:$0x2] =	stream.strided.gather [hbm4b:s23+s8], $0x400, s9, s8, $0x38;
	[tilespmem:$0x1E1A0] =	vst v63  }
0x4b: {  	s6 =	simm.s32 $0x39A0;
	s1 =	sadd.s32 $0x3C00, s4  }
0x4c: {  	[tilespmem:s6], [sflag:$0x2] =	stream.strided.gather [hbm4b:s1+s8], $0x400, s9, s8, $0x38;
	[tilespmem:$0x1E1A0] =	vst v63  }
0x4d: {  	s12 =	simm.s32 $0x3DA0;
	s4 =	sadd.s32 $0x4600, s4;
	s13 =	spop (v2sf)  }
0x4e: {  	[tilespmem:s12], [sflag:$0x2] =	stream.strided.gather [hbm4b:s4+s8], $0x400, s9, s8, $0x38;
	[tilespmem:$0x1E1A0] =	vst v63  }
0x4f: {  	s12 =	spop (v2sf)  }
0x50: {  	(v2sf) =	vpush v10, $0x0;
	s11 =	smul.u32 $0x320000, s13;
	s14 =	spop (v2sf)  }
0x51: {  	s4 =	sadd.s32 s12, s14  }
0x52: {  	v18 =	vmul.u32 $0x5000, v10;
	(v2sf) =	vpush v10, $0x3;
	s15 =	spop (v2sf);
	s4 =	sadd.s32 s11, s4  }
0x53: {  	s4 =	sadd.s32 s15, s4  }
0x54: {  	(v2sf) =	vpush v18, $0x1;
	s4 =	sshrl.u32 s4, $0x3  }
0x55: {  	s16 =	simm.s32 $0x41A0;
	s4 =	sadd.s32 s0, s4  }
0x56: {  	v23 =	vshll.u32 v10, $0x7;
	[tilespmem:s16], [sflag:$0x3] =	stream.strided.gather [hbm4b:s4+s8], $0x400, s9, s8, $0x38;
	[tilespmem:$0x1E1A0] =	vst v63  }
0x57: {  	s18 =	simm.s32 $0x45A0;
	(v2sf) =	vpush v23, $0x2;
	s17 =	sadd.s32 $0xA00, s4  }
0x58: {  	[tilespmem:s18], [sflag:$0x3] =	stream.strided.gather [hbm4b:s17+s8], $0x400, s9, s8, $0x38;
	[tilespmem:$0x1E1A0] =	vst v63  }
0x59: {  	s20 =	simm.s32 $0x49A0;
	s19 =	sadd.s32 $0x1400, s4  }
0x5a: {  	[tilespmem:s20], [sflag:$0x3] =	stream.strided.gather [hbm4b:s19+s8], $0x400, s9, s8, $0x38;
	[tilespmem:$0x1E1A0] =	vst v63  }
0x5b: {  	s22 =	simm.s32 $0x4DA0;
	s21 =	sadd.s32 $0x1E00, s4  }
0x5c: {  	[tilespmem:s22], [sflag:$0x3] =	stream.strided.gather [hbm4b:s21+s8], $0x400, s9, s8, $0x38;
	[tilespmem:$0x1E1A0] =	vst v63  }
0x5d: {  	s13 =	simm.s32 $0x55A0;
	s25 =	simm.s32 $0x51A0;
	s23 =	sadd.s32 $0x2800, s4  }
0x5e: {  	[tilespmem:s25], [sflag:$0x3] =	stream.strided.gather [hbm4b:s23+s8], $0x400, s9, s8, $0x38;
	[tilespmem:$0x1E1A0] =	vst v63  }
0x5f: {  	s15 =	simm.s32 $0x59A0;
	s6 =	sadd.s32 $0x3200, s4;
	s17 =	spop (v2sf)  }
0x60: {  	[tilespmem:s13], [sflag:$0x3] =	stream.strided.gather [hbm4b:s6+s8], $0x400, s9, s8, $0x38;
	[tilespmem:$0x1E1A0] =	vst v63  }
0x61: {  	s14 =	sadd.s32 $0x3C00, s4;
	s4 =	sadd.s32 $0x4600, s4;
	s13 =	spop (v2sf)  }
0x62: {  	[tilespmem:s15], [sflag:$0x3] =	stream.strided.gather [hbm4b:s14+s8], $0x400, s9, s8, $0x38;
	[tilespmem:$0x1E1A0] =	vst v63  }
0x63: {  	s16 =	simm.s32 $0x5DA0;
	s12 =	smul.u32 $0x320000, s17;
	s18 =	spop (v2sf)  }
0x64: {  	(v2sf) =	vpush v9, $0x0;
	[tilespmem:s16], [sflag:$0x3] =	stream.strided.gather [hbm4b:s4+s8], $0x400, s9, s8, $0x38;
	[tilespmem:$0x1E1A0] =	vst v63  }
0x65: {  	s4 =	sadd.s32 s13, s18  }
0x66: {  	v20 =	vmul.u32 $0x5000, v9;
	(v2sf) =	vpush v9, $0x3;
	s19 =	spop (v2sf);
	s4 =	sadd.s32 s12, s4  }
0x67: {  	s4 =	sadd.s32 s19, s4  }
0x68: {  	(v2sf) =	vpush v20, $0x1;
	s4 =	sshrl.u32 s4, $0x3  }
0x69: {  	s20 =	simm.s32 $0x61A0;
	s4 =	sadd.s32 s0, s4  }
0x6a: {  	v25 =	vshll.u32 v9, $0x7;
	[tilespmem:s20], [sflag:$0x4] =	stream.strided.gather [hbm4b:s4+s8], $0x400, s9, s8, $0x38;
	[tilespmem:$0x1E1A0] =	vst v63  }
0x6b: {  	s22 =	simm.s32 $0x65A0;
	(v2sf) =	vpush v25, $0x2;
	s21 =	sadd.s32 $0xA00, s4  }
0x6c: {  	[tilespmem:s22], [sflag:$0x4] =	stream.strided.gather [hbm4b:s21+s8], $0x400, s9, s8, $0x38;
	[tilespmem:$0x1E1A0] =	vst v63  }
0x6d: {  	s25 =	simm.s32 $0x69A0;
	s23 =	sadd.s32 $0x1400, s4  }
0x6e: {  	[tilespmem:s25], [sflag:$0x4] =	stream.strided.gather [hbm4b:s23+s8], $0x400, s9, s8, $0x38;
	[tilespmem:$0x1E1A0] =	vst v63  }
0x6f: {  	s6 =	simm.s32 $0x6DA0;
	s1 =	sadd.s32 $0x1E00, s4  }
0x70: {  	[tilespmem:s6], [sflag:$0x4] =	stream.strided.gather [hbm4b:s1+s8], $0x400, s9, s8, $0x38;
	[tilespmem:$0x1E1A0] =	vst v63  }
0x71: {  	s17 =	simm.s32 $0x75A0;
	s15 =	simm.s32 $0x71A0;
	s14 =	sadd.s32 $0x2800, s4  }
0x72: {  	[tilespmem:s15], [sflag:$0x4] =	stream.strided.gather [hbm4b:s14+s8], $0x400, s9, s8, $0x38;
	[tilespmem:$0x1E1A0] =	vst v63  }
0x73: {  	s19 =	simm.s32 $0x79A0;
	s16 =	sadd.s32 $0x3200, s4;
	s21 =	spop (v2sf)  }
0x74: {  	[tilespmem:s17], [sflag:$0x4] =	stream.strided.gather [hbm4b:s16+s8], $0x400, s9, s8, $0x38;
	[tilespmem:$0x1E1A0] =	vst v63  }
0x75: {  	s18 =	sadd.s32 $0x3C00, s4;
	s4 =	sadd.s32 $0x4600, s4;
	s14 =	spop (v2sf)  }
0x76: {  	(v2sf) =	vpush v8, $0x0;
	[tilespmem:s19], [sflag:$0x4] =	stream.strided.gather [hbm4b:s18+s8], $0x400, s9, s8, $0x38;
	[tilespmem:$0x1E1A0] =	vst v63  }
0x77: {  	s20 =	simm.s32 $0x7DA0;
	s13 =	smul.u32 $0x320000, s21;
	s22 =	spop (v2sf)  }
0x78: {  	[tilespmem:s20], [sflag:$0x4] =	stream.strided.gather [hbm4b:s4+s8], $0x400, s9, s8, $0x38;
	[tilespmem:$0x1E1A0] =	vst v63  }
0x79: {  	s4 =	sadd.s32 s14, s22  }
0x7a: {  	v22 =	vmul.u32 $0x5000, v8;
	(v2sf) =	vpush v8, $0x3;
	s23 =	spop (v2sf);
	s4 =	sadd.s32 s13, s4  }
0x7b: {  	s4 =	sadd.s32 s23, s4  }
0x7c: {  	(v2sf) =	vpush v22, $0x1;
	s4 =	sshrl.u32 s4, $0x3  }
0x7d: {  	s25 =	simm.s32 $0x81A0;
	s4 =	sadd.s32 s0, s4  }
0x7e: {  	v27 =	vshll.u32 v8, $0x7;
	[tilespmem:s25], [sflag:$0x5] =	stream.strided.gather [hbm4b:s4+s8], $0x400, s9, s8, $0x38;
	[tilespmem:$0x1E1A0] =	vst v63  }
0x7f: {  	s6 =	simm.s32 $0x85A0;
	(v2sf) =	vpush v27, $0x2;
	s1 =	sadd.s32 $0xA00, s4  }
0x80: {  	[tilespmem:s6], [sflag:$0x5] =	stream.strided.gather [hbm4b:s1+s8], $0x400, s9, s8, $0x38;
	[tilespmem:$0x1E1A0] =	vst v63  }
0x81: {  	s16 =	simm.s32 $0x89A0;
	s15 =	sadd.s32 $0x1400, s4  }
0x82: {  	[tilespmem:s16], [sflag:$0x5] =	stream.strided.gather [hbm4b:s15+s8], $0x400, s9, s8, $0x38;
	[tilespmem:$0x1E1A0] =	vst v63  }
0x83: {  	s18 =	simm.s32 $0x8DA0;
	s17 =	sadd.s32 $0x1E00, s4  }
0x84: {  	[tilespmem:s18], [sflag:$0x5] =	stream.strided.gather [hbm4b:s17+s8], $0x400, s9, s8, $0x38;
	[tilespmem:$0x1E1A0] =	vst v63  }
0x85: {  	s20 =	simm.s32 $0x91A0;
	s14 =	spop (v2sf);
	s19 =	sadd.s32 $0x2800, s4  }
0x86: {  	[tilespmem:s20], [sflag:$0x5] =	stream.strided.gather [hbm4b:s19+s8], $0x400, s9, s8, $0x38;
	[tilespmem:$0x1E1A0] =	vst v63  }
0x87: {  	s22 =	simm.s32 $0x95A0;
	s14 =	smul.u32 $0x320000, s14;
	s21 =	sadd.s32 $0x3200, s4  }
0x88: {  	[tilespmem:s22], [sflag:$0x5] =	stream.strided.gather [hbm4b:s21+s8], $0x400, s9, s8, $0x38;
	[tilespmem:$0x1E1A0] =	vst v63  }
0x89: {  	s23 =	sadd.s32 $0x3C00, s4;
	s25 =	simm.s32 $0x99A0;
	s15 =	spop (v2sf)  }
0x8a: {  	[tilespmem:s25], [sflag:$0x5] =	stream.strided.gather [hbm4b:s23+s8], $0x400, s9, s8, $0x38;
	[tilespmem:$0x1E1A0] =	vst v63  }
0x8b: {  	s4 =	sadd.s32 $0x4600, s4;
	s6 =	simm.s32 $0x9DA0;
	s16 =	spop (v2sf)  }
0x8c: {  	[tilespmem:s6], [sflag:$0x5] =	stream.strided.gather [hbm4b:s4+s8], $0x400, s9, s8, $0x38;
	[tilespmem:$0x1E1A0] =	vst v63  }
0x8d: {  	s4 =	sadd.s32 s15, s16  }
0x8e: {  	(v2sf) =	vpush v7, $0x0;
	s17 =	spop (v2sf);
	s4 =	sadd.s32 s14, s4  }
0x8f: {  	s4 =	sadd.s32 s17, s4  }
0x90: {  	v24 =	vmul.u32 $0x5000, v7;
	(v2sf) =	vpush v7, $0x3;
	s4 =	sshrl.u32 s4, $0x3  }
0x91: {  	s18 =	simm.s32 $0xA1A0;
	s4 =	sadd.s32 s0, s4  }
0x92: {  	(v2sf) =	vpush v24, $0x1;
	[tilespmem:s18], [sflag:$0x6] =	stream.strided.gather [hbm4b:s4+s8], $0x400, s9, s8, $0x38;
	[tilespmem:$0x1E1A0] =	vst v63  }
0x93: {  	v29 =	vshll.u32 v7, $0x7;
	s20 =	simm.s32 $0xA5A0;
	s19 =	sadd.s32 $0xA00, s4  }
0x94: {  	(v2sf) =	vpush v29, $0x2;
	[tilespmem:s20], [sflag:$0x6] =	stream.strided.gather [hbm4b:s19+s8], $0x400, s9, s8, $0x38;
	[tilespmem:$0x1E1A0] =	vst v63  }
0x95: {  	s22 =	simm.s32 $0xA9A0;
	s21 =	sadd.s32 $0x1400, s4  }
0x96: {  	[tilespmem:s22], [sflag:$0x6] =	stream.strided.gather [hbm4b:s21+s8], $0x400, s9, s8, $0x38;
	[tilespmem:$0x1E1A0] =	vst v63  }
0x97: {  	s25 =	simm.s32 $0xADA0;
	s23 =	sadd.s32 $0x1E00, s4  }
0x98: {  	[tilespmem:s25], [sflag:$0x6] =	stream.strided.gather [hbm4b:s23+s8], $0x400, s9, s8, $0x38;
	[tilespmem:$0x1E1A0] =	vst v63  }
0x99: {  	s6 =	simm.s32 $0xB1A0;
	s1 =	sadd.s32 $0x2800, s4  }
0x9a: {  	[tilespmem:s6], [sflag:$0x6] =	stream.strided.gather [hbm4b:s1+s8], $0x400, s9, s8, $0x38;
	[tilespmem:$0x1E1A0] =	vst v63  }
0x9b: {  	s17 =	simm.s32 $0xB5A0;
	s16 =	sadd.s32 $0x3200, s4  }
0x9c: {  	[tilespmem:s17], [sflag:$0x6] =	stream.strided.gather [hbm4b:s16+s8], $0x400, s9, s8, $0x38;
	[tilespmem:$0x1E1A0] =	vst v63  }
0x9d: {  	s18 =	sadd.s32 $0x3C00, s4;
	s19 =	simm.s32 $0xB9A0;
	s21 =	spop (v2sf)  }
0x9e: {  	[tilespmem:s19], [sflag:$0x6] =	stream.strided.gather [hbm4b:s18+s8], $0x400, s9, s8, $0x38;
	[tilespmem:$0x1E1A0] =	vst v63  }
0x9f: {  	s4 =	sadd.s32 $0x4600, s4;
	s20 =	simm.s32 $0xBDA0;
	s22 =	spop (v2sf)  }
0xa0: {  	[tilespmem:s20], [sflag:$0x6] =	stream.strided.gather [hbm4b:s4+s8], $0x400, s9, s8, $0x38;
	[tilespmem:$0x1E1A0] =	vst v63  }
0xa1: {  	s16 =	spop (v2sf);
	s4 =	smul.u32 $0x320000, s21  }
0xa2: {  	s15 =	sadd.s32 s22, s16  }
0xa3: {  	(v2sf) =	vpush v6, $0x0;
	s23 =	spop (v2sf);
	s15 =	sadd.s32 s4, s15  }
0xa4: {  	s15 =	sadd.s32 s23, s15  }
0xa5: {  	v26 =	vmul.u32 $0x5000, v6;
	(v2sf) =	vpush v6, $0x3;
	s15 =	sshrl.u32 s15, $0x3  }
0xa6: {  	s25 =	simm.s32 $0xC1A0;
	s15 =	sadd.s32 s0, s15  }
0xa7: {  	(v2sf) =	vpush v26, $0x1;
	[tilespmem:s25], [sflag:$0x7] =	stream.strided.gather [hbm4b:s15+s8], $0x400, s9, s8, $0x38;
	[tilespmem:$0x1E1A0] =	vst v63  }
0xa8: {  	v31 =	vshll.u32 v6, $0x7;
	s6 =	simm.s32 $0xC5A0;
	s1 =	sadd.s32 $0xA00, s15  }
0xa9: {  	(v2sf) =	vpush v31, $0x2;
	[tilespmem:s6], [sflag:$0x7] =	stream.strided.gather [hbm4b:s1+s8], $0x400, s9, s8, $0x38;
	[tilespmem:$0x1E1A0] =	vst v63  }
0xaa: {  	s18 =	simm.s32 $0xC9A0;
	s17 =	sadd.s32 $0x1400, s15  }
0xab: {  	[tilespmem:s18], [sflag:$0x7] =	stream.strided.gather [hbm4b:s17+s8], $0x400, s9, s8, $0x38;
	[tilespmem:$0x1E1A0] =	vst v63  }
0xac: {  	s20 =	simm.s32 $0xCDA0;
	s19 =	sadd.s32 $0x1E00, s15  }
0xad: {  	[tilespmem:s20], [sflag:$0x7] =	stream.strided.gather [hbm4b:s19+s8], $0x400, s9, s8, $0x38;
	[tilespmem:$0x1E1A0] =	vst v63  }
0xae: {  	s22 =	simm.s32 $0xD1A0;
	s21 =	sadd.s32 $0x2800, s15  }
0xaf: {  	[tilespmem:s22], [sflag:$0x7] =	stream.strided.gather [hbm4b:s21+s8], $0x400, s9, s8, $0x38;
	[tilespmem:$0x1E1A0] =	vst v63  }
0xb0: {  	s23 =	sadd.s32 $0x3200, s15;
	s25 =	simm.s32 $0xD5A0  }
0xb1: {  	[tilespmem:s25], [sflag:$0x7] =	stream.strided.gather [hbm4b:s23+s8], $0x400, s9, s8, $0x38;
	[tilespmem:$0x1E1A0] =	vst v63  }
0xb2: {  	s6 =	sadd.s32 $0x3C00, s15;
	s17 =	simm.s32 $0xD9A0;
	s19 =	spop (v2sf)  }
0xb3: {  	[tilespmem:s17], [sflag:$0x7] =	stream.strided.gather [hbm4b:s6+s8], $0x400, s9, s8, $0x38;
	[tilespmem:$0x1E1A0] =	vst v63  }
0xb4: {  	s15 =	sadd.s32 $0x4600, s15;
	s18 =	simm.s32 $0xDDA0;
	s20 =	spop (v2sf)  }
0xb5: {  	[tilespmem:s18], [sflag:$0x7] =	stream.strided.gather [hbm4b:s15+s8], $0x400, s9, s8, $0x38;
	[tilespmem:$0x1E1A0] =	vst v63  }
0xb6: {  	s17 =	spop (v2sf);
	s15 =	smul.u32 $0x320000, s19  }
0xb7: {  	s16 =	sadd.s32 s20, s17  }
0xb8: {  	(v2sf) =	vpush v5, $0x0;
	s21 =	spop (v2sf);
	s16 =	sadd.s32 s15, s16  }
0xb9: {  	s16 =	sadd.s32 s21, s16  }
0xba: {  	v28 =	vmul.u32 $0x5000, v5;
	(v2sf) =	vpush v5, $0x3;
	s16 =	sshrl.u32 s16, $0x3  }
0xbb: {  	s22 =	simm.s32 $0xE1A0;
	s16 =	sadd.s32 s0, s16  }
0xbc: {  	(v2sf) =	vpush v28, $0x1;
	[tilespmem:s22], [sflag:$0x8] =	stream.strided.gather [hbm4b:s16+s8], $0x400, s9, s8, $0x38;
	[tilespmem:$0x1E1A0] =	vst v63  }
0xbd: {  	v33 =	vshll.u32 v5, $0x7;
	s25 =	simm.s32 $0xE5A0;
	s23 =	sadd.s32 $0xA00, s16  }
0xbe: {  	(v2sf) =	vpush v33, $0x2;
	[tilespmem:s25], [sflag:$0x8] =	stream.strided.gather [hbm4b:s23+s8], $0x400, s9, s8, $0x38;
	[tilespmem:$0x1E1A0] =	vst v63  }
0xbf: {  	s18 =	simm.s32 $0xE9A0;
	s6 =	sadd.s32 $0x1400, s16  }
0xc0: {  	[tilespmem:s18], [sflag:$0x8] =	stream.strided.gather [hbm4b:s6+s8], $0x400, s9, s8, $0x38;
	[tilespmem:$0x1E1A0] =	vst v63  }
0xc1: {  	s20 =	simm.s32 $0xEDA0;
	s19 =	sadd.s32 $0x1E00, s16  }
0xc2: {  	[tilespmem:s20], [sflag:$0x8] =	stream.strided.gather [hbm4b:s19+s8], $0x400, s9, s8, $0x38;
	[tilespmem:$0x1E1A0] =	vst v63  }
0xc3: {  	s21 =	sadd.s32 $0x2800, s16;
	s22 =	simm.s32 $0xF1A0  }
0xc4: {  	[tilespmem:s22], [sflag:$0x8] =	stream.strided.gather [hbm4b:s21+s8], $0x400, s9, s8, $0x38;
	[tilespmem:$0x1E1A0] =	vst v63  }
0xc5: {  	s23 =	sadd.s32 $0x3200, s16;
	s25 =	simm.s32 $0xF5A0  }
0xc6: {  	[tilespmem:s25], [sflag:$0x8] =	stream.strided.gather [hbm4b:s23+s8], $0x400, s9, s8, $0x38;
	[tilespmem:$0x1E1A0] =	vst v63  }
0xc7: {  	s1 =	sadd.s32 $0x3C00, s16;
	s6 =	simm.s32 $0xF9A0;
	s19 =	spop (v2sf)  }
0xc8: {  	[tilespmem:s6], [sflag:$0x8] =	stream.strided.gather [hbm4b:s1+s8], $0x400, s9, s8, $0x38;
	[tilespmem:$0x1E1A0] =	vst v63  }
0xc9: {  	s16 =	sadd.s32 $0x4600, s16;
	s18 =	simm.s32 $0xFDA0;
	s20 =	spop (v2sf)  }
0xca: {  	[tilespmem:s18], [sflag:$0x8] =	stream.strided.gather [hbm4b:s16+s8], $0x400, s9, s8, $0x38;
	[tilespmem:$0x1E1A0] =	vst v63  }
0xcb: {  	s16 =	smul.u32 $0x320000, s19;
	s18 =	spop (v2sf)  }
0xcc: {  	s17 =	sadd.s32 s20, s18  }
0xcd: {  	(v2sf) =	vpush v4, $0x0;
	s21 =	spop (v2sf);
	s17 =	sadd.s32 s16, s17  }
0xce: {  	s17 =	sadd.s32 s21, s17  }
0xcf: {  	v30 =	vmul.u32 $0x5000, v4;
	(v2sf) =	vpush v4, $0x3;
	s17 =	sshrl.u32 s17, $0x3  }
0xd0: {  	s22 =	simm.s32 $0x101A0;
	s17 =	sadd.s32 s0, s17  }
0xd1: {  	(v2sf) =	vpush v30, $0x1;
	[tilespmem:s22], [sflag:$0x9] =	stream.strided.gather [hbm4b:s17+s8], $0x400, s9, s8, $0x38;
	[tilespmem:$0x1E1A0] =	vst v63  }
0xd2: {  	v35 =	vshll.u32 v4, $0x7;
	s25 =	simm.s32 $0x105A0;
	s23 =	sadd.s32 $0xA00, s17  }
0xd3: {  	(v2sf) =	vpush v35, $0x2;
	[tilespmem:s25], [sflag:$0x9] =	stream.strided.gather [hbm4b:s23+s8], $0x400, s9, s8, $0x38;
	[tilespmem:$0x1E1A0] =	vst v63  }
0xd4: {  	s6 =	simm.s32 $0x109A0;
	s1 =	sadd.s32 $0x1400, s17  }
0xd5: {  	[tilespmem:s6], [sflag:$0x9] =	stream.strided.gather [hbm4b:s1+s8], $0x400, s9, s8, $0x38;
	[tilespmem:$0x1E1A0] =	vst v63  }
0xd6: {  	s20 =	simm.s32 $0x10DA0;
	s19 =	sadd.s32 $0x1E00, s17  }
0xd7: {  	[tilespmem:s20], [sflag:$0x9] =	stream.strided.gather [hbm4b:s19+s8], $0x400, s9, s8, $0x38;
	[tilespmem:$0x1E1A0] =	vst v63  }
0xd8: {  	s21 =	sadd.s32 $0x2800, s17;
	s22 =	simm.s32 $0x111A0  }
0xd9: {  	[tilespmem:s22], [sflag:$0x9] =	stream.strided.gather [hbm4b:s21+s8], $0x400, s9, s8, $0x38;
	[tilespmem:$0x1E1A0] =	vst v63  }
0xda: {  	s23 =	sadd.s32 $0x3200, s17;
	s25 =	simm.s32 $0x115A0  }
0xdb: {  	[tilespmem:s25], [sflag:$0x9] =	stream.strided.gather [hbm4b:s23+s8], $0x400, s9, s8, $0x38;
	[tilespmem:$0x1E1A0] =	vst v63  }
0xdc: {  	s6 =	sadd.s32 $0x3C00, s17;
	s19 =	simm.s32 $0x119A0;
	s21 =	spop (v2sf)  }
0xdd: {  	[tilespmem:s19], [sflag:$0x9] =	stream.strided.gather [hbm4b:s6+s8], $0x400, s9, s8, $0x38;
	[tilespmem:$0x1E1A0] =	vst v63  }
0xde: {  	s17 =	sadd.s32 $0x4600, s17;
	s20 =	simm.s32 $0x11DA0;
	s22 =	spop (v2sf)  }
0xdf: {  	[tilespmem:s20], [sflag:$0x9] =	stream.strided.gather [hbm4b:s17+s8], $0x400, s9, s8, $0x38;
	[tilespmem:$0x1E1A0] =	vst v63  }
0xe0: {  	s19 =	spop (v2sf);
	s17 =	smul.u32 $0x320000, s21  }
0xe1: {  	s18 =	sadd.s32 s22, s19  }
0xe2: {  	(v2sf) =	vpush v3, $0x0;
	s23 =	spop (v2sf);
	s18 =	sadd.s32 s17, s18  }
0xe3: {  	s18 =	sadd.s32 s23, s18  }
0xe4: {  	v32 =	vmul.u32 $0x5000, v3;
	(v2sf) =	vpush v3, $0x3;
	s18 =	sshrl.u32 s18, $0x3  }
0xe5: {  	s25 =	simm.s32 $0x121A0;
	s18 =	sadd.s32 s0, s18  }
0xe6: {  	(v2sf) =	vpush v32, $0x1;
	[tilespmem:s25], [sflag:$0xA] =	stream.strided.gather [hbm4b:s18+s8], $0x400, s9, s8, $0x38;
	[tilespmem:$0x1E1A0] =	vst v63  }
0xe7: {  	v36 =	vshll.u32 v3, $0x7;
	s20 =	simm.s32 $0x125A0;
	s6 =	sadd.s32 $0xA00, s18  }
0xe8: {  	(v2sf) =	vpush v36, $0x2;
	[tilespmem:s20], [sflag:$0xA] =	stream.strided.gather [hbm4b:s6+s8], $0x400, s9, s8, $0x38;
	[tilespmem:$0x1E1A0] =	vst v63  }
0xe9: {  	s22 =	simm.s32 $0x129A0;
	s21 =	sadd.s32 $0x1400, s18  }
0xea: {  	[tilespmem:s22], [sflag:$0xA] =	stream.strided.gather [hbm4b:s21+s8], $0x400, s9, s8, $0x38;
	[tilespmem:$0x1E1A0] =	vst v63  }
0xeb: {  	s23 =	sadd.s32 $0x1E00, s18;
	s25 =	simm.s32 $0x12DA0  }
0xec: {  	[tilespmem:s25], [sflag:$0xA] =	stream.strided.gather [hbm4b:s23+s8], $0x400, s9, s8, $0x38;
	[tilespmem:$0x1E1A0] =	vst v63  }
0xed: {  	s1 =	sadd.s32 $0x2800, s18;
	s6 =	simm.s32 $0x131A0  }
0xee: {  	[tilespmem:s6], [sflag:$0xA] =	stream.strided.gather [hbm4b:s1+s8], $0x400, s9, s8, $0x38;
	[tilespmem:$0x1E1A0] =	vst v63  }
0xef: {  	s20 =	sadd.s32 $0x3200, s18;
	s21 =	simm.s32 $0x135A0  }
0xf0: {  	[tilespmem:s21], [sflag:$0xA] =	stream.strided.gather [hbm4b:s20+s8], $0x400, s9, s8, $0x38;
	[tilespmem:$0x1E1A0] =	vst v63  }
0xf1: {  	s22 =	sadd.s32 $0x3C00, s18;
	s23 =	simm.s32 $0x139A0;
	s1 =	spop (v2sf)  }
0xf2: {  	[tilespmem:s23], [sflag:$0xA] =	stream.strided.gather [hbm4b:s22+s8], $0x400, s9, s8, $0x38;
	[tilespmem:$0x1E1A0] =	vst v63  }
0xf3: {  	s18 =	sadd.s32 $0x4600, s18;
	s25 =	simm.s32 $0x13DA0;
	s6 =	spop (v2sf)  }
0xf4: {  	[tilespmem:s25], [sflag:$0xA] =	stream.strided.gather [hbm4b:s18+s8], $0x400, s9, s8, $0x38;
	[tilespmem:$0x1E1A0] =	vst v63  }
0xf5: {  	s20 =	spop (v2sf);
	s18 =	smul.u32 $0x320000, s1  }
0xf6: {  	s19 =	sadd.s32 s6, s20  }
0xf7: {  	(v2sf) =	vpush v2, $0x0;
	s21 =	spop (v2sf);
	s19 =	sadd.s32 s18, s19  }
0xf8: {  	s19 =	sadd.s32 s21, s19  }
0xf9: {  	v34 =	vmul.u32 $0x5000, v2;
	(v2sf) =	vpush v2, $0x3;
	s19 =	sshrl.u32 s19, $0x3  }
0xfa: {  	s22 =	simm.s32 $0x141A0;
	s19 =	sadd.s32 s0, s19  }
0xfb: {  	(v2sf) =	vpush v34, $0x1;
	[tilespmem:s22], [sflag:$0xB] =	stream.strided.gather [hbm4b:s19+s8], $0x400, s9, s8, $0x38;
	[tilespmem:$0x1E1A0] =	vst v63  }
0xfc: {  	v38 =	vshll.u32 v2, $0x7;
	s25 =	simm.s32 $0x145A0;
	s23 =	sadd.s32 $0xA00, s19  }
0xfd: {  	(v2sf) =	vpush v38, $0x2;
	[tilespmem:s25], [sflag:$0xB] =	stream.strided.gather [hbm4b:s23+s8], $0x400, s9, s8, $0x38;
	[tilespmem:$0x1E1A0] =	vst v63  }
0xfe: {  	s6 =	simm.s32 $0x149A0;
	s1 =	sadd.s32 $0x1400, s19  }
0xff: {  	[tilespmem:s6], [sflag:$0xB] =	stream.strided.gather [hbm4b:s1+s8], $0x400, s9, s8, $0x38;
	[tilespmem:$0x1E1A0] =	vst v63  }
0x100: {  	s21 =	sadd.s32 $0x1E00, s19;
	s22 =	simm.s32 $0x14DA0  }
0x101: {  	[tilespmem:s22], [sflag:$0xB] =	stream.strided.gather [hbm4b:s21+s8], $0x400, s9, s8, $0x38;
	[tilespmem:$0x1E1A0] =	vst v63  }
0x102: {  	s23 =	sadd.s32 $0x2800, s19;
	s25 =	simm.s32 $0x151A0  }
0x103: {  	[tilespmem:s25], [sflag:$0xB] =	stream.strided.gather [hbm4b:s23+s8], $0x400, s9, s8, $0x38;
	[tilespmem:$0x1E1A0] =	vst v63  }
0x104: {  	s1 =	sadd.s32 $0x3200, s19;
	s6 =	simm.s32 $0x155A0  }
0x105: {  	[tilespmem:s6], [sflag:$0xB] =	stream.strided.gather [hbm4b:s1+s8], $0x400, s9, s8, $0x38;
	[tilespmem:$0x1E1A0] =	vst v63  }
0x106: {  	s21 =	sadd.s32 $0x3C00, s19;
	s22 =	simm.s32 $0x159A0;
	s25 =	spop (v2sf)  }
0x107: {  	[tilespmem:s22], [sflag:$0xB] =	stream.strided.gather [hbm4b:s21+s8], $0x400, s9, s8, $0x38;
	[tilespmem:$0x1E1A0] =	vst v63  }
0x108: {  	s19 =	sadd.s32 $0x4600, s19;
	s23 =	simm.s32 $0x15DA0;
	s1 =	spop (v2sf)  }
0x109: {  	[tilespmem:s23], [sflag:$0xB] =	stream.strided.gather [hbm4b:s19+s8], $0x400, s9, s8, $0x38;
	[tilespmem:$0x1E1A0] =	vst v63  }
0x10a: {  	s21 =	spop (v2sf);
	s19 =	smul.u32 $0x320000, s25  }
0x10b: {  	s20 =	sadd.s32 s1, s21  }
0x10c: {  	s6 =	spop (v2sf);
	s20 =	sadd.s32 s19, s20  }
0x10d: {  	s20 =	sadd.s32 s6, s20  }
0x10e: {  	(v2sf) =	vpush v1, $0x0;
	s20 =	sshrl.u32 s20, $0x3  }
0x10f: {  	s22 =	simm.s32 $0x161A0;
	s20 =	sadd.s32 s0, s20  }
0x110: {  	[tilespmem:s22], [sflag:$0xC] =	stream.strided.gather [hbm4b:s20+s8], $0x400, s9, s8, $0x38;
	[tilespmem:$0x1E1A0] =	vst v63  }
0x111: {  	s25 =	simm.s32 $0x165A0;
	s23 =	sadd.s32 $0xA00, s20  }
0x112: {  	[tilespmem:s25], [sflag:$0xC] =	stream.strided.gather [hbm4b:s23+s8], $0x400, s9, s8, $0x38;
	[tilespmem:$0x1E1A0] =	vst v63  }
0x113: {  	s6 =	sadd.s32 $0x1400, s20;
	s22 =	simm.s32 $0x169A0  }
0x114: {  	[tilespmem:s22], [sflag:$0xC] =	stream.strided.gather [hbm4b:s6+s8], $0x400, s9, s8, $0x38;
	[tilespmem:$0x1E1A0] =	vst v63  }
0x115: {  	s23 =	sadd.s32 $0x1E00, s20;
	s25 =	simm.s32 $0x16DA0  }
0x116: {  	[tilespmem:s25], [sflag:$0xC] =	stream.strided.gather [hbm4b:s23+s8], $0x400, s9, s8, $0x38;
	[tilespmem:$0x1E1A0] =	vst v63  }
0x117: {  	s6 =	sadd.s32 $0x2800, s20;
	s22 =	simm.s32 $0x171A0  }
0x118: {  	[tilespmem:s22], [sflag:$0xC] =	stream.strided.gather [hbm4b:s6+s8], $0x400, s9, s8, $0x38;
	[tilespmem:$0x1E1A0] =	vst v63  }
0x119: {  	s23 =	sadd.s32 $0x3200, s20;
	s25 =	simm.s32 $0x175A0  }
0x11a: {  	[tilespmem:s25], [sflag:$0xC] =	stream.strided.gather [hbm4b:s23+s8], $0x400, s9, s8, $0x38;
	[tilespmem:$0x1E1A0] =	vst v63  }
0x11b: {  	s6 =	sadd.s32 $0x3C00, s20;
	s22 =	simm.s32 $0x179A0  }
0x11c: {  	[tilespmem:s22], [sflag:$0xC] =	stream.strided.gather [hbm4b:s6+s8], $0x400, s9, s8, $0x38;
	[tilespmem:$0x1E1A0] =	vst v63  }
0x11d: {  	v40 =	vmul.u32 $0x5000, v1;
	s20 =	sadd.s32 $0x4600, s20;
	s23 =	simm.s32 $0x17DA0;
	s25 =	spop (v2sf)  }
0x11e: {  	(v2sf) =	vpush v1, $0x3;
	[tilespmem:s23], [sflag:$0xC] =	stream.strided.gather [hbm4b:s20+s8], $0x400, s9, s8, $0x38;
	[tilespmem:$0x1E1A0] =	vst v63  }
0x11f: {  	(v2sf) =	vpush v40, $0x1  }
0x120: {  	v41 =	vshll.u32 v1, $0x7  }
0x121: {  	(v2sf) =	vpush v41, $0x2;
	_ =	sdelay $0xb  }
0x122: {  	s1 =	spop (v2sf)  }
0x123: {  	s20 =	smul.u32 $0x320000, s25;
	s22 =	spop (v2sf)  }
0x124: {  	s21 =	sadd.s32 s1, s22  }
0x125: {  	(v2sf) =	vpush v0, $0x0;
	s6 =	spop (v2sf);
	s21 =	sadd.s32 s20, s21  }
0x126: {  	s21 =	sadd.s32 s6, s21  }
0x127: {  	v37 =	vmul.u32 $0x5000, v0;
	(v2sf) =	vpush v0, $0x3;
	s21 =	sshrl.u32 s21, $0x3  }
0x128: {  	s22 =	simm.s32 $0x181A0;
	s21 =	sadd.s32 s0, s21  }
0x129: {  	(v2sf) =	vpush v37, $0x1;
	[tilespmem:s22], [sflag:$0xD] =	stream.strided.gather [hbm4b:s21+s8], $0x400, s9, s8, $0x38;
	[tilespmem:$0x1E1A0] =	vst v63  }
0x12a: {  	v39 =	vshll.u32 v0, $0x7;
	s25 =	simm.s32 $0x185A0;
	s23 =	sadd.s32 $0xA00, s21  }
0x12b: {  	(v2sf) =	vpush v39, $0x2;
	[tilespmem:s25], [sflag:$0xD] =	stream.strided.gather [hbm4b:s23+s8], $0x400, s9, s8, $0x38;
	[tilespmem:$0x1E1A0] =	vst v63  }
0x12c: {  	s6 =	simm.s32 $0x189A0;
	s1 =	sadd.s32 $0x1400, s21  }
0x12d: {  	[tilespmem:s6], [sflag:$0xD] =	stream.strided.gather [hbm4b:s1+s8], $0x400, s9, s8, $0x38;
	[tilespmem:$0x1E1A0] =	vst v63  }
0x12e: {  	s23 =	sadd.s32 $0x1E00, s21;
	s25 =	simm.s32 $0x18DA0  }
0x12f: {  	[tilespmem:s25], [sflag:$0xD] =	stream.strided.gather [hbm4b:s23+s8], $0x400, s9, s8, $0x38;
	[tilespmem:$0x1E1A0] =	vst v63  }
0x130: {  	s1 =	sadd.s32 $0x2800, s21;
	s6 =	simm.s32 $0x191A0  }
0x131: {  	[tilespmem:s6], [sflag:$0xD] =	stream.strided.gather [hbm4b:s1+s8], $0x400, s9, s8, $0x38;
	[tilespmem:$0x1E1A0] =	vst v63  }
0x132: {  	s23 =	sadd.s32 $0x3200, s21;
	s25 =	simm.s32 $0x195A0  }
0x133: {  	[tilespmem:s25], [sflag:$0xD] =	stream.strided.gather [hbm4b:s23+s8], $0x400, s9, s8, $0x38;
	[tilespmem:$0x1E1A0] =	vst v63  }
0x134: {  	s6 =	sadd.s32 $0x3C00, s21;
	s1 =	spop (v2sf);
	s23 =	simm.s32 $0x199A0  }
0x135: {  	[tilespmem:s23], [sflag:$0xD] =	stream.strided.gather [hbm4b:s6+s8], $0x400, s9, s8, $0x38;
	[tilespmem:$0x1E1A0] =	vst v63  }
0x136: {  	s21 =	sadd.s32 $0x4600, s21;
	s25 =	simm.s32 $0x19DA0;
	s6 =	spop (v2sf)  }
0x137: {  	[tilespmem:s25], [sflag:$0xD] =	stream.strided.gather [hbm4b:s21+s8], $0x400, s9, s8, $0x38;
	[tilespmem:$0x1E1A0] =	vst v63  }
0x138: {  	s23 =	spop (v2sf);
	s21 =	smul.u32 $0x320000, s1  }
0x139: {  	s22 =	sadd.s32 s6, s23  }
0x13a: {  	s25 =	spop (v2sf);
	s22 =	sadd.s32 s21, s22  }
0x13b: {  	s22 =	sadd.s32 s25, s22  }
0x13c: {  	s22 =	sshrl.u32 s22, $0x3  }
0x13d: {  	s1 =	simm.s32 $0x1A1A0;
	s22 =	sadd.s32 s0, s22  }
0x13e: {  	[tilespmem:s1], [sflag:$0xE] =	stream.strided.gather [hbm4b:s22+s8], $0x400, s9, s8, $0x38;
	[tilespmem:$0x1E1A0] =	vst v63  }
0x13f: {  	s25 =	simm.s32 $0x1A5A0;
	s6 =	sadd.s32 $0xA00, s22  }
0x140: {  	[tilespmem:s25], [sflag:$0xE] =	stream.strided.gather [hbm4b:s6+s8], $0x400, s9, s8, $0x38;
	[tilespmem:$0x1E1A0] =	vst v63  }
0x141: {  	s0 =	sadd.s32 $0x1400, s22;
	s1 =	simm.s32 $0x1A9A0  }
0x142: {  	[tilespmem:s1], [sflag:$0xE] =	stream.strided.gather [hbm4b:s0+s8], $0x400, s9, s8, $0x38;
	[tilespmem:$0x1E1A0] =	vst v63  }
0x143: {  	s6 =	sadd.s32 $0x1E00, s22;
	s25 =	simm.s32 $0x1ADA0  }
0x144: {  	[tilespmem:s25], [sflag:$0xE] =	stream.strided.gather [hbm4b:s6+s8], $0x400, s9, s8, $0x38;
	[tilespmem:$0x1E1A0] =	vst v63  }
0x145: {  	s0 =	sadd.s32 $0x2800, s22;
	s1 =	simm.s32 $0x1B1A0  }
0x146: {  	[tilespmem:s1], [sflag:$0xE] =	stream.strided.gather [hbm4b:s0+s8], $0x400, s9, s8, $0x38;
	[tilespmem:$0x1E1A0] =	vst v63  }
0x147: {  	s6 =	sadd.s32 $0x3200, s22;
	s25 =	simm.s32 $0x1B5A0  }
0x148: {  	[tilespmem:s25], [sflag:$0xE] =	stream.strided.gather [hbm4b:s6+s8], $0x400, s9, s8, $0x38;
	[tilespmem:$0x1E1A0] =	vst v63  }
0x149: {  	s0 =	sadd.s32 $0x3C00, s22;
	s1 =	simm.s32 $0x1B9A0  }
0x14a: {  	[tilespmem:s1], [sflag:$0xE] =	stream.strided.gather [hbm4b:s0+s8], $0x400, s9, s8, $0x38;
	[tilespmem:$0x1E1A0] =	vst v63  }
0x14b: {  	s22 =	sadd.s32 $0x4600, s22;
	s6 =	simm.s32 $0x1BDA0  }
0x14c: {  	[tilespmem:s6], [sflag:$0xE] =	stream.strided.gather [hbm4b:s22+s8], $0x400, s9, s8, $0x38;
	[tilespmem:$0x1E1A0] =	vst v63  }
0x14d: {  	_ =	swait.ge [sflag:s26], $0x2000  }
0x14e: {  	(v2sf) =	vpush v53, $0x1  }
0x14f: {  	(v2sf) =	vpush v53, $0x2  }
0x150: {  	(v2sf) =	vpush v53, $0x3  }
0x151: {  	(v2sf) =	vpush v53, $0x0;
	_ =	sdelay $0xb  }
0x152: {  	s23 =	spop (v2sf)  }
0x153: {  	s0 =	spop (v2sf)  }
0x154: {  	s1 =	spop (v2sf)  }
0x155: {  	s22 =	smul.u32 $0x5000, s23;
	s25 =	spop (v2sf)  }
0x156: {  	s25 =	smul.u32 $0x320000, s25  }
0x157: {  	s6 =	sadd.s32 s1, s22  }
0x158: {  	s0 =	sshll.u32 s0, $0x7;
	s6 =	sadd.s32 s25, s6  }
0x159: {  	s6 =	sadd.s32 s0, s6  }
0x15a: {  	[sflag:s26] =	ssyncset.done $0x0;
	s6 =	sshrl.u32 s6, $0x3  }
0x15b: {  	[sflag:s26] =	ssyncadd.s32 $0xFFFFE000;
	s6 =	sadd.s32 s3, s6  }
0x15c: {  	(v2sf) =	vpush v52, $0x1;
	[hbm4b:s6+s8] =	stream.strided.scatter [tilespmem:s28], [sflag:$0x10], $0x400, s9, s8, $0x38;
	[tilespmem:$0x1E1A0] =	vst v63  }
0x15d: {  	(v2sf) =	vpush v52, $0x2;
	s1 =	sadd.s32 $0xA00, s6  }
0x15e: {  	(v2sf) =	vpush v52, $0x3;
	[hbm4b:s1+s8] =	stream.strided.scatter [tilespmem:s29], [sflag:$0x10], $0x400, s9, s8, $0x38;
	[tilespmem:$0x1E1A0] =	vst v63  }
0x15f: {  	(v2sf) =	vpush v52, $0x0;
	s23 =	sadd.s32 $0x1400, s6  }
0x160: {  	[hbm4b:s23+s8] =	stream.strided.scatter [tilespmem:s30], [sflag:$0x10], $0x400, s9, s8, $0x38;
	[tilespmem:$0x1E1A0] =	vst v63  }
0x161: {  	s25 =	sadd.s32 $0x1E00, s6  }
0x162: {  	[hbm4b:s25+s8] =	stream.strided.scatter [tilespmem:s31], [sflag:$0x10], $0x400, s9, s8, $0x38;
	[tilespmem:$0x1E1A0] =	vst v63  }
0x163: {  	s0 =	sadd.s32 $0x2800, s6  }
0x164: {  	[hbm4b:s0+s8] =	stream.strided.scatter [tilespmem:s2], [sflag:$0x10], $0x400, s9, s8, $0x38;
	[tilespmem:$0x1E1A0] =	vst v63  }
0x165: {  	s1 =	sadd.s32 $0x3200, s6;
	s0 =	simm.s32 $0x1D5A0  }
0x166: {  	[hbm4b:s1+s8] =	stream.strided.scatter [tilespmem:s0], [sflag:$0x10], $0x400, s9, s8, $0x38;
	[tilespmem:$0x1E1A0] =	vst v63  }
0x167: {  	s23 =	sadd.s32 $0x3C00, s6  }
0x168: {  	[hbm4b:s23+s8] =	stream.strided.scatter [tilespmem:s10], [sflag:$0x10], $0x400, s9, s8, $0x38;
	[tilespmem:$0x1E1A0] =	vst v63  }
0x169: {  	s6 =	sadd.s32 $0x4600, s6;
	s1 =	simm.s32 $0x1DDA0  }
0x16a: {  	[hbm4b:s6+s8] =	stream.strided.scatter [tilespmem:s1], [sflag:$0x10], $0x400, s9, s8, $0x38;
	[tilespmem:$0x1E1A0] =	vst v63  }
0x16b: {  	s6 =	spop (v2sf)  }
0x16c: {  	s22 =	spop (v2sf)  }
0x16d: {  	s23 =	spop (v2sf)  }
0x16e: {  	s6 =	smul.u32 $0x5000, s6;
	s25 =	spop (v2sf)  }
0x16f: {  	s25 =	smul.u32 $0x320000, s25  }
0x170: {  	s6 =	sadd.s32 s23, s6  }
0x171: {  	s22 =	sshll.u32 s22, $0x7;
	s6 =	sadd.s32 s25, s6  }
0x172: {  	s6 =	sadd.s32 s22, s6  }
0x173: {  	s6 =	sshrl.u32 s6, $0x3  }
0x174: {  	s6 =	sadd.s32 s3, s6  }
0x175: {  	(v2sf) =	vpush v51, $0x1;
	[hbm4b:s6+s8] =	stream.strided.scatter [tilespmem:s28], [sflag:$0x10], $0x400, s9, s8, $0x38;
	[tilespmem:$0x1E1A0] =	vst v63  }
0x176: {  	(v2sf) =	vpush v51, $0x2;
	s25 =	sadd.s32 $0xA00, s6  }
0x177: {  	(v2sf) =	vpush v51, $0x3;
	[hbm4b:s25+s8] =	stream.strided.scatter [tilespmem:s29], [sflag:$0x10], $0x400, s9, s8, $0x38;
	[tilespmem:$0x1E1A0] =	vst v63  }
0x178: {  	(v2sf) =	vpush v51, $0x0;
	s23 =	sadd.s32 $0x1400, s6  }
0x179: {  	[hbm4b:s23+s8] =	stream.strided.scatter [tilespmem:s30], [sflag:$0x10], $0x400, s9, s8, $0x38;
	[tilespmem:$0x1E1A0] =	vst v63  }
0x17a: {  	s25 =	sadd.s32 $0x1E00, s6  }
0x17b: {  	[hbm4b:s25+s8] =	stream.strided.scatter [tilespmem:s31], [sflag:$0x10], $0x400, s9, s8, $0x38;
	[tilespmem:$0x1E1A0] =	vst v63  }
0x17c: {  	s23 =	sadd.s32 $0x2800, s6  }
0x17d: {  	[hbm4b:s23+s8] =	stream.strided.scatter [tilespmem:s2], [sflag:$0x10], $0x400, s9, s8, $0x38;
	[tilespmem:$0x1E1A0] =	vst v63  }
0x17e: {  	s25 =	sadd.s32 $0x3200, s6  }
0x17f: {  	[hbm4b:s25+s8] =	stream.strided.scatter [tilespmem:s0], [sflag:$0x10], $0x400, s9, s8, $0x38;
	[tilespmem:$0x1E1A0] =	vst v63  }
0x180: {  	s23 =	sadd.s32 $0x3C00, s6  }
0x181: {  	[hbm4b:s23+s8] =	stream.strided.scatter [tilespmem:s10], [sflag:$0x10], $0x400, s9, s8, $0x38;
	[tilespmem:$0x1E1A0] =	vst v63  }
0x182: {  	s6 =	sadd.s32 $0x4600, s6  }
0x183: {  	[hbm4b:s6+s8] =	stream.strided.scatter [tilespmem:s1], [sflag:$0x10], $0x400, s9, s8, $0x38;
	[tilespmem:$0x1E1A0] =	vst v63  }
0x184: {  	s6 =	spop (v2sf)  }
0x185: {  	s22 =	spop (v2sf)  }
0x186: {  	s23 =	spop (v2sf)  }
0x187: {  	s6 =	smul.u32 $0x5000, s6;
	s25 =	spop (v2sf)  }
0x188: {  	s25 =	smul.u32 $0x320000, s25  }
0x189: {  	s6 =	sadd.s32 s23, s6  }
0x18a: {  	s22 =	sshll.u32 s22, $0x7;
	s6 =	sadd.s32 s25, s6  }
0x18b: {  	s6 =	sadd.s32 s22, s6  }
0x18c: {  	s6 =	sshrl.u32 s6, $0x3  }
0x18d: {  	s6 =	sadd.s32 s3, s6  }
0x18e: {  	(v2sf) =	vpush v50, $0x1;
	[hbm4b:s6+s8] =	stream.strided.scatter [tilespmem:s28], [sflag:$0x10], $0x400, s9, s8, $0x38;
	[tilespmem:$0x1E1A0] =	vst v63  }
0x18f: {  	(v2sf) =	vpush v50, $0x2;
	s25 =	sadd.s32 $0xA00, s6  }
0x190: {  	(v2sf) =	vpush v50, $0x3;
	[hbm4b:s25+s8] =	stream.strided.scatter [tilespmem:s29], [sflag:$0x10], $0x400, s9, s8, $0x38;
	[tilespmem:$0x1E1A0] =	vst v63  }
0x191: {  	(v2sf) =	vpush v50, $0x0;
	s23 =	sadd.s32 $0x1400, s6  }
0x192: {  	[hbm4b:s23+s8] =	stream.strided.scatter [tilespmem:s30], [sflag:$0x10], $0x400, s9, s8, $0x38;
	[tilespmem:$0x1E1A0] =	vst v63  }
0x193: {  	s25 =	sadd.s32 $0x1E00, s6  }
0x194: {  	[hbm4b:s25+s8] =	stream.strided.scatter [tilespmem:s31], [sflag:$0x10], $0x400, s9, s8, $0x38;
	[tilespmem:$0x1E1A0] =	vst v63  }
0x195: {  	s23 =	sadd.s32 $0x2800, s6  }
0x196: {  	[hbm4b:s23+s8] =	stream.strided.scatter [tilespmem:s2], [sflag:$0x10], $0x400, s9, s8, $0x38;
	[tilespmem:$0x1E1A0] =	vst v63  }
0x197: {  	s25 =	sadd.s32 $0x3200, s6  }
0x198: {  	[hbm4b:s25+s8] =	stream.strided.scatter [tilespmem:s0], [sflag:$0x10], $0x400, s9, s8, $0x38;
	[tilespmem:$0x1E1A0] =	vst v63  }
0x199: {  	s23 =	sadd.s32 $0x3C00, s6  }
0x19a: {  	[hbm4b:s23+s8] =	stream.strided.scatter [tilespmem:s10], [sflag:$0x10], $0x400, s9, s8, $0x38;
	[tilespmem:$0x1E1A0] =	vst v63  }
0x19b: {  	s6 =	sadd.s32 $0x4600, s6  }
0x19c: {  	[hbm4b:s6+s8] =	stream.strided.scatter [tilespmem:s1], [sflag:$0x10], $0x400, s9, s8, $0x38;
	[tilespmem:$0x1E1A0] =	vst v63  }
0x19d: {  	s6 =	spop (v2sf)  }
0x19e: {  	s22 =	spop (v2sf)  }
0x19f: {  	s23 =	spop (v2sf)  }
0x1a0: {  	s6 =	smul.u32 $0x5000, s6;
	s25 =	spop (v2sf)  }
0x1a1: {  	s25 =	smul.u32 $0x320000, s25  }
0x1a2: {  	s6 =	sadd.s32 s23, s6  }
0x1a3: {  	s22 =	sshll.u32 s22, $0x7;
	s6 =	sadd.s32 s25, s6  }
0x1a4: {  	s6 =	sadd.s32 s22, s6  }
0x1a5: {  	s6 =	sshrl.u32 s6, $0x3  }
0x1a6: {  	s6 =	sadd.s32 s3, s6  }
0x1a7: {  	(v2sf) =	vpush v49, $0x1;
	[hbm4b:s6+s8] =	stream.strided.scatter [tilespmem:s28], [sflag:$0x10], $0x400, s9, s8, $0x38;
	[tilespmem:$0x1E1A0] =	vst v63  }
0x1a8: {  	(v2sf) =	vpush v49, $0x2;
	s25 =	sadd.s32 $0xA00, s6  }
0x1a9: {  	(v2sf) =	vpush v49, $0x3;
	[hbm4b:s25+s8] =	stream.strided.scatter [tilespmem:s29], [sflag:$0x10], $0x400, s9, s8, $0x38;
	[tilespmem:$0x1E1A0] =	vst v63  }
0x1aa: {  	(v2sf) =	vpush v49, $0x0;
	s23 =	sadd.s32 $0x1400, s6  }
0x1ab: {  	[hbm4b:s23+s8] =	stream.strided.scatter [tilespmem:s30], [sflag:$0x10], $0x400, s9, s8, $0x38;
	[tilespmem:$0x1E1A0] =	vst v63  }
0x1ac: {  	s25 =	sadd.s32 $0x1E00, s6  }
0x1ad: {  	[hbm4b:s25+s8] =	stream.strided.scatter [tilespmem:s31], [sflag:$0x10], $0x400, s9, s8, $0x38;
	[tilespmem:$0x1E1A0] =	vst v63  }
0x1ae: {  	s23 =	sadd.s32 $0x2800, s6  }
0x1af: {  	[hbm4b:s23+s8] =	stream.strided.scatter [tilespmem:s2], [sflag:$0x10], $0x400, s9, s8, $0x38;
	[tilespmem:$0x1E1A0] =	vst v63  }
0x1b0: {  	s25 =	sadd.s32 $0x3200, s6  }
0x1b1: {  	[hbm4b:s25+s8] =	stream.strided.scatter [tilespmem:s0], [sflag:$0x10], $0x400, s9, s8, $0x38;
	[tilespmem:$0x1E1A0] =	vst v63  }
0x1b2: {  	s23 =	sadd.s32 $0x3C00, s6  }
0x1b3: {  	[hbm4b:s23+s8] =	stream.strided.scatter [tilespmem:s10], [sflag:$0x10], $0x400, s9, s8, $0x38;
	[tilespmem:$0x1E1A0] =	vst v63  }
0x1b4: {  	s6 =	sadd.s32 $0x4600, s6  }
0x1b5: {  	[hbm4b:s6+s8] =	stream.strided.scatter [tilespmem:s1], [sflag:$0x10], $0x400, s9, s8, $0x38;
	[tilespmem:$0x1E1A0] =	vst v63  }
0x1b6: {  	s6 =	spop (v2sf)  }
0x1b7: {  	s22 =	spop (v2sf)  }
0x1b8: {  	s23 =	spop (v2sf)  }
0x1b9: {  	s6 =	smul.u32 $0x5000, s6;
	s25 =	spop (v2sf)  }
0x1ba: {  	s25 =	smul.u32 $0x320000, s25  }
0x1bb: {  	s6 =	sadd.s32 s23, s6  }
0x1bc: {  	s22 =	sshll.u32 s22, $0x7;
	s6 =	sadd.s32 s25, s6  }
0x1bd: {  	s6 =	sadd.s32 s22, s6  }
0x1be: {  	s6 =	sshrl.u32 s6, $0x3  }
0x1bf: {  	s6 =	sadd.s32 s3, s6  }
0x1c0: {  	(v2sf) =	vpush v48, $0x1;
	[hbm4b:s6+s8] =	stream.strided.scatter [tilespmem:s28], [sflag:$0x10], $0x400, s9, s8, $0x38;
	[tilespmem:$0x1E1A0] =	vst v63  }
0x1c1: {  	(v2sf) =	vpush v48, $0x2;
	s25 =	sadd.s32 $0xA00, s6  }
0x1c2: {  	(v2sf) =	vpush v48, $0x3;
	[hbm4b:s25+s8] =	stream.strided.scatter [tilespmem:s29], [sflag:$0x10], $0x400, s9, s8, $0x38;
	[tilespmem:$0x1E1A0] =	vst v63  }
0x1c3: {  	(v2sf) =	vpush v48, $0x0;
	s23 =	sadd.s32 $0x1400, s6  }
0x1c4: {  	[hbm4b:s23+s8] =	stream.strided.scatter [tilespmem:s30], [sflag:$0x10], $0x400, s9, s8, $0x38;
	[tilespmem:$0x1E1A0] =	vst v63  }
0x1c5: {  	s25 =	sadd.s32 $0x1E00, s6  }
0x1c6: {  	[hbm4b:s25+s8] =	stream.strided.scatter [tilespmem:s31], [sflag:$0x10], $0x400, s9, s8, $0x38;
	[tilespmem:$0x1E1A0] =	vst v63  }
0x1c7: {  	s23 =	sadd.s32 $0x2800, s6  }
0x1c8: {  	[hbm4b:s23+s8] =	stream.strided.scatter [tilespmem:s2], [sflag:$0x10], $0x400, s9, s8, $0x38;
	[tilespmem:$0x1E1A0] =	vst v63  }
0x1c9: {  	s25 =	sadd.s32 $0x3200, s6  }
0x1ca: {  	[hbm4b:s25+s8] =	stream.strided.scatter [tilespmem:s0], [sflag:$0x10], $0x400, s9, s8, $0x38;
	[tilespmem:$0x1E1A0] =	vst v63  }
0x1cb: {  	s23 =	sadd.s32 $0x3C00, s6  }
0x1cc: {  	[hbm4b:s23+s8] =	stream.strided.scatter [tilespmem:s10], [sflag:$0x10], $0x400, s9, s8, $0x38;
	[tilespmem:$0x1E1A0] =	vst v63  }
0x1cd: {  	s6 =	sadd.s32 $0x4600, s6  }
0x1ce: {  	[hbm4b:s6+s8] =	stream.strided.scatter [tilespmem:s1], [sflag:$0x10], $0x400, s9, s8, $0x38;
	[tilespmem:$0x1E1A0] =	vst v63  }
0x1cf: {  	s6 =	spop (v2sf)  }
0x1d0: {  	s22 =	spop (v2sf)  }
0x1d1: {  	s23 =	spop (v2sf)  }
0x1d2: {  	s6 =	smul.u32 $0x5000, s6;
	s25 =	spop (v2sf)  }
0x1d3: {  	s25 =	smul.u32 $0x320000, s25  }
0x1d4: {  	s6 =	sadd.s32 s23, s6  }
0x1d5: {  	s22 =	sshll.u32 s22, $0x7;
	s6 =	sadd.s32 s25, s6  }
0x1d6: {  	s6 =	sadd.s32 s22, s6  }
0x1d7: {  	s6 =	sshrl.u32 s6, $0x3  }
0x1d8: {  	s6 =	sadd.s32 s3, s6  }
0x1d9: {  	(v2sf) =	vpush v47, $0x1;
	[hbm4b:s6+s8] =	stream.strided.scatter [tilespmem:s28], [sflag:$0x10], $0x400, s9, s8, $0x38;
	[tilespmem:$0x1E1A0] =	vst v63  }
0x1da: {  	(v2sf) =	vpush v47, $0x2;
	s25 =	sadd.s32 $0xA00, s6  }
0x1db: {  	(v2sf) =	vpush v47, $0x3;
	[hbm4b:s25+s8] =	stream.strided.scatter [tilespmem:s29], [sflag:$0x10], $0x400, s9, s8, $0x38;
	[tilespmem:$0x1E1A0] =	vst v63  }
0x1dc: {  	(v2sf) =	vpush v47, $0x0;
	s23 =	sadd.s32 $0x1400, s6  }
0x1dd: {  	[hbm4b:s23+s8] =	stream.strided.scatter [tilespmem:s30], [sflag:$0x10], $0x400, s9, s8, $0x38;
	[tilespmem:$0x1E1A0] =	vst v63  }
0x1de: {  	s25 =	sadd.s32 $0x1E00, s6  }
0x1df: {  	[hbm4b:s25+s8] =	stream.strided.scatter [tilespmem:s31], [sflag:$0x10], $0x400, s9, s8, $0x38;
	[tilespmem:$0x1E1A0] =	vst v63  }
0x1e0: {  	s23 =	sadd.s32 $0x2800, s6  }
0x1e1: {  	[hbm4b:s23+s8] =	stream.strided.scatter [tilespmem:s2], [sflag:$0x10], $0x400, s9, s8, $0x38;
	[tilespmem:$0x1E1A0] =	vst v63  }
0x1e2: {  	s25 =	sadd.s32 $0x3200, s6  }
0x1e3: {  	[hbm4b:s25+s8] =	stream.strided.scatter [tilespmem:s0], [sflag:$0x10], $0x400, s9, s8, $0x38;
	[tilespmem:$0x1E1A0] =	vst v63  }
0x1e4: {  	s23 =	sadd.s32 $0x3C00, s6  }
0x1e5: {  	[hbm4b:s23+s8] =	stream.strided.scatter [tilespmem:s10], [sflag:$0x10], $0x400, s9, s8, $0x38;
	[tilespmem:$0x1E1A0] =	vst v63  }
0x1e6: {  	s6 =	sadd.s32 $0x4600, s6  }
0x1e7: {  	[hbm4b:s6+s8] =	stream.strided.scatter [tilespmem:s1], [sflag:$0x10], $0x400, s9, s8, $0x38;
	[tilespmem:$0x1E1A0] =	vst v63  }
0x1e8: {  	s6 =	spop (v2sf)  }
0x1e9: {  	s22 =	spop (v2sf)  }
0x1ea: {  	s23 =	spop (v2sf)  }
0x1eb: {  	s6 =	smul.u32 $0x5000, s6;
	s25 =	spop (v2sf)  }
0x1ec: {  	s25 =	smul.u32 $0x320000, s25  }
0x1ed: {  	s6 =	sadd.s32 s23, s6  }
0x1ee: {  	s22 =	sshll.u32 s22, $0x7;
	s6 =	sadd.s32 s25, s6  }
0x1ef: {  	s6 =	sadd.s32 s22, s6  }
0x1f0: {  	s6 =	sshrl.u32 s6, $0x3  }
0x1f1: {  	s6 =	sadd.s32 s3, s6  }
0x1f2: {  	(v2sf) =	vpush v46, $0x1;
	[hbm4b:s6+s8] =	stream.strided.scatter [tilespmem:s28], [sflag:$0x10], $0x400, s9, s8, $0x38;
	[tilespmem:$0x1E1A0] =	vst v63  }
0x1f3: {  	(v2sf) =	vpush v46, $0x2;
	s25 =	sadd.s32 $0xA00, s6  }
0x1f4: {  	(v2sf) =	vpush v46, $0x3;
	[hbm4b:s25+s8] =	stream.strided.scatter [tilespmem:s29], [sflag:$0x10], $0x400, s9, s8, $0x38;
	[tilespmem:$0x1E1A0] =	vst v63  }
0x1f5: {  	(v2sf) =	vpush v46, $0x0;
	s23 =	sadd.s32 $0x1400, s6  }
0x1f6: {  	[hbm4b:s23+s8] =	stream.strided.scatter [tilespmem:s30], [sflag:$0x10], $0x400, s9, s8, $0x38;
	[tilespmem:$0x1E1A0] =	vst v63  }
0x1f7: {  	s25 =	sadd.s32 $0x1E00, s6  }
0x1f8: {  	[hbm4b:s25+s8] =	stream.strided.scatter [tilespmem:s31], [sflag:$0x10], $0x400, s9, s8, $0x38;
	[tilespmem:$0x1E1A0] =	vst v63  }
0x1f9: {  	s23 =	sadd.s32 $0x2800, s6  }
0x1fa: {  	[hbm4b:s23+s8] =	stream.strided.scatter [tilespmem:s2], [sflag:$0x10], $0x400, s9, s8, $0x38;
	[tilespmem:$0x1E1A0] =	vst v63  }
0x1fb: {  	s25 =	sadd.s32 $0x3200, s6  }
0x1fc: {  	[hbm4b:s25+s8] =	stream.strided.scatter [tilespmem:s0], [sflag:$0x10], $0x400, s9, s8, $0x38;
	[tilespmem:$0x1E1A0] =	vst v63  }
0x1fd: {  	s23 =	sadd.s32 $0x3C00, s6  }
0x1fe: {  	[hbm4b:s23+s8] =	stream.strided.scatter [tilespmem:s10], [sflag:$0x10], $0x400, s9, s8, $0x38;
	[tilespmem:$0x1E1A0] =	vst v63  }
0x1ff: {  	s6 =	sadd.s32 $0x4600, s6  }
0x200: {  	[hbm4b:s6+s8] =	stream.strided.scatter [tilespmem:s1], [sflag:$0x10], $0x400, s9, s8, $0x38;
	[tilespmem:$0x1E1A0] =	vst v63  }
0x201: {  	s6 =	spop (v2sf)  }
0x202: {  	s22 =	spop (v2sf)  }
0x203: {  	s23 =	spop (v2sf)  }
0x204: {  	s6 =	smul.u32 $0x5000, s6;
	s25 =	spop (v2sf)  }
0x205: {  	s25 =	smul.u32 $0x320000, s25  }
0x206: {  	s6 =	sadd.s32 s23, s6  }
0x207: {  	s22 =	sshll.u32 s22, $0x7;
	s6 =	sadd.s32 s25, s6  }
0x208: {  	s6 =	sadd.s32 s22, s6  }
0x209: {  	s6 =	sshrl.u32 s6, $0x3  }
0x20a: {  	s6 =	sadd.s32 s3, s6  }
0x20b: {  	(v2sf) =	vpush v45, $0x1;
	[hbm4b:s6+s8] =	stream.strided.scatter [tilespmem:s28], [sflag:$0x10], $0x400, s9, s8, $0x38;
	[tilespmem:$0x1E1A0] =	vst v63  }
0x20c: {  	(v2sf) =	vpush v45, $0x2;
	s25 =	sadd.s32 $0xA00, s6  }
0x20d: {  	(v2sf) =	vpush v45, $0x3;
	[hbm4b:s25+s8] =	stream.strided.scatter [tilespmem:s29], [sflag:$0x10], $0x400, s9, s8, $0x38;
	[tilespmem:$0x1E1A0] =	vst v63  }
0x20e: {  	(v2sf) =	vpush v45, $0x0;
	s23 =	sadd.s32 $0x1400, s6  }
0x20f: {  	[hbm4b:s23+s8] =	stream.strided.scatter [tilespmem:s30], [sflag:$0x10], $0x400, s9, s8, $0x38;
	[tilespmem:$0x1E1A0] =	vst v63  }
0x210: {  	s25 =	sadd.s32 $0x1E00, s6  }
0x211: {  	[hbm4b:s25+s8] =	stream.strided.scatter [tilespmem:s31], [sflag:$0x10], $0x400, s9, s8, $0x38;
	[tilespmem:$0x1E1A0] =	vst v63  }
0x212: {  	s23 =	sadd.s32 $0x2800, s6  }
0x213: {  	[hbm4b:s23+s8] =	stream.strided.scatter [tilespmem:s2], [sflag:$0x10], $0x400, s9, s8, $0x38;
	[tilespmem:$0x1E1A0] =	vst v63  }
0x214: {  	s25 =	sadd.s32 $0x3200, s6  }
0x215: {  	[hbm4b:s25+s8] =	stream.strided.scatter [tilespmem:s0], [sflag:$0x10], $0x400, s9, s8, $0x38;
	[tilespmem:$0x1E1A0] =	vst v63  }
0x216: {  	s23 =	sadd.s32 $0x3C00, s6  }
0x217: {  	[hbm4b:s23+s8] =	stream.strided.scatter [tilespmem:s10], [sflag:$0x10], $0x400, s9, s8, $0x38;
	[tilespmem:$0x1E1A0] =	vst v63  }
0x218: {  	s6 =	sadd.s32 $0x4600, s6  }
0x219: {  	[hbm4b:s6+s8] =	stream.strided.scatter [tilespmem:s1], [sflag:$0x10], $0x400, s9, s8, $0x38;
	[tilespmem:$0x1E1A0] =	vst v63  }
0x21a: {  	s6 =	spop (v2sf)  }
0x21b: {  	s22 =	spop (v2sf)  }
0x21c: {  	s23 =	spop (v2sf)  }
0x21d: {  	s6 =	smul.u32 $0x5000, s6;
	s25 =	spop (v2sf)  }
0x21e: {  	s25 =	smul.u32 $0x320000, s25  }
0x21f: {  	s6 =	sadd.s32 s23, s6  }
0x220: {  	s22 =	sshll.u32 s22, $0x7;
	s6 =	sadd.s32 s25, s6  }
0x221: {  	s6 =	sadd.s32 s22, s6  }
0x222: {  	s6 =	sshrl.u32 s6, $0x3  }
0x223: {  	s6 =	sadd.s32 s3, s6  }
0x224: {  	(v2sf) =	vpush v44, $0x1;
	[hbm4b:s6+s8] =	stream.strided.scatter [tilespmem:s28], [sflag:$0x10], $0x400, s9, s8, $0x38;
	[tilespmem:$0x1E1A0] =	vst v63  }
0x225: {  	(v2sf) =	vpush v44, $0x2;
	s25 =	sadd.s32 $0xA00, s6  }
0x226: {  	(v2sf) =	vpush v44, $0x3;
	[hbm4b:s25+s8] =	stream.strided.scatter [tilespmem:s29], [sflag:$0x10], $0x400, s9, s8, $0x38;
	[tilespmem:$0x1E1A0] =	vst v63  }
0x227: {  	(v2sf) =	vpush v44, $0x0;
	s23 =	sadd.s32 $0x1400, s6  }
0x228: {  	[hbm4b:s23+s8] =	stream.strided.scatter [tilespmem:s30], [sflag:$0x10], $0x400, s9, s8, $0x38;
	[tilespmem:$0x1E1A0] =	vst v63  }
0x229: {  	s25 =	sadd.s32 $0x1E00, s6  }
0x22a: {  	[hbm4b:s25+s8] =	stream.strided.scatter [tilespmem:s31], [sflag:$0x10], $0x400, s9, s8, $0x38;
	[tilespmem:$0x1E1A0] =	vst v63  }
0x22b: {  	s23 =	sadd.s32 $0x2800, s6  }
0x22c: {  	[hbm4b:s23+s8] =	stream.strided.scatter [tilespmem:s2], [sflag:$0x10], $0x400, s9, s8, $0x38;
	[tilespmem:$0x1E1A0] =	vst v63  }
0x22d: {  	s25 =	sadd.s32 $0x3200, s6  }
0x22e: {  	[hbm4b:s25+s8] =	stream.strided.scatter [tilespmem:s0], [sflag:$0x10], $0x400, s9, s8, $0x38;
	[tilespmem:$0x1E1A0] =	vst v63  }
0x22f: {  	s23 =	sadd.s32 $0x3C00, s6  }
0x230: {  	[hbm4b:s23+s8] =	stream.strided.scatter [tilespmem:s10], [sflag:$0x10], $0x400, s9, s8, $0x38;
	[tilespmem:$0x1E1A0] =	vst v63  }
0x231: {  	s6 =	sadd.s32 $0x4600, s6  }
0x232: {  	[hbm4b:s6+s8] =	stream.strided.scatter [tilespmem:s1], [sflag:$0x10], $0x400, s9, s8, $0x38;
	[tilespmem:$0x1E1A0] =	vst v63  }
0x233: {  	s6 =	spop (v2sf)  }
0x234: {  	s22 =	spop (v2sf)  }
0x235: {  	s23 =	spop (v2sf)  }
0x236: {  	s6 =	smul.u32 $0x5000, s6;
	s25 =	spop (v2sf)  }
0x237: {  	s25 =	smul.u32 $0x320000, s25  }
0x238: {  	s6 =	sadd.s32 s23, s6  }
0x239: {  	s22 =	sshll.u32 s22, $0x7;
	s6 =	sadd.s32 s25, s6  }
0x23a: {  	s6 =	sadd.s32 s22, s6  }
0x23b: {  	s6 =	sshrl.u32 s6, $0x3  }
0x23c: {  	s6 =	sadd.s32 s3, s6  }
0x23d: {  	(v2sf) =	vpush v43, $0x1;
	[hbm4b:s6+s8] =	stream.strided.scatter [tilespmem:s28], [sflag:$0x10], $0x400, s9, s8, $0x38;
	[tilespmem:$0x1E1A0] =	vst v63  }
0x23e: {  	(v2sf) =	vpush v43, $0x2;
	s25 =	sadd.s32 $0xA00, s6  }
0x23f: {  	(v2sf) =	vpush v43, $0x3;
	[hbm4b:s25+s8] =	stream.strided.scatter [tilespmem:s29], [sflag:$0x10], $0x400, s9, s8, $0x38;
	[tilespmem:$0x1E1A0] =	vst v63  }
0x240: {  	(v2sf) =	vpush v43, $0x0;
	s23 =	sadd.s32 $0x1400, s6  }
0x241: {  	[hbm4b:s23+s8] =	stream.strided.scatter [tilespmem:s30], [sflag:$0x10], $0x400, s9, s8, $0x38;
	[tilespmem:$0x1E1A0] =	vst v63  }
0x242: {  	s25 =	sadd.s32 $0x1E00, s6  }
0x243: {  	[hbm4b:s25+s8] =	stream.strided.scatter [tilespmem:s31], [sflag:$0x10], $0x400, s9, s8, $0x38;
	[tilespmem:$0x1E1A0] =	vst v63  }
0x244: {  	s23 =	sadd.s32 $0x2800, s6  }
0x245: {  	[hbm4b:s23+s8] =	stream.strided.scatter [tilespmem:s2], [sflag:$0x10], $0x400, s9, s8, $0x38;
	[tilespmem:$0x1E1A0] =	vst v63  }
0x246: {  	s25 =	sadd.s32 $0x3200, s6  }
0x247: {  	[hbm4b:s25+s8] =	stream.strided.scatter [tilespmem:s0], [sflag:$0x10], $0x400, s9, s8, $0x38;
	[tilespmem:$0x1E1A0] =	vst v63  }
0x248: {  	s23 =	sadd.s32 $0x3C00, s6  }
0x249: {  	[hbm4b:s23+s8] =	stream.strided.scatter [tilespmem:s10], [sflag:$0x10], $0x400, s9, s8, $0x38;
	[tilespmem:$0x1E1A0] =	vst v63  }
0x24a: {  	s6 =	sadd.s32 $0x4600, s6  }
0x24b: {  	[hbm4b:s6+s8] =	stream.strided.scatter [tilespmem:s1], [sflag:$0x10], $0x400, s9, s8, $0x38;
	[tilespmem:$0x1E1A0] =	vst v63  }
0x24c: {  	s6 =	spop (v2sf)  }
0x24d: {  	s22 =	spop (v2sf)  }
0x24e: {  	s23 =	spop (v2sf)  }
0x24f: {  	s6 =	smul.u32 $0x5000, s6;
	s25 =	spop (v2sf)  }
0x250: {  	s25 =	smul.u32 $0x320000, s25  }
0x251: {  	s6 =	sadd.s32 s23, s6  }
0x252: {  	s22 =	sshll.u32 s22, $0x7;
	s6 =	sadd.s32 s25, s6  }
0x253: {  	s6 =	sadd.s32 s22, s6  }
0x254: {  	(v2sf) =	vpush v42, $0x1;
	s6 =	sshrl.u32 s6, $0x3  }
0x255: {  	s6 =	sadd.s32 s3, s6  }
0x256: {  	(v2sf) =	vpush v42, $0x2;
	[hbm4b:s6+s8] =	stream.strided.scatter [tilespmem:s28], [sflag:$0x10], $0x400, s9, s8, $0x38;
	[tilespmem:$0x1E1A0] =	vst v63  }
0x257: {  	(v2sf) =	vpush v42, $0x3;
	s25 =	sadd.s32 $0xA00, s6  }
0x258: {  	(v2sf) =	vpush v42, $0x0;
	[hbm4b:s25+s8] =	stream.strided.scatter [tilespmem:s29], [sflag:$0x10], $0x400, s9, s8, $0x38;
	[tilespmem:$0x1E1A0] =	vst v63  }
0x259: {  	s23 =	sadd.s32 $0x1400, s6  }
0x25a: {  	[hbm4b:s23+s8] =	stream.strided.scatter [tilespmem:s30], [sflag:$0x10], $0x400, s9, s8, $0x38;
	[tilespmem:$0x1E1A0] =	vst v63  }
0x25b: {  	s25 =	sadd.s32 $0x1E00, s6  }
0x25c: {  	[hbm4b:s25+s8] =	stream.strided.scatter [tilespmem:s31], [sflag:$0x10], $0x400, s9, s8, $0x38;
	[tilespmem:$0x1E1A0] =	vst v63  }
0x25d: {  	s23 =	sadd.s32 $0x2800, s6  }
0x25e: {  	[hbm4b:s23+s8] =	stream.strided.scatter [tilespmem:s2], [sflag:$0x10], $0x400, s9, s8, $0x38;
	[tilespmem:$0x1E1A0] =	vst v63  }
0x25f: {  	s25 =	sadd.s32 $0x3200, s6  }
0x260: {  	[hbm4b:s25+s8] =	stream.strided.scatter [tilespmem:s0], [sflag:$0x10], $0x400, s9, s8, $0x38;
	[tilespmem:$0x1E1A0] =	vst v63  }
0x261: {  	s23 =	sadd.s32 $0x3C00, s6  }
0x262: {  	[hbm4b:s23+s8] =	stream.strided.scatter [tilespmem:s10], [sflag:$0x10], $0x400, s9, s8, $0x38;
	[tilespmem:$0x1E1A0] =	vst v63  }
0x263: {  	s22 =	spop (v2sf);
	s6 =	sadd.s32 $0x4600, s6  }
0x264: {  	[hbm4b:s6+s8] =	stream.strided.scatter [tilespmem:s1], [sflag:$0x10], $0x400, s9, s8, $0x38;
	[tilespmem:$0x1E1A0] =	vst v63  }
0x265: {  	s6 =	spop (v2sf)  }
0x266: {  	s23 =	spop (v2sf)  }
0x267: {  	s22 =	smul.u32 $0x5000, s22;
	s25 =	spop (v2sf)  }
0x268: {  	s25 =	smul.u32 $0x320000, s25  }
0x269: {  	s22 =	sadd.s32 s23, s22  }
0x26a: {  	s6 =	sshll.u32 s6, $0x7;
	s22 =	sadd.s32 s25, s22  }
0x26b: {  	s6 =	sadd.s32 s6, s22  }
0x26c: {  	s6 =	sshrl.u32 s6, $0x3  }
0x26d: {  	s6 =	sadd.s32 s3, s6  }
0x26e: {  	[hbm4b:s6+s8] =	stream.strided.scatter [tilespmem:s28], [sflag:$0x10], $0x400, s9, s8, $0x38;
	[tilespmem:$0x1E1A0] =	vst v63  }
0x26f: {  	s25 =	sadd.s32 $0xA00, s6  }
0x270: {  	[hbm4b:s25+s8] =	stream.strided.scatter [tilespmem:s29], [sflag:$0x10], $0x400, s9, s8, $0x38;
	[tilespmem:$0x1E1A0] =	vst v63  }
0x271: {  	s23 =	sadd.s32 $0x1400, s6  }
0x272: {  	[hbm4b:s23+s8] =	stream.strided.scatter [tilespmem:s30], [sflag:$0x10], $0x400, s9, s8, $0x38;
	[tilespmem:$0x1E1A0] =	vst v63  }
0x273: {  	s25 =	sadd.s32 $0x1E00, s6  }
0x274: {  	[hbm4b:s25+s8] =	stream.strided.scatter [tilespmem:s31], [sflag:$0x10], $0x400, s9, s8, $0x38;
	[tilespmem:$0x1E1A0] =	vst v63  }
0x275: {  	s23 =	sadd.s32 $0x2800, s6  }
0x276: {  	[hbm4b:s23+s8] =	stream.strided.scatter [tilespmem:s2], [sflag:$0x10], $0x400, s9, s8, $0x38;
	[tilespmem:$0x1E1A0] =	vst v63  }
0x277: {  	s25 =	sadd.s32 $0x3200, s6  }
0x278: {  	[hbm4b:s25+s8] =	stream.strided.scatter [tilespmem:s0], [sflag:$0x10], $0x400, s9, s8, $0x38;
	[tilespmem:$0x1E1A0] =	vst v63  }
0x279: {  	s0 =	sadd.s32 $0x3C00, s6  }
0x27a: {  	[hbm4b:s0+s8] =	stream.strided.scatter [tilespmem:s10], [sflag:$0x10], $0x400, s9, s8, $0x38;
	[tilespmem:$0x1E1A0] =	vst v63  }
0x27b: {  	s6 =	sadd.s32 $0x4600, s6;
	s0 =	simm.s32 $0x1  }
0x27c: {  	[hbm4b:s6+s8] =	stream.strided.scatter [tilespmem:s1], [sflag:$0x10], $0x400, s9, s8, $0x38;
	[tilespmem:$0x1E1A0] =	vst v63  }
0x27d: {  	_ =	swait.ge [sflag:s0], $0x2000  }
0x27e: {  	(v2sf) =	vpush v13, $0x6  }
0x27f: {  	(v2sf) =	vpush v14, $0x4;
	_ =	sdelay $0x1  }
0x280: {  	(v2sf) =	vpush v15, $0x5;
	_ =	sdelay $0xb  }
0x281: {  	s22 =	spop (v2sf)  }
0x282: {  	s23 =	spop (v2sf)  }
0x283: {  	s25 =	rddreg [dreg:$0x6];
	s6 =	sadd.s32 s22, s23  }
0x284: {  	s1 =	spop (v2sf);
	s6 =	sadd.s32 s25, s6  }
0x285: {  	s6 =	sadd.s32 s1, s6  }
0x286: {  	[sflag:s0] =	ssyncset.done $0x0;
	s6 =	sshrl.u32 s6, $0x3  }
0x287: {  	[sflag:s0] =	ssyncadd.s32 $0xFFFFE000;
	s22 =	simm.s32 $0x1A0;
	s6 =	sadd.s32 s3, s6  }
0x288: {  	[hbm4b:s6+s8] =	stream.strided.scatter [tilespmem:s22], [sflag:$0xF], $0x400, s9, s8, $0x38;
	[tilespmem:$0x1E1A0] =	vst v63  }
0x289: {  	s25 =	simm.s32 $0x5A0;
	s23 =	sadd.s32 $0xA00, s6  }
0x28a: {  	[hbm4b:s23+s8] =	stream.strided.scatter [tilespmem:s25], [sflag:$0xF], $0x400, s9, s8, $0x38;
	[tilespmem:$0x1E1A0] =	vst v63  }
0x28b: {  	s1 =	simm.s32 $0x9A0;
	s0 =	sadd.s32 $0x1400, s6  }
0x28c: {  	[hbm4b:s0+s8] =	stream.strided.scatter [tilespmem:s1], [sflag:$0xF], $0x400, s9, s8, $0x38;
	[tilespmem:$0x1E1A0] =	vst v63  }
0x28d: {  	s23 =	sadd.s32 $0x1E00, s6;
	s25 =	simm.s32 $0xDA0  }
0x28e: {  	[hbm4b:s23+s8] =	stream.strided.scatter [tilespmem:s25], [sflag:$0xF], $0x400, s9, s8, $0x38;
	[tilespmem:$0x1E1A0] =	vst v63  }
0x28f: {  	s0 =	sadd.s32 $0x2800, s6;
	s1 =	simm.s32 $0x11A0  }
0x290: {  	[hbm4b:s0+s8] =	stream.strided.scatter [tilespmem:s1], [sflag:$0xF], $0x400, s9, s8, $0x38;
	[tilespmem:$0x1E1A0] =	vst v63  }
0x291: {  	s23 =	sadd.s32 $0x3200, s6;
	s25 =	simm.s32 $0x15A0  }
0x292: {  	[hbm4b:s23+s8] =	stream.strided.scatter [tilespmem:s25], [sflag:$0xF], $0x400, s9, s8, $0x38;
	[tilespmem:$0x1E1A0] =	vst v63  }
0x293: {  	s0 =	sadd.s32 $0x3C00, s6;
	s1 =	simm.s32 $0x19A0  }
0x294: {  	[hbm4b:s0+s8] =	stream.strided.scatter [tilespmem:s1], [sflag:$0xF], $0x400, s9, s8, $0x38;
	[tilespmem:$0x1E1A0] =	vst v63  }
0x295: {  	s22 =	simm.s32 $0x1DA0;
	s6 =	sadd.s32 $0x4600, s6;
	s0 =	simm.s32 $0x2  }
0x296: {  	[hbm4b:s6+s8] =	stream.strided.scatter [tilespmem:s22], [sflag:$0xF], $0x400, s9, s8, $0x38;
	[tilespmem:$0x1E1A0] =	vst v63  }
0x297: {  	_ =	swait.ge [sflag:s0], $0x2000  }
0x298: {  	(v2sf) =	vpush v12, $0x6  }
0x299: {  	(v2sf) =	vpush v16, $0x4;
	_ =	sdelay $0x1  }
0x29a: {  	(v2sf) =	vpush v19, $0x5;
	_ =	sdelay $0xb  }
0x29b: {  	s23 =	spop (v2sf)  }
0x29c: {  	s25 =	spop (v2sf)  }
0x29d: {  	s6 =	sadd.s32 s23, s25  }
0x29e: {  	s1 =	spop (v2sf);
	s6 =	sadd.s32 s7, s6  }
0x29f: {  	s6 =	sadd.s32 s1, s6  }
0x2a0: {  	[sflag:s0] =	ssyncset.done $0x0;
	s6 =	sshrl.u32 s6, $0x3  }
0x2a1: {  	s22 =	simm.s32 $0x21A0;
	[sflag:s0] =	ssyncadd.s32 $0xFFFFE000;
	s6 =	sadd.s32 s3, s6  }
0x2a2: {  	[hbm4b:s6+s8] =	stream.strided.scatter [tilespmem:s22], [sflag:$0xF], $0x400, s9, s8, $0x38;
	[tilespmem:$0x1E1A0] =	vst v63  }
0x2a3: {  	s25 =	simm.s32 $0x25A0;
	s23 =	sadd.s32 $0xA00, s6  }
0x2a4: {  	[hbm4b:s23+s8] =	stream.strided.scatter [tilespmem:s25], [sflag:$0xF], $0x400, s9, s8, $0x38;
	[tilespmem:$0x1E1A0] =	vst v63  }
0x2a5: {  	s1 =	sadd.s32 $0x1400, s6;
	s22 =	simm.s32 $0x29A0  }
0x2a6: {  	[hbm4b:s1+s8] =	stream.strided.scatter [tilespmem:s22], [sflag:$0xF], $0x400, s9, s8, $0x38;
	[tilespmem:$0x1E1A0] =	vst v63  }
0x2a7: {  	s23 =	sadd.s32 $0x1E00, s6;
	s25 =	simm.s32 $0x2DA0  }
0x2a8: {  	[hbm4b:s23+s8] =	stream.strided.scatter [tilespmem:s25], [sflag:$0xF], $0x400, s9, s8, $0x38;
	[tilespmem:$0x1E1A0] =	vst v63  }
0x2a9: {  	s1 =	sadd.s32 $0x2800, s6;
	s22 =	simm.s32 $0x31A0  }
0x2aa: {  	[hbm4b:s1+s8] =	stream.strided.scatter [tilespmem:s22], [sflag:$0xF], $0x400, s9, s8, $0x38;
	[tilespmem:$0x1E1A0] =	vst v63  }
0x2ab: {  	s23 =	sadd.s32 $0x3200, s6;
	s25 =	simm.s32 $0x35A0  }
0x2ac: {  	[hbm4b:s23+s8] =	stream.strided.scatter [tilespmem:s25], [sflag:$0xF], $0x400, s9, s8, $0x38;
	[tilespmem:$0x1E1A0] =	vst v63  }
0x2ad: {  	s0 =	sadd.s32 $0x3C00, s6;
	s1 =	simm.s32 $0x39A0  }
0x2ae: {  	[hbm4b:s0+s8] =	stream.strided.scatter [tilespmem:s1], [sflag:$0xF], $0x400, s9, s8, $0x38;
	[tilespmem:$0x1E1A0] =	vst v63  }
0x2af: {  	s6 =	sadd.s32 $0x4600, s6;
	s22 =	simm.s32 $0x3DA0;
	s23 =	simm.s32 $0x3  }
0x2b0: {  	[hbm4b:s6+s8] =	stream.strided.scatter [tilespmem:s22], [sflag:$0xF], $0x400, s9, s8, $0x38;
	[tilespmem:$0x1E1A0] =	vst v63  }
0x2b1: {  	_ =	swait.ge [sflag:s23], $0x2000  }
0x2b2: {  	(v2sf) =	vpush v11, $0x6  }
0x2b3: {  	(v2sf) =	vpush v17, $0x4;
	_ =	sdelay $0x1  }
0x2b4: {  	(v2sf) =	vpush v21, $0x5;
	_ =	sdelay $0xb  }
0x2b5: {  	s25 =	spop (v2sf)  }
0x2b6: {  	s1 =	spop (v2sf)  }
0x2b7: {  	s6 =	sadd.s32 s25, s1  }
0x2b8: {  	s6 =	sadd.s32 s11, s6;
	s11 =	spop (v2sf)  }
0x2b9: {  	s6 =	sadd.s32 s11, s6  }
0x2ba: {  	[sflag:s23] =	ssyncset.done $0x0;
	s6 =	sshrl.u32 s6, $0x3  }
0x2bb: {  	s22 =	simm.s32 $0x41A0;
	[sflag:s23] =	ssyncadd.s32 $0xFFFFE000;
	s6 =	sadd.s32 s3, s6  }
0x2bc: {  	[hbm4b:s6+s8] =	stream.strided.scatter [tilespmem:s22], [sflag:$0xF], $0x400, s9, s8, $0x38;
	[tilespmem:$0x1E1A0] =	vst v63  }
0x2bd: {  	s25 =	simm.s32 $0x45A0;
	s23 =	sadd.s32 $0xA00, s6  }
0x2be: {  	[hbm4b:s23+s8] =	stream.strided.scatter [tilespmem:s25], [sflag:$0xF], $0x400, s9, s8, $0x38;
	[tilespmem:$0x1E1A0] =	vst v63  }
0x2bf: {  	s1 =	simm.s32 $0x49A0;
	s0 =	sadd.s32 $0x1400, s6  }
0x2c0: {  	[hbm4b:s0+s8] =	stream.strided.scatter [tilespmem:s1], [sflag:$0xF], $0x400, s9, s8, $0x38;
	[tilespmem:$0x1E1A0] =	vst v63  }
0x2c1: {  	s11 =	sadd.s32 $0x1E00, s6;
	s22 =	simm.s32 $0x4DA0  }
0x2c2: {  	[hbm4b:s11+s8] =	stream.strided.scatter [tilespmem:s22], [sflag:$0xF], $0x400, s9, s8, $0x38;
	[tilespmem:$0x1E1A0] =	vst v63  }
0x2c3: {  	s23 =	sadd.s32 $0x2800, s6;
	s25 =	simm.s32 $0x51A0  }
0x2c4: {  	[hbm4b:s23+s8] =	stream.strided.scatter [tilespmem:s25], [sflag:$0xF], $0x400, s9, s8, $0x38;
	[tilespmem:$0x1E1A0] =	vst v63  }
0x2c5: {  	s1 =	sadd.s32 $0x3200, s6;
	s11 =	simm.s32 $0x55A0  }
0x2c6: {  	[hbm4b:s1+s8] =	stream.strided.scatter [tilespmem:s11], [sflag:$0xF], $0x400, s9, s8, $0x38;
	[tilespmem:$0x1E1A0] =	vst v63  }
0x2c7: {  	s22 =	sadd.s32 $0x3C00, s6;
	s23 =	simm.s32 $0x59A0  }
0x2c8: {  	[hbm4b:s22+s8] =	stream.strided.scatter [tilespmem:s23], [sflag:$0xF], $0x400, s9, s8, $0x38;
	[tilespmem:$0x1E1A0] =	vst v63  }
0x2c9: {  	s6 =	sadd.s32 $0x4600, s6;
	s25 =	simm.s32 $0x5DA0;
	s1 =	simm.s32 $0x4  }
0x2ca: {  	[hbm4b:s6+s8] =	stream.strided.scatter [tilespmem:s25], [sflag:$0xF], $0x400, s9, s8, $0x38;
	[tilespmem:$0x1E1A0] =	vst v63  }
0x2cb: {  	_ =	swait.ge [sflag:s1], $0x2000  }
0x2cc: {  	(v2sf) =	vpush v10, $0x6  }
0x2cd: {  	(v2sf) =	vpush v18, $0x4;
	_ =	sdelay $0x1  }
0x2ce: {  	(v2sf) =	vpush v23, $0x5;
	_ =	sdelay $0xb  }
0x2cf: {  	s11 =	spop (v2sf)  }
0x2d0: {  	s22 =	spop (v2sf)  }
0x2d1: {  	s6 =	sadd.s32 s11, s22  }
0x2d2: {  	s23 =	spop (v2sf);
	s6 =	sadd.s32 s12, s6  }
0x2d3: {  	s6 =	sadd.s32 s23, s6  }
0x2d4: {  	[sflag:s1] =	ssyncset.done $0x0;
	s6 =	sshrl.u32 s6, $0x3  }
0x2d5: {  	s25 =	simm.s32 $0x61A0;
	[sflag:s1] =	ssyncadd.s32 $0xFFFFE000;
	s6 =	sadd.s32 s3, s6  }
0x2d6: {  	[hbm4b:s6+s8] =	stream.strided.scatter [tilespmem:s25], [sflag:$0xF], $0x400, s9, s8, $0x38;
	[tilespmem:$0x1E1A0] =	vst v63  }
0x2d7: {  	s11 =	simm.s32 $0x65A0;
	s1 =	sadd.s32 $0xA00, s6  }
0x2d8: {  	[hbm4b:s1+s8] =	stream.strided.scatter [tilespmem:s11], [sflag:$0xF], $0x400, s9, s8, $0x38;
	[tilespmem:$0x1E1A0] =	vst v63  }
0x2d9: {  	s22 =	simm.s32 $0x69A0;
	s12 =	sadd.s32 $0x1400, s6  }
0x2da: {  	[hbm4b:s12+s8] =	stream.strided.scatter [tilespmem:s22], [sflag:$0xF], $0x400, s9, s8, $0x38;
	[tilespmem:$0x1E1A0] =	vst v63  }
0x2db: {  	s23 =	sadd.s32 $0x1E00, s6;
	s25 =	simm.s32 $0x6DA0  }
0x2dc: {  	[hbm4b:s23+s8] =	stream.strided.scatter [tilespmem:s25], [sflag:$0xF], $0x400, s9, s8, $0x38;
	[tilespmem:$0x1E1A0] =	vst v63  }
0x2dd: {  	s0 =	sadd.s32 $0x2800, s6;
	s1 =	simm.s32 $0x71A0  }
0x2de: {  	[hbm4b:s0+s8] =	stream.strided.scatter [tilespmem:s1], [sflag:$0xF], $0x400, s9, s8, $0x38;
	[tilespmem:$0x1E1A0] =	vst v63  }
0x2df: {  	s11 =	sadd.s32 $0x3200, s6;
	s12 =	simm.s32 $0x75A0  }
0x2e0: {  	[hbm4b:s11+s8] =	stream.strided.scatter [tilespmem:s12], [sflag:$0xF], $0x400, s9, s8, $0x38;
	[tilespmem:$0x1E1A0] =	vst v63  }
0x2e1: {  	s22 =	sadd.s32 $0x3C00, s6;
	s23 =	simm.s32 $0x79A0  }
0x2e2: {  	[hbm4b:s22+s8] =	stream.strided.scatter [tilespmem:s23], [sflag:$0xF], $0x400, s9, s8, $0x38;
	[tilespmem:$0x1E1A0] =	vst v63  }
0x2e3: {  	s6 =	sadd.s32 $0x4600, s6;
	s25 =	simm.s32 $0x7DA0;
	s1 =	simm.s32 $0x5  }
0x2e4: {  	[hbm4b:s6+s8] =	stream.strided.scatter [tilespmem:s25], [sflag:$0xF], $0x400, s9, s8, $0x38;
	[tilespmem:$0x1E1A0] =	vst v63  }
0x2e5: {  	_ =	swait.ge [sflag:s1], $0x2000  }
0x2e6: {  	(v2sf) =	vpush v9, $0x6  }
0x2e7: {  	(v2sf) =	vpush v20, $0x4;
	_ =	sdelay $0x1  }
0x2e8: {  	(v2sf) =	vpush v25, $0x5;
	_ =	sdelay $0xb  }
0x2e9: {  	s11 =	spop (v2sf)  }
0x2ea: {  	s12 =	spop (v2sf)  }
0x2eb: {  	s6 =	sadd.s32 s11, s12  }
0x2ec: {  	s6 =	sadd.s32 s13, s6;
	s13 =	spop (v2sf)  }
0x2ed: {  	s6 =	sadd.s32 s13, s6  }
0x2ee: {  	[sflag:s1] =	ssyncset.done $0x0;
	s6 =	sshrl.u32 s6, $0x3  }
0x2ef: {  	s22 =	simm.s32 $0x81A0;
	[sflag:s1] =	ssyncadd.s32 $0xFFFFE000;
	s6 =	sadd.s32 s3, s6  }
0x2f0: {  	[hbm4b:s6+s8] =	stream.strided.scatter [tilespmem:s22], [sflag:$0xF], $0x400, s9, s8, $0x38;
	[tilespmem:$0x1E1A0] =	vst v63  }
0x2f1: {  	s25 =	simm.s32 $0x85A0;
	s23 =	sadd.s32 $0xA00, s6  }
0x2f2: {  	[hbm4b:s23+s8] =	stream.strided.scatter [tilespmem:s25], [sflag:$0xF], $0x400, s9, s8, $0x38;
	[tilespmem:$0x1E1A0] =	vst v63  }
0x2f3: {  	s1 =	simm.s32 $0x89A0;
	s0 =	sadd.s32 $0x1400, s6  }
0x2f4: {  	[hbm4b:s0+s8] =	stream.strided.scatter [tilespmem:s1], [sflag:$0xF], $0x400, s9, s8, $0x38;
	[tilespmem:$0x1E1A0] =	vst v63  }
0x2f5: {  	s12 =	simm.s32 $0x8DA0;
	s11 =	sadd.s32 $0x1E00, s6  }
0x2f6: {  	[hbm4b:s11+s8] =	stream.strided.scatter [tilespmem:s12], [sflag:$0xF], $0x400, s9, s8, $0x38;
	[tilespmem:$0x1E1A0] =	vst v63  }
0x2f7: {  	s13 =	sadd.s32 $0x2800, s6;
	s22 =	simm.s32 $0x91A0  }
0x2f8: {  	[hbm4b:s13+s8] =	stream.strided.scatter [tilespmem:s22], [sflag:$0xF], $0x400, s9, s8, $0x38;
	[tilespmem:$0x1E1A0] =	vst v63  }
0x2f9: {  	s23 =	sadd.s32 $0x3200, s6;
	s25 =	simm.s32 $0x95A0  }
0x2fa: {  	[hbm4b:s23+s8] =	stream.strided.scatter [tilespmem:s25], [sflag:$0xF], $0x400, s9, s8, $0x38;
	[tilespmem:$0x1E1A0] =	vst v63  }
0x2fb: {  	s0 =	sadd.s32 $0x3C00, s6;
	s1 =	simm.s32 $0x99A0  }
0x2fc: {  	[hbm4b:s0+s8] =	stream.strided.scatter [tilespmem:s1], [sflag:$0xF], $0x400, s9, s8, $0x38;
	[tilespmem:$0x1E1A0] =	vst v63  }
0x2fd: {  	s7 =	simm.s32 $0x9DA0;
	s6 =	sadd.s32 $0x4600, s6;
	s11 =	simm.s32 $0x6  }
0x2fe: {  	[hbm4b:s6+s8] =	stream.strided.scatter [tilespmem:s7], [sflag:$0xF], $0x400, s9, s8, $0x38;
	[tilespmem:$0x1E1A0] =	vst v63  }
0x2ff: {  	_ =	swait.ge [sflag:s11], $0x2000  }
0x300: {  	(v2sf) =	vpush v8, $0x6  }
0x301: {  	(v2sf) =	vpush v22, $0x4;
	_ =	sdelay $0x1  }
0x302: {  	(v2sf) =	vpush v27, $0x5;
	_ =	sdelay $0xb  }
0x303: {  	s12 =	spop (v2sf)  }
0x304: {  	s13 =	spop (v2sf)  }
0x305: {  	s6 =	sadd.s32 s12, s13  }
0x306: {  	s6 =	sadd.s32 s14, s6;
	s14 =	spop (v2sf)  }
0x307: {  	s6 =	sadd.s32 s14, s6  }
0x308: {  	[sflag:s11] =	ssyncset.done $0x0;
	s6 =	sshrl.u32 s6, $0x3  }
0x309: {  	s22 =	simm.s32 $0xA1A0;
	[sflag:s11] =	ssyncadd.s32 $0xFFFFE000;
	s6 =	sadd.s32 s3, s6  }
0x30a: {  	[hbm4b:s6+s8] =	stream.strided.scatter [tilespmem:s22], [sflag:$0xF], $0x400, s9, s8, $0x38;
	[tilespmem:$0x1E1A0] =	vst v63  }
0x30b: {  	s25 =	simm.s32 $0xA5A0;
	s23 =	sadd.s32 $0xA00, s6  }
0x30c: {  	[hbm4b:s23+s8] =	stream.strided.scatter [tilespmem:s25], [sflag:$0xF], $0x400, s9, s8, $0x38;
	[tilespmem:$0x1E1A0] =	vst v63  }
0x30d: {  	s11 =	simm.s32 $0xA9A0;
	s1 =	sadd.s32 $0x1400, s6  }
0x30e: {  	[hbm4b:s1+s8] =	stream.strided.scatter [tilespmem:s11], [sflag:$0xF], $0x400, s9, s8, $0x38;
	[tilespmem:$0x1E1A0] =	vst v63  }
0x30f: {  	s13 =	simm.s32 $0xADA0;
	s12 =	sadd.s32 $0x1E00, s6  }
0x310: {  	[hbm4b:s12+s8] =	stream.strided.scatter [tilespmem:s13], [sflag:$0xF], $0x400, s9, s8, $0x38;
	[tilespmem:$0x1E1A0] =	vst v63  }
0x311: {  	s14 =	sadd.s32 $0x2800, s6;
	s22 =	simm.s32 $0xB1A0  }
0x312: {  	[hbm4b:s14+s8] =	stream.strided.scatter [tilespmem:s22], [sflag:$0xF], $0x400, s9, s8, $0x38;
	[tilespmem:$0x1E1A0] =	vst v63  }
0x313: {  	s23 =	sadd.s32 $0x3200, s6;
	s25 =	simm.s32 $0xB5A0  }
0x314: {  	[hbm4b:s23+s8] =	stream.strided.scatter [tilespmem:s25], [sflag:$0xF], $0x400, s9, s8, $0x38;
	[tilespmem:$0x1E1A0] =	vst v63  }
0x315: {  	s1 =	sadd.s32 $0x3C00, s6;
	s11 =	simm.s32 $0xB9A0  }
0x316: {  	[hbm4b:s1+s8] =	stream.strided.scatter [tilespmem:s11], [sflag:$0xF], $0x400, s9, s8, $0x38;
	[tilespmem:$0x1E1A0] =	vst v63  }
0x317: {  	s6 =	sadd.s32 $0x4600, s6;
	s12 =	simm.s32 $0xBDA0;
	s13 =	simm.s32 $0x7  }
0x318: {  	[hbm4b:s6+s8] =	stream.strided.scatter [tilespmem:s12], [sflag:$0xF], $0x400, s9, s8, $0x38;
	[tilespmem:$0x1E1A0] =	vst v63  }
0x319: {  	_ =	swait.ge [sflag:s13], $0x2000  }
0x31a: {  	(v2sf) =	vpush v7, $0x6  }
0x31b: {  	(v2sf) =	vpush v24, $0x4;
	_ =	sdelay $0x1  }
0x31c: {  	(v2sf) =	vpush v29, $0x5;
	_ =	sdelay $0xb  }
0x31d: {  	s14 =	spop (v2sf)  }
0x31e: {  	s22 =	spop (v2sf)  }
0x31f: {  	s6 =	sadd.s32 s14, s22  }
0x320: {  	s23 =	spop (v2sf);
	s4 =	sadd.s32 s4, s6  }
0x321: {  	s4 =	sadd.s32 s23, s4  }
0x322: {  	[sflag:s13] =	ssyncset.done $0x0;
	s4 =	sshrl.u32 s4, $0x3  }
0x323: {  	s25 =	simm.s32 $0xC1A0;
	[sflag:s13] =	ssyncadd.s32 $0xFFFFE000;
	s4 =	sadd.s32 s3, s4  }
0x324: {  	[hbm4b:s4+s8] =	stream.strided.scatter [tilespmem:s25], [sflag:$0xF], $0x400, s9, s8, $0x38;
	[tilespmem:$0x1E1A0] =	vst v63  }
0x325: {  	s1 =	simm.s32 $0xC5A0;
	s0 =	sadd.s32 $0xA00, s4  }
0x326: {  	[hbm4b:s0+s8] =	stream.strided.scatter [tilespmem:s1], [sflag:$0xF], $0x400, s9, s8, $0x38;
	[tilespmem:$0x1E1A0] =	vst v63  }
0x327: {  	s11 =	simm.s32 $0xC9A0;
	s7 =	sadd.s32 $0x1400, s4  }
0x328: {  	[hbm4b:s7+s8] =	stream.strided.scatter [tilespmem:s11], [sflag:$0xF], $0x400, s9, s8, $0x38;
	[tilespmem:$0x1E1A0] =	vst v63  }
0x329: {  	s13 =	simm.s32 $0xCDA0;
	s12 =	sadd.s32 $0x1E00, s4  }
0x32a: {  	[hbm4b:s12+s8] =	stream.strided.scatter [tilespmem:s13], [sflag:$0xF], $0x400, s9, s8, $0x38;
	[tilespmem:$0x1E1A0] =	vst v63  }
0x32b: {  	s22 =	simm.s32 $0xD1A0;
	s14 =	sadd.s32 $0x2800, s4  }
0x32c: {  	[hbm4b:s14+s8] =	stream.strided.scatter [tilespmem:s22], [sflag:$0xF], $0x400, s9, s8, $0x38;
	[tilespmem:$0x1E1A0] =	vst v63  }
0x32d: {  	s23 =	sadd.s32 $0x3200, s4;
	s25 =	simm.s32 $0xD5A0  }
0x32e: {  	[hbm4b:s23+s8] =	stream.strided.scatter [tilespmem:s25], [sflag:$0xF], $0x400, s9, s8, $0x38;
	[tilespmem:$0x1E1A0] =	vst v63  }
0x32f: {  	s1 =	sadd.s32 $0x3C00, s4;
	s7 =	simm.s32 $0xD9A0  }
0x330: {  	[hbm4b:s1+s8] =	stream.strided.scatter [tilespmem:s7], [sflag:$0xF], $0x400, s9, s8, $0x38;
	[tilespmem:$0x1E1A0] =	vst v63  }
0x331: {  	s4 =	sadd.s32 $0x4600, s4;
	s11 =	simm.s32 $0xDDA0;
	s12 =	simm.s32 $0x8  }
0x332: {  	[hbm4b:s4+s8] =	stream.strided.scatter [tilespmem:s11], [sflag:$0xF], $0x400, s9, s8, $0x38;
	[tilespmem:$0x1E1A0] =	vst v63  }
0x333: {  	_ =	swait.ge [sflag:s12], $0x2000  }
0x334: {  	(v2sf) =	vpush v6, $0x6  }
0x335: {  	(v2sf) =	vpush v26, $0x4;
	_ =	sdelay $0x1  }
0x336: {  	(v2sf) =	vpush v31, $0x5;
	_ =	sdelay $0xb  }
0x337: {  	s13 =	spop (v2sf)  }
0x338: {  	s14 =	spop (v2sf)  }
0x339: {  	s4 =	sadd.s32 s13, s14  }
0x33a: {  	s4 =	sadd.s32 s15, s4;
	s15 =	spop (v2sf)  }
0x33b: {  	s4 =	sadd.s32 s15, s4  }
0x33c: {  	[sflag:s12] =	ssyncset.done $0x0;
	s4 =	sshrl.u32 s4, $0x3  }
0x33d: {  	s22 =	simm.s32 $0xE1A0;
	[sflag:s12] =	ssyncadd.s32 $0xFFFFE000;
	s4 =	sadd.s32 s3, s4  }
0x33e: {  	[hbm4b:s4+s8] =	stream.strided.scatter [tilespmem:s22], [sflag:$0xF], $0x400, s9, s8, $0x38;
	[tilespmem:$0x1E1A0] =	vst v63  }
0x33f: {  	s25 =	simm.s32 $0xE5A0;
	s23 =	sadd.s32 $0xA00, s4  }
0x340: {  	[hbm4b:s23+s8] =	stream.strided.scatter [tilespmem:s25], [sflag:$0xF], $0x400, s9, s8, $0x38;
	[tilespmem:$0x1E1A0] =	vst v63  }
0x341: {  	s1 =	simm.s32 $0xE9A0;
	s0 =	sadd.s32 $0x1400, s4  }
0x342: {  	[hbm4b:s0+s8] =	stream.strided.scatter [tilespmem:s1], [sflag:$0xF], $0x400, s9, s8, $0x38;
	[tilespmem:$0x1E1A0] =	vst v63  }
0x343: {  	s11 =	simm.s32 $0xEDA0;
	s7 =	sadd.s32 $0x1E00, s4  }
0x344: {  	[hbm4b:s7+s8] =	stream.strided.scatter [tilespmem:s11], [sflag:$0xF], $0x400, s9, s8, $0x38;
	[tilespmem:$0x1E1A0] =	vst v63  }
0x345: {  	s13 =	simm.s32 $0xF1A0;
	s12 =	sadd.s32 $0x2800, s4  }
0x346: {  	[hbm4b:s12+s8] =	stream.strided.scatter [tilespmem:s13], [sflag:$0xF], $0x400, s9, s8, $0x38;
	[tilespmem:$0x1E1A0] =	vst v63  }
0x347: {  	s15 =	simm.s32 $0xF5A0;
	s14 =	sadd.s32 $0x3200, s4  }
0x348: {  	[hbm4b:s14+s8] =	stream.strided.scatter [tilespmem:s15], [sflag:$0xF], $0x400, s9, s8, $0x38;
	[tilespmem:$0x1E1A0] =	vst v63  }
0x349: {  	s22 =	sadd.s32 $0x3C00, s4;
	s23 =	simm.s32 $0xF9A0  }
0x34a: {  	[hbm4b:s22+s8] =	stream.strided.scatter [tilespmem:s23], [sflag:$0xF], $0x400, s9, s8, $0x38;
	[tilespmem:$0x1E1A0] =	vst v63  }
0x34b: {  	s4 =	sadd.s32 $0x4600, s4;
	s25 =	simm.s32 $0xFDA0;
	s1 =	simm.s32 $0x9  }
0x34c: {  	[hbm4b:s4+s8] =	stream.strided.scatter [tilespmem:s25], [sflag:$0xF], $0x400, s9, s8, $0x38;
	[tilespmem:$0x1E1A0] =	vst v63  }
0x34d: {  	_ =	swait.ge [sflag:s1], $0x2000  }
0x34e: {  	(v2sf) =	vpush v5, $0x6  }
0x34f: {  	(v2sf) =	vpush v28, $0x4;
	_ =	sdelay $0x1  }
0x350: {  	(v2sf) =	vpush v33, $0x5;
	_ =	sdelay $0xb  }
0x351: {  	s7 =	spop (v2sf)  }
0x352: {  	s11 =	spop (v2sf)  }
0x353: {  	s4 =	sadd.s32 s7, s11  }
0x354: {  	s12 =	spop (v2sf);
	s4 =	sadd.s32 s16, s4  }
0x355: {  	s4 =	sadd.s32 s12, s4  }
0x356: {  	[sflag:s1] =	ssyncset.done $0x0;
	s4 =	sshrl.u32 s4, $0x3  }
0x357: {  	s13 =	simm.s32 $0x101A0;
	[sflag:s1] =	ssyncadd.s32 $0xFFFFE000;
	s4 =	sadd.s32 s3, s4  }
0x358: {  	[hbm4b:s4+s8] =	stream.strided.scatter [tilespmem:s13], [sflag:$0xF], $0x400, s9, s8, $0x38;
	[tilespmem:$0x1E1A0] =	vst v63  }
0x359: {  	s15 =	simm.s32 $0x105A0;
	s14 =	sadd.s32 $0xA00, s4  }
0x35a: {  	[hbm4b:s14+s8] =	stream.strided.scatter [tilespmem:s15], [sflag:$0xF], $0x400, s9, s8, $0x38;
	[tilespmem:$0x1E1A0] =	vst v63  }
0x35b: {  	s22 =	simm.s32 $0x109A0;
	s16 =	sadd.s32 $0x1400, s4  }
0x35c: {  	[hbm4b:s16+s8] =	stream.strided.scatter [tilespmem:s22], [sflag:$0xF], $0x400, s9, s8, $0x38;
	[tilespmem:$0x1E1A0] =	vst v63  }
0x35d: {  	s25 =	simm.s32 $0x10DA0;
	s23 =	sadd.s32 $0x1E00, s4  }
0x35e: {  	[hbm4b:s23+s8] =	stream.strided.scatter [tilespmem:s25], [sflag:$0xF], $0x400, s9, s8, $0x38;
	[tilespmem:$0x1E1A0] =	vst v63  }
0x35f: {  	s1 =	simm.s32 $0x111A0;
	s0 =	sadd.s32 $0x2800, s4  }
0x360: {  	[hbm4b:s0+s8] =	stream.strided.scatter [tilespmem:s1], [sflag:$0xF], $0x400, s9, s8, $0x38;
	[tilespmem:$0x1E1A0] =	vst v63  }
0x361: {  	s11 =	simm.s32 $0x115A0;
	s7 =	sadd.s32 $0x3200, s4  }
0x362: {  	[hbm4b:s7+s8] =	stream.strided.scatter [tilespmem:s11], [sflag:$0xF], $0x400, s9, s8, $0x38;
	[tilespmem:$0x1E1A0] =	vst v63  }
0x363: {  	s12 =	sadd.s32 $0x3C00, s4;
	s13 =	simm.s32 $0x119A0  }
0x364: {  	[hbm4b:s12+s8] =	stream.strided.scatter [tilespmem:s13], [sflag:$0xF], $0x400, s9, s8, $0x38;
	[tilespmem:$0x1E1A0] =	vst v63  }
0x365: {  	s4 =	sadd.s32 $0x4600, s4;
	s14 =	simm.s32 $0x11DA0;
	s15 =	simm.s32 $0xA  }
0x366: {  	[hbm4b:s4+s8] =	stream.strided.scatter [tilespmem:s14], [sflag:$0xF], $0x400, s9, s8, $0x38;
	[tilespmem:$0x1E1A0] =	vst v63  }
0x367: {  	_ =	swait.ge [sflag:s15], $0x2000  }
0x368: {  	(v2sf) =	vpush v4, $0x6  }
0x369: {  	(v2sf) =	vpush v30, $0x4;
	_ =	sdelay $0x1  }
0x36a: {  	(v2sf) =	vpush v35, $0x5;
	_ =	sdelay $0xb  }
0x36b: {  	s16 =	spop (v2sf)  }
0x36c: {  	s22 =	spop (v2sf)  }
0x36d: {  	s4 =	sadd.s32 s16, s22  }
0x36e: {  	s23 =	spop (v2sf);
	s4 =	sadd.s32 s17, s4  }
0x36f: {  	s4 =	sadd.s32 s23, s4  }
0x370: {  	[sflag:s15] =	ssyncset.done $0x0;
	s4 =	sshrl.u32 s4, $0x3  }
0x371: {  	s25 =	simm.s32 $0x121A0;
	[sflag:s15] =	ssyncadd.s32 $0xFFFFE000;
	s4 =	sadd.s32 s3, s4  }
0x372: {  	[hbm4b:s4+s8] =	stream.strided.scatter [tilespmem:s25], [sflag:$0xF], $0x400, s9, s8, $0x38;
	[tilespmem:$0x1E1A0] =	vst v63  }
0x373: {  	s1 =	simm.s32 $0x125A0;
	s0 =	sadd.s32 $0xA00, s4  }
0x374: {  	[hbm4b:s0+s8] =	stream.strided.scatter [tilespmem:s1], [sflag:$0xF], $0x400, s9, s8, $0x38;
	[tilespmem:$0x1E1A0] =	vst v63  }
0x375: {  	s11 =	simm.s32 $0x129A0;
	s7 =	sadd.s32 $0x1400, s4  }
0x376: {  	[hbm4b:s7+s8] =	stream.strided.scatter [tilespmem:s11], [sflag:$0xF], $0x400, s9, s8, $0x38;
	[tilespmem:$0x1E1A0] =	vst v63  }
0x377: {  	s13 =	simm.s32 $0x12DA0;
	s12 =	sadd.s32 $0x1E00, s4  }
0x378: {  	[hbm4b:s12+s8] =	stream.strided.scatter [tilespmem:s13], [sflag:$0xF], $0x400, s9, s8, $0x38;
	[tilespmem:$0x1E1A0] =	vst v63  }
0x379: {  	s15 =	simm.s32 $0x131A0;
	s14 =	sadd.s32 $0x2800, s4  }
0x37a: {  	[hbm4b:s14+s8] =	stream.strided.scatter [tilespmem:s15], [sflag:$0xF], $0x400, s9, s8, $0x38;
	[tilespmem:$0x1E1A0] =	vst v63  }
0x37b: {  	s17 =	simm.s32 $0x135A0;
	s16 =	sadd.s32 $0x3200, s4  }
0x37c: {  	[hbm4b:s16+s8] =	stream.strided.scatter [tilespmem:s17], [sflag:$0xF], $0x400, s9, s8, $0x38;
	[tilespmem:$0x1E1A0] =	vst v63  }
0x37d: {  	s23 =	simm.s32 $0x139A0;
	s22 =	sadd.s32 $0x3C00, s4  }
0x37e: {  	[hbm4b:s22+s8] =	stream.strided.scatter [tilespmem:s23], [sflag:$0xF], $0x400, s9, s8, $0x38;
	[tilespmem:$0x1E1A0] =	vst v63  }
0x37f: {  	s4 =	sadd.s32 $0x4600, s4;
	s25 =	simm.s32 $0x13DA0;
	s1 =	simm.s32 $0xB  }
0x380: {  	[hbm4b:s4+s8] =	stream.strided.scatter [tilespmem:s25], [sflag:$0xF], $0x400, s9, s8, $0x38;
	[tilespmem:$0x1E1A0] =	vst v63  }
0x381: {  	_ =	swait.ge [sflag:s1], $0x2000  }
0x382: {  	(v2sf) =	vpush v3, $0x6  }
0x383: {  	(v2sf) =	vpush v32, $0x4;
	_ =	sdelay $0x1  }
0x384: {  	(v2sf) =	vpush v36, $0x5;
	_ =	sdelay $0xb  }
0x385: {  	s7 =	spop (v2sf)  }
0x386: {  	s11 =	spop (v2sf)  }
0x387: {  	s4 =	sadd.s32 s7, s11  }
0x388: {  	s12 =	spop (v2sf);
	s4 =	sadd.s32 s18, s4  }
0x389: {  	s4 =	sadd.s32 s12, s4  }
0x38a: {  	[sflag:s1] =	ssyncset.done $0x0;
	s4 =	sshrl.u32 s4, $0x3  }
0x38b: {  	s13 =	simm.s32 $0x141A0;
	[sflag:s1] =	ssyncadd.s32 $0xFFFFE000;
	s4 =	sadd.s32 s3, s4  }
0x38c: {  	[hbm4b:s4+s8] =	stream.strided.scatter [tilespmem:s13], [sflag:$0xF], $0x400, s9, s8, $0x38;
	[tilespmem:$0x1E1A0] =	vst v63  }
0x38d: {  	s15 =	simm.s32 $0x145A0;
	s14 =	sadd.s32 $0xA00, s4  }
0x38e: {  	[hbm4b:s14+s8] =	stream.strided.scatter [tilespmem:s15], [sflag:$0xF], $0x400, s9, s8, $0x38;
	[tilespmem:$0x1E1A0] =	vst v63  }
0x38f: {  	s17 =	simm.s32 $0x149A0;
	s16 =	sadd.s32 $0x1400, s4  }
0x390: {  	[hbm4b:s16+s8] =	stream.strided.scatter [tilespmem:s17], [sflag:$0xF], $0x400, s9, s8, $0x38;
	[tilespmem:$0x1E1A0] =	vst v63  }
0x391: {  	s22 =	simm.s32 $0x14DA0;
	s18 =	sadd.s32 $0x1E00, s4  }
0x392: {  	[hbm4b:s18+s8] =	stream.strided.scatter [tilespmem:s22], [sflag:$0xF], $0x400, s9, s8, $0x38;
	[tilespmem:$0x1E1A0] =	vst v63  }
0x393: {  	s25 =	simm.s32 $0x151A0;
	s23 =	sadd.s32 $0x2800, s4  }
0x394: {  	[hbm4b:s23+s8] =	stream.strided.scatter [tilespmem:s25], [sflag:$0xF], $0x400, s9, s8, $0x38;
	[tilespmem:$0x1E1A0] =	vst v63  }
0x395: {  	s7 =	simm.s32 $0x155A0;
	s1 =	sadd.s32 $0x3200, s4  }
0x396: {  	[hbm4b:s1+s8] =	stream.strided.scatter [tilespmem:s7], [sflag:$0xF], $0x400, s9, s8, $0x38;
	[tilespmem:$0x1E1A0] =	vst v63  }
0x397: {  	s12 =	simm.s32 $0x159A0;
	s11 =	sadd.s32 $0x3C00, s4  }
0x398: {  	[hbm4b:s11+s8] =	stream.strided.scatter [tilespmem:s12], [sflag:$0xF], $0x400, s9, s8, $0x38;
	[tilespmem:$0x1E1A0] =	vst v63  }
0x399: {  	s4 =	sadd.s32 $0x4600, s4;
	s13 =	simm.s32 $0x15DA0;
	s14 =	simm.s32 $0xC  }
0x39a: {  	[hbm4b:s4+s8] =	stream.strided.scatter [tilespmem:s13], [sflag:$0xF], $0x400, s9, s8, $0x38;
	[tilespmem:$0x1E1A0] =	vst v63  }
0x39b: {  	_ =	swait.ge [sflag:s14], $0x2000  }
0x39c: {  	(v2sf) =	vpush v2, $0x6  }
0x39d: {  	(v2sf) =	vpush v34, $0x4;
	_ =	sdelay $0x1  }
0x39e: {  	(v2sf) =	vpush v38, $0x5;
	_ =	sdelay $0xb  }
0x39f: {  	s15 =	spop (v2sf)  }
0x3a0: {  	s16 =	spop (v2sf)  }
0x3a1: {  	s4 =	sadd.s32 s15, s16  }
0x3a2: {  	s17 =	spop (v2sf);
	s4 =	sadd.s32 s19, s4  }
0x3a3: {  	s4 =	sadd.s32 s17, s4  }
0x3a4: {  	[sflag:s14] =	ssyncset.done $0x0;
	s4 =	sshrl.u32 s4, $0x3  }
0x3a5: {  	s18 =	simm.s32 $0x161A0;
	[sflag:s14] =	ssyncadd.s32 $0xFFFFE000;
	s4 =	sadd.s32 s3, s4  }
0x3a6: {  	[hbm4b:s4+s8] =	stream.strided.scatter [tilespmem:s18], [sflag:$0xF], $0x400, s9, s8, $0x38;
	[tilespmem:$0x1E1A0] =	vst v63  }
0x3a7: {  	s22 =	simm.s32 $0x165A0;
	s19 =	sadd.s32 $0xA00, s4  }
0x3a8: {  	[hbm4b:s19+s8] =	stream.strided.scatter [tilespmem:s22], [sflag:$0xF], $0x400, s9, s8, $0x38;
	[tilespmem:$0x1E1A0] =	vst v63  }
0x3a9: {  	s25 =	simm.s32 $0x169A0;
	s23 =	sadd.s32 $0x1400, s4  }
0x3aa: {  	[hbm4b:s23+s8] =	stream.strided.scatter [tilespmem:s25], [sflag:$0xF], $0x400, s9, s8, $0x38;
	[tilespmem:$0x1E1A0] =	vst v63  }
0x3ab: {  	s7 =	simm.s32 $0x16DA0;
	s1 =	sadd.s32 $0x1E00, s4  }
0x3ac: {  	[hbm4b:s1+s8] =	stream.strided.scatter [tilespmem:s7], [sflag:$0xF], $0x400, s9, s8, $0x38;
	[tilespmem:$0x1E1A0] =	vst v63  }
0x3ad: {  	s12 =	simm.s32 $0x171A0;
	s11 =	sadd.s32 $0x2800, s4  }
0x3ae: {  	[hbm4b:s11+s8] =	stream.strided.scatter [tilespmem:s12], [sflag:$0xF], $0x400, s9, s8, $0x38;
	[tilespmem:$0x1E1A0] =	vst v63  }
0x3af: {  	s14 =	simm.s32 $0x175A0;
	s13 =	sadd.s32 $0x3200, s4  }
0x3b0: {  	[hbm4b:s13+s8] =	stream.strided.scatter [tilespmem:s14], [sflag:$0xF], $0x400, s9, s8, $0x38;
	[tilespmem:$0x1E1A0] =	vst v63  }
0x3b1: {  	s16 =	simm.s32 $0x179A0;
	s15 =	sadd.s32 $0x3C00, s4  }
0x3b2: {  	[hbm4b:s15+s8] =	stream.strided.scatter [tilespmem:s16], [sflag:$0xF], $0x400, s9, s8, $0x38;
	[tilespmem:$0x1E1A0] =	vst v63  }
0x3b3: {  	s17 =	simm.s32 $0x17DA0;
	s4 =	sadd.s32 $0x4600, s4;
	s18 =	simm.s32 $0xD  }
0x3b4: {  	[hbm4b:s4+s8] =	stream.strided.scatter [tilespmem:s17], [sflag:$0xF], $0x400, s9, s8, $0x38;
	[tilespmem:$0x1E1A0] =	vst v63  }
0x3b5: {  	_ =	swait.ge [sflag:s18], $0x2000  }
0x3b6: {  	(v2sf) =	vpush v1, $0x6  }
0x3b7: {  	(v2sf) =	vpush v40, $0x4;
	_ =	sdelay $0x1  }
0x3b8: {  	(v2sf) =	vpush v41, $0x5;
	_ =	sdelay $0xb  }
0x3b9: {  	s19 =	spop (v2sf)  }
0x3ba: {  	s22 =	spop (v2sf)  }
0x3bb: {  	s4 =	sadd.s32 s19, s22  }
0x3bc: {  	s23 =	spop (v2sf);
	s4 =	sadd.s32 s20, s4  }
0x3bd: {  	s4 =	sadd.s32 s23, s4  }
0x3be: {  	[sflag:s18] =	ssyncset.done $0x0;
	s4 =	sshrl.u32 s4, $0x3  }
0x3bf: {  	s25 =	simm.s32 $0x181A0;
	[sflag:s18] =	ssyncadd.s32 $0xFFFFE000;
	s4 =	sadd.s32 s3, s4  }
0x3c0: {  	[hbm4b:s4+s8] =	stream.strided.scatter [tilespmem:s25], [sflag:$0xF], $0x400, s9, s8, $0x38;
	[tilespmem:$0x1E1A0] =	vst v63  }
0x3c1: {  	s7 =	simm.s32 $0x185A0;
	s1 =	sadd.s32 $0xA00, s4  }
0x3c2: {  	[hbm4b:s1+s8] =	stream.strided.scatter [tilespmem:s7], [sflag:$0xF], $0x400, s9, s8, $0x38;
	[tilespmem:$0x1E1A0] =	vst v63  }
0x3c3: {  	s12 =	simm.s32 $0x189A0;
	s11 =	sadd.s32 $0x1400, s4  }
0x3c4: {  	[hbm4b:s11+s8] =	stream.strided.scatter [tilespmem:s12], [sflag:$0xF], $0x400, s9, s8, $0x38;
	[tilespmem:$0x1E1A0] =	vst v63  }
0x3c5: {  	s14 =	simm.s32 $0x18DA0;
	s13 =	sadd.s32 $0x1E00, s4  }
0x3c6: {  	[hbm4b:s13+s8] =	stream.strided.scatter [tilespmem:s14], [sflag:$0xF], $0x400, s9, s8, $0x38;
	[tilespmem:$0x1E1A0] =	vst v63  }
0x3c7: {  	s16 =	simm.s32 $0x191A0;
	s15 =	sadd.s32 $0x2800, s4  }
0x3c8: {  	[hbm4b:s15+s8] =	stream.strided.scatter [tilespmem:s16], [sflag:$0xF], $0x400, s9, s8, $0x38;
	[tilespmem:$0x1E1A0] =	vst v63  }
0x3c9: {  	s18 =	simm.s32 $0x195A0;
	s17 =	sadd.s32 $0x3200, s4  }
0x3ca: {  	[hbm4b:s17+s8] =	stream.strided.scatter [tilespmem:s18], [sflag:$0xF], $0x400, s9, s8, $0x38;
	[tilespmem:$0x1E1A0] =	vst v63  }
0x3cb: {  	s20 =	simm.s32 $0x199A0;
	s19 =	sadd.s32 $0x3C00, s4  }
0x3cc: {  	[hbm4b:s19+s8] =	stream.strided.scatter [tilespmem:s20], [sflag:$0xF], $0x400, s9, s8, $0x38;
	[tilespmem:$0x1E1A0] =	vst v63  }
0x3cd: {  	s22 =	simm.s32 $0x19DA0;
	s23 =	simm.s32 $0xE;
	s4 =	sadd.s32 $0x4600, s4  }
0x3ce: {  	[hbm4b:s4+s8] =	stream.strided.scatter [tilespmem:s22], [sflag:$0xF], $0x400, s9, s8, $0x38;
	[tilespmem:$0x1E1A0] =	vst v63  }
0x3cf: {  	_ =	swait.ge [sflag:s23], $0x2000  }
0x3d0: {  	(v2sf) =	vpush v0, $0x6  }
0x3d1: {  	(v2sf) =	vpush v37, $0x4;
	_ =	sdelay $0x1  }
0x3d2: {  	(v2sf) =	vpush v39, $0x5;
	_ =	sdelay $0xb  }
0x3d3: {  	s25 =	spop (v2sf)  }
0x3d4: {  	s1 =	spop (v2sf)  }
0x3d5: {  	s4 =	sadd.s32 s25, s1  }
0x3d6: {  	s7 =	spop (v2sf);
	s4 =	sadd.s32 s21, s4  }
0x3d7: {  	s4 =	sadd.s32 s7, s4  }
0x3d8: {  	[sflag:s23] =	ssyncset.done $0x0;
	s4 =	sshrl.u32 s4, $0x3  }
0x3d9: {  	s11 =	simm.s32 $0x1A1A0;
	[sflag:s23] =	ssyncadd.s32 $0xFFFFE000;
	s4 =	sadd.s32 s3, s4  }
0x3da: {  	[hbm4b:s4+s8] =	stream.strided.scatter [tilespmem:s11], [sflag:$0xF], $0x400, s9, s8, $0x38;
	[tilespmem:$0x1E1A0] =	vst v63  }
0x3db: {  	s13 =	simm.s32 $0x1A5A0;
	s12 =	sadd.s32 $0xA00, s4  }
0x3dc: {  	[hbm4b:s12+s8] =	stream.strided.scatter [tilespmem:s13], [sflag:$0xF], $0x400, s9, s8, $0x38;
	[tilespmem:$0x1E1A0] =	vst v63  }
0x3dd: {  	s15 =	simm.s32 $0x1A9A0;
	s14 =	sadd.s32 $0x1400, s4  }
0x3de: {  	[hbm4b:s14+s8] =	stream.strided.scatter [tilespmem:s15], [sflag:$0xF], $0x400, s9, s8, $0x38;
	[tilespmem:$0x1E1A0] =	vst v63  }
0x3df: {  	s17 =	simm.s32 $0x1ADA0;
	s16 =	sadd.s32 $0x1E00, s4  }
0x3e0: {  	[hbm4b:s16+s8] =	stream.strided.scatter [tilespmem:s17], [sflag:$0xF], $0x400, s9, s8, $0x38;
	[tilespmem:$0x1E1A0] =	vst v63  }
0x3e1: {  	s19 =	simm.s32 $0x1B1A0;
	s18 =	sadd.s32 $0x2800, s4  }
0x3e2: {  	[hbm4b:s18+s8] =	stream.strided.scatter [tilespmem:s19], [sflag:$0xF], $0x400, s9, s8, $0x38;
	[tilespmem:$0x1E1A0] =	vst v63  }
0x3e3: {  	s21 =	simm.s32 $0x1B5A0;
	s20 =	sadd.s32 $0x3200, s4  }
0x3e4: {  	[hbm4b:s20+s8] =	stream.strided.scatter [tilespmem:s21], [sflag:$0xF], $0x400, s9, s8, $0x38;
	[tilespmem:$0x1E1A0] =	vst v63  }
0x3e5: {  	s23 =	simm.s32 $0x1B9A0;
	s22 =	sadd.s32 $0x3C00, s4  }
0x3e6: {  	[hbm4b:s22+s8] =	stream.strided.scatter [tilespmem:s23], [sflag:$0xF], $0x400, s9, s8, $0x38;
	[tilespmem:$0x1E1A0] =	vst v63  }
0x3e7: {  	s25 =	simm.s32 $0x1BDA0;
	s4 =	sadd.s32 $0x4600, s4  }
0x3e8: {  	[hbm4b:s4+s8] =	stream.strided.scatter [tilespmem:s25], [sflag:$0xF], $0x400, s9, s8, $0x38;
	[tilespmem:$0x1E1A0] =	vst v63  }
0x3e9: {  	_ =	swait.ge [sflag:s24], $0x2000  }
0x3ea: {  	[sflag:s24] =	ssyncset.done $0x0  }
0x3eb: {  	[sflag:s24] =	ssyncadd.s32 $0xFFFFE000  }
0x3ec: {  	_ =	swait.ge [sflag:s24], $0x2000  }
0x3ed: {  	[sflag:s24] =	ssyncset.done $0x0  }
0x3ee: {  	[sflag:s24] =	ssyncadd.s32 $0xFFFFE000  }
0x3ef: {  	_ =	swait.ge [sflag:s24], $0x2000  }
0x3f0: {  	[sflag:s24] =	ssyncset.done $0x0  }
0x3f1: {  	[sflag:s24] =	ssyncadd.s32 $0xFFFFE000  }
0x3f2: {  	_ =	swait.ge [sflag:s24], $0x2000  }
0x3f3: {  	[sflag:s24] =	ssyncset.done $0x0  }
0x3f4: {  	[sflag:s24] =	ssyncadd.s32 $0xFFFFE000  }
0x3f5: {  	_ =	swait.ge [sflag:s24], $0x2000  }
0x3f6: {  	[sflag:s24] =	ssyncset.done $0x0  }
0x3f7: {  	[sflag:s24] =	ssyncadd.s32 $0xFFFFE000  }
0x3f8: {  	_ =	swait.ge [sflag:s24], $0x2000  }
0x3f9: {  	[sflag:s24] =	ssyncset.done $0x0  }
0x3fa: {  	[sflag:s24] =	ssyncadd.s32 $0xFFFFE000  }
0x3fb: {  	_ =	swait.ge [sflag:s24], $0x2000  }
0x3fc: {  	[sflag:s24] =	ssyncset.done $0x0  }
0x3fd: {  	[sflag:s24] =	ssyncadd.s32 $0xFFFFE000  }
0x3fe: {  	_ =	swait.ge [sflag:s24], $0x2000  }
0x3ff: {  	[sflag:s24] =	ssyncset.done $0x0  }
0x400: {  	[sflag:s24] =	ssyncadd.s32 $0xFFFFE000  }
0x401: {  	_ =	swait.ge [sflag:s24], $0x2000  }
0x402: {  	[sflag:s24] =	ssyncset.done $0x0  }
0x403: {  	[sflag:s24] =	ssyncadd.s32 $0xFFFFE000  }
0x404: {  	_ =	swait.ge [sflag:s24], $0x2000  }
0x405: {  	[sflag:s24] =	ssyncset.done $0x0  }
0x406: {  	[sflag:s24] =	ssyncadd.s32 $0xFFFFE000  }
0x407: {  	_ =	swait.ge [sflag:s24], $0x2000  }
0x408: {  	[sflag:s24] =	ssyncset.done $0x0  }
0x409: {  	[sflag:s24] =	ssyncadd.s32 $0xFFFFE000  }
0x40a: {  	_ =	swait.ge [sflag:s24], $0x2000  }
0x40b: {  	[sflag:s24] =	ssyncset.done $0x0  }
0x40c: {  	[sflag:s24] =	ssyncadd.s32 $0xFFFFE000  }
0x40d: {  	_ =	swait.ge [sflag:s24], $0x2000  }
0x40e: {  	[sflag:s24] =	ssyncset.done $0x0  }
0x40f: {  	[sflag:s24] =	ssyncadd.s32 $0xFFFFE000  }
0x410: {  	_ =	swait.ge [sflag:s24], $0x2000  }
0x411: {  	[sflag:s24] =	ssyncset.done $0x0  }
0x412: {  	[sflag:s24] =	ssyncadd.s32 $0xFFFFE000  }
0x413: {  	_ =	swait.ge [sflag:s26], $0x2000  }
0x414: {  	[sflag:s26] =	ssyncset.done $0x0  }
0x415: {  	[sflag:s26] =	ssyncadd.s32 $0xFFFFE000  }
0x416: {  	_ =	swait.ge [sflag:s26], $0x2000  }
0x417: {  	[sflag:s26] =	ssyncset.done $0x0  }
0x418: {  	[sflag:s26] =	ssyncadd.s32 $0xFFFFE000  }
0x419: {  	_ =	swait.ge [sflag:s26], $0x2000  }
0x41a: {  	[sflag:s26] =	ssyncset.done $0x0  }
0x41b: {  	[sflag:s26] =	ssyncadd.s32 $0xFFFFE000  }
0x41c: {  	_ =	swait.ge [sflag:s26], $0x2000  }
0x41d: {  	[sflag:s26] =	ssyncset.done $0x0  }
0x41e: {  	[sflag:s26] =	ssyncadd.s32 $0xFFFFE000  }
0x41f: {  	_ =	swait.ge [sflag:s26], $0x2000  }
0x420: {  	[sflag:s26] =	ssyncset.done $0x0  }
0x421: {  	[sflag:s26] =	ssyncadd.s32 $0xFFFFE000  }
0x422: {  	_ =	swait.ge [sflag:s26], $0x2000  }
0x423: {  	[sflag:s26] =	ssyncset.done $0x0  }
0x424: {  	[sflag:s26] =	ssyncadd.s32 $0xFFFFE000  }
0x425: {  	_ =	swait.ge [sflag:s26], $0x2000  }
0x426: {  	[sflag:s26] =	ssyncset.done $0x0  }
0x427: {  	[sflag:s26] =	ssyncadd.s32 $0xFFFFE000  }
0x428: {  	_ =	swait.ge [sflag:s26], $0x2000  }
0x429: {  	[sflag:s26] =	ssyncset.done $0x0  }
0x42a: {  	[sflag:s26] =	ssyncadd.s32 $0xFFFFE000  }
0x42b: {  	_ =	swait.ge [sflag:s26], $0x2000  }
0x42c: {  	[sflag:s26] =	ssyncset.done $0x0  }
0x42d: {  	[sflag:s26] =	ssyncadd.s32 $0xFFFFE000  }
0x42e: {  	_ =	swait.ge [sflag:s26], $0x2000  }
0x42f: {  	[sflag:s26] =	ssyncset.done $0x0  }
0x430: {  	[sflag:s26] =	ssyncadd.s32 $0xFFFFE000  }
0x431: {  	p0 =	sne.s32 s5, $0x1;
	_ =	swait.ge [sflag:s26], $0x2000  }
.Ltmp0:
0x432: {  	[sflag:s26] =	ssyncset.done $0x0;
	(pc) =	sbr.rel @p0 .LBB2_1-.Ltmp0, $4  }
0x433: {  	[sflag:s26] =	ssyncadd.s32 $0xFFFFE000  }
0x434: {  	_ =	swait.ge [sflag:s26], $0x2000  }
0x435: {  	[sflag:s26] =	ssyncset.done $0x0  }
0x436: {  	s5 =	sadd.s32 $0xFFFFFFFF, s5;
	[sflag:s26] =	ssyncadd.s32 $0xFFFFE000  }
0x437: {  	_ =	sfence.sel $0x180000  }
0x438: {  	[bflag:$0x0] =	sbarrier.arrive $0xFFFF  }
0x439: {  	_ =	strace $0x90000047  }
0x43a: {  	s0 =	stileid.u32;
	[bflag:$0x2] =	sbarrier.arrive $0xFFFF  }
0x43b: {  	p0 =	sne.s32 s0, $0x0;
	s0 =	rddreg [dreg:$0x3]  }
0x43c: {  	s0 =	sadd.s32 @!p0 $0x100000, s0  }
0x43d: {  	[sflag:s0] =	ssyncadd.tile.s32 @!p0 $0x1;
	_ =	shalt  }
.Lfunc_end2:
_tile_overlayer_lowered:
.L_overlay_start_2:
0x43e: {  	(tag) =	ssettag $0x2  }
0x43f: {  	s0 =	rddreg [dreg:$0x0];
	s2 =	stileid.u32  }
0x440: {  	s1 =	rddreg [dreg:$0x1];
	p0 =	sne.s32 s2, $0x0  }
0x441: {  	s3 =	rddreg [dreg:$0x2];
	[bflag:$0x3] =	sbarrier.arrive $0xFFFF;
	s2 =	simm.s32 @!p0 $0x1C11  }
0x442: {  	[timem:s3], [sflag:s2] =	dma.local @!p0 [hbm:s0], s1  }
0x443: {  	s0 =	simm.s32 @!p0 $0x11  }
0x444: {  	_ =	swait.ge @!p0 [sflag:s0], s1  }
0x445: {  	s1 =	ssub.s32 @!p0 $0x0, s1;
	[sflag:s0] =	ssyncset.done @!p0 $0x0  }
0x446: {  	[sflag:s0] =	ssyncadd.s32 @!p0 s1  }
0x447: {  	[bflag:$0x3] =	sbarrier.arrive $0xFFFF  }
0x448: {  	_ =	shalt  }

</sc_bundles>
